<compile_context>
chip_gen: v7x
topology: tpu7x:2x2x1
jax: 0.10.2.dev20260603
libtpu: 0.0.44.dev20260713+nightly
codegen_flags: <defaults>
</compile_context>

<pallas_src>
import jax
import jax.numpy as jnp
from jax import lax
from jax.experimental import pallas as pl
from jax.experimental.pallas import tpu as pltpu
from jax.experimental.pallas import tpu_sc as plsc

N = 16384
D = 128
K = 25
KPAD = 32

NC, NS = 2, 16
NW = NC * NS
R = N // NW
CHUNK = 128
NCH = R // CHUNK
GRP = CHUNK // 16


_DNUMS = lax.GatherDimensionNumbers(offset_dims=(), collapsed_slice_dims=(0,),
                                    start_index_map=(0,))


def _shuf(a, idx):
    return lax.gather(a, idx[:, None], _DNUMS, slice_sizes=(1,),
                      mode=lax.GatherScatterMode.PROMISE_IN_BOUNDS)


def _compute_chunk(rows_v, xin_v, dots_v, slot, ch):
    lane = lax.iota(jnp.int32, 16)
    even = (lane & 1) == 0
    half_lane = lane >> 1

    def group_body(g, carry):
        rowbase = g * 16

        def pair_body(q, tot):
            rb = rowbase + q * 2
            accs = []
            for r2 in range(2):
                row = rb + r2
                acc = (rows_v[slot, row, pl.ds(0, 16)]
                       * xin_v[slot, row, pl.ds(0, 16)])
                for cc in range(1, 8):
                    acc = acc + (rows_v[slot, row, pl.ds(cc * 16, 16)]
                                 * xin_v[slot, row, pl.ds(cc * 16, 16)])
                accs.append(acc)
            ce = accs[0] + _shuf(accs[0], lane ^ 1)
            co = accs[1] + _shuf(accs[1], lane ^ 1)
            d = jnp.where(even, ce, co)
            for sh in (2, 4, 8):
                d = d + _shuf(d, lane ^ sh)
            tot = jnp.where(half_lane == q, d, tot)
            return tot

        tot = lax.fori_loop(0, 8, pair_body, jnp.zeros((16,), jnp.float32))
        dots_v[pl.ds(ch * CHUNK + rowbase, 16)] = tot
        return carry

    lax.fori_loop(0, GRP, group_body, 0)


def _sc_main_body(weight_h, bias_h, uni_h, target_h, input_h,
                  pmt_o, pnt_o,
                  idx_v, rows_v, xin_v, f1_v, f2_v, dots_v, pm_v,
                  gsem0, gsem1, fsem, wsem):
    c = lax.axis_index("c")
    s = lax.axis_index("s")
    wid = s * NC + c
    base = wid * R

    icopies = [
        pltpu.async_copy(target_h.at[pl.ds(base + ch * CHUNK, CHUNK)],
                         idx_v.at[ch], fsem)
        for ch in range(NCH)
    ]

    sems = (gsem0, gsem1)

    def fire(ch):
        slot = ch % 2
        sl = pl.ds(ch * CHUNK, CHUNK)
        return (pltpu.async_copy(weight_h.at[idx_v.at[ch]],
                                 rows_v.at[slot], sems[slot]),
                pltpu.async_copy(input_h.at[pl.ds(base + ch * CHUNK, CHUNK)],
                                 xin_v.at[slot], sems[slot]),
                pltpu.async_copy(bias_h.at[idx_v.at[ch]],
                                 f1_v.at[sl], sems[slot]),
                pltpu.async_copy(uni_h.at[idx_v.at[ch]],
                                 f2_v.at[sl], sems[slot]))

    icopies[0].wait()
    pend = fire(0)

    writes = []
    for ch in range(NCH):
        if ch + 1 < NCH:
            icopies[ch + 1].wait()
            nxt = fire(ch + 1)
        else:
            nxt = None
        for cp in pend:
            cp.wait()
        _compute_chunk(rows_v, xin_v, dots_v, ch % 2, ch)

        def fin_body(g, carry, _ch=ch):
            sl = pl.ds(_ch * CHUNK + g * 16, 16)
            pm_v[sl] = jnp.exp(dots_v[sl] + f1_v[sl])
            return carry

        lax.fori_loop(0, GRP, fin_body, 0)
        csl = pl.ds(ch * CHUNK, CHUNK)
        writes.append(pltpu.async_copy(
            pm_v.at[csl], pmt_o.at[pl.ds(base + ch * CHUNK, CHUNK)], wsem))
        writes.append(pltpu.async_copy(
            f2_v.at[csl], pnt_o.at[pl.ds(base + ch * CHUNK, CHUNK)], wsem))
        pend = nxt

    for w in writes:
        w.wait()


_sc_main = pl.kernel(
    _sc_main_body,
    out_type=[
        jax.ShapeDtypeStruct((N,), jnp.float32),
        jax.ShapeDtypeStruct((N,), jnp.float32),
    ],
    mesh=plsc.VectorSubcoreMesh(core_axis_name="c", subcore_axis_name="s",
                                num_cores=NC, num_subcores=NS),
    scratch_types=[
        pltpu.VMEM((NCH, CHUNK), jnp.int32),
        pltpu.VMEM((2, CHUNK, D), jnp.float32),
        pltpu.VMEM((2, CHUNK, D), jnp.float32),
        pltpu.VMEM((R,), jnp.float32),
        pltpu.VMEM((R,), jnp.float32),
        pltpu.VMEM((R,), jnp.float32),
        pltpu.VMEM((R,), jnp.float32),
        pltpu.SemaphoreType.DMA,
        pltpu.SemaphoreType.DMA,
        pltpu.SemaphoreType.DMA,
        pltpu.SemaphoreType.DMA,
    ],
)


BLK = 4096


def _tc_body(noise_sref, x_ref, w_any, b_vm, u_vm,
             pmn_ref, pnn_ref, wn_v, bnun_v, sem):
    @pl.when(pl.program_id(0) == 0)
    def _():
        cps = []
        for k in range(K):
            idx = noise_sref[k]
            cps.append(pltpu.make_async_copy(
                w_any.at[pl.ds(idx, 1), :], wn_v.at[pl.ds(k, 1), :], sem))
        for cp in cps:
            cp.start()
        lane128 = lax.iota(jnp.int32, 128)
        lanek = lax.iota(jnp.int32, KPAD)
        bn_acc = jnp.zeros((KPAD,), jnp.float32)
        un_acc = jnp.zeros((KPAD,), jnp.float32)
        for k in range(K):
            idx = noise_sref[k]
            base = pl.multiple_of((idx // 128) * 128, 128)
            col = idx % 128
            bval = jnp.sum(jnp.where(lane128 == col,
                                     b_vm[pl.ds(base, 128)], 0.0))
            uval = jnp.sum(jnp.where(lane128 == col,
                                     u_vm[pl.ds(base, 128)], 0.0))
            bn_acc = jnp.where(lanek == k, bval, bn_acc)
            un_acc = jnp.where(lanek == k, uval, un_acc)
        bnun_v[0] = bn_acc
        bnun_v[1] = un_acc
        for cp in cps:
            cp.wait()

    x = x_ref[...]
    z = lax.dot_general(wn_v[...], x, (((1,), (1,)), ((), ())),
                        preferred_element_type=jnp.float32)
    pmn_ref[...] = jnp.exp(z[:K, :] + bnun_v[0][:K][:, None])
    pnn_ref[...] = jnp.broadcast_to(bnun_v[1][:K][:, None], (K, BLK))


_tc_dense = pl.pallas_call(
    _tc_body,
    grid=(N // BLK,),
    in_specs=[
        pl.BlockSpec(memory_space=pltpu.SMEM),
        pl.BlockSpec((BLK, D), lambda i: (i, 0)),
        pl.BlockSpec(memory_space=pl.ANY),
        pl.BlockSpec(memory_space=pltpu.VMEM),
        pl.BlockSpec(memory_space=pltpu.VMEM),
    ],
    out_specs=[
        pl.BlockSpec((K, BLK), lambda i: (0, i)),
        pl.BlockSpec((K, BLK), lambda i: (0, i)),
    ],
    out_shape=[
        jax.ShapeDtypeStruct((K, N), jnp.float32),
        jax.ShapeDtypeStruct((K, N), jnp.float32),
    ],
    scratch_shapes=[
        pltpu.VMEM((KPAD, D), jnp.float32),
        pltpu.VMEM((2, KPAD), jnp.float32),
        pltpu.SemaphoreType.DMA,
    ],
)


def kernel(input, target, noise, weight, bias, unigram_prob):
    target = target.astype(jnp.int32)
    noise = noise.astype(jnp.int32)
    pmt, pnt = _sc_main(weight, bias, unigram_prob, target, input)
    pmn_t, pnn_t = _tc_dense(noise, input, weight, bias, unigram_prob)
    return (pmt, pnt, pmn_t.T, pnn_t.T)

# --- scband reference (transcript-rebuilt; emitter-appended) ---
"""Pipeline reference for scband-linear-nce-32744830664773 (READ-ONLY COPY).

The authoritative reference and input builder live on the scoring server;
editing this copy changes nothing except your own understanding.
"""

import jax, jax.numpy as jnp
import numpy as np
import math


def setup_inputs(seed: int = 0) -> dict:
    key = jax.random.key(seed)
    N, idim, odim, K = 16384, 128, 100000, 25
    ks = jax.random.split(key, 6)
    inp = jax.random.normal(ks[0], (N, idim), dtype=jnp.float32)
    target = jax.random.randint(ks[1], (N,), 0, odim, dtype=jnp.int64 if jax.config.read('jax_enable_x64') else jnp.int32)
    noise = jax.random.randint(ks[2], (K,), 0, odim, dtype=jnp.int64 if jax.config.read('jax_enable_x64') else jnp.int32)
    stdv = 1.0 / math.sqrt(idim)
    weight = jax.random.uniform(ks[3], (odim, idim), minval=-stdv, maxval=stdv, dtype=jnp.float32)
    bias = jnp.full((odim,), -math.log(odim), dtype=jnp.float32)
    u = jax.random.uniform(ks[4], (odim,), minval=0.1, maxval=1.0, dtype=jnp.float32)
    unigram_prob = u / jnp.sum(u)
    return {"input": inp, "target": target, "noise": noise, "weight": weight, "bias": bias, "unigram_prob": unigram_prob}


def reference(input, target, noise, weight, bias, unigram_prob):
    # linear_nce.forward in mode='train', num_noise=25
    N = input.shape[0]
    w_target = jnp.take(weight, target, axis=0)            # gather [N, idim]
    b_target = jnp.take(bias, target, axis=0)              # gather [N]
    w_noise = jnp.take(weight, noise, axis=0)              # gather [K, idim]
    b_noise = jnp.take(bias, noise, axis=0)                # gather [K]
    pmt = jnp.exp(jnp.sum(input * w_target, axis=1) + b_target)   # [N]
    pnt = jnp.take(unigram_prob, target, axis=0)            # [N]
    pmn = jnp.exp(input @ w_noise.T + b_noise)              # [N, K]
    pnn = jnp.tile(jnp.take(unigram_prob, noise, axis=0)[None, :], (N, 1))  # [N, K]
    return (pmt, pnt, pmn, pnn)

if __name__ == "__main__":
    import jax
    _d = setup_inputs()
    print(jax.jit(kernel)(*tuple(_d.values())))

</pallas_src>

<mosaic_0001>
#map = affine_map<(d0, d1) -> (0, 0)>
#map1 = affine_map<(d0, d1) -> (0)>
module attributes {stable_mosaic.version = 14 : i64} {
  func.func @_sc_main_body(%arg0: i32, %arg1: i32, %arg2: memref<100000x128xf32, #tpu.memory_space<hbm>>, %arg3: memref<100000xf32, #tpu.memory_space<hbm>>, %arg4: memref<100000xf32, #tpu.memory_space<hbm>>, %arg5: memref<16384xi32, #tpu.memory_space<hbm>>, %arg6: memref<16384x128xf32, #tpu.memory_space<hbm>>, %arg7: memref<16384xf32, #tpu.memory_space<hbm>>, %arg8: memref<16384xf32, #tpu.memory_space<hbm>>, %arg9: memref<4x128xi32, #tpu.memory_space<vmem>>, %arg10: memref<2x128x128xf32, #tpu.memory_space<vmem>>, %arg11: memref<2x128x128xf32, #tpu.memory_space<vmem>>, %arg12: memref<512xf32, #tpu.memory_space<vmem>>, %arg13: memref<512xf32, #tpu.memory_space<vmem>>, %arg14: memref<512xf32, #tpu.memory_space<vmem>>, %arg15: memref<512xf32, #tpu.memory_space<vmem>>, %arg16: memref<!tpu.dma_semaphore, #tpu.memory_space<semaphore_mem>>, %arg17: memref<!tpu.dma_semaphore, #tpu.memory_space<semaphore_mem>>, %arg18: memref<!tpu.dma_semaphore, #tpu.memory_space<semaphore_mem>>, %arg19: memref<!tpu.dma_semaphore, #tpu.memory_space<semaphore_mem>>) attributes {dimension_semantics = [#tpu.dimension_semantics<core_parallel>, #tpu.dimension_semantics<subcore_parallel>], iteration_bounds = array<i64: 2, 16>, scalar_prefetch = 0 : i64, scratch_operands = 11 : i64, tpu.core_type = #tpu.core_type<sc_vector_subcore>, window_params = [{transform_indices = #map}, {transform_indices = #map1}, {transform_indices = #map1}, {transform_indices = #map1}, {transform_indices = #map}, {transform_indices = #map1}, {transform_indices = #map1}]} {
    %mul3A = arith.constant 2 : i32
    %mul3A_0 = arith.muli %arg1, %mul3A : i32
    %add3A = arith.addi %mul3A_0, %arg0 : i32
    %mul3A_1 = arith.constant 512 : i32
    %mul3A_2 = arith.muli %add3A, %mul3A_1 : i32
    %add3A_3 = arith.constant 0 : i32
    %add3A_4 = arith.addi %mul3A_2, %add3A_3 : i32
    %dma_start3A = arith.constant 0 : i32
    %dma_start3A_5 = arith.constant 0 : i32
    %dma_start3A_6 = tpu.memref_slice %arg9[%dma_start3A, %dma_start3A_5] : memref<4x128xi32, #tpu.memory_space<vmem>> -> memref<1x128xi32, #tpu.memory_space<vmem>>
    %dma_start3A_7 = tpu.memref_squeeze %dma_start3A_6 : memref<1x128xi32, #tpu.memory_space<vmem>> -> memref<128xi32, #tpu.memory_space<vmem>>
    %dma_start3A_8 = tpu.memref_slice %arg5[%add3A_4] : memref<16384xi32, #tpu.memory_space<hbm>> -> memref<128xi32, #tpu.memory_space<hbm>>
    %dma_start3A_9 = arith.constant 0 : i32
    %dma_start3A_10 = tpu.memref_slice %arg9[%dma_start3A, %dma_start3A_9] : memref<4x128xi32, #tpu.memory_space<vmem>> -> memref<1x128xi32, #tpu.memory_space<vmem>>
    %dma_start3A_11 = tpu.memref_squeeze %dma_start3A_10 : memref<1x128xi32, #tpu.memory_space<vmem>> -> memref<128xi32, #tpu.memory_space<vmem>>
    %dma_start3A_12 = tpu.memref_slice %arg5[%add3A_4] : memref<16384xi32, #tpu.memory_space<hbm>> -> memref<128xi32, #tpu.memory_space<hbm>>
    tpu.enqueue_dma source(%dma_start3A_12 : memref<128xi32, #tpu.memory_space<hbm>>) target(%dma_start3A_11 : memref<128xi32, #tpu.memory_space<vmem>>) target_semaphore(%arg18 : memref<!tpu.dma_semaphore, #tpu.memory_space<semaphore_mem>>)
    %add3A_13 = arith.constant 128 : i32
    %add3A_14 = arith.addi %mul3A_2, %add3A_13 : i32
    %dma_start3A_15 = arith.constant 1 : i32
    %dma_start3A_16 = arith.constant 0 : i32
    %dma_start3A_17 = tpu.memref_slice %arg9[%dma_start3A_15, %dma_start3A_16] : memref<4x128xi32, #tpu.memory_space<vmem>> -> memref<1x128xi32, #tpu.memory_space<vmem>>
    %dma_start3A_18 = tpu.memref_squeeze %dma_start3A_17 : memref<1x128xi32, #tpu.memory_space<vmem>> -> memref<128xi32, #tpu.memory_space<vmem>>
    %dma_start3A_19 = tpu.memref_slice %arg5[%add3A_14] : memref<16384xi32, #tpu.memory_space<hbm>> -> memref<128xi32, #tpu.memory_space<hbm>>
    %dma_start3A_20 = arith.constant 0 : i32
    %dma_start3A_21 = tpu.memref_slice %arg9[%dma_start3A_15, %dma_start3A_20] : memref<4x128xi32, #tpu.memory_space<vmem>> -> memref<1x128xi32, #tpu.memory_space<vmem>>
    %dma_start3A_22 = tpu.memref_squeeze %dma_start3A_21 : memref<1x128xi32, #tpu.memory_space<vmem>> -> memref<128xi32, #tpu.memory_space<vmem>>
    %dma_start3A_23 = tpu.memref_slice %arg5[%add3A_14] : memref<16384xi32, #tpu.memory_space<hbm>> -> memref<128xi32, #tpu.memory_space<hbm>>
    tpu.enqueue_dma source(%dma_start3A_23 : memref<128xi32, #tpu.memory_space<hbm>>) target(%dma_start3A_22 : memref<128xi32, #tpu.memory_space<vmem>>) target_semaphore(%arg18 : memref<!tpu.dma_semaphore, #tpu.memory_space<semaphore_mem>>)
    %add3A_24 = arith.constant 256 : i32
    %add3A_25 = arith.addi %mul3A_2, %add3A_24 : i32
    %dma_start3A_26 = arith.constant 2 : i32
    %dma_start3A_27 = arith.constant 0 : i32
    %dma_start3A_28 = tpu.memref_slice %arg9[%dma_start3A_26, %dma_start3A_27] : memref<4x128xi32, #tpu.memory_space<vmem>> -> memref<1x128xi32, #tpu.memory_space<vmem>>
    %dma_start3A_29 = tpu.memref_squeeze %dma_start3A_28 : memref<1x128xi32, #tpu.memory_space<vmem>> -> memref<128xi32, #tpu.memory_space<vmem>>
    %dma_start3A_30 = tpu.memref_slice %arg5[%add3A_25] : memref<16384xi32, #tpu.memory_space<hbm>> -> memref<128xi32, #tpu.memory_space<hbm>>
    %dma_start3A_31 = arith.constant 0 : i32
    %dma_start3A_32 = tpu.memref_slice %arg9[%dma_start3A_26, %dma_start3A_31] : memref<4x128xi32, #tpu.memory_space<vmem>> -> memref<1x128xi32, #tpu.memory_space<vmem>>
    %dma_start3A_33 = tpu.memref_squeeze %dma_start3A_32 : memref<1x128xi32, #tpu.memory_space<vmem>> -> memref<128xi32, #tpu.memory_space<vmem>>
    %dma_start3A_34 = tpu.memref_slice %arg5[%add3A_25] : memref<16384xi32, #tpu.memory_space<hbm>> -> memref<128xi32, #tpu.memory_space<hbm>>
    tpu.enqueue_dma source(%dma_start3A_34 : memref<128xi32, #tpu.memory_space<hbm>>) target(%dma_start3A_33 : memref<128xi32, #tpu.memory_space<vmem>>) target_semaphore(%arg18 : memref<!tpu.dma_semaphore, #tpu.memory_space<semaphore_mem>>)
    %add3A_35 = arith.constant 384 : i32
    %add3A_36 = arith.addi %mul3A_2, %add3A_35 : i32
    %dma_start3A_37 = arith.constant 3 : i32
    %dma_start3A_38 = arith.constant 0 : i32
    %dma_start3A_39 = tpu.memref_slice %arg9[%dma_start3A_37, %dma_start3A_38] : memref<4x128xi32, #tpu.memory_space<vmem>> -> memref<1x128xi32, #tpu.memory_space<vmem>>
    %dma_start3A_40 = tpu.memref_squeeze %dma_start3A_39 : memref<1x128xi32, #tpu.memory_space<vmem>> -> memref<128xi32, #tpu.memory_space<vmem>>
    %dma_start3A_41 = tpu.memref_slice %arg5[%add3A_36] : memref<16384xi32, #tpu.memory_space<hbm>> -> memref<128xi32, #tpu.memory_space<hbm>>
    %dma_start3A_42 = arith.constant 0 : i32
    %dma_start3A_43 = tpu.memref_slice %arg9[%dma_start3A_37, %dma_start3A_42] : memref<4x128xi32, #tpu.memory_space<vmem>> -> memref<1x128xi32, #tpu.memory_space<vmem>>
    %dma_start3A_44 = tpu.memref_squeeze %dma_start3A_43 : memref<1x128xi32, #tpu.memory_space<vmem>> -> memref<128xi32, #tpu.memory_space<vmem>>
    %dma_start3A_45 = tpu.memref_slice %arg5[%add3A_36] : memref<16384xi32, #tpu.memory_space<hbm>> -> memref<128xi32, #tpu.memory_space<hbm>>
    tpu.enqueue_dma source(%dma_start3A_45 : memref<128xi32, #tpu.memory_space<hbm>>) target(%dma_start3A_44 : memref<128xi32, #tpu.memory_space<vmem>>) target_semaphore(%arg18 : memref<!tpu.dma_semaphore, #tpu.memory_space<semaphore_mem>>)
    %dma_wait3A = arith.constant 0 : i32
    %dma_wait3A_46 = arith.constant 0 : i32
    %dma_wait3A_47 = tpu.memref_slice %arg9[%dma_wait3A, %dma_wait3A_46] : memref<4x128xi32, #tpu.memory_space<vmem>> -> memref<1x128xi32, #tpu.memory_space<vmem>>
    %dma_wait3A_48 = tpu.memref_squeeze %dma_wait3A_47 : memref<1x128xi32, #tpu.memory_space<vmem>> -> memref<128xi32, #tpu.memory_space<vmem>>
    %dma_wait3A_49 = tpu.memref_slice %arg5[%add3A_4] : memref<16384xi32, #tpu.memory_space<hbm>> -> memref<128xi32, #tpu.memory_space<hbm>>
    %dma_wait3A_50 = arith.constant 0 : i32
    %dma_wait3A_51 = tpu.memref_slice %arg9[%dma_wait3A, %dma_wait3A_50] : memref<4x128xi32, #tpu.memory_space<vmem>> -> memref<1x128xi32, #tpu.memory_space<vmem>>
    %dma_wait3A_52 = tpu.memref_squeeze %dma_wait3A_51 : memref<1x128xi32, #tpu.memory_space<vmem>> -> memref<128xi32, #tpu.memory_space<vmem>>
    %dma_wait3A_53 = tpu.memref_slice %arg5[%add3A_4] : memref<16384xi32, #tpu.memory_space<hbm>> -> memref<128xi32, #tpu.memory_space<hbm>>
    tpu.wait_dma2 semaphore(%arg18 : memref<!tpu.dma_semaphore, #tpu.memory_space<semaphore_mem>>) src(%dma_wait3A_53 : memref<128xi32, #tpu.memory_space<hbm>>) dst(%dma_wait3A_52 : memref<128xi32, #tpu.memory_space<vmem>>)
    %dma_start3A_54 = arith.constant 0 : i32
    %dma_start3A_55 = arith.constant 0 : i32
    %dma_start3A_56 = arith.constant 0 : i32
    %dma_start3A_57 = arith.constant 0 : i32
    %dma_start3A_58 = tpu.memref_slice %arg10[%dma_start3A_55, %dma_start3A_56, %dma_start3A_57] : memref<2x128x128xf32, #tpu.memory_space<vmem>> -> memref<1x128x128xf32, #tpu.memory_space<vmem>>
    %dma_start3A_59 = tpu.memref_squeeze %dma_start3A_58 : memref<1x128x128xf32, #tpu.memory_space<vmem>> -> memref<128x128xf32, #tpu.memory_space<vmem>>
    %dma_start3A_60 = arith.constant 0 : i32
    %dma_start3A_61 = tpu.memref_slice %arg9[%dma_start3A_54, %dma_start3A_60] : memref<4x128xi32, #tpu.memory_space<vmem>> -> memref<1x128xi32, #tpu.memory_space<vmem>>
    %dma_start3A_62 = tpu.memref_squeeze %dma_start3A_61 : memref<1x128xi32, #tpu.memory_space<vmem>> -> memref<128xi32, #tpu.memory_space<vmem>>
    %dma_start3A_63 = arith.constant 0 : i32
    %dma_start3A_64 = arith.constant 0 : i32
    %dma_start3A_65 = tpu.memref_slice %arg2[%dma_start3A_63, %dma_start3A_64] : memref<100000x128xf32, #tpu.memory_space<hbm>> -> memref<100000x128xf32, #tpu.memory_space<hbm>>
    tpu.enqueue_indirect_dma source(%dma_start3A_65 : memref<100000x128xf32, #tpu.memory_space<hbm>>) target(%dma_start3A_59 : memref<128x128xf32, #tpu.memory_space<vmem>>) offsets(%dma_start3A_62 : memref<128xi32, #tpu.memory_space<vmem>>) semaphore(%arg16 : memref<!tpu.dma_semaphore, #tpu.memory_space<semaphore_mem>>)
    %add3A_66 = arith.constant 0 : i32
    %add3A_67 = arith.addi %mul3A_2, %add3A_66 : i32
    %dma_start3A_68 = arith.constant 0 : i32
    %dma_start3A_69 = arith.constant 0 : i32
    %dma_start3A_70 = arith.constant 0 : i32
    %dma_start3A_71 = tpu.memref_slice %arg11[%dma_start3A_68, %dma_start3A_69, %dma_start3A_70] : memref<2x128x128xf32, #tpu.memory_space<vmem>> -> memref<1x128x128xf32, #tpu.memory_space<vmem>>
    %dma_start3A_72 = tpu.memref_squeeze %dma_start3A_71 : memref<1x128x128xf32, #tpu.memory_space<vmem>> -> memref<128x128xf32, #tpu.memory_space<vmem>>
    %dma_start3A_73 = arith.constant 0 : i32
    %dma_start3A_74 = tpu.memref_slice %arg6[%add3A_67, %dma_start3A_73] : memref<16384x128xf32, #tpu.memory_space<hbm>> -> memref<128x128xf32, #tpu.memory_space<hbm>>
    %dma_start3A_75 = arith.constant 0 : i32
    %dma_start3A_76 = arith.constant 0 : i32
    %dma_start3A_77 = tpu.memref_slice %arg11[%dma_start3A_68, %dma_start3A_75, %dma_start3A_76] : memref<2x128x128xf32, #tpu.memory_space<vmem>> -> memref<1x128x128xf32, #tpu.memory_space<vmem>>
    %dma_start3A_78 = tpu.memref_squeeze %dma_start3A_77 : memref<1x128x128xf32, #tpu.memory_space<vmem>> -> memref<128x128xf32, #tpu.memory_space<vmem>>
    %dma_start3A_79 = arith.constant 0 : i32
    %dma_start3A_80 = tpu.memref_slice %arg6[%add3A_67, %dma_start3A_79] : memref<16384x128xf32, #tpu.memory_space<hbm>> -> memref<128x128xf32, #tpu.memory_space<hbm>>
    tpu.enqueue_dma source(%dma_start3A_80 : memref<128x128xf32, #tpu.memory_space<hbm>>) target(%dma_start3A_78 : memref<128x128xf32, #tpu.memory_space<vmem>>) target_semaphore(%arg16 : memref<!tpu.dma_semaphore, #tpu.memory_space<semaphore_mem>>)
    %dma_start3A_81 = arith.constant 0 : i32
    %dma_start3A_82 = arith.constant 0 : i32
    %dma_start3A_83 = tpu.memref_slice %arg12[%dma_start3A_82] : memref<512xf32, #tpu.memory_space<vmem>> -> memref<128xf32, #tpu.memory_space<vmem>>
    %dma_start3A_84 = arith.constant 0 : i32
    %dma_start3A_85 = tpu.memref_slice %arg9[%dma_start3A_81, %dma_start3A_84] : memref<4x128xi32, #tpu.memory_space<vmem>> -> memref<1x128xi32, #tpu.memory_space<vmem>>
    %dma_start3A_86 = tpu.memref_squeeze %dma_start3A_85 : memref<1x128xi32, #tpu.memory_space<vmem>> -> memref<128xi32, #tpu.memory_space<vmem>>
    %dma_start3A_87 = arith.constant 0 : i32
    %dma_start3A_88 = tpu.memref_slice %arg3[%dma_start3A_87] : memref<100000xf32, #tpu.memory_space<hbm>> -> memref<100000xf32, #tpu.memory_space<hbm>>
    tpu.enqueue_indirect_dma source(%dma_start3A_88 : memref<100000xf32, #tpu.memory_space<hbm>>) target(%dma_start3A_83 : memref<128xf32, #tpu.memory_space<vmem>>) offsets(%dma_start3A_86 : memref<128xi32, #tpu.memory_space<vmem>>) semaphore(%arg16 : memref<!tpu.dma_semaphore, #tpu.memory_space<semaphore_mem>>)
    %dma_start3A_89 = arith.constant 0 : i32
    %dma_start3A_90 = arith.constant 0 : i32
    %dma_start3A_91 = tpu.memref_slice %arg13[%dma_start3A_90] : memref<512xf32, #tpu.memory_space<vmem>> -> memref<128xf32, #tpu.memory_space<vmem>>
    %dma_start3A_92 = arith.constant 0 : i32
    %dma_start3A_93 = tpu.memref_slice %arg9[%dma_start3A_89, %dma_start3A_92] : memref<4x128xi32, #tpu.memory_space<vmem>> -> memref<1x128xi32, #tpu.memory_space<vmem>>
    %dma_start3A_94 = tpu.memref_squeeze %dma_start3A_93 : memref<1x128xi32, #tpu.memory_space<vmem>> -> memref<128xi32, #tpu.memory_space<vmem>>
    %dma_start3A_95 = arith.constant 0 : i32
    %dma_start3A_96 = tpu.memref_slice %arg4[%dma_start3A_95] : memref<100000xf32, #tpu.memory_space<hbm>> -> memref<100000xf32, #tpu.memory_space<hbm>>
    tpu.enqueue_indirect_dma source(%dma_start3A_96 : memref<100000xf32, #tpu.memory_space<hbm>>) target(%dma_start3A_91 : memref<128xf32, #tpu.memory_space<vmem>>) offsets(%dma_start3A_94 : memref<128xi32, #tpu.memory_space<vmem>>) semaphore(%arg16 : memref<!tpu.dma_semaphore, #tpu.memory_space<semaphore_mem>>)
    %dma_wait3A_97 = arith.constant 1 : i32
    %dma_wait3A_98 = arith.constant 0 : i32
    %dma_wait3A_99 = tpu.memref_slice %arg9[%dma_wait3A_97, %dma_wait3A_98] : memref<4x128xi32, #tpu.memory_space<vmem>> -> memref<1x128xi32, #tpu.memory_space<vmem>>
    %dma_wait3A_100 = tpu.memref_squeeze %dma_wait3A_99 : memref<1x128xi32, #tpu.memory_space<vmem>> -> memref<128xi32, #tpu.memory_space<vmem>>
    %dma_wait3A_101 = tpu.memref_slice %arg5[%add3A_14] : memref<16384xi32, #tpu.memory_space<hbm>> -> memref<128xi32, #tpu.memory_space<hbm>>
    %dma_wait3A_102 = arith.constant 0 : i32
    %dma_wait3A_103 = tpu.memref_slice %arg9[%dma_wait3A_97, %dma_wait3A_102] : memref<4x128xi32, #tpu.memory_space<vmem>> -> memref<1x128xi32, #tpu.memory_space<vmem>>
    %dma_wait3A_104 = tpu.memref_squeeze %dma_wait3A_103 : memref<1x128xi32, #tpu.memory_space<vmem>> -> memref<128xi32, #tpu.memory_space<vmem>>
    %dma_wait3A_105 = tpu.memref_slice %arg5[%add3A_14] : memref<16384xi32, #tpu.memory_space<hbm>> -> memref<128xi32, #tpu.memory_space<hbm>>
    tpu.wait_dma2 semaphore(%arg18 : memref<!tpu.dma_semaphore, #tpu.memory_space<semaphore_mem>>) src(%dma_wait3A_105 : memref<128xi32, #tpu.memory_space<hbm>>) dst(%dma_wait3A_104 : memref<128xi32, #tpu.memory_space<vmem>>)
    %dma_start3A_106 = arith.constant 1 : i32
    %dma_start3A_107 = arith.constant 1 : i32
    %dma_start3A_108 = arith.constant 0 : i32
    %dma_start3A_109 = arith.constant 0 : i32
    %dma_start3A_110 = tpu.memref_slice %arg10[%dma_start3A_107, %dma_start3A_108, %dma_start3A_109] : memref<2x128x128xf32, #tpu.memory_space<vmem>> -> memref<1x128x128xf32, #tpu.memory_space<vmem>>
    %dma_start3A_111 = tpu.memref_squeeze %dma_start3A_110 : memref<1x128x128xf32, #tpu.memory_space<vmem>> -> memref<128x128xf32, #tpu.memory_space<vmem>>
    %dma_start3A_112 = arith.constant 0 : i32
    %dma_start3A_113 = tpu.memref_slice %arg9[%dma_start3A_106, %dma_start3A_112] : memref<4x128xi32, #tpu.memory_space<vmem>> -> memref<1x128xi32, #tpu.memory_space<vmem>>
    %dma_start3A_114 = tpu.memref_squeeze %dma_start3A_113 : memref<1x128xi32, #tpu.memory_space<vmem>> -> memref<128xi32, #tpu.memory_space<vmem>>
    %dma_start3A_115 = arith.constant 0 : i32
    %dma_start3A_116 = arith.constant 0 : i32
    %dma_start3A_117 = tpu.memref_slice %arg2[%dma_start3A_115, %dma_start3A_116] : memref<100000x128xf32, #tpu.memory_space<hbm>> -> memref<100000x128xf32, #tpu.memory_space<hbm>>
    tpu.enqueue_indirect_dma source(%dma_start3A_117 : memref<100000x128xf32, #tpu.memory_space<hbm>>) target(%dma_start3A_111 : memref<128x128xf32, #tpu.memory_space<vmem>>) offsets(%dma_start3A_114 : memref<128xi32, #tpu.memory_space<vmem>>) semaphore(%arg17 : memref<!tpu.dma_semaphore, #tpu.memory_space<semaphore_mem>>)
    %add3A_118 = arith.constant 128 : i32
    %add3A_119 = arith.addi %mul3A_2, %add3A_118 : i32
    %dma_start3A_120 = arith.constant 1 : i32
    %dma_start3A_121 = arith.constant 0 : i32
    %dma_start3A_122 = arith.constant 0 : i32
    %dma_start3A_123 = tpu.memref_slice %arg11[%dma_start3A_120, %dma_start3A_121, %dma_start3A_122] : memref<2x128x128xf32, #tpu.memory_space<vmem>> -> memref<1x128x128xf32, #tpu.memory_space<vmem>>
    %dma_start3A_124 = tpu.memref_squeeze %dma_start3A_123 : memref<1x128x128xf32, #tpu.memory_space<vmem>> -> memref<128x128xf32, #tpu.memory_space<vmem>>
    %dma_start3A_125 = arith.constant 0 : i32
    %dma_start3A_126 = tpu.memref_slice %arg6[%add3A_119, %dma_start3A_125] : memref<16384x128xf32, #tpu.memory_space<hbm>> -> memref<128x128xf32, #tpu.memory_space<hbm>>
    %dma_start3A_127 = arith.constant 0 : i32
    %dma_start3A_128 = arith.constant 0 : i32
    %dma_start3A_129 = tpu.memref_slice %arg11[%dma_start3A_120, %dma_start3A_127, %dma_start3A_128] : memref<2x128x128xf32, #tpu.memory_space<vmem>> -> memref<1x128x128xf32, #tpu.memory_space<vmem>>
    %dma_start3A_130 = tpu.memref_squeeze %dma_start3A_129 : memref<1x128x128xf32, #tpu.memory_space<vmem>> -> memref<128x128xf32, #tpu.memory_space<vmem>>
    %dma_start3A_131 = arith.constant 0 : i32
    %dma_start3A_132 = tpu.memref_slice %arg6[%add3A_119, %dma_start3A_131] : memref<16384x128xf32, #tpu.memory_space<hbm>> -> memref<128x128xf32, #tpu.memory_space<hbm>>
    tpu.enqueue_dma source(%dma_start3A_132 : memref<128x128xf32, #tpu.memory_space<hbm>>) target(%dma_start3A_130 : memref<128x128xf32, #tpu.memory_space<vmem>>) target_semaphore(%arg17 : memref<!tpu.dma_semaphore, #tpu.memory_space<semaphore_mem>>)
    %dma_start3A_133 = arith.constant 1 : i32
    %dma_start3A_134 = arith.constant 128 : i32
    %dma_start3A_135 = tpu.memref_slice %arg12[%dma_start3A_134] : memref<512xf32, #tpu.memory_space<vmem>> -> memref<128xf32, #tpu.memory_space<vmem>>
    %dma_start3A_136 = arith.constant 0 : i32
    %dma_start3A_137 = tpu.memref_slice %arg9[%dma_start3A_133, %dma_start3A_136] : memref<4x128xi32, #tpu.memory_space<vmem>> -> memref<1x128xi32, #tpu.memory_space<vmem>>
    %dma_start3A_138 = tpu.memref_squeeze %dma_start3A_137 : memref<1x128xi32, #tpu.memory_space<vmem>> -> memref<128xi32, #tpu.memory_space<vmem>>
    %dma_start3A_139 = arith.constant 0 : i32
    %dma_start3A_140 = tpu.memref_slice %arg3[%dma_start3A_139] : memref<100000xf32, #tpu.memory_space<hbm>> -> memref<100000xf32, #tpu.memory_space<hbm>>
    tpu.enqueue_indirect_dma source(%dma_start3A_140 : memref<100000xf32, #tpu.memory_space<hbm>>) target(%dma_start3A_135 : memref<128xf32, #tpu.memory_space<vmem>>) offsets(%dma_start3A_138 : memref<128xi32, #tpu.memory_space<vmem>>) semaphore(%arg17 : memref<!tpu.dma_semaphore, #tpu.memory_space<semaphore_mem>>)
    %dma_start3A_141 = arith.constant 1 : i32
    %dma_start3A_142 = arith.constant 128 : i32
    %dma_start3A_143 = tpu.memref_slice %arg13[%dma_start3A_142] : memref<512xf32, #tpu.memory_space<vmem>> -> memref<128xf32, #tpu.memory_space<vmem>>
    %dma_start3A_144 = arith.constant 0 : i32
    %dma_start3A_145 = tpu.memref_slice %arg9[%dma_start3A_141, %dma_start3A_144] : memref<4x128xi32, #tpu.memory_space<vmem>> -> memref<1x128xi32, #tpu.memory_space<vmem>>
    %dma_start3A_146 = tpu.memref_squeeze %dma_start3A_145 : memref<1x128xi32, #tpu.memory_space<vmem>> -> memref<128xi32, #tpu.memory_space<vmem>>
    %dma_start3A_147 = arith.constant 0 : i32
    %dma_start3A_148 = tpu.memref_slice %arg4[%dma_start3A_147] : memref<100000xf32, #tpu.memory_space<hbm>> -> memref<100000xf32, #tpu.memory_space<hbm>>
    tpu.enqueue_indirect_dma source(%dma_start3A_148 : memref<100000xf32, #tpu.memory_space<hbm>>) target(%dma_start3A_143 : memref<128xf32, #tpu.memory_space<vmem>>) offsets(%dma_start3A_146 : memref<128xi32, #tpu.memory_space<vmem>>) semaphore(%arg17 : memref<!tpu.dma_semaphore, #tpu.memory_space<semaphore_mem>>)
    %dma_wait3A_149 = arith.constant 0 : i32
    %dma_wait3A_150 = arith.constant 0 : i32
    %dma_wait3A_151 = arith.constant 0 : i32
    %dma_wait3A_152 = arith.constant 0 : i32
    %dma_wait3A_153 = tpu.memref_slice %arg10[%dma_wait3A_150, %dma_wait3A_151, %dma_wait3A_152] : memref<2x128x128xf32, #tpu.memory_space<vmem>> -> memref<1x128x128xf32, #tpu.memory_space<vmem>>
    %dma_wait3A_154 = tpu.memref_squeeze %dma_wait3A_153 : memref<1x128x128xf32, #tpu.memory_space<vmem>> -> memref<128x128xf32, #tpu.memory_space<vmem>>
    %dma_wait3A_155 = arith.constant 0 : i32
    %dma_wait3A_156 = tpu.memref_slice %arg9[%dma_wait3A_149, %dma_wait3A_155] : memref<4x128xi32, #tpu.memory_space<vmem>> -> memref<1x128xi32, #tpu.memory_space<vmem>>
    %dma_wait3A_157 = tpu.memref_squeeze %dma_wait3A_156 : memref<1x128xi32, #tpu.memory_space<vmem>> -> memref<128xi32, #tpu.memory_space<vmem>>
    %dma_wait3A_158 = arith.constant 0 : i32
    %dma_wait3A_159 = arith.constant 0 : i32
    %dma_wait3A_160 = tpu.memref_slice %arg2[%dma_wait3A_158, %dma_wait3A_159] : memref<100000x128xf32, #tpu.memory_space<hbm>> -> memref<100000x128xf32, #tpu.memory_space<hbm>>
    tpu.wait_indirect_dma semaphore(%arg16 : memref<!tpu.dma_semaphore, #tpu.memory_space<semaphore_mem>>) src(%dma_wait3A_160 : memref<100000x128xf32, #tpu.memory_space<hbm>>) dst(%dma_wait3A_154 : memref<128x128xf32, #tpu.memory_space<vmem>>)
    %dma_wait3A_161 = arith.constant 0 : i32
    %dma_wait3A_162 = arith.constant 0 : i32
    %dma_wait3A_163 = arith.constant 0 : i32
    %dma_wait3A_164 = tpu.memref_slice %arg11[%dma_wait3A_161, %dma_wait3A_162, %dma_wait3A_163] : memref<2x128x128xf32, #tpu.memory_space<vmem>> -> memref<1x128x128xf32, #tpu.memory_space<vmem>>
    %dma_wait3A_165 = tpu.memref_squeeze %dma_wait3A_164 : memref<1x128x128xf32, #tpu.memory_space<vmem>> -> memref<128x128xf32, #tpu.memory_space<vmem>>
    %dma_wait3A_166 = arith.constant 0 : i32
    %dma_wait3A_167 = tpu.memref_slice %arg6[%add3A_67, %dma_wait3A_166] : memref<16384x128xf32, #tpu.memory_space<hbm>> -> memref<128x128xf32, #tpu.memory_space<hbm>>
    %dma_wait3A_168 = arith.constant 0 : i32
    %dma_wait3A_169 = arith.constant 0 : i32
    %dma_wait3A_170 = tpu.memref_slice %arg11[%dma_wait3A_161, %dma_wait3A_168, %dma_wait3A_169] : memref<2x128x128xf32, #tpu.memory_space<vmem>> -> memref<1x128x128xf32, #tpu.memory_space<vmem>>
    %dma_wait3A_171 = tpu.memref_squeeze %dma_wait3A_170 : memref<1x128x128xf32, #tpu.memory_space<vmem>> -> memref<128x128xf32, #tpu.memory_space<vmem>>
    %dma_wait3A_172 = arith.constant 0 : i32
    %dma_wait3A_173 = tpu.memref_slice %arg6[%add3A_67, %dma_wait3A_172] : memref<16384x128xf32, #tpu.memory_space<hbm>> -> memref<128x128xf32, #tpu.memory_space<hbm>>
    tpu.wait_dma2 semaphore(%arg16 : memref<!tpu.dma_semaphore, #tpu.memory_space<semaphore_mem>>) src(%dma_wait3A_173 : memref<128x128xf32, #tpu.memory_space<hbm>>) dst(%dma_wait3A_171 : memref<128x128xf32, #tpu.memory_space<vmem>>)
    %dma_wait3A_174 = arith.constant 0 : i32
    %dma_wait3A_175 = arith.constant 0 : i32
    %dma_wait3A_176 = tpu.memref_slice %arg12[%dma_wait3A_175] : memref<512xf32, #tpu.memory_space<vmem>> -> memref<128xf32, #tpu.memory_space<vmem>>
    %dma_wait3A_177 = arith.constant 0 : i32
    %dma_wait3A_178 = tpu.memref_slice %arg9[%dma_wait3A_174, %dma_wait3A_177] : memref<4x128xi32, #tpu.memory_space<vmem>> -> memref<1x128xi32, #tpu.memory_space<vmem>>
    %dma_wait3A_179 = tpu.memref_squeeze %dma_wait3A_178 : memref<1x128xi32, #tpu.memory_space<vmem>> -> memref<128xi32, #tpu.memory_space<vmem>>
    %dma_wait3A_180 = arith.constant 0 : i32
    %dma_wait3A_181 = tpu.memref_slice %arg3[%dma_wait3A_180] : memref<100000xf32, #tpu.memory_space<hbm>> -> memref<100000xf32, #tpu.memory_space<hbm>>
    tpu.wait_indirect_dma semaphore(%arg16 : memref<!tpu.dma_semaphore, #tpu.memory_space<semaphore_mem>>) src(%dma_wait3A_181 : memref<100000xf32, #tpu.memory_space<hbm>>) dst(%dma_wait3A_176 : memref<128xf32, #tpu.memory_space<vmem>>)
    %dma_wait3A_182 = arith.constant 0 : i32
    %dma_wait3A_183 = arith.constant 0 : i32
    %dma_wait3A_184 = tpu.memref_slice %arg13[%dma_wait3A_183] : memref<512xf32, #tpu.memory_space<vmem>> -> memref<128xf32, #tpu.memory_space<vmem>>
    %dma_wait3A_185 = arith.constant 0 : i32
    %dma_wait3A_186 = tpu.memref_slice %arg9[%dma_wait3A_182, %dma_wait3A_185] : memref<4x128xi32, #tpu.memory_space<vmem>> -> memref<1x128xi32, #tpu.memory_space<vmem>>
    %dma_wait3A_187 = tpu.memref_squeeze %dma_wait3A_186 : memref<1x128xi32, #tpu.memory_space<vmem>> -> memref<128xi32, #tpu.memory_space<vmem>>
    %dma_wait3A_188 = arith.constant 0 : i32
    %dma_wait3A_189 = tpu.memref_slice %arg4[%dma_wait3A_188] : memref<100000xf32, #tpu.memory_space<hbm>> -> memref<100000xf32, #tpu.memory_space<hbm>>
    tpu.wait_indirect_dma semaphore(%arg16 : memref<!tpu.dma_semaphore, #tpu.memory_space<semaphore_mem>>) src(%dma_wait3A_189 : memref<100000xf32, #tpu.memory_space<hbm>>) dst(%dma_wait3A_184 : memref<128xf32, #tpu.memory_space<vmem>>)
    %iota3A = tpu.iota {dimensions = array<i32: 0>} : vector<16xi32>
    %and3A = arith.constant 1 : i32
    %and3A_190 = vector.broadcast %and3A : i32 to vector<16xi32>
    %and3A_191 = arith.andi %iota3A, %and3A_190 : vector<16xi32>
    %eq3A = arith.constant 0 : i32
    %eq3A_192 = vector.broadcast %eq3A : i32 to vector<16xi32>
    %eq3A_193 = arith.cmpi eq, %and3A_191, %eq3A_192 : vector<16xi32>
    %shift_right_arithmetic3A = arith.constant 1 : i32
    %shift_right_arithmetic3A_194 = vector.broadcast %shift_right_arithmetic3A : i32 to vector<16xi32>
    %shift_right_arithmetic3A_195 = arith.shrsi %iota3A, %shift_right_arithmetic3A_194 : vector<16xi32>
    %scan3A = arith.constant 0 : i32
    %scan3A_196 = arith.constant 0 : i32
    %scan3A_197 = arith.constant 8 : i32
    %scan3A_198 = arith.addi %scan3A_196, %scan3A_197 : i32
    %scan3A_199 = arith.constant 1 : i32
    scf.for %scan3A_612 = %scan3A_196 to %scan3A_198 step %scan3A_199  : i32 {
      %mul3A_613 = arith.constant 16 : i32
      %mul3A_614 = arith.muli %scan3A_612, %mul3A_613 : i32
      %broadcast_in_dim3A = arith.constant 0.000000e+00 : f32
      %broadcast_in_dim3A_615 = vector.broadcast %broadcast_in_dim3A : f32 to vector<16xf32>
      %scan3A_616 = arith.constant 0 : i32
      %scan3A_617 = arith.constant 8 : i32
      %scan3A_618 = arith.addi %scan3A_616, %scan3A_617 : i32
      %scan3A_619 = arith.constant 1 : i32
      %scan3A_620 = scf.for %scan3A_627 = %scan3A_616 to %scan3A_618 step %scan3A_619 iter_args(%scan3A_628 = %broadcast_in_dim3A_615) -> (vector<16xf32>)  : i32 {
        %mul3A_629 = arith.constant 2 : i32
        %mul3A_630 = arith.muli %scan3A_627, %mul3A_629 : i32
        %add3A_631 = arith.addi %mul3A_614, %mul3A_630 : i32
        %add3A_632 = arith.constant 0 : i32
        %add3A_633 = arith.addi %add3A_631, %add3A_632 : i32
        %get3A = arith.constant 0 : i32
        %get3A_634 = arith.index_cast %get3A : i32 to index
        %get3A_635 = arith.index_cast %add3A_633 : i32 to index
        %get3A_636 = arith.constant 0 : index
        %get3A_637 = tpu.vector_load %arg10[%get3A_634, %get3A_635, %get3A_636] {strides = array<i32>} : memref<2x128x128xf32, #tpu.memory_space<vmem>>, vector<1x1x16xf32>,
        %get3A_638 = vector.shape_cast %get3A_637 : vector<1x1x16xf32> to vector<16xf32>
        %get3A_639 = arith.constant 0 : i32
        %get3A_640 = arith.index_cast %get3A_639 : i32 to index
        %get3A_641 = arith.index_cast %add3A_633 : i32 to index
        %get3A_642 = arith.constant 0 : index
        %get3A_643 = tpu.vector_load %arg11[%get3A_640, %get3A_641, %get3A_642] {strides = array<i32>} : memref<2x128x128xf32, #tpu.memory_space<vmem>>, vector<1x1x16xf32>,
        %get3A_644 = vector.shape_cast %get3A_643 : vector<1x1x16xf32> to vector<16xf32>
        %mul3A_645 = arith.mulf %get3A_638, %get3A_644 : vector<16xf32>
        %get3A_646 = arith.constant 0 : i32
        %get3A_647 = arith.index_cast %get3A_646 : i32 to index
        %get3A_648 = arith.index_cast %add3A_633 : i32 to index
        %get3A_649 = arith.constant 16 : index
        %get3A_650 = tpu.vector_load %arg10[%get3A_647, %get3A_648, %get3A_649] {strides = array<i32>} : memref<2x128x128xf32, #tpu.memory_space<vmem>>, vector<1x1x16xf32>,
        %get3A_651 = vector.shape_cast %get3A_650 : vector<1x1x16xf32> to vector<16xf32>
        %get3A_652 = arith.constant 0 : i32
        %get3A_653 = arith.index_cast %get3A_652 : i32 to index
        %get3A_654 = arith.index_cast %add3A_633 : i32 to index
        %get3A_655 = arith.constant 16 : index
        %get3A_656 = tpu.vector_load %arg11[%get3A_653, %get3A_654, %get3A_655] {strides = array<i32>} : memref<2x128x128xf32, #tpu.memory_space<vmem>>, vector<1x1x16xf32>,
        %get3A_657 = vector.shape_cast %get3A_656 : vector<1x1x16xf32> to vector<16xf32>
        %mul3A_658 = arith.mulf %get3A_651, %get3A_657 : vector<16xf32>
        %add3A_659 = arith.addf %mul3A_645, %mul3A_658 : vector<16xf32>
        %get3A_660 = arith.constant 0 : i32
        %get3A_661 = arith.index_cast %get3A_660 : i32 to index
        %get3A_662 = arith.index_cast %add3A_633 : i32 to index
        %get3A_663 = arith.constant 32 : index
        %get3A_664 = tpu.vector_load %arg10[%get3A_661, %get3A_662, %get3A_663] {strides = array<i32>} : memref<2x128x128xf32, #tpu.memory_space<vmem>>, vector<1x1x16xf32>,
        %get3A_665 = vector.shape_cast %get3A_664 : vector<1x1x16xf32> to vector<16xf32>
        %get3A_666 = arith.constant 0 : i32
        %get3A_667 = arith.index_cast %get3A_666 : i32 to index
        %get3A_668 = arith.index_cast %add3A_633 : i32 to index
        %get3A_669 = arith.constant 32 : index
        %get3A_670 = tpu.vector_load %arg11[%get3A_667, %get3A_668, %get3A_669] {strides = array<i32>} : memref<2x128x128xf32, #tpu.memory_space<vmem>>, vector<1x1x16xf32>,
        %get3A_671 = vector.shape_cast %get3A_670 : vector<1x1x16xf32> to vector<16xf32>
        %mul3A_672 = arith.mulf %get3A_665, %get3A_671 : vector<16xf32>
        %add3A_673 = arith.addf %add3A_659, %mul3A_672 : vector<16xf32>
        %get3A_674 = arith.constant 0 : i32
        %get3A_675 = arith.index_cast %get3A_674 : i32 to index
        %get3A_676 = arith.index_cast %add3A_633 : i32 to index
        %get3A_677 = arith.constant 48 : index
        %get3A_678 = tpu.vector_load %arg10[%get3A_675, %get3A_676, %get3A_677] {strides = array<i32>} : memref<2x128x128xf32, #tpu.memory_space<vmem>>, vector<1x1x16xf32>,
        %get3A_679 = vector.shape_cast %get3A_678 : vector<1x1x16xf32> to vector<16xf32>
        %get3A_680 = arith.constant 0 : i32
        %get3A_681 = arith.index_cast %get3A_680 : i32 to index
        %get3A_682 = arith.index_cast %add3A_633 : i32 to index
        %get3A_683 = arith.constant 48 : index
        %get3A_684 = tpu.vector_load %arg11[%get3A_681, %get3A_682, %get3A_683] {strides = array<i32>} : memref<2x128x128xf32, #tpu.memory_space<vmem>>, vector<1x1x16xf32>,
        %get3A_685 = vector.shape_cast %get3A_684 : vector<1x1x16xf32> to vector<16xf32>
        %mul3A_686 = arith.mulf %get3A_679, %get3A_685 : vector<16xf32>
        %add3A_687 = arith.addf %add3A_673, %mul3A_686 : vector<16xf32>
        %get3A_688 = arith.constant 0 : i32
        %get3A_689 = arith.index_cast %get3A_688 : i32 to index
        %get3A_690 = arith.index_cast %add3A_633 : i32 to index
        %get3A_691 = arith.constant 64 : index
        %get3A_692 = tpu.vector_load %arg10[%get3A_689, %get3A_690, %get3A_691] {strides = array<i32>} : memref<2x128x128xf32, #tpu.memory_space<vmem>>, vector<1x1x16xf32>,
        %get3A_693 = vector.shape_cast %get3A_692 : vector<1x1x16xf32> to vector<16xf32>
        %get3A_694 = arith.constant 0 : i32
        %get3A_695 = arith.index_cast %get3A_694 : i32 to index
        %get3A_696 = arith.index_cast %add3A_633 : i32 to index
        %get3A_697 = arith.constant 64 : index
        %get3A_698 = tpu.vector_load %arg11[%get3A_695, %get3A_696, %get3A_697] {strides = array<i32>} : memref<2x128x128xf32, #tpu.memory_space<vmem>>, vector<1x1x16xf32>,
        %get3A_699 = vector.shape_cast %get3A_698 : vector<1x1x16xf32> to vector<16xf32>
        %mul3A_700 = arith.mulf %get3A_693, %get3A_699 : vector<16xf32>
        %add3A_701 = arith.addf %add3A_687, %mul3A_700 : vector<16xf32>
        %get3A_702 = arith.constant 0 : i32
        %get3A_703 = arith.index_cast %get3A_702 : i32 to index
        %get3A_704 = arith.index_cast %add3A_633 : i32 to index
        %get3A_705 = arith.constant 80 : index
        %get3A_706 = tpu.vector_load %arg10[%get3A_703, %get3A_704, %get3A_705] {strides = array<i32>} : memref<2x128x128xf32, #tpu.memory_space<vmem>>, vector<1x1x16xf32>,
        %get3A_707 = vector.shape_cast %get3A_706 : vector<1x1x16xf32> to vector<16xf32>
        %get3A_708 = arith.constant 0 : i32
        %get3A_709 = arith.index_cast %get3A_708 : i32 to index
        %get3A_710 = arith.index_cast %add3A_633 : i32 to index
        %get3A_711 = arith.constant 80 : index
        %get3A_712 = tpu.vector_load %arg11[%get3A_709, %get3A_710, %get3A_711] {strides = array<i32>} : memref<2x128x128xf32, #tpu.memory_space<vmem>>, vector<1x1x16xf32>,
        %get3A_713 = vector.shape_cast %get3A_712 : vector<1x1x16xf32> to vector<16xf32>
        %mul3A_714 = arith.mulf %get3A_707, %get3A_713 : vector<16xf32>
        %add3A_715 = arith.addf %add3A_701, %mul3A_714 : vector<16xf32>
        %get3A_716 = arith.constant 0 : i32
        %get3A_717 = arith.index_cast %get3A_716 : i32 to index
        %get3A_718 = arith.index_cast %add3A_633 : i32 to index
        %get3A_719 = arith.constant 96 : index
        %get3A_720 = tpu.vector_load %arg10[%get3A_717, %get3A_718, %get3A_719] {strides = array<i32>} : memref<2x128x128xf32, #tpu.memory_space<vmem>>, vector<1x1x16xf32>,
        %get3A_721 = vector.shape_cast %get3A_720 : vector<1x1x16xf32> to vector<16xf32>
        %get3A_722 = arith.constant 0 : i32
        %get3A_723 = arith.index_cast %get3A_722 : i32 to index
        %get3A_724 = arith.index_cast %add3A_633 : i32 to index
        %get3A_725 = arith.constant 96 : index
        %get3A_726 = tpu.vector_load %arg11[%get3A_723, %get3A_724, %get3A_725] {strides = array<i32>} : memref<2x128x128xf32, #tpu.memory_space<vmem>>, vector<1x1x16xf32>,
        %get3A_727 = vector.shape_cast %get3A_726 : vector<1x1x16xf32> to vector<16xf32>
        %mul3A_728 = arith.mulf %get3A_721, %get3A_727 : vector<16xf32>
        %add3A_729 = arith.addf %add3A_715, %mul3A_728 : vector<16xf32>
        %get3A_730 = arith.constant 0 : i32
        %get3A_731 = arith.index_cast %get3A_730 : i32 to index
        %get3A_732 = arith.index_cast %add3A_633 : i32 to index
        %get3A_733 = arith.constant 112 : index
        %get3A_734 = tpu.vector_load %arg10[%get3A_731, %get3A_732, %get3A_733] {strides = array<i32>} : memref<2x128x128xf32, #tpu.memory_space<vmem>>, vector<1x1x16xf32>,
        %get3A_735 = vector.shape_cast %get3A_734 : vector<1x1x16xf32> to vector<16xf32>
        %get3A_736 = arith.constant 0 : i32
        %get3A_737 = arith.index_cast %get3A_736 : i32 to index
        %get3A_738 = arith.index_cast %add3A_633 : i32 to index
        %get3A_739 = arith.constant 112 : index
        %get3A_740 = tpu.vector_load %arg11[%get3A_737, %get3A_738, %get3A_739] {strides = array<i32>} : memref<2x128x128xf32, #tpu.memory_space<vmem>>, vector<1x1x16xf32>,
        %get3A_741 = vector.shape_cast %get3A_740 : vector<1x1x16xf32> to vector<16xf32>
        %mul3A_742 = arith.mulf %get3A_735, %get3A_741 : vector<16xf32>
        %add3A_743 = arith.addf %add3A_729, %mul3A_742 : vector<16xf32>
        %add3A_744 = arith.constant 1 : i32
        %add3A_745 = arith.addi %add3A_631, %add3A_744 : i32
        %get3A_746 = arith.constant 0 : i32
        %get3A_747 = arith.index_cast %get3A_746 : i32 to index
        %get3A_748 = arith.index_cast %add3A_745 : i32 to index
        %get3A_749 = arith.constant 0 : index
        %get3A_750 = tpu.vector_load %arg10[%get3A_747, %get3A_748, %get3A_749] {strides = array<i32>} : memref<2x128x128xf32, #tpu.memory_space<vmem>>, vector<1x1x16xf32>,
        %get3A_751 = vector.shape_cast %get3A_750 : vector<1x1x16xf32> to vector<16xf32>
        %get3A_752 = arith.constant 0 : i32
        %get3A_753 = arith.index_cast %get3A_752 : i32 to index
        %get3A_754 = arith.index_cast %add3A_745 : i32 to index
        %get3A_755 = arith.constant 0 : index
        %get3A_756 = tpu.vector_load %arg11[%get3A_753, %get3A_754, %get3A_755] {strides = array<i32>} : memref<2x128x128xf32, #tpu.memory_space<vmem>>, vector<1x1x16xf32>,
        %get3A_757 = vector.shape_cast %get3A_756 : vector<1x1x16xf32> to vector<16xf32>
        %mul3A_758 = arith.mulf %get3A_751, %get3A_757 : vector<16xf32>
        %get3A_759 = arith.constant 0 : i32
        %get3A_760 = arith.index_cast %get3A_759 : i32 to index
        %get3A_761 = arith.index_cast %add3A_745 : i32 to index
        %get3A_762 = arith.constant 16 : index
        %get3A_763 = tpu.vector_load %arg10[%get3A_760, %get3A_761, %get3A_762] {strides = array<i32>} : memref<2x128x128xf32, #tpu.memory_space<vmem>>, vector<1x1x16xf32>,
        %get3A_764 = vector.shape_cast %get3A_763 : vector<1x1x16xf32> to vector<16xf32>
        %get3A_765 = arith.constant 0 : i32
        %get3A_766 = arith.index_cast %get3A_765 : i32 to index
        %get3A_767 = arith.index_cast %add3A_745 : i32 to index
        %get3A_768 = arith.constant 16 : index
        %get3A_769 = tpu.vector_load %arg11[%get3A_766, %get3A_767, %get3A_768] {strides = array<i32>} : memref<2x128x128xf32, #tpu.memory_space<vmem>>, vector<1x1x16xf32>,
        %get3A_770 = vector.shape_cast %get3A_769 : vector<1x1x16xf32> to vector<16xf32>
        %mul3A_771 = arith.mulf %get3A_764, %get3A_770 : vector<16xf32>
        %add3A_772 = arith.addf %mul3A_758, %mul3A_771 : vector<16xf32>
        %get3A_773 = arith.constant 0 : i32
        %get3A_774 = arith.index_cast %get3A_773 : i32 to index
        %get3A_775 = arith.index_cast %add3A_745 : i32 to index
        %get3A_776 = arith.constant 32 : index
        %get3A_777 = tpu.vector_load %arg10[%get3A_774, %get3A_775, %get3A_776] {strides = array<i32>} : memref<2x128x128xf32, #tpu.memory_space<vmem>>, vector<1x1x16xf32>,
        %get3A_778 = vector.shape_cast %get3A_777 : vector<1x1x16xf32> to vector<16xf32>
        %get3A_779 = arith.constant 0 : i32
        %get3A_780 = arith.index_cast %get3A_779 : i32 to index
        %get3A_781 = arith.index_cast %add3A_745 : i32 to index
        %get3A_782 = arith.constant 32 : index
        %get3A_783 = tpu.vector_load %arg11[%get3A_780, %get3A_781, %get3A_782] {strides = array<i32>} : memref<2x128x128xf32, #tpu.memory_space<vmem>>, vector<1x1x16xf32>,
        %get3A_784 = vector.shape_cast %get3A_783 : vector<1x1x16xf32> to vector<16xf32>
        %mul3A_785 = arith.mulf %get3A_778, %get3A_784 : vector<16xf32>
        %add3A_786 = arith.addf %add3A_772, %mul3A_785 : vector<16xf32>
        %get3A_787 = arith.constant 0 : i32
        %get3A_788 = arith.index_cast %get3A_787 : i32 to index
        %get3A_789 = arith.index_cast %add3A_745 : i32 to index
        %get3A_790 = arith.constant 48 : index
        %get3A_791 = tpu.vector_load %arg10[%get3A_788, %get3A_789, %get3A_790] {strides = array<i32>} : memref<2x128x128xf32, #tpu.memory_space<vmem>>, vector<1x1x16xf32>,
        %get3A_792 = vector.shape_cast %get3A_791 : vector<1x1x16xf32> to vector<16xf32>
        %get3A_793 = arith.constant 0 : i32
        %get3A_794 = arith.index_cast %get3A_793 : i32 to index
        %get3A_795 = arith.index_cast %add3A_745 : i32 to index
        %get3A_796 = arith.constant 48 : index
        %get3A_797 = tpu.vector_load %arg11[%get3A_794, %get3A_795, %get3A_796] {strides = array<i32>} : memref<2x128x128xf32, #tpu.memory_space<vmem>>, vector<1x1x16xf32>,
        %get3A_798 = vector.shape_cast %get3A_797 : vector<1x1x16xf32> to vector<16xf32>
        %mul3A_799 = arith.mulf %get3A_792, %get3A_798 : vector<16xf32>
        %add3A_800 = arith.addf %add3A_786, %mul3A_799 : vector<16xf32>
        %get3A_801 = arith.constant 0 : i32
        %get3A_802 = arith.index_cast %get3A_801 : i32 to index
        %get3A_803 = arith.index_cast %add3A_745 : i32 to index
        %get3A_804 = arith.constant 64 : index
        %get3A_805 = tpu.vector_load %arg10[%get3A_802, %get3A_803, %get3A_804] {strides = array<i32>} : memref<2x128x128xf32, #tpu.memory_space<vmem>>, vector<1x1x16xf32>,
        %get3A_806 = vector.shape_cast %get3A_805 : vector<1x1x16xf32> to vector<16xf32>
        %get3A_807 = arith.constant 0 : i32
        %get3A_808 = arith.index_cast %get3A_807 : i32 to index
        %get3A_809 = arith.index_cast %add3A_745 : i32 to index
        %get3A_810 = arith.constant 64 : index
        %get3A_811 = tpu.vector_load %arg11[%get3A_808, %get3A_809, %get3A_810] {strides = array<i32>} : memref<2x128x128xf32, #tpu.memory_space<vmem>>, vector<1x1x16xf32>,
        %get3A_812 = vector.shape_cast %get3A_811 : vector<1x1x16xf32> to vector<16xf32>
        %mul3A_813 = arith.mulf %get3A_806, %get3A_812 : vector<16xf32>
        %add3A_814 = arith.addf %add3A_800, %mul3A_813 : vector<16xf32>
        %get3A_815 = arith.constant 0 : i32
        %get3A_816 = arith.index_cast %get3A_815 : i32 to index
        %get3A_817 = arith.index_cast %add3A_745 : i32 to index
        %get3A_818 = arith.constant 80 : index
        %get3A_819 = tpu.vector_load %arg10[%get3A_816, %get3A_817, %get3A_818] {strides = array<i32>} : memref<2x128x128xf32, #tpu.memory_space<vmem>>, vector<1x1x16xf32>,
        %get3A_820 = vector.shape_cast %get3A_819 : vector<1x1x16xf32> to vector<16xf32>
        %get3A_821 = arith.constant 0 : i32
        %get3A_822 = arith.index_cast %get3A_821 : i32 to index
        %get3A_823 = arith.index_cast %add3A_745 : i32 to index
        %get3A_824 = arith.constant 80 : index
        %get3A_825 = tpu.vector_load %arg11[%get3A_822, %get3A_823, %get3A_824] {strides = array<i32>} : memref<2x128x128xf32, #tpu.memory_space<vmem>>, vector<1x1x16xf32>,
        %get3A_826 = vector.shape_cast %get3A_825 : vector<1x1x16xf32> to vector<16xf32>
        %mul3A_827 = arith.mulf %get3A_820, %get3A_826 : vector<16xf32>
        %add3A_828 = arith.addf %add3A_814, %mul3A_827 : vector<16xf32>
        %get3A_829 = arith.constant 0 : i32
        %get3A_830 = arith.index_cast %get3A_829 : i32 to index
        %get3A_831 = arith.index_cast %add3A_745 : i32 to index
        %get3A_832 = arith.constant 96 : index
        %get3A_833 = tpu.vector_load %arg10[%get3A_830, %get3A_831, %get3A_832] {strides = array<i32>} : memref<2x128x128xf32, #tpu.memory_space<vmem>>, vector<1x1x16xf32>,
        %get3A_834 = vector.shape_cast %get3A_833 : vector<1x1x16xf32> to vector<16xf32>
        %get3A_835 = arith.constant 0 : i32
        %get3A_836 = arith.index_cast %get3A_835 : i32 to index
        %get3A_837 = arith.index_cast %add3A_745 : i32 to index
        %get3A_838 = arith.constant 96 : index
        %get3A_839 = tpu.vector_load %arg11[%get3A_836, %get3A_837, %get3A_838] {strides = array<i32>} : memref<2x128x128xf32, #tpu.memory_space<vmem>>, vector<1x1x16xf32>,
        %get3A_840 = vector.shape_cast %get3A_839 : vector<1x1x16xf32> to vector<16xf32>
        %mul3A_841 = arith.mulf %get3A_834, %get3A_840 : vector<16xf32>
        %add3A_842 = arith.addf %add3A_828, %mul3A_841 : vector<16xf32>
        %get3A_843 = arith.constant 0 : i32
        %get3A_844 = arith.index_cast %get3A_843 : i32 to index
        %get3A_845 = arith.index_cast %add3A_745 : i32 to index
        %get3A_846 = arith.constant 112 : index
        %get3A_847 = tpu.vector_load %arg10[%get3A_844, %get3A_845, %get3A_846] {strides = array<i32>} : memref<2x128x128xf32, #tpu.memory_space<vmem>>, vector<1x1x16xf32>,
        %get3A_848 = vector.shape_cast %get3A_847 : vector<1x1x16xf32> to vector<16xf32>
        %get3A_849 = arith.constant 0 : i32
        %get3A_850 = arith.index_cast %get3A_849 : i32 to index
        %get3A_851 = arith.index_cast %add3A_745 : i32 to index
        %get3A_852 = arith.constant 112 : index
        %get3A_853 = tpu.vector_load %arg11[%get3A_850, %get3A_851, %get3A_852] {strides = array<i32>} : memref<2x128x128xf32, #tpu.memory_space<vmem>>, vector<1x1x16xf32>,
        %get3A_854 = vector.shape_cast %get3A_853 : vector<1x1x16xf32> to vector<16xf32>
        %mul3A_855 = arith.mulf %get3A_848, %get3A_854 : vector<16xf32>
        %add3A_856 = arith.addf %add3A_842, %mul3A_855 : vector<16xf32>
        %xor3A = arith.constant 1 : i32
        %xor3A_857 = vector.broadcast %xor3A : i32 to vector<16xi32>
        %xor3A_858 = arith.xori %iota3A, %xor3A_857 : vector<16xi32>
        %broadcast_in_dim3A_859 = vector.shape_cast %xor3A_858 : vector<16xi32> to vector<16x1xi32>
        %gather3A = vector.shape_cast %broadcast_in_dim3A_859 : vector<16x1xi32> to vector<16xi32>
        %gather3A_860 = tpu.dynamic_gather %add3A_743[%gather3A] in [0] : vector<16xf32>, vector<16xi32> -> vector<16xf32>
        %add3A_861 = arith.addf %add3A_743, %gather3A_860 : vector<16xf32>
        %xor3A_862 = arith.constant 1 : i32
        %xor3A_863 = vector.broadcast %xor3A_862 : i32 to vector<16xi32>
        %xor3A_864 = arith.xori %iota3A, %xor3A_863 : vector<16xi32>
        %broadcast_in_dim3A_865 = vector.shape_cast %xor3A_864 : vector<16xi32> to vector<16x1xi32>
        %gather3A_866 = vector.shape_cast %broadcast_in_dim3A_865 : vector<16x1xi32> to vector<16xi32>
        %gather3A_867 = tpu.dynamic_gather %add3A_856[%gather3A_866] in [0] : vector<16xf32>, vector<16xi32> -> vector<16xf32>
        %add3A_868 = arith.addf %add3A_856, %gather3A_867 : vector<16xf32>
        %select_n3A = arith.select %eq3A_193, %add3A_861, %add3A_868 : vector<16xi1>, vector<16xf32>
        %xor3A_869 = arith.constant 2 : i32
        %xor3A_870 = vector.broadcast %xor3A_869 : i32 to vector<16xi32>
        %xor3A_871 = arith.xori %iota3A, %xor3A_870 : vector<16xi32>
        %broadcast_in_dim3A_872 = vector.shape_cast %xor3A_871 : vector<16xi32> to vector<16x1xi32>
        %gather3A_873 = vector.shape_cast %broadcast_in_dim3A_872 : vector<16x1xi32> to vector<16xi32>
        %gather3A_874 = tpu.dynamic_gather %select_n3A[%gather3A_873] in [0] : vector<16xf32>, vector<16xi32> -> vector<16xf32>
        %add3A_875 = arith.addf %select_n3A, %gather3A_874 : vector<16xf32>
        %xor3A_876 = arith.constant 4 : i32
        %xor3A_877 = vector.broadcast %xor3A_876 : i32 to vector<16xi32>
        %xor3A_878 = arith.xori %iota3A, %xor3A_877 : vector<16xi32>
        %broadcast_in_dim3A_879 = vector.shape_cast %xor3A_878 : vector<16xi32> to vector<16x1xi32>
        %gather3A_880 = vector.shape_cast %broadcast_in_dim3A_879 : vector<16x1xi32> to vector<16xi32>
        %gather3A_881 = tpu.dynamic_gather %add3A_875[%gather3A_880] in [0] : vector<16xf32>, vector<16xi32> -> vector<16xf32>
        %add3A_882 = arith.addf %add3A_875, %gather3A_881 : vector<16xf32>
        %xor3A_883 = arith.constant 8 : i32
        %xor3A_884 = vector.broadcast %xor3A_883 : i32 to vector<16xi32>
        %xor3A_885 = arith.xori %iota3A, %xor3A_884 : vector<16xi32>
        %broadcast_in_dim3A_886 = vector.shape_cast %xor3A_885 : vector<16xi32> to vector<16x1xi32>
        %gather3A_887 = vector.shape_cast %broadcast_in_dim3A_886 : vector<16x1xi32> to vector<16xi32>
        %gather3A_888 = tpu.dynamic_gather %add3A_882[%gather3A_887] in [0] : vector<16xf32>, vector<16xi32> -> vector<16xf32>
        %add3A_889 = arith.addf %add3A_882, %gather3A_888 : vector<16xf32>
        %eq3A_890 = vector.broadcast %scan3A_627 : i32 to vector<16xi32>
        %eq3A_891 = arith.cmpi eq, %shift_right_arithmetic3A_195, %eq3A_890 : vector<16xi32>
        %select_n3A_892 = arith.select %eq3A_891, %add3A_889, %scan3A_628 : vector<16xi1>, vector<16xf32>
        scf.yield %select_n3A_892 : vector<16xf32>
      }
      %scan3A_621 = arith.constant 8 : i32
      %add3A_622 = arith.constant 0 : i32
      %add3A_623 = arith.addi %add3A_622, %mul3A_614 : i32
      %swap3A = arith.index_cast %add3A_623 : i32 to index
      %swap3A_624 = tpu.vector_load %arg14[%swap3A] {strides = array<i32>} : memref<512xf32, #tpu.memory_space<vmem>>, vector<16xf32>,
      %swap3A_625 = vector.shape_cast %swap3A_624 : vector<16xf32> to vector<16xf32>
      %swap3A_626 = vector.shape_cast %scan3A_620 : vector<16xf32> to vector<16xf32>
      tpu.vector_store %arg14[%swap3A], %swap3A_626 {strides = array<i32>} : memref<512xf32, #tpu.memory_space<vmem>>, vector<16xf32>,
    }
    %scan3A_200 = arith.constant 8 : i32
    %scan3A_201 = arith.constant 0 : i32
    %scan3A_202 = arith.constant 0 : i32
    %scan3A_203 = arith.constant 8 : i32
    %scan3A_204 = arith.addi %scan3A_202, %scan3A_203 : i32
    %scan3A_205 = arith.constant 1 : i32
    scf.for %scan3A_612 = %scan3A_202 to %scan3A_204 step %scan3A_205  : i32 {
      %mul3A_613 = arith.constant 16 : i32
      %mul3A_614 = arith.muli %scan3A_612, %mul3A_613 : i32
      %add3A_615 = arith.constant 0 : i32
      %add3A_616 = arith.addi %add3A_615, %mul3A_614 : i32
      %get3A = arith.index_cast %add3A_616 : i32 to index
      %get3A_617 = tpu.vector_load %arg14[%get3A] {strides = array<i32>} : memref<512xf32, #tpu.memory_space<vmem>>, vector<16xf32>,
      %get3A_618 = vector.shape_cast %get3A_617 : vector<16xf32> to vector<16xf32>
      %get3A_619 = arith.index_cast %add3A_616 : i32 to index
      %get3A_620 = tpu.vector_load %arg12[%get3A_619] {strides = array<i32>} : memref<512xf32, #tpu.memory_space<vmem>>, vector<16xf32>,
      %get3A_621 = vector.shape_cast %get3A_620 : vector<16xf32> to vector<16xf32>
      %add3A_622 = arith.addf %get3A_618, %get3A_621 : vector<16xf32>
      %exp3A = math.exp %add3A_622 : vector<16xf32>
      %swap3A = arith.index_cast %add3A_616 : i32 to index
      %swap3A_623 = tpu.vector_load %arg15[%swap3A] {strides = array<i32>} : memref<512xf32, #tpu.memory_space<vmem>>, vector<16xf32>,
      %swap3A_624 = vector.shape_cast %swap3A_623 : vector<16xf32> to vector<16xf32>
      %swap3A_625 = vector.shape_cast %exp3A : vector<16xf32> to vector<16xf32>
      tpu.vector_store %arg15[%swap3A], %swap3A_625 {strides = array<i32>} : memref<512xf32, #tpu.memory_space<vmem>>, vector<16xf32>,
    }
    %scan3A_206 = arith.constant 8 : i32
    %add3A_207 = arith.constant 0 : i32
    %add3A_208 = arith.addi %mul3A_2, %add3A_207 : i32
    %dma_start3A_209 = arith.constant 0 : i32
    %dma_start3A_210 = tpu.memref_slice %arg15[%dma_start3A_209] : memref<512xf32, #tpu.memory_space<vmem>> -> memref<128xf32, #tpu.memory_space<vmem>>
    %dma_start3A_211 = tpu.memref_slice %arg7[%add3A_208] : memref<16384xf32, #tpu.memory_space<hbm>> -> memref<128xf32, #tpu.memory_space<hbm>>
    %dma_start3A_212 = tpu.memref_slice %arg7[%add3A_208] : memref<16384xf32, #tpu.memory_space<hbm>> -> memref<128xf32, #tpu.memory_space<hbm>>
    %dma_start3A_213 = arith.constant 0 : i32
    %dma_start3A_214 = tpu.memref_slice %arg15[%dma_start3A_213] : memref<512xf32, #tpu.memory_space<vmem>> -> memref<128xf32, #tpu.memory_space<vmem>>
    tpu.enqueue_dma source(%dma_start3A_214 : memref<128xf32, #tpu.memory_space<vmem>>) target(%dma_start3A_212 : memref<128xf32, #tpu.memory_space<hbm>>) target_semaphore(%arg19 : memref<!tpu.dma_semaphore, #tpu.memory_space<semaphore_mem>>)
    %add3A_215 = arith.constant 0 : i32
    %add3A_216 = arith.addi %mul3A_2, %add3A_215 : i32
    %dma_start3A_217 = arith.constant 0 : i32
    %dma_start3A_218 = tpu.memref_slice %arg13[%dma_start3A_217] : memref<512xf32, #tpu.memory_space<vmem>> -> memref<128xf32, #tpu.memory_space<vmem>>
    %dma_start3A_219 = tpu.memref_slice %arg8[%add3A_216] : memref<16384xf32, #tpu.memory_space<hbm>> -> memref<128xf32, #tpu.memory_space<hbm>>
    %dma_start3A_220 = tpu.memref_slice %arg8[%add3A_216] : memref<16384xf32, #tpu.memory_space<hbm>> -> memref<128xf32, #tpu.memory_space<hbm>>
    %dma_start3A_221 = arith.constant 0 : i32
    %dma_start3A_222 = tpu.memref_slice %arg13[%dma_start3A_221] : memref<512xf32, #tpu.memory_space<vmem>> -> memref<128xf32, #tpu.memory_space<vmem>>
    tpu.enqueue_dma source(%dma_start3A_222 : memref<128xf32, #tpu.memory_space<vmem>>) target(%dma_start3A_220 : memref<128xf32, #tpu.memory_space<hbm>>) target_semaphore(%arg19 : memref<!tpu.dma_semaphore, #tpu.memory_space<semaphore_mem>>)
    %dma_wait3A_223 = arith.constant 2 : i32
    %dma_wait3A_224 = arith.constant 0 : i32
    %dma_wait3A_225 = tpu.memref_slice %arg9[%dma_wait3A_223, %dma_wait3A_224] : memref<4x128xi32, #tpu.memory_space<vmem>> -> memref<1x128xi32, #tpu.memory_space<vmem>>
    %dma_wait3A_226 = tpu.memref_squeeze %dma_wait3A_225 : memref<1x128xi32, #tpu.memory_space<vmem>> -> memref<128xi32, #tpu.memory_space<vmem>>
    %dma_wait3A_227 = tpu.memref_slice %arg5[%add3A_25] : memref<16384xi32, #tpu.memory_space<hbm>> -> memref<128xi32, #tpu.memory_space<hbm>>
    %dma_wait3A_228 = arith.constant 0 : i32
    %dma_wait3A_229 = tpu.memref_slice %arg9[%dma_wait3A_223, %dma_wait3A_228] : memref<4x128xi32, #tpu.memory_space<vmem>> -> memref<1x128xi32, #tpu.memory_space<vmem>>
    %dma_wait3A_230 = tpu.memref_squeeze %dma_wait3A_229 : memref<1x128xi32, #tpu.memory_space<vmem>> -> memref<128xi32, #tpu.memory_space<vmem>>
    %dma_wait3A_231 = tpu.memref_slice %arg5[%add3A_25] : memref<16384xi32, #tpu.memory_space<hbm>> -> memref<128xi32, #tpu.memory_space<hbm>>
    tpu.wait_dma2 semaphore(%arg18 : memref<!tpu.dma_semaphore, #tpu.memory_space<semaphore_mem>>) src(%dma_wait3A_231 : memref<128xi32, #tpu.memory_space<hbm>>) dst(%dma_wait3A_230 : memref<128xi32, #tpu.memory_space<vmem>>)
    %dma_start3A_232 = arith.constant 2 : i32
    %dma_start3A_233 = arith.constant 0 : i32
    %dma_start3A_234 = arith.constant 0 : i32
    %dma_start3A_235 = arith.constant 0 : i32
    %dma_start3A_236 = tpu.memref_slice %arg10[%dma_start3A_233, %dma_start3A_234, %dma_start3A_235] : memref<2x128x128xf32, #tpu.memory_space<vmem>> -> memref<1x128x128xf32, #tpu.memory_space<vmem>>
    %dma_start3A_237 = tpu.memref_squeeze %dma_start3A_236 : memref<1x128x128xf32, #tpu.memory_space<vmem>> -> memref<128x128xf32, #tpu.memory_space<vmem>>
    %dma_start3A_238 = arith.constant 0 : i32
    %dma_start3A_239 = tpu.memref_slice %arg9[%dma_start3A_232, %dma_start3A_238] : memref<4x128xi32, #tpu.memory_space<vmem>> -> memref<1x128xi32, #tpu.memory_space<vmem>>
    %dma_start3A_240 = tpu.memref_squeeze %dma_start3A_239 : memref<1x128xi32, #tpu.memory_space<vmem>> -> memref<128xi32, #tpu.memory_space<vmem>>
    %dma_start3A_241 = arith.constant 0 : i32
    %dma_start3A_242 = arith.constant 0 : i32
    %dma_start3A_243 = tpu.memref_slice %arg2[%dma_start3A_241, %dma_start3A_242] : memref<100000x128xf32, #tpu.memory_space<hbm>> -> memref<100000x128xf32, #tpu.memory_space<hbm>>
    tpu.enqueue_indirect_dma source(%dma_start3A_243 : memref<100000x128xf32, #tpu.memory_space<hbm>>) target(%dma_start3A_237 : memref<128x128xf32, #tpu.memory_space<vmem>>) offsets(%dma_start3A_240 : memref<128xi32, #tpu.memory_space<vmem>>) semaphore(%arg16 : memref<!tpu.dma_semaphore, #tpu.memory_space<semaphore_mem>>)
    %add3A_244 = arith.constant 256 : i32
    %add3A_245 = arith.addi %mul3A_2, %add3A_244 : i32
    %dma_start3A_246 = arith.constant 0 : i32
    %dma_start3A_247 = arith.constant 0 : i32
    %dma_start3A_248 = arith.constant 0 : i32
    %dma_start3A_249 = tpu.memref_slice %arg11[%dma_start3A_246, %dma_start3A_247, %dma_start3A_248] : memref<2x128x128xf32, #tpu.memory_space<vmem>> -> memref<1x128x128xf32, #tpu.memory_space<vmem>>
    %dma_start3A_250 = tpu.memref_squeeze %dma_start3A_249 : memref<1x128x128xf32, #tpu.memory_space<vmem>> -> memref<128x128xf32, #tpu.memory_space<vmem>>
    %dma_start3A_251 = arith.constant 0 : i32
    %dma_start3A_252 = tpu.memref_slice %arg6[%add3A_245, %dma_start3A_251] : memref<16384x128xf32, #tpu.memory_space<hbm>> -> memref<128x128xf32, #tpu.memory_space<hbm>>
    %dma_start3A_253 = arith.constant 0 : i32
    %dma_start3A_254 = arith.constant 0 : i32
    %dma_start3A_255 = tpu.memref_slice %arg11[%dma_start3A_246, %dma_start3A_253, %dma_start3A_254] : memref<2x128x128xf32, #tpu.memory_space<vmem>> -> memref<1x128x128xf32, #tpu.memory_space<vmem>>
    %dma_start3A_256 = tpu.memref_squeeze %dma_start3A_255 : memref<1x128x128xf32, #tpu.memory_space<vmem>> -> memref<128x128xf32, #tpu.memory_space<vmem>>
    %dma_start3A_257 = arith.constant 0 : i32
    %dma_start3A_258 = tpu.memref_slice %arg6[%add3A_245, %dma_start3A_257] : memref<16384x128xf32, #tpu.memory_space<hbm>> -> memref<128x128xf32, #tpu.memory_space<hbm>>
    tpu.enqueue_dma source(%dma_start3A_258 : memref<128x128xf32, #tpu.memory_space<hbm>>) target(%dma_start3A_256 : memref<128x128xf32, #tpu.memory_space<vmem>>) target_semaphore(%arg16 : memref<!tpu.dma_semaphore, #tpu.memory_space<semaphore_mem>>)
    %dma_start3A_259 = arith.constant 2 : i32
    %dma_start3A_260 = arith.constant 256 : i32
    %dma_start3A_261 = tpu.memref_slice %arg12[%dma_start3A_260] : memref<512xf32, #tpu.memory_space<vmem>> -> memref<128xf32, #tpu.memory_space<vmem>>
    %dma_start3A_262 = arith.constant 0 : i32
    %dma_start3A_263 = tpu.memref_slice %arg9[%dma_start3A_259, %dma_start3A_262] : memref<4x128xi32, #tpu.memory_space<vmem>> -> memref<1x128xi32, #tpu.memory_space<vmem>>
    %dma_start3A_264 = tpu.memref_squeeze %dma_start3A_263 : memref<1x128xi32, #tpu.memory_space<vmem>> -> memref<128xi32, #tpu.memory_space<vmem>>
    %dma_start3A_265 = arith.constant 0 : i32
    %dma_start3A_266 = tpu.memref_slice %arg3[%dma_start3A_265] : memref<100000xf32, #tpu.memory_space<hbm>> -> memref<100000xf32, #tpu.memory_space<hbm>>
    tpu.enqueue_indirect_dma source(%dma_start3A_266 : memref<100000xf32, #tpu.memory_space<hbm>>) target(%dma_start3A_261 : memref<128xf32, #tpu.memory_space<vmem>>) offsets(%dma_start3A_264 : memref<128xi32, #tpu.memory_space<vmem>>) semaphore(%arg16 : memref<!tpu.dma_semaphore, #tpu.memory_space<semaphore_mem>>)
    %dma_start3A_267 = arith.constant 2 : i32
    %dma_start3A_268 = arith.constant 256 : i32
    %dma_start3A_269 = tpu.memref_slice %arg13[%dma_start3A_268] : memref<512xf32, #tpu.memory_space<vmem>> -> memref<128xf32, #tpu.memory_space<vmem>>
    %dma_start3A_270 = arith.constant 0 : i32
    %dma_start3A_271 = tpu.memref_slice %arg9[%dma_start3A_267, %dma_start3A_270] : memref<4x128xi32, #tpu.memory_space<vmem>> -> memref<1x128xi32, #tpu.memory_space<vmem>>
    %dma_start3A_272 = tpu.memref_squeeze %dma_start3A_271 : memref<1x128xi32, #tpu.memory_space<vmem>> -> memref<128xi32, #tpu.memory_space<vmem>>
    %dma_start3A_273 = arith.constant 0 : i32
    %dma_start3A_274 = tpu.memref_slice %arg4[%dma_start3A_273] : memref<100000xf32, #tpu.memory_space<hbm>> -> memref<100000xf32, #tpu.memory_space<hbm>>
    tpu.enqueue_indirect_dma source(%dma_start3A_274 : memref<100000xf32, #tpu.memory_space<hbm>>) target(%dma_start3A_269 : memref<128xf32, #tpu.memory_space<vmem>>) offsets(%dma_start3A_272 : memref<128xi32, #tpu.memory_space<vmem>>) semaphore(%arg16 : memref<!tpu.dma_semaphore, #tpu.memory_space<semaphore_mem>>)
    %dma_wait3A_275 = arith.constant 1 : i32
    %dma_wait3A_276 = arith.constant 1 : i32
    %dma_wait3A_277 = arith.constant 0 : i32
    %dma_wait3A_278 = arith.constant 0 : i32
    %dma_wait3A_279 = tpu.memref_slice %arg10[%dma_wait3A_276, %dma_wait3A_277, %dma_wait3A_278] : memref<2x128x128xf32, #tpu.memory_space<vmem>> -> memref<1x128x128xf32, #tpu.memory_space<vmem>>
    %dma_wait3A_280 = tpu.memref_squeeze %dma_wait3A_279 : memref<1x128x128xf32, #tpu.memory_space<vmem>> -> memref<128x128xf32, #tpu.memory_space<vmem>>
    %dma_wait3A_281 = arith.constant 0 : i32
    %dma_wait3A_282 = tpu.memref_slice %arg9[%dma_wait3A_275, %dma_wait3A_281] : memref<4x128xi32, #tpu.memory_space<vmem>> -> memref<1x128xi32, #tpu.memory_space<vmem>>
    %dma_wait3A_283 = tpu.memref_squeeze %dma_wait3A_282 : memref<1x128xi32, #tpu.memory_space<vmem>> -> memref<128xi32, #tpu.memory_space<vmem>>
    %dma_wait3A_284 = arith.constant 0 : i32
    %dma_wait3A_285 = arith.constant 0 : i32
    %dma_wait3A_286 = tpu.memref_slice %arg2[%dma_wait3A_284, %dma_wait3A_285] : memref<100000x128xf32, #tpu.memory_space<hbm>> -> memref<100000x128xf32, #tpu.memory_space<hbm>>
    tpu.wait_indirect_dma semaphore(%arg17 : memref<!tpu.dma_semaphore, #tpu.memory_space<semaphore_mem>>) src(%dma_wait3A_286 : memref<100000x128xf32, #tpu.memory_space<hbm>>) dst(%dma_wait3A_280 : memref<128x128xf32, #tpu.memory_space<vmem>>)
    %dma_wait3A_287 = arith.constant 1 : i32
    %dma_wait3A_288 = arith.constant 0 : i32
    %dma_wait3A_289 = arith.constant 0 : i32
    %dma_wait3A_290 = tpu.memref_slice %arg11[%dma_wait3A_287, %dma_wait3A_288, %dma_wait3A_289] : memref<2x128x128xf32, #tpu.memory_space<vmem>> -> memref<1x128x128xf32, #tpu.memory_space<vmem>>
    %dma_wait3A_291 = tpu.memref_squeeze %dma_wait3A_290 : memref<1x128x128xf32, #tpu.memory_space<vmem>> -> memref<128x128xf32, #tpu.memory_space<vmem>>
    %dma_wait3A_292 = arith.constant 0 : i32
    %dma_wait3A_293 = tpu.memref_slice %arg6[%add3A_119, %dma_wait3A_292] : memref<16384x128xf32, #tpu.memory_space<hbm>> -> memref<128x128xf32, #tpu.memory_space<hbm>>
    %dma_wait3A_294 = arith.constant 0 : i32
    %dma_wait3A_295 = arith.constant 0 : i32
    %dma_wait3A_296 = tpu.memref_slice %arg11[%dma_wait3A_287, %dma_wait3A_294, %dma_wait3A_295] : memref<2x128x128xf32, #tpu.memory_space<vmem>> -> memref<1x128x128xf32, #tpu.memory_space<vmem>>
    %dma_wait3A_297 = tpu.memref_squeeze %dma_wait3A_296 : memref<1x128x128xf32, #tpu.memory_space<vmem>> -> memref<128x128xf32, #tpu.memory_space<vmem>>
    %dma_wait3A_298 = arith.constant 0 : i32
    %dma_wait3A_299 = tpu.memref_slice %arg6[%add3A_119, %dma_wait3A_298] : memref<16384x128xf32, #tpu.memory_space<hbm>> -> memref<128x128xf32, #tpu.memory_space<hbm>>
    tpu.wait_dma2 semaphore(%arg17 : memref<!tpu.dma_semaphore, #tpu.memory_space<semaphore_mem>>) src(%dma_wait3A_299 : memref<128x128xf32, #tpu.memory_space<hbm>>) dst(%dma_wait3A_297 : memref<128x128xf32, #tpu.memory_space<vmem>>)
    %dma_wait3A_300 = arith.constant 1 : i32
    %dma_wait3A_301 = arith.constant 128 : i32
    %dma_wait3A_302 = tpu.memref_slice %arg12[%dma_wait3A_301] : memref<512xf32, #tpu.memory_space<vmem>> -> memref<128xf32, #tpu.memory_space<vmem>>
    %dma_wait3A_303 = arith.constant 0 : i32
    %dma_wait3A_304 = tpu.memref_slice %arg9[%dma_wait3A_300, %dma_wait3A_303] : memref<4x128xi32, #tpu.memory_space<vmem>> -> memref<1x128xi32, #tpu.memory_space<vmem>>
    %dma_wait3A_305 = tpu.memref_squeeze %dma_wait3A_304 : memref<1x128xi32, #tpu.memory_space<vmem>> -> memref<128xi32, #tpu.memory_space<vmem>>
    %dma_wait3A_306 = arith.constant 0 : i32
    %dma_wait3A_307 = tpu.memref_slice %arg3[%dma_wait3A_306] : memref<100000xf32, #tpu.memory_space<hbm>> -> memref<100000xf32, #tpu.memory_space<hbm>>
    tpu.wait_indirect_dma semaphore(%arg17 : memref<!tpu.dma_semaphore, #tpu.memory_space<semaphore_mem>>) src(%dma_wait3A_307 : memref<100000xf32, #tpu.memory_space<hbm>>) dst(%dma_wait3A_302 : memref<128xf32, #tpu.memory_space<vmem>>)
    %dma_wait3A_308 = arith.constant 1 : i32
    %dma_wait3A_309 = arith.constant 128 : i32
    %dma_wait3A_310 = tpu.memref_slice %arg13[%dma_wait3A_309] : memref<512xf32, #tpu.memory_space<vmem>> -> memref<128xf32, #tpu.memory_space<vmem>>
    %dma_wait3A_311 = arith.constant 0 : i32
    %dma_wait3A_312 = tpu.memref_slice %arg9[%dma_wait3A_308, %dma_wait3A_311] : memref<4x128xi32, #tpu.memory_space<vmem>> -> memref<1x128xi32, #tpu.memory_space<vmem>>
    %dma_wait3A_313 = tpu.memref_squeeze %dma_wait3A_312 : memref<1x128xi32, #tpu.memory_space<vmem>> -> memref<128xi32, #tpu.memory_space<vmem>>
    %dma_wait3A_314 = arith.constant 0 : i32
    %dma_wait3A_315 = tpu.memref_slice %arg4[%dma_wait3A_314] : memref<100000xf32, #tpu.memory_space<hbm>> -> memref<100000xf32, #tpu.memory_space<hbm>>
    tpu.wait_indirect_dma semaphore(%arg17 : memref<!tpu.dma_semaphore, #tpu.memory_space<semaphore_mem>>) src(%dma_wait3A_315 : memref<100000xf32, #tpu.memory_space<hbm>>) dst(%dma_wait3A_310 : memref<128xf32, #tpu.memory_space<vmem>>)
    %iota3A_316 = tpu.iota {dimensions = array<i32: 0>} : vector<16xi32>
    %and3A_317 = arith.constant 1 : i32
    %and3A_318 = vector.broadcast %and3A_317 : i32 to vector<16xi32>
    %and3A_319 = arith.andi %iota3A_316, %and3A_318 : vector<16xi32>
    %eq3A_320 = arith.constant 0 : i32
    %eq3A_321 = vector.broadcast %eq3A_320 : i32 to vector<16xi32>
    %eq3A_322 = arith.cmpi eq, %and3A_319, %eq3A_321 : vector<16xi32>
    %shift_right_arithmetic3A_323 = arith.constant 1 : i32
    %shift_right_arithmetic3A_324 = vector.broadcast %shift_right_arithmetic3A_323 : i32 to vector<16xi32>
    %shift_right_arithmetic3A_325 = arith.shrsi %iota3A_316, %shift_right_arithmetic3A_324 : vector<16xi32>
    %scan3A_326 = arith.constant 0 : i32
    %scan3A_327 = arith.constant 0 : i32
    %scan3A_328 = arith.constant 8 : i32
    %scan3A_329 = arith.addi %scan3A_327, %scan3A_328 : i32
    %scan3A_330 = arith.constant 1 : i32
    scf.for %scan3A_612 = %scan3A_327 to %scan3A_329 step %scan3A_330  : i32 {
      %mul3A_613 = arith.constant 16 : i32
      %mul3A_614 = arith.muli %scan3A_612, %mul3A_613 : i32
      %broadcast_in_dim3A = arith.constant 0.000000e+00 : f32
      %broadcast_in_dim3A_615 = vector.broadcast %broadcast_in_dim3A : f32 to vector<16xf32>
      %scan3A_616 = arith.constant 0 : i32
      %scan3A_617 = arith.constant 8 : i32
      %scan3A_618 = arith.addi %scan3A_616, %scan3A_617 : i32
      %scan3A_619 = arith.constant 1 : i32
      %scan3A_620 = scf.for %scan3A_627 = %scan3A_616 to %scan3A_618 step %scan3A_619 iter_args(%scan3A_628 = %broadcast_in_dim3A_615) -> (vector<16xf32>)  : i32 {
        %mul3A_629 = arith.constant 2 : i32
        %mul3A_630 = arith.muli %scan3A_627, %mul3A_629 : i32
        %add3A_631 = arith.addi %mul3A_614, %mul3A_630 : i32
        %add3A_632 = arith.constant 0 : i32
        %add3A_633 = arith.addi %add3A_631, %add3A_632 : i32
        %get3A = arith.constant 1 : i32
        %get3A_634 = arith.index_cast %get3A : i32 to index
        %get3A_635 = arith.index_cast %add3A_633 : i32 to index
        %get3A_636 = arith.constant 0 : index
        %get3A_637 = tpu.vector_load %arg10[%get3A_634, %get3A_635, %get3A_636] {strides = array<i32>} : memref<2x128x128xf32, #tpu.memory_space<vmem>>, vector<1x1x16xf32>,
        %get3A_638 = vector.shape_cast %get3A_637 : vector<1x1x16xf32> to vector<16xf32>
        %get3A_639 = arith.constant 1 : i32
        %get3A_640 = arith.index_cast %get3A_639 : i32 to index
        %get3A_641 = arith.index_cast %add3A_633 : i32 to index
        %get3A_642 = arith.constant 0 : index
        %get3A_643 = tpu.vector_load %arg11[%get3A_640, %get3A_641, %get3A_642] {strides = array<i32>} : memref<2x128x128xf32, #tpu.memory_space<vmem>>, vector<1x1x16xf32>,
        %get3A_644 = vector.shape_cast %get3A_643 : vector<1x1x16xf32> to vector<16xf32>
        %mul3A_645 = arith.mulf %get3A_638, %get3A_644 : vector<16xf32>
        %get3A_646 = arith.constant 1 : i32
        %get3A_647 = arith.index_cast %get3A_646 : i32 to index
        %get3A_648 = arith.index_cast %add3A_633 : i32 to index
        %get3A_649 = arith.constant 16 : index
        %get3A_650 = tpu.vector_load %arg10[%get3A_647, %get3A_648, %get3A_649] {strides = array<i32>} : memref<2x128x128xf32, #tpu.memory_space<vmem>>, vector<1x1x16xf32>,
        %get3A_651 = vector.shape_cast %get3A_650 : vector<1x1x16xf32> to vector<16xf32>
        %get3A_652 = arith.constant 1 : i32
        %get3A_653 = arith.index_cast %get3A_652 : i32 to index
        %get3A_654 = arith.index_cast %add3A_633 : i32 to index
        %get3A_655 = arith.constant 16 : index
        %get3A_656 = tpu.vector_load %arg11[%get3A_653, %get3A_654, %get3A_655] {strides = array<i32>} : memref<2x128x128xf32, #tpu.memory_space<vmem>>, vector<1x1x16xf32>,
        %get3A_657 = vector.shape_cast %get3A_656 : vector<1x1x16xf32> to vector<16xf32>
        %mul3A_658 = arith.mulf %get3A_651, %get3A_657 : vector<16xf32>
        %add3A_659 = arith.addf %mul3A_645, %mul3A_658 : vector<16xf32>
        %get3A_660 = arith.constant 1 : i32
        %get3A_661 = arith.index_cast %get3A_660 : i32 to index
        %get3A_662 = arith.index_cast %add3A_633 : i32 to index
        %get3A_663 = arith.constant 32 : index
        %get3A_664 = tpu.vector_load %arg10[%get3A_661, %get3A_662, %get3A_663] {strides = array<i32>} : memref<2x128x128xf32, #tpu.memory_space<vmem>>, vector<1x1x16xf32>,
        %get3A_665 = vector.shape_cast %get3A_664 : vector<1x1x16xf32> to vector<16xf32>
        %get3A_666 = arith.constant 1 : i32
        %get3A_667 = arith.index_cast %get3A_666 : i32 to index
        %get3A_668 = arith.index_cast %add3A_633 : i32 to index
        %get3A_669 = arith.constant 32 : index
        %get3A_670 = tpu.vector_load %arg11[%get3A_667, %get3A_668, %get3A_669] {strides = array<i32>} : memref<2x128x128xf32, #tpu.memory_space<vmem>>, vector<1x1x16xf32>,
        %get3A_671 = vector.shape_cast %get3A_670 : vector<1x1x16xf32> to vector<16xf32>
        %mul3A_672 = arith.mulf %get3A_665, %get3A_671 : vector<16xf32>
        %add3A_673 = arith.addf %add3A_659, %mul3A_672 : vector<16xf32>
        %get3A_674 = arith.constant 1 : i32
        %get3A_675 = arith.index_cast %get3A_674 : i32 to index
        %get3A_676 = arith.index_cast %add3A_633 : i32 to index
        %get3A_677 = arith.constant 48 : index
        %get3A_678 = tpu.vector_load %arg10[%get3A_675, %get3A_676, %get3A_677] {strides = array<i32>} : memref<2x128x128xf32, #tpu.memory_space<vmem>>, vector<1x1x16xf32>,
        %get3A_679 = vector.shape_cast %get3A_678 : vector<1x1x16xf32> to vector<16xf32>
        %get3A_680 = arith.constant 1 : i32
        %get3A_681 = arith.index_cast %get3A_680 : i32 to index
        %get3A_682 = arith.index_cast %add3A_633 : i32 to index
        %get3A_683 = arith.constant 48 : index
        %get3A_684 = tpu.vector_load %arg11[%get3A_681, %get3A_682, %get3A_683] {strides = array<i32>} : memref<2x128x128xf32, #tpu.memory_space<vmem>>, vector<1x1x16xf32>,
        %get3A_685 = vector.shape_cast %get3A_684 : vector<1x1x16xf32> to vector<16xf32>
        %mul3A_686 = arith.mulf %get3A_679, %get3A_685 : vector<16xf32>
        %add3A_687 = arith.addf %add3A_673, %mul3A_686 : vector<16xf32>
        %get3A_688 = arith.constant 1 : i32
        %get3A_689 = arith.index_cast %get3A_688 : i32 to index
        %get3A_690 = arith.index_cast %add3A_633 : i32 to index
        %get3A_691 = arith.constant 64 : index
        %get3A_692 = tpu.vector_load %arg10[%get3A_689, %get3A_690, %get3A_691] {strides = array<i32>} : memref<2x128x128xf32, #tpu.memory_space<vmem>>, vector<1x1x16xf32>,
        %get3A_693 = vector.shape_cast %get3A_692 : vector<1x1x16xf32> to vector<16xf32>
        %get3A_694 = arith.constant 1 : i32
        %get3A_695 = arith.index_cast %get3A_694 : i32 to index
        %get3A_696 = arith.index_cast %add3A_633 : i32 to index
        %get3A_697 = arith.constant 64 : index
        %get3A_698 = tpu.vector_load %arg11[%get3A_695, %get3A_696, %get3A_697] {strides = array<i32>} : memref<2x128x128xf32, #tpu.memory_space<vmem>>, vector<1x1x16xf32>,
        %get3A_699 = vector.shape_cast %get3A_698 : vector<1x1x16xf32> to vector<16xf32>
        %mul3A_700 = arith.mulf %get3A_693, %get3A_699 : vector<16xf32>
        %add3A_701 = arith.addf %add3A_687, %mul3A_700 : vector<16xf32>
        %get3A_702 = arith.constant 1 : i32
        %get3A_703 = arith.index_cast %get3A_702 : i32 to index
        %get3A_704 = arith.index_cast %add3A_633 : i32 to index
        %get3A_705 = arith.constant 80 : index
        %get3A_706 = tpu.vector_load %arg10[%get3A_703, %get3A_704, %get3A_705] {strides = array<i32>} : memref<2x128x128xf32, #tpu.memory_space<vmem>>, vector<1x1x16xf32>,
        %get3A_707 = vector.shape_cast %get3A_706 : vector<1x1x16xf32> to vector<16xf32>
        %get3A_708 = arith.constant 1 : i32
        %get3A_709 = arith.index_cast %get3A_708 : i32 to index
        %get3A_710 = arith.index_cast %add3A_633 : i32 to index
        %get3A_711 = arith.constant 80 : index
        %get3A_712 = tpu.vector_load %arg11[%get3A_709, %get3A_710, %get3A_711] {strides = array<i32>} : memref<2x128x128xf32, #tpu.memory_space<vmem>>, vector<1x1x16xf32>,
        %get3A_713 = vector.shape_cast %get3A_712 : vector<1x1x16xf32> to vector<16xf32>
        %mul3A_714 = arith.mulf %get3A_707, %get3A_713 : vector<16xf32>
        %add3A_715 = arith.addf %add3A_701, %mul3A_714 : vector<16xf32>
        %get3A_716 = arith.constant 1 : i32
        %get3A_717 = arith.index_cast %get3A_716 : i32 to index
        %get3A_718 = arith.index_cast %add3A_633 : i32 to index
        %get3A_719 = arith.constant 96 : index
        %get3A_720 = tpu.vector_load %arg10[%get3A_717, %get3A_718, %get3A_719] {strides = array<i32>} : memref<2x128x128xf32, #tpu.memory_space<vmem>>, vector<1x1x16xf32>,
        %get3A_721 = vector.shape_cast %get3A_720 : vector<1x1x16xf32> to vector<16xf32>
        %get3A_722 = arith.constant 1 : i32
        %get3A_723 = arith.index_cast %get3A_722 : i32 to index
        %get3A_724 = arith.index_cast %add3A_633 : i32 to index
        %get3A_725 = arith.constant 96 : index
        %get3A_726 = tpu.vector_load %arg11[%get3A_723, %get3A_724, %get3A_725] {strides = array<i32>} : memref<2x128x128xf32, #tpu.memory_space<vmem>>, vector<1x1x16xf32>,
        %get3A_727 = vector.shape_cast %get3A_726 : vector<1x1x16xf32> to vector<16xf32>
        %mul3A_728 = arith.mulf %get3A_721, %get3A_727 : vector<16xf32>
        %add3A_729 = arith.addf %add3A_715, %mul3A_728 : vector<16xf32>
        %get3A_730 = arith.constant 1 : i32
        %get3A_731 = arith.index_cast %get3A_730 : i32 to index
        %get3A_732 = arith.index_cast %add3A_633 : i32 to index
        %get3A_733 = arith.constant 112 : index
        %get3A_734 = tpu.vector_load %arg10[%get3A_731, %get3A_732, %get3A_733] {strides = array<i32>} : memref<2x128x128xf32, #tpu.memory_space<vmem>>, vector<1x1x16xf32>,
        %get3A_735 = vector.shape_cast %get3A_734 : vector<1x1x16xf32> to vector<16xf32>
        %get3A_736 = arith.constant 1 : i32
        %get3A_737 = arith.index_cast %get3A_736 : i32 to index
        %get3A_738 = arith.index_cast %add3A_633 : i32 to index
        %get3A_739 = arith.constant 112 : index
        %get3A_740 = tpu.vector_load %arg11[%get3A_737, %get3A_738, %get3A_739] {strides = array<i32>} : memref<2x128x128xf32, #tpu.memory_space<vmem>>, vector<1x1x16xf32>,
        %get3A_741 = vector.shape_cast %get3A_740 : vector<1x1x16xf32> to vector<16xf32>
        %mul3A_742 = arith.mulf %get3A_735, %get3A_741 : vector<16xf32>
        %add3A_743 = arith.addf %add3A_729, %mul3A_742 : vector<16xf32>
        %add3A_744 = arith.constant 1 : i32
        %add3A_745 = arith.addi %add3A_631, %add3A_744 : i32
        %get3A_746 = arith.constant 1 : i32
        %get3A_747 = arith.index_cast %get3A_746 : i32 to index
        %get3A_748 = arith.index_cast %add3A_745 : i32 to index
        %get3A_749 = arith.constant 0 : index
        %get3A_750 = tpu.vector_load %arg10[%get3A_747, %get3A_748, %get3A_749] {strides = array<i32>} : memref<2x128x128xf32, #tpu.memory_space<vmem>>, vector<1x1x16xf32>,
        %get3A_751 = vector.shape_cast %get3A_750 : vector<1x1x16xf32> to vector<16xf32>
        %get3A_752 = arith.constant 1 : i32
        %get3A_753 = arith.index_cast %get3A_752 : i32 to index
        %get3A_754 = arith.index_cast %add3A_745 : i32 to index
        %get3A_755 = arith.constant 0 : index
        %get3A_756 = tpu.vector_load %arg11[%get3A_753, %get3A_754, %get3A_755] {strides = array<i32>} : memref<2x128x128xf32, #tpu.memory_space<vmem>>, vector<1x1x16xf32>,
        %get3A_757 = vector.shape_cast %get3A_756 : vector<1x1x16xf32> to vector<16xf32>
        %mul3A_758 = arith.mulf %get3A_751, %get3A_757 : vector<16xf32>
        %get3A_759 = arith.constant 1 : i32
        %get3A_760 = arith.index_cast %get3A_759 : i32 to index
        %get3A_761 = arith.index_cast %add3A_745 : i32 to index
        %get3A_762 = arith.constant 16 : index
        %get3A_763 = tpu.vector_load %arg10[%get3A_760, %get3A_761, %get3A_762] {strides = array<i32>} : memref<2x128x128xf32, #tpu.memory_space<vmem>>, vector<1x1x16xf32>,
        %get3A_764 = vector.shape_cast %get3A_763 : vector<1x1x16xf32> to vector<16xf32>
        %get3A_765 = arith.constant 1 : i32
        %get3A_766 = arith.index_cast %get3A_765 : i32 to index
        %get3A_767 = arith.index_cast %add3A_745 : i32 to index
        %get3A_768 = arith.constant 16 : index
        %get3A_769 = tpu.vector_load %arg11[%get3A_766, %get3A_767, %get3A_768] {strides = array<i32>} : memref<2x128x128xf32, #tpu.memory_space<vmem>>, vector<1x1x16xf32>,
        %get3A_770 = vector.shape_cast %get3A_769 : vector<1x1x16xf32> to vector<16xf32>
        %mul3A_771 = arith.mulf %get3A_764, %get3A_770 : vector<16xf32>
        %add3A_772 = arith.addf %mul3A_758, %mul3A_771 : vector<16xf32>
        %get3A_773 = arith.constant 1 : i32
        %get3A_774 = arith.index_cast %get3A_773 : i32 to index
        %get3A_775 = arith.index_cast %add3A_745 : i32 to index
        %get3A_776 = arith.constant 32 : index
        %get3A_777 = tpu.vector_load %arg10[%get3A_774, %get3A_775, %get3A_776] {strides = array<i32>} : memref<2x128x128xf32, #tpu.memory_space<vmem>>, vector<1x1x16xf32>,
        %get3A_778 = vector.shape_cast %get3A_777 : vector<1x1x16xf32> to vector<16xf32>
        %get3A_779 = arith.constant 1 : i32
        %get3A_780 = arith.index_cast %get3A_779 : i32 to index
        %get3A_781 = arith.index_cast %add3A_745 : i32 to index
        %get3A_782 = arith.constant 32 : index
        %get3A_783 = tpu.vector_load %arg11[%get3A_780, %get3A_781, %get3A_782] {strides = array<i32>} : memref<2x128x128xf32, #tpu.memory_space<vmem>>, vector<1x1x16xf32>,
        %get3A_784 = vector.shape_cast %get3A_783 : vector<1x1x16xf32> to vector<16xf32>
        %mul3A_785 = arith.mulf %get3A_778, %get3A_784 : vector<16xf32>
        %add3A_786 = arith.addf %add3A_772, %mul3A_785 : vector<16xf32>
        %get3A_787 = arith.constant 1 : i32
        %get3A_788 = arith.index_cast %get3A_787 : i32 to index
        %get3A_789 = arith.index_cast %add3A_745 : i32 to index
        %get3A_790 = arith.constant 48 : index
        %get3A_791 = tpu.vector_load %arg10[%get3A_788, %get3A_789, %get3A_790] {strides = array<i32>} : memref<2x128x128xf32, #tpu.memory_space<vmem>>, vector<1x1x16xf32>,
        %get3A_792 = vector.shape_cast %get3A_791 : vector<1x1x16xf32> to vector<16xf32>
        %get3A_793 = arith.constant 1 : i32
        %get3A_794 = arith.index_cast %get3A_793 : i32 to index
        %get3A_795 = arith.index_cast %add3A_745 : i32 to index
        %get3A_796 = arith.constant 48 : index
        %get3A_797 = tpu.vector_load %arg11[%get3A_794, %get3A_795, %get3A_796] {strides = array<i32>} : memref<2x128x128xf32, #tpu.memory_space<vmem>>, vector<1x1x16xf32>,
        %get3A_798 = vector.shape_cast %get3A_797 : vector<1x1x16xf32> to vector<16xf32>
        %mul3A_799 = arith.mulf %get3A_792, %get3A_798 : vector<16xf32>
        %add3A_800 = arith.addf %add3A_786, %mul3A_799 : vector<16xf32>
        %get3A_801 = arith.constant 1 : i32
        %get3A_802 = arith.index_cast %get3A_801 : i32 to index
        %get3A_803 = arith.index_cast %add3A_745 : i32 to index
        %get3A_804 = arith.constant 64 : index
        %get3A_805 = tpu.vector_load %arg10[%get3A_802, %get3A_803, %get3A_804] {strides = array<i32>} : memref<2x128x128xf32, #tpu.memory_space<vmem>>, vector<1x1x16xf32>,
        %get3A_806 = vector.shape_cast %get3A_805 : vector<1x1x16xf32> to vector<16xf32>
        %get3A_807 = arith.constant 1 : i32
        %get3A_808 = arith.index_cast %get3A_807 : i32 to index
        %get3A_809 = arith.index_cast %add3A_745 : i32 to index
        %get3A_810 = arith.constant 64 : index
        %get3A_811 = tpu.vector_load %arg11[%get3A_808, %get3A_809, %get3A_810] {strides = array<i32>} : memref<2x128x128xf32, #tpu.memory_space<vmem>>, vector<1x1x16xf32>,
        %get3A_812 = vector.shape_cast %get3A_811 : vector<1x1x16xf32> to vector<16xf32>
        %mul3A_813 = arith.mulf %get3A_806, %get3A_812 : vector<16xf32>
        %add3A_814 = arith.addf %add3A_800, %mul3A_813 : vector<16xf32>
        %get3A_815 = arith.constant 1 : i32
        %get3A_816 = arith.index_cast %get3A_815 : i32 to index
        %get3A_817 = arith.index_cast %add3A_745 : i32 to index
        %get3A_818 = arith.constant 80 : index
        %get3A_819 = tpu.vector_load %arg10[%get3A_816, %get3A_817, %get3A_818] {strides = array<i32>} : memref<2x128x128xf32, #tpu.memory_space<vmem>>, vector<1x1x16xf32>,
        %get3A_820 = vector.shape_cast %get3A_819 : vector<1x1x16xf32> to vector<16xf32>
        %get3A_821 = arith.constant 1 : i32
        %get3A_822 = arith.index_cast %get3A_821 : i32 to index
        %get3A_823 = arith.index_cast %add3A_745 : i32 to index
        %get3A_824 = arith.constant 80 : index
        %get3A_825 = tpu.vector_load %arg11[%get3A_822, %get3A_823, %get3A_824] {strides = array<i32>} : memref<2x128x128xf32, #tpu.memory_space<vmem>>, vector<1x1x16xf32>,
        %get3A_826 = vector.shape_cast %get3A_825 : vector<1x1x16xf32> to vector<16xf32>
        %mul3A_827 = arith.mulf %get3A_820, %get3A_826 : vector<16xf32>
        %add3A_828 = arith.addf %add3A_814, %mul3A_827 : vector<16xf32>
        %get3A_829 = arith.constant 1 : i32
        %get3A_830 = arith.index_cast %get3A_829 : i32 to index
        %get3A_831 = arith.index_cast %add3A_745 : i32 to index
        %get3A_832 = arith.constant 96 : index
        %get3A_833 = tpu.vector_load %arg10[%get3A_830, %get3A_831, %get3A_832] {strides = array<i32>} : memref<2x128x128xf32, #tpu.memory_space<vmem>>, vector<1x1x16xf32>,
        %get3A_834 = vector.shape_cast %get3A_833 : vector<1x1x16xf32> to vector<16xf32>
        %get3A_835 = arith.constant 1 : i32
        %get3A_836 = arith.index_cast %get3A_835 : i32 to index
        %get3A_837 = arith.index_cast %add3A_745 : i32 to index
        %get3A_838 = arith.constant 96 : index
        %get3A_839 = tpu.vector_load %arg11[%get3A_836, %get3A_837, %get3A_838] {strides = array<i32>} : memref<2x128x128xf32, #tpu.memory_space<vmem>>, vector<1x1x16xf32>,
        %get3A_840 = vector.shape_cast %get3A_839 : vector<1x1x16xf32> to vector<16xf32>
        %mul3A_841 = arith.mulf %get3A_834, %get3A_840 : vector<16xf32>
        %add3A_842 = arith.addf %add3A_828, %mul3A_841 : vector<16xf32>
        %get3A_843 = arith.constant 1 : i32
        %get3A_844 = arith.index_cast %get3A_843 : i32 to index
        %get3A_845 = arith.index_cast %add3A_745 : i32 to index
        %get3A_846 = arith.constant 112 : index
        %get3A_847 = tpu.vector_load %arg10[%get3A_844, %get3A_845, %get3A_846] {strides = array<i32>} : memref<2x128x128xf32, #tpu.memory_space<vmem>>, vector<1x1x16xf32>,
        %get3A_848 = vector.shape_cast %get3A_847 : vector<1x1x16xf32> to vector<16xf32>
        %get3A_849 = arith.constant 1 : i32
        %get3A_850 = arith.index_cast %get3A_849 : i32 to index
        %get3A_851 = arith.index_cast %add3A_745 : i32 to index
        %get3A_852 = arith.constant 112 : index
        %get3A_853 = tpu.vector_load %arg11[%get3A_850, %get3A_851, %get3A_852] {strides = array<i32>} : memref<2x128x128xf32, #tpu.memory_space<vmem>>, vector<1x1x16xf32>,
        %get3A_854 = vector.shape_cast %get3A_853 : vector<1x1x16xf32> to vector<16xf32>
        %mul3A_855 = arith.mulf %get3A_848, %get3A_854 : vector<16xf32>
        %add3A_856 = arith.addf %add3A_842, %mul3A_855 : vector<16xf32>
        %xor3A = arith.constant 1 : i32
        %xor3A_857 = vector.broadcast %xor3A : i32 to vector<16xi32>
        %xor3A_858 = arith.xori %iota3A_316, %xor3A_857 : vector<16xi32>
        %broadcast_in_dim3A_859 = vector.shape_cast %xor3A_858 : vector<16xi32> to vector<16x1xi32>
        %gather3A = vector.shape_cast %broadcast_in_dim3A_859 : vector<16x1xi32> to vector<16xi32>
        %gather3A_860 = tpu.dynamic_gather %add3A_743[%gather3A] in [0] : vector<16xf32>, vector<16xi32> -> vector<16xf32>
        %add3A_861 = arith.addf %add3A_743, %gather3A_860 : vector<16xf32>
        %xor3A_862 = arith.constant 1 : i32
        %xor3A_863 = vector.broadcast %xor3A_862 : i32 to vector<16xi32>
        %xor3A_864 = arith.xori %iota3A_316, %xor3A_863 : vector<16xi32>
        %broadcast_in_dim3A_865 = vector.shape_cast %xor3A_864 : vector<16xi32> to vector<16x1xi32>
        %gather3A_866 = vector.shape_cast %broadcast_in_dim3A_865 : vector<16x1xi32> to vector<16xi32>
        %gather3A_867 = tpu.dynamic_gather %add3A_856[%gather3A_866] in [0] : vector<16xf32>, vector<16xi32> -> vector<16xf32>
        %add3A_868 = arith.addf %add3A_856, %gather3A_867 : vector<16xf32>
        %select_n3A = arith.select %eq3A_322, %add3A_861, %add3A_868 : vector<16xi1>, vector<16xf32>
        %xor3A_869 = arith.constant 2 : i32
        %xor3A_870 = vector.broadcast %xor3A_869 : i32 to vector<16xi32>
        %xor3A_871 = arith.xori %iota3A_316, %xor3A_870 : vector<16xi32>
        %broadcast_in_dim3A_872 = vector.shape_cast %xor3A_871 : vector<16xi32> to vector<16x1xi32>
        %gather3A_873 = vector.shape_cast %broadcast_in_dim3A_872 : vector<16x1xi32> to vector<16xi32>
        %gather3A_874 = tpu.dynamic_gather %select_n3A[%gather3A_873] in [0] : vector<16xf32>, vector<16xi32> -> vector<16xf32>
        %add3A_875 = arith.addf %select_n3A, %gather3A_874 : vector<16xf32>
        %xor3A_876 = arith.constant 4 : i32
        %xor3A_877 = vector.broadcast %xor3A_876 : i32 to vector<16xi32>
        %xor3A_878 = arith.xori %iota3A_316, %xor3A_877 : vector<16xi32>
        %broadcast_in_dim3A_879 = vector.shape_cast %xor3A_878 : vector<16xi32> to vector<16x1xi32>
        %gather3A_880 = vector.shape_cast %broadcast_in_dim3A_879 : vector<16x1xi32> to vector<16xi32>
        %gather3A_881 = tpu.dynamic_gather %add3A_875[%gather3A_880] in [0] : vector<16xf32>, vector<16xi32> -> vector<16xf32>
        %add3A_882 = arith.addf %add3A_875, %gather3A_881 : vector<16xf32>
        %xor3A_883 = arith.constant 8 : i32
        %xor3A_884 = vector.broadcast %xor3A_883 : i32 to vector<16xi32>
        %xor3A_885 = arith.xori %iota3A_316, %xor3A_884 : vector<16xi32>
        %broadcast_in_dim3A_886 = vector.shape_cast %xor3A_885 : vector<16xi32> to vector<16x1xi32>
        %gather3A_887 = vector.shape_cast %broadcast_in_dim3A_886 : vector<16x1xi32> to vector<16xi32>
        %gather3A_888 = tpu.dynamic_gather %add3A_882[%gather3A_887] in [0] : vector<16xf32>, vector<16xi32> -> vector<16xf32>
        %add3A_889 = arith.addf %add3A_882, %gather3A_888 : vector<16xf32>
        %eq3A_890 = vector.broadcast %scan3A_627 : i32 to vector<16xi32>
        %eq3A_891 = arith.cmpi eq, %shift_right_arithmetic3A_325, %eq3A_890 : vector<16xi32>
        %select_n3A_892 = arith.select %eq3A_891, %add3A_889, %scan3A_628 : vector<16xi1>, vector<16xf32>
        scf.yield %select_n3A_892 : vector<16xf32>
      }
      %scan3A_621 = arith.constant 8 : i32
      %add3A_622 = arith.constant 128 : i32
      %add3A_623 = arith.addi %add3A_622, %mul3A_614 : i32
      %swap3A = arith.index_cast %add3A_623 : i32 to index
      %swap3A_624 = tpu.vector_load %arg14[%swap3A] {strides = array<i32>} : memref<512xf32, #tpu.memory_space<vmem>>, vector<16xf32>,
      %swap3A_625 = vector.shape_cast %swap3A_624 : vector<16xf32> to vector<16xf32>
      %swap3A_626 = vector.shape_cast %scan3A_620 : vector<16xf32> to vector<16xf32>
      tpu.vector_store %arg14[%swap3A], %swap3A_626 {strides = array<i32>} : memref<512xf32, #tpu.memory_space<vmem>>, vector<16xf32>,
    }
    %scan3A_331 = arith.constant 8 : i32
    %scan3A_332 = arith.constant 0 : i32
    %scan3A_333 = arith.constant 0 : i32
    %scan3A_334 = arith.constant 8 : i32
    %scan3A_335 = arith.addi %scan3A_333, %scan3A_334 : i32
    %scan3A_336 = arith.constant 1 : i32
    scf.for %scan3A_612 = %scan3A_333 to %scan3A_335 step %scan3A_336  : i32 {
      %mul3A_613 = arith.constant 16 : i32
      %mul3A_614 = arith.muli %scan3A_612, %mul3A_613 : i32
      %add3A_615 = arith.constant 128 : i32
      %add3A_616 = arith.addi %add3A_615, %mul3A_614 : i32
      %get3A = arith.index_cast %add3A_616 : i32 to index
      %get3A_617 = tpu.vector_load %arg14[%get3A] {strides = array<i32>} : memref<512xf32, #tpu.memory_space<vmem>>, vector<16xf32>,
      %get3A_618 = vector.shape_cast %get3A_617 : vector<16xf32> to vector<16xf32>
      %get3A_619 = arith.index_cast %add3A_616 : i32 to index
      %get3A_620 = tpu.vector_load %arg12[%get3A_619] {strides = array<i32>} : memref<512xf32, #tpu.memory_space<vmem>>, vector<16xf32>,
      %get3A_621 = vector.shape_cast %get3A_620 : vector<16xf32> to vector<16xf32>
      %add3A_622 = arith.addf %get3A_618, %get3A_621 : vector<16xf32>
      %exp3A = math.exp %add3A_622 : vector<16xf32>
      %swap3A = arith.index_cast %add3A_616 : i32 to index
      %swap3A_623 = tpu.vector_load %arg15[%swap3A] {strides = array<i32>} : memref<512xf32, #tpu.memory_space<vmem>>, vector<16xf32>,
      %swap3A_624 = vector.shape_cast %swap3A_623 : vector<16xf32> to vector<16xf32>
      %swap3A_625 = vector.shape_cast %exp3A : vector<16xf32> to vector<16xf32>
      tpu.vector_store %arg15[%swap3A], %swap3A_625 {strides = array<i32>} : memref<512xf32, #tpu.memory_space<vmem>>, vector<16xf32>,
    }
    %scan3A_337 = arith.constant 8 : i32
    %add3A_338 = arith.constant 128 : i32
    %add3A_339 = arith.addi %mul3A_2, %add3A_338 : i32
    %dma_start3A_340 = arith.constant 128 : i32
    %dma_start3A_341 = tpu.memref_slice %arg15[%dma_start3A_340] : memref<512xf32, #tpu.memory_space<vmem>> -> memref<128xf32, #tpu.memory_space<vmem>>
    %dma_start3A_342 = tpu.memref_slice %arg7[%add3A_339] : memref<16384xf32, #tpu.memory_space<hbm>> -> memref<128xf32, #tpu.memory_space<hbm>>
    %dma_start3A_343 = tpu.memref_slice %arg7[%add3A_339] : memref<16384xf32, #tpu.memory_space<hbm>> -> memref<128xf32, #tpu.memory_space<hbm>>
    %dma_start3A_344 = arith.constant 128 : i32
    %dma_start3A_345 = tpu.memref_slice %arg15[%dma_start3A_344] : memref<512xf32, #tpu.memory_space<vmem>> -> memref<128xf32, #tpu.memory_space<vmem>>
    tpu.enqueue_dma source(%dma_start3A_345 : memref<128xf32, #tpu.memory_space<vmem>>) target(%dma_start3A_343 : memref<128xf32, #tpu.memory_space<hbm>>) target_semaphore(%arg19 : memref<!tpu.dma_semaphore, #tpu.memory_space<semaphore_mem>>)
    %add3A_346 = arith.constant 128 : i32
    %add3A_347 = arith.addi %mul3A_2, %add3A_346 : i32
    %dma_start3A_348 = arith.constant 128 : i32
    %dma_start3A_349 = tpu.memref_slice %arg13[%dma_start3A_348] : memref<512xf32, #tpu.memory_space<vmem>> -> memref<128xf32, #tpu.memory_space<vmem>>
    %dma_start3A_350 = tpu.memref_slice %arg8[%add3A_347] : memref<16384xf32, #tpu.memory_space<hbm>> -> memref<128xf32, #tpu.memory_space<hbm>>
    %dma_start3A_351 = tpu.memref_slice %arg8[%add3A_347] : memref<16384xf32, #tpu.memory_space<hbm>> -> memref<128xf32, #tpu.memory_space<hbm>>
    %dma_start3A_352 = arith.constant 128 : i32
    %dma_start3A_353 = tpu.memref_slice %arg13[%dma_start3A_352] : memref<512xf32, #tpu.memory_space<vmem>> -> memref<128xf32, #tpu.memory_space<vmem>>
    tpu.enqueue_dma source(%dma_start3A_353 : memref<128xf32, #tpu.memory_space<vmem>>) target(%dma_start3A_351 : memref<128xf32, #tpu.memory_space<hbm>>) target_semaphore(%arg19 : memref<!tpu.dma_semaphore, #tpu.memory_space<semaphore_mem>>)
    %dma_wait3A_354 = arith.constant 3 : i32
    %dma_wait3A_355 = arith.constant 0 : i32
    %dma_wait3A_356 = tpu.memref_slice %arg9[%dma_wait3A_354, %dma_wait3A_355] : memref<4x128xi32, #tpu.memory_space<vmem>> -> memref<1x128xi32, #tpu.memory_space<vmem>>
    %dma_wait3A_357 = tpu.memref_squeeze %dma_wait3A_356 : memref<1x128xi32, #tpu.memory_space<vmem>> -> memref<128xi32, #tpu.memory_space<vmem>>
    %dma_wait3A_358 = tpu.memref_slice %arg5[%add3A_36] : memref<16384xi32, #tpu.memory_space<hbm>> -> memref<128xi32, #tpu.memory_space<hbm>>
    %dma_wait3A_359 = arith.constant 0 : i32
    %dma_wait3A_360 = tpu.memref_slice %arg9[%dma_wait3A_354, %dma_wait3A_359] : memref<4x128xi32, #tpu.memory_space<vmem>> -> memref<1x128xi32, #tpu.memory_space<vmem>>
    %dma_wait3A_361 = tpu.memref_squeeze %dma_wait3A_360 : memref<1x128xi32, #tpu.memory_space<vmem>> -> memref<128xi32, #tpu.memory_space<vmem>>
    %dma_wait3A_362 = tpu.memref_slice %arg5[%add3A_36] : memref<16384xi32, #tpu.memory_space<hbm>> -> memref<128xi32, #tpu.memory_space<hbm>>
    tpu.wait_dma2 semaphore(%arg18 : memref<!tpu.dma_semaphore, #tpu.memory_space<semaphore_mem>>) src(%dma_wait3A_362 : memref<128xi32, #tpu.memory_space<hbm>>) dst(%dma_wait3A_361 : memref<128xi32, #tpu.memory_space<vmem>>)
    %dma_start3A_363 = arith.constant 3 : i32
    %dma_start3A_364 = arith.constant 1 : i32
    %dma_start3A_365 = arith.constant 0 : i32
    %dma_start3A_366 = arith.constant 0 : i32
    %dma_start3A_367 = tpu.memref_slice %arg10[%dma_start3A_364, %dma_start3A_365, %dma_start3A_366] : memref<2x128x128xf32, #tpu.memory_space<vmem>> -> memref<1x128x128xf32, #tpu.memory_space<vmem>>
    %dma_start3A_368 = tpu.memref_squeeze %dma_start3A_367 : memref<1x128x128xf32, #tpu.memory_space<vmem>> -> memref<128x128xf32, #tpu.memory_space<vmem>>
    %dma_start3A_369 = arith.constant 0 : i32
    %dma_start3A_370 = tpu.memref_slice %arg9[%dma_start3A_363, %dma_start3A_369] : memref<4x128xi32, #tpu.memory_space<vmem>> -> memref<1x128xi32, #tpu.memory_space<vmem>>
    %dma_start3A_371 = tpu.memref_squeeze %dma_start3A_370 : memref<1x128xi32, #tpu.memory_space<vmem>> -> memref<128xi32, #tpu.memory_space<vmem>>
    %dma_start3A_372 = arith.constant 0 : i32
    %dma_start3A_373 = arith.constant 0 : i32
    %dma_start3A_374 = tpu.memref_slice %arg2[%dma_start3A_372, %dma_start3A_373] : memref<100000x128xf32, #tpu.memory_space<hbm>> -> memref<100000x128xf32, #tpu.memory_space<hbm>>
    tpu.enqueue_indirect_dma source(%dma_start3A_374 : memref<100000x128xf32, #tpu.memory_space<hbm>>) target(%dma_start3A_368 : memref<128x128xf32, #tpu.memory_space<vmem>>) offsets(%dma_start3A_371 : memref<128xi32, #tpu.memory_space<vmem>>) semaphore(%arg17 : memref<!tpu.dma_semaphore, #tpu.memory_space<semaphore_mem>>)
    %add3A_375 = arith.constant 384 : i32
    %add3A_376 = arith.addi %mul3A_2, %add3A_375 : i32
    %dma_start3A_377 = arith.constant 1 : i32
    %dma_start3A_378 = arith.constant 0 : i32
    %dma_start3A_379 = arith.constant 0 : i32
    %dma_start3A_380 = tpu.memref_slice %arg11[%dma_start3A_377, %dma_start3A_378, %dma_start3A_379] : memref<2x128x128xf32, #tpu.memory_space<vmem>> -> memref<1x128x128xf32, #tpu.memory_space<vmem>>
    %dma_start3A_381 = tpu.memref_squeeze %dma_start3A_380 : memref<1x128x128xf32, #tpu.memory_space<vmem>> -> memref<128x128xf32, #tpu.memory_space<vmem>>
    %dma_start3A_382 = arith.constant 0 : i32
    %dma_start3A_383 = tpu.memref_slice %arg6[%add3A_376, %dma_start3A_382] : memref<16384x128xf32, #tpu.memory_space<hbm>> -> memref<128x128xf32, #tpu.memory_space<hbm>>
    %dma_start3A_384 = arith.constant 0 : i32
    %dma_start3A_385 = arith.constant 0 : i32
    %dma_start3A_386 = tpu.memref_slice %arg11[%dma_start3A_377, %dma_start3A_384, %dma_start3A_385] : memref<2x128x128xf32, #tpu.memory_space<vmem>> -> memref<1x128x128xf32, #tpu.memory_space<vmem>>
    %dma_start3A_387 = tpu.memref_squeeze %dma_start3A_386 : memref<1x128x128xf32, #tpu.memory_space<vmem>> -> memref<128x128xf32, #tpu.memory_space<vmem>>
    %dma_start3A_388 = arith.constant 0 : i32
    %dma_start3A_389 = tpu.memref_slice %arg6[%add3A_376, %dma_start3A_388] : memref<16384x128xf32, #tpu.memory_space<hbm>> -> memref<128x128xf32, #tpu.memory_space<hbm>>
    tpu.enqueue_dma source(%dma_start3A_389 : memref<128x128xf32, #tpu.memory_space<hbm>>) target(%dma_start3A_387 : memref<128x128xf32, #tpu.memory_space<vmem>>) target_semaphore(%arg17 : memref<!tpu.dma_semaphore, #tpu.memory_space<semaphore_mem>>)
    %dma_start3A_390 = arith.constant 3 : i32
    %dma_start3A_391 = arith.constant 384 : i32
    %dma_start3A_392 = tpu.memref_slice %arg12[%dma_start3A_391] : memref<512xf32, #tpu.memory_space<vmem>> -> memref<128xf32, #tpu.memory_space<vmem>>
    %dma_start3A_393 = arith.constant 0 : i32
    %dma_start3A_394 = tpu.memref_slice %arg9[%dma_start3A_390, %dma_start3A_393] : memref<4x128xi32, #tpu.memory_space<vmem>> -> memref<1x128xi32, #tpu.memory_space<vmem>>
    %dma_start3A_395 = tpu.memref_squeeze %dma_start3A_394 : memref<1x128xi32, #tpu.memory_space<vmem>> -> memref<128xi32, #tpu.memory_space<vmem>>
    %dma_start3A_396 = arith.constant 0 : i32
    %dma_start3A_397 = tpu.memref_slice %arg3[%dma_start3A_396] : memref<100000xf32, #tpu.memory_space<hbm>> -> memref<100000xf32, #tpu.memory_space<hbm>>
    tpu.enqueue_indirect_dma source(%dma_start3A_397 : memref<100000xf32, #tpu.memory_space<hbm>>) target(%dma_start3A_392 : memref<128xf32, #tpu.memory_space<vmem>>) offsets(%dma_start3A_395 : memref<128xi32, #tpu.memory_space<vmem>>) semaphore(%arg17 : memref<!tpu.dma_semaphore, #tpu.memory_space<semaphore_mem>>)
    %dma_start3A_398 = arith.constant 3 : i32
    %dma_start3A_399 = arith.constant 384 : i32
    %dma_start3A_400 = tpu.memref_slice %arg13[%dma_start3A_399] : memref<512xf32, #tpu.memory_space<vmem>> -> memref<128xf32, #tpu.memory_space<vmem>>
    %dma_start3A_401 = arith.constant 0 : i32
    %dma_start3A_402 = tpu.memref_slice %arg9[%dma_start3A_398, %dma_start3A_401] : memref<4x128xi32, #tpu.memory_space<vmem>> -> memref<1x128xi32, #tpu.memory_space<vmem>>
    %dma_start3A_403 = tpu.memref_squeeze %dma_start3A_402 : memref<1x128xi32, #tpu.memory_space<vmem>> -> memref<128xi32, #tpu.memory_space<vmem>>
    %dma_start3A_404 = arith.constant 0 : i32
    %dma_start3A_405 = tpu.memref_slice %arg4[%dma_start3A_404] : memref<100000xf32, #tpu.memory_space<hbm>> -> memref<100000xf32, #tpu.memory_space<hbm>>
    tpu.enqueue_indirect_dma source(%dma_start3A_405 : memref<100000xf32, #tpu.memory_space<hbm>>) target(%dma_start3A_400 : memref<128xf32, #tpu.memory_space<vmem>>) offsets(%dma_start3A_403 : memref<128xi32, #tpu.memory_space<vmem>>) semaphore(%arg17 : memref<!tpu.dma_semaphore, #tpu.memory_space<semaphore_mem>>)
    %dma_wait3A_406 = arith.constant 2 : i32
    %dma_wait3A_407 = arith.constant 0 : i32
    %dma_wait3A_408 = arith.constant 0 : i32
    %dma_wait3A_409 = arith.constant 0 : i32
    %dma_wait3A_410 = tpu.memref_slice %arg10[%dma_wait3A_407, %dma_wait3A_408, %dma_wait3A_409] : memref<2x128x128xf32, #tpu.memory_space<vmem>> -> memref<1x128x128xf32, #tpu.memory_space<vmem>>
    %dma_wait3A_411 = tpu.memref_squeeze %dma_wait3A_410 : memref<1x128x128xf32, #tpu.memory_space<vmem>> -> memref<128x128xf32, #tpu.memory_space<vmem>>
    %dma_wait3A_412 = arith.constant 0 : i32
    %dma_wait3A_413 = tpu.memref_slice %arg9[%dma_wait3A_406, %dma_wait3A_412] : memref<4x128xi32, #tpu.memory_space<vmem>> -> memref<1x128xi32, #tpu.memory_space<vmem>>
    %dma_wait3A_414 = tpu.memref_squeeze %dma_wait3A_413 : memref<1x128xi32, #tpu.memory_space<vmem>> -> memref<128xi32, #tpu.memory_space<vmem>>
    %dma_wait3A_415 = arith.constant 0 : i32
    %dma_wait3A_416 = arith.constant 0 : i32
    %dma_wait3A_417 = tpu.memref_slice %arg2[%dma_wait3A_415, %dma_wait3A_416] : memref<100000x128xf32, #tpu.memory_space<hbm>> -> memref<100000x128xf32, #tpu.memory_space<hbm>>
    tpu.wait_indirect_dma semaphore(%arg16 : memref<!tpu.dma_semaphore, #tpu.memory_space<semaphore_mem>>) src(%dma_wait3A_417 : memref<100000x128xf32, #tpu.memory_space<hbm>>) dst(%dma_wait3A_411 : memref<128x128xf32, #tpu.memory_space<vmem>>)
    %dma_wait3A_418 = arith.constant 0 : i32
    %dma_wait3A_419 = arith.constant 0 : i32
    %dma_wait3A_420 = arith.constant 0 : i32
    %dma_wait3A_421 = tpu.memref_slice %arg11[%dma_wait3A_418, %dma_wait3A_419, %dma_wait3A_420] : memref<2x128x128xf32, #tpu.memory_space<vmem>> -> memref<1x128x128xf32, #tpu.memory_space<vmem>>
    %dma_wait3A_422 = tpu.memref_squeeze %dma_wait3A_421 : memref<1x128x128xf32, #tpu.memory_space<vmem>> -> memref<128x128xf32, #tpu.memory_space<vmem>>
    %dma_wait3A_423 = arith.constant 0 : i32
    %dma_wait3A_424 = tpu.memref_slice %arg6[%add3A_245, %dma_wait3A_423] : memref<16384x128xf32, #tpu.memory_space<hbm>> -> memref<128x128xf32, #tpu.memory_space<hbm>>
    %dma_wait3A_425 = arith.constant 0 : i32
    %dma_wait3A_426 = arith.constant 0 : i32
    %dma_wait3A_427 = tpu.memref_slice %arg11[%dma_wait3A_418, %dma_wait3A_425, %dma_wait3A_426] : memref<2x128x128xf32, #tpu.memory_space<vmem>> -> memref<1x128x128xf32, #tpu.memory_space<vmem>>
    %dma_wait3A_428 = tpu.memref_squeeze %dma_wait3A_427 : memref<1x128x128xf32, #tpu.memory_space<vmem>> -> memref<128x128xf32, #tpu.memory_space<vmem>>
    %dma_wait3A_429 = arith.constant 0 : i32
    %dma_wait3A_430 = tpu.memref_slice %arg6[%add3A_245, %dma_wait3A_429] : memref<16384x128xf32, #tpu.memory_space<hbm>> -> memref<128x128xf32, #tpu.memory_space<hbm>>
    tpu.wait_dma2 semaphore(%arg16 : memref<!tpu.dma_semaphore, #tpu.memory_space<semaphore_mem>>) src(%dma_wait3A_430 : memref<128x128xf32, #tpu.memory_space<hbm>>) dst(%dma_wait3A_428 : memref<128x128xf32, #tpu.memory_space<vmem>>)
    %dma_wait3A_431 = arith.constant 2 : i32
    %dma_wait3A_432 = arith.constant 256 : i32
    %dma_wait3A_433 = tpu.memref_slice %arg12[%dma_wait3A_432] : memref<512xf32, #tpu.memory_space<vmem>> -> memref<128xf32, #tpu.memory_space<vmem>>
    %dma_wait3A_434 = arith.constant 0 : i32
    %dma_wait3A_435 = tpu.memref_slice %arg9[%dma_wait3A_431, %dma_wait3A_434] : memref<4x128xi32, #tpu.memory_space<vmem>> -> memref<1x128xi32, #tpu.memory_space<vmem>>
    %dma_wait3A_436 = tpu.memref_squeeze %dma_wait3A_435 : memref<1x128xi32, #tpu.memory_space<vmem>> -> memref<128xi32, #tpu.memory_space<vmem>>
    %dma_wait3A_437 = arith.constant 0 : i32
    %dma_wait3A_438 = tpu.memref_slice %arg3[%dma_wait3A_437] : memref<100000xf32, #tpu.memory_space<hbm>> -> memref<100000xf32, #tpu.memory_space<hbm>>
    tpu.wait_indirect_dma semaphore(%arg16 : memref<!tpu.dma_semaphore, #tpu.memory_space<semaphore_mem>>) src(%dma_wait3A_438 : memref<100000xf32, #tpu.memory_space<hbm>>) dst(%dma_wait3A_433 : memref<128xf32, #tpu.memory_space<vmem>>)
    %dma_wait3A_439 = arith.constant 2 : i32
    %dma_wait3A_440 = arith.constant 256 : i32
    %dma_wait3A_441 = tpu.memref_slice %arg13[%dma_wait3A_440] : memref<512xf32, #tpu.memory_space<vmem>> -> memref<128xf32, #tpu.memory_space<vmem>>
    %dma_wait3A_442 = arith.constant 0 : i32
    %dma_wait3A_443 = tpu.memref_slice %arg9[%dma_wait3A_439, %dma_wait3A_442] : memref<4x128xi32, #tpu.memory_space<vmem>> -> memref<1x128xi32, #tpu.memory_space<vmem>>
    %dma_wait3A_444 = tpu.memref_squeeze %dma_wait3A_443 : memref<1x128xi32, #tpu.memory_space<vmem>> -> memref<128xi32, #tpu.memory_space<vmem>>
    %dma_wait3A_445 = arith.constant 0 : i32
    %dma_wait3A_446 = tpu.memref_slice %arg4[%dma_wait3A_445] : memref<100000xf32, #tpu.memory_space<hbm>> -> memref<100000xf32, #tpu.memory_space<hbm>>
    tpu.wait_indirect_dma semaphore(%arg16 : memref<!tpu.dma_semaphore, #tpu.memory_space<semaphore_mem>>) src(%dma_wait3A_446 : memref<100000xf32, #tpu.memory_space<hbm>>) dst(%dma_wait3A_441 : memref<128xf32, #tpu.memory_space<vmem>>)
    %iota3A_447 = tpu.iota {dimensions = array<i32: 0>} : vector<16xi32>
    %and3A_448 = arith.constant 1 : i32
    %and3A_449 = vector.broadcast %and3A_448 : i32 to vector<16xi32>
    %and3A_450 = arith.andi %iota3A_447, %and3A_449 : vector<16xi32>
    %eq3A_451 = arith.constant 0 : i32
    %eq3A_452 = vector.broadcast %eq3A_451 : i32 to vector<16xi32>
    %eq3A_453 = arith.cmpi eq, %and3A_450, %eq3A_452 : vector<16xi32>
    %shift_right_arithmetic3A_454 = arith.constant 1 : i32
    %shift_right_arithmetic3A_455 = vector.broadcast %shift_right_arithmetic3A_454 : i32 to vector<16xi32>
    %shift_right_arithmetic3A_456 = arith.shrsi %iota3A_447, %shift_right_arithmetic3A_455 : vector<16xi32>
    %scan3A_457 = arith.constant 0 : i32
    %scan3A_458 = arith.constant 0 : i32
    %scan3A_459 = arith.constant 8 : i32
    %scan3A_460 = arith.addi %scan3A_458, %scan3A_459 : i32
    %scan3A_461 = arith.constant 1 : i32
    scf.for %scan3A_612 = %scan3A_458 to %scan3A_460 step %scan3A_461  : i32 {
      %mul3A_613 = arith.constant 16 : i32
      %mul3A_614 = arith.muli %scan3A_612, %mul3A_613 : i32
      %broadcast_in_dim3A = arith.constant 0.000000e+00 : f32
      %broadcast_in_dim3A_615 = vector.broadcast %broadcast_in_dim3A : f32 to vector<16xf32>
      %scan3A_616 = arith.constant 0 : i32
      %scan3A_617 = arith.constant 8 : i32
      %scan3A_618 = arith.addi %scan3A_616, %scan3A_617 : i32
      %scan3A_619 = arith.constant 1 : i32
      %scan3A_620 = scf.for %scan3A_627 = %scan3A_616 to %scan3A_618 step %scan3A_619 iter_args(%scan3A_628 = %broadcast_in_dim3A_615) -> (vector<16xf32>)  : i32 {
        %mul3A_629 = arith.constant 2 : i32
        %mul3A_630 = arith.muli %scan3A_627, %mul3A_629 : i32
        %add3A_631 = arith.addi %mul3A_614, %mul3A_630 : i32
        %add3A_632 = arith.constant 0 : i32
        %add3A_633 = arith.addi %add3A_631, %add3A_632 : i32
        %get3A = arith.constant 0 : i32
        %get3A_634 = arith.index_cast %get3A : i32 to index
        %get3A_635 = arith.index_cast %add3A_633 : i32 to index
        %get3A_636 = arith.constant 0 : index
        %get3A_637 = tpu.vector_load %arg10[%get3A_634, %get3A_635, %get3A_636] {strides = array<i32>} : memref<2x128x128xf32, #tpu.memory_space<vmem>>, vector<1x1x16xf32>,
        %get3A_638 = vector.shape_cast %get3A_637 : vector<1x1x16xf32> to vector<16xf32>
        %get3A_639 = arith.constant 0 : i32
        %get3A_640 = arith.index_cast %get3A_639 : i32 to index
        %get3A_641 = arith.index_cast %add3A_633 : i32 to index
        %get3A_642 = arith.constant 0 : index
        %get3A_643 = tpu.vector_load %arg11[%get3A_640, %get3A_641, %get3A_642] {strides = array<i32>} : memref<2x128x128xf32, #tpu.memory_space<vmem>>, vector<1x1x16xf32>,
        %get3A_644 = vector.shape_cast %get3A_643 : vector<1x1x16xf32> to vector<16xf32>
        %mul3A_645 = arith.mulf %get3A_638, %get3A_644 : vector<16xf32>
        %get3A_646 = arith.constant 0 : i32
        %get3A_647 = arith.index_cast %get3A_646 : i32 to index
        %get3A_648 = arith.index_cast %add3A_633 : i32 to index
        %get3A_649 = arith.constant 16 : index
        %get3A_650 = tpu.vector_load %arg10[%get3A_647, %get3A_648, %get3A_649] {strides = array<i32>} : memref<2x128x128xf32, #tpu.memory_space<vmem>>, vector<1x1x16xf32>,
        %get3A_651 = vector.shape_cast %get3A_650 : vector<1x1x16xf32> to vector<16xf32>
        %get3A_652 = arith.constant 0 : i32
        %get3A_653 = arith.index_cast %get3A_652 : i32 to index
        %get3A_654 = arith.index_cast %add3A_633 : i32 to index
        %get3A_655 = arith.constant 16 : index
        %get3A_656 = tpu.vector_load %arg11[%get3A_653, %get3A_654, %get3A_655] {strides = array<i32>} : memref<2x128x128xf32, #tpu.memory_space<vmem>>, vector<1x1x16xf32>,
        %get3A_657 = vector.shape_cast %get3A_656 : vector<1x1x16xf32> to vector<16xf32>
        %mul3A_658 = arith.mulf %get3A_651, %get3A_657 : vector<16xf32>
        %add3A_659 = arith.addf %mul3A_645, %mul3A_658 : vector<16xf32>
        %get3A_660 = arith.constant 0 : i32
        %get3A_661 = arith.index_cast %get3A_660 : i32 to index
        %get3A_662 = arith.index_cast %add3A_633 : i32 to index
        %get3A_663 = arith.constant 32 : index
        %get3A_664 = tpu.vector_load %arg10[%get3A_661, %get3A_662, %get3A_663] {strides = array<i32>} : memref<2x128x128xf32, #tpu.memory_space<vmem>>, vector<1x1x16xf32>,
        %get3A_665 = vector.shape_cast %get3A_664 : vector<1x1x16xf32> to vector<16xf32>
        %get3A_666 = arith.constant 0 : i32
        %get3A_667 = arith.index_cast %get3A_666 : i32 to index
        %get3A_668 = arith.index_cast %add3A_633 : i32 to index
        %get3A_669 = arith.constant 32 : index
        %get3A_670 = tpu.vector_load %arg11[%get3A_667, %get3A_668, %get3A_669] {strides = array<i32>} : memref<2x128x128xf32, #tpu.memory_space<vmem>>, vector<1x1x16xf32>,
        %get3A_671 = vector.shape_cast %get3A_670 : vector<1x1x16xf32> to vector<16xf32>
        %mul3A_672 = arith.mulf %get3A_665, %get3A_671 : vector<16xf32>
        %add3A_673 = arith.addf %add3A_659, %mul3A_672 : vector<16xf32>
        %get3A_674 = arith.constant 0 : i32
        %get3A_675 = arith.index_cast %get3A_674 : i32 to index
        %get3A_676 = arith.index_cast %add3A_633 : i32 to index
        %get3A_677 = arith.constant 48 : index
        %get3A_678 = tpu.vector_load %arg10[%get3A_675, %get3A_676, %get3A_677] {strides = array<i32>} : memref<2x128x128xf32, #tpu.memory_space<vmem>>, vector<1x1x16xf32>,
        %get3A_679 = vector.shape_cast %get3A_678 : vector<1x1x16xf32> to vector<16xf32>
        %get3A_680 = arith.constant 0 : i32
        %get3A_681 = arith.index_cast %get3A_680 : i32 to index
        %get3A_682 = arith.index_cast %add3A_633 : i32 to index
        %get3A_683 = arith.constant 48 : index
        %get3A_684 = tpu.vector_load %arg11[%get3A_681, %get3A_682, %get3A_683] {strides = array<i32>} : memref<2x128x128xf32, #tpu.memory_space<vmem>>, vector<1x1x16xf32>,
        %get3A_685 = vector.shape_cast %get3A_684 : vector<1x1x16xf32> to vector<16xf32>
        %mul3A_686 = arith.mulf %get3A_679, %get3A_685 : vector<16xf32>
        %add3A_687 = arith.addf %add3A_673, %mul3A_686 : vector<16xf32>
        %get3A_688 = arith.constant 0 : i32
        %get3A_689 = arith.index_cast %get3A_688 : i32 to index
        %get3A_690 = arith.index_cast %add3A_633 : i32 to index
        %get3A_691 = arith.constant 64 : index
        %get3A_692 = tpu.vector_load %arg10[%get3A_689, %get3A_690, %get3A_691] {strides = array<i32>} : memref<2x128x128xf32, #tpu.memory_space<vmem>>, vector<1x1x16xf32>,
        %get3A_693 = vector.shape_cast %get3A_692 : vector<1x1x16xf32> to vector<16xf32>
        %get3A_694 = arith.constant 0 : i32
        %get3A_695 = arith.index_cast %get3A_694 : i32 to index
        %get3A_696 = arith.index_cast %add3A_633 : i32 to index
        %get3A_697 = arith.constant 64 : index
        %get3A_698 = tpu.vector_load %arg11[%get3A_695, %get3A_696, %get3A_697] {strides = array<i32>} : memref<2x128x128xf32, #tpu.memory_space<vmem>>, vector<1x1x16xf32>,
        %get3A_699 = vector.shape_cast %get3A_698 : vector<1x1x16xf32> to vector<16xf32>
        %mul3A_700 = arith.mulf %get3A_693, %get3A_699 : vector<16xf32>
        %add3A_701 = arith.addf %add3A_687, %mul3A_700 : vector<16xf32>
        %get3A_702 = arith.constant 0 : i32
        %get3A_703 = arith.index_cast %get3A_702 : i32 to index
        %get3A_704 = arith.index_cast %add3A_633 : i32 to index
        %get3A_705 = arith.constant 80 : index
        %get3A_706 = tpu.vector_load %arg10[%get3A_703, %get3A_704, %get3A_705] {strides = array<i32>} : memref<2x128x128xf32, #tpu.memory_space<vmem>>, vector<1x1x16xf32>,
        %get3A_707 = vector.shape_cast %get3A_706 : vector<1x1x16xf32> to vector<16xf32>
        %get3A_708 = arith.constant 0 : i32
        %get3A_709 = arith.index_cast %get3A_708 : i32 to index
        %get3A_710 = arith.index_cast %add3A_633 : i32 to index
        %get3A_711 = arith.constant 80 : index
        %get3A_712 = tpu.vector_load %arg11[%get3A_709, %get3A_710, %get3A_711] {strides = array<i32>} : memref<2x128x128xf32, #tpu.memory_space<vmem>>, vector<1x1x16xf32>,
        %get3A_713 = vector.shape_cast %get3A_712 : vector<1x1x16xf32> to vector<16xf32>
        %mul3A_714 = arith.mulf %get3A_707, %get3A_713 : vector<16xf32>
        %add3A_715 = arith.addf %add3A_701, %mul3A_714 : vector<16xf32>
        %get3A_716 = arith.constant 0 : i32
        %get3A_717 = arith.index_cast %get3A_716 : i32 to index
        %get3A_718 = arith.index_cast %add3A_633 : i32 to index
        %get3A_719 = arith.constant 96 : index
        %get3A_720 = tpu.vector_load %arg10[%get3A_717, %get3A_718, %get3A_719] {strides = array<i32>} : memref<2x128x128xf32, #tpu.memory_space<vmem>>, vector<1x1x16xf32>,
        %get3A_721 = vector.shape_cast %get3A_720 : vector<1x1x16xf32> to vector<16xf32>
        %get3A_722 = arith.constant 0 : i32
        %get3A_723 = arith.index_cast %get3A_722 : i32 to index
        %get3A_724 = arith.index_cast %add3A_633 : i32 to index
        %get3A_725 = arith.constant 96 : index
        %get3A_726 = tpu.vector_load %arg11[%get3A_723, %get3A_724, %get3A_725] {strides = array<i32>} : memref<2x128x128xf32, #tpu.memory_space<vmem>>, vector<1x1x16xf32>,
        %get3A_727 = vector.shape_cast %get3A_726 : vector<1x1x16xf32> to vector<16xf32>
        %mul3A_728 = arith.mulf %get3A_721, %get3A_727 : vector<16xf32>
        %add3A_729 = arith.addf %add3A_715, %mul3A_728 : vector<16xf32>
        %get3A_730 = arith.constant 0 : i32
        %get3A_731 = arith.index_cast %get3A_730 : i32 to index
        %get3A_732 = arith.index_cast %add3A_633 : i32 to index
        %get3A_733 = arith.constant 112 : index
        %get3A_734 = tpu.vector_load %arg10[%get3A_731, %get3A_732, %get3A_733] {strides = array<i32>} : memref<2x128x128xf32, #tpu.memory_space<vmem>>, vector<1x1x16xf32>,
        %get3A_735 = vector.shape_cast %get3A_734 : vector<1x1x16xf32> to vector<16xf32>
        %get3A_736 = arith.constant 0 : i32
        %get3A_737 = arith.index_cast %get3A_736 : i32 to index
        %get3A_738 = arith.index_cast %add3A_633 : i32 to index
        %get3A_739 = arith.constant 112 : index
        %get3A_740 = tpu.vector_load %arg11[%get3A_737, %get3A_738, %get3A_739] {strides = array<i32>} : memref<2x128x128xf32, #tpu.memory_space<vmem>>, vector<1x1x16xf32>,
        %get3A_741 = vector.shape_cast %get3A_740 : vector<1x1x16xf32> to vector<16xf32>
        %mul3A_742 = arith.mulf %get3A_735, %get3A_741 : vector<16xf32>
        %add3A_743 = arith.addf %add3A_729, %mul3A_742 : vector<16xf32>
        %add3A_744 = arith.constant 1 : i32
        %add3A_745 = arith.addi %add3A_631, %add3A_744 : i32
        %get3A_746 = arith.constant 0 : i32
        %get3A_747 = arith.index_cast %get3A_746 : i32 to index
        %get3A_748 = arith.index_cast %add3A_745 : i32 to index
        %get3A_749 = arith.constant 0 : index
        %get3A_750 = tpu.vector_load %arg10[%get3A_747, %get3A_748, %get3A_749] {strides = array<i32>} : memref<2x128x128xf32, #tpu.memory_space<vmem>>, vector<1x1x16xf32>,
        %get3A_751 = vector.shape_cast %get3A_750 : vector<1x1x16xf32> to vector<16xf32>
        %get3A_752 = arith.constant 0 : i32
        %get3A_753 = arith.index_cast %get3A_752 : i32 to index
        %get3A_754 = arith.index_cast %add3A_745 : i32 to index
        %get3A_755 = arith.constant 0 : index
        %get3A_756 = tpu.vector_load %arg11[%get3A_753, %get3A_754, %get3A_755] {strides = array<i32>} : memref<2x128x128xf32, #tpu.memory_space<vmem>>, vector<1x1x16xf32>,
        %get3A_757 = vector.shape_cast %get3A_756 : vector<1x1x16xf32> to vector<16xf32>
        %mul3A_758 = arith.mulf %get3A_751, %get3A_757 : vector<16xf32>
        %get3A_759 = arith.constant 0 : i32
        %get3A_760 = arith.index_cast %get3A_759 : i32 to index
        %get3A_761 = arith.index_cast %add3A_745 : i32 to index
        %get3A_762 = arith.constant 16 : index
        %get3A_763 = tpu.vector_load %arg10[%get3A_760, %get3A_761, %get3A_762] {strides = array<i32>} : memref<2x128x128xf32, #tpu.memory_space<vmem>>, vector<1x1x16xf32>,
        %get3A_764 = vector.shape_cast %get3A_763 : vector<1x1x16xf32> to vector<16xf32>
        %get3A_765 = arith.constant 0 : i32
        %get3A_766 = arith.index_cast %get3A_765 : i32 to index
        %get3A_767 = arith.index_cast %add3A_745 : i32 to index
        %get3A_768 = arith.constant 16 : index
        %get3A_769 = tpu.vector_load %arg11[%get3A_766, %get3A_767, %get3A_768] {strides = array<i32>} : memref<2x128x128xf32, #tpu.memory_space<vmem>>, vector<1x1x16xf32>,
        %get3A_770 = vector.shape_cast %get3A_769 : vector<1x1x16xf32> to vector<16xf32>
        %mul3A_771 = arith.mulf %get3A_764, %get3A_770 : vector<16xf32>
        %add3A_772 = arith.addf %mul3A_758, %mul3A_771 : vector<16xf32>
        %get3A_773 = arith.constant 0 : i32
        %get3A_774 = arith.index_cast %get3A_773 : i32 to index
        %get3A_775 = arith.index_cast %add3A_745 : i32 to index
        %get3A_776 = arith.constant 32 : index
        %get3A_777 = tpu.vector_load %arg10[%get3A_774, %get3A_775, %get3A_776] {strides = array<i32>} : memref<2x128x128xf32, #tpu.memory_space<vmem>>, vector<1x1x16xf32>,
        %get3A_778 = vector.shape_cast %get3A_777 : vector<1x1x16xf32> to vector<16xf32>
        %get3A_779 = arith.constant 0 : i32
        %get3A_780 = arith.index_cast %get3A_779 : i32 to index
        %get3A_781 = arith.index_cast %add3A_745 : i32 to index
        %get3A_782 = arith.constant 32 : index
        %get3A_783 = tpu.vector_load %arg11[%get3A_780, %get3A_781, %get3A_782] {strides = array<i32>} : memref<2x128x128xf32, #tpu.memory_space<vmem>>, vector<1x1x16xf32>,
        %get3A_784 = vector.shape_cast %get3A_783 : vector<1x1x16xf32> to vector<16xf32>
        %mul3A_785 = arith.mulf %get3A_778, %get3A_784 : vector<16xf32>
        %add3A_786 = arith.addf %add3A_772, %mul3A_785 : vector<16xf32>
        %get3A_787 = arith.constant 0 : i32
        %get3A_788 = arith.index_cast %get3A_787 : i32 to index
        %get3A_789 = arith.index_cast %add3A_745 : i32 to index
        %get3A_790 = arith.constant 48 : index
        %get3A_791 = tpu.vector_load %arg10[%get3A_788, %get3A_789, %get3A_790] {strides = array<i32>} : memref<2x128x128xf32, #tpu.memory_space<vmem>>, vector<1x1x16xf32>,
        %get3A_792 = vector.shape_cast %get3A_791 : vector<1x1x16xf32> to vector<16xf32>
        %get3A_793 = arith.constant 0 : i32
        %get3A_794 = arith.index_cast %get3A_793 : i32 to index
        %get3A_795 = arith.index_cast %add3A_745 : i32 to index
        %get3A_796 = arith.constant 48 : index
        %get3A_797 = tpu.vector_load %arg11[%get3A_794, %get3A_795, %get3A_796] {strides = array<i32>} : memref<2x128x128xf32, #tpu.memory_space<vmem>>, vector<1x1x16xf32>,
        %get3A_798 = vector.shape_cast %get3A_797 : vector<1x1x16xf32> to vector<16xf32>
        %mul3A_799 = arith.mulf %get3A_792, %get3A_798 : vector<16xf32>
        %add3A_800 = arith.addf %add3A_786, %mul3A_799 : vector<16xf32>
        %get3A_801 = arith.constant 0 : i32
        %get3A_802 = arith.index_cast %get3A_801 : i32 to index
        %get3A_803 = arith.index_cast %add3A_745 : i32 to index
        %get3A_804 = arith.constant 64 : index
        %get3A_805 = tpu.vector_load %arg10[%get3A_802, %get3A_803, %get3A_804] {strides = array<i32>} : memref<2x128x128xf32, #tpu.memory_space<vmem>>, vector<1x1x16xf32>,
        %get3A_806 = vector.shape_cast %get3A_805 : vector<1x1x16xf32> to vector<16xf32>
        %get3A_807 = arith.constant 0 : i32
        %get3A_808 = arith.index_cast %get3A_807 : i32 to index
        %get3A_809 = arith.index_cast %add3A_745 : i32 to index
        %get3A_810 = arith.constant 64 : index
        %get3A_811 = tpu.vector_load %arg11[%get3A_808, %get3A_809, %get3A_810] {strides = array<i32>} : memref<2x128x128xf32, #tpu.memory_space<vmem>>, vector<1x1x16xf32>,
        %get3A_812 = vector.shape_cast %get3A_811 : vector<1x1x16xf32> to vector<16xf32>
        %mul3A_813 = arith.mulf %get3A_806, %get3A_812 : vector<16xf32>
        %add3A_814 = arith.addf %add3A_800, %mul3A_813 : vector<16xf32>
        %get3A_815 = arith.constant 0 : i32
        %get3A_816 = arith.index_cast %get3A_815 : i32 to index
        %get3A_817 = arith.index_cast %add3A_745 : i32 to index
        %get3A_818 = arith.constant 80 : index
        %get3A_819 = tpu.vector_load %arg10[%get3A_816, %get3A_817, %get3A_818] {strides = array<i32>} : memref<2x128x128xf32, #tpu.memory_space<vmem>>, vector<1x1x16xf32>,
        %get3A_820 = vector.shape_cast %get3A_819 : vector<1x1x16xf32> to vector<16xf32>
        %get3A_821 = arith.constant 0 : i32
        %get3A_822 = arith.index_cast %get3A_821 : i32 to index
        %get3A_823 = arith.index_cast %add3A_745 : i32 to index
        %get3A_824 = arith.constant 80 : index
        %get3A_825 = tpu.vector_load %arg11[%get3A_822, %get3A_823, %get3A_824] {strides = array<i32>} : memref<2x128x128xf32, #tpu.memory_space<vmem>>, vector<1x1x16xf32>,
        %get3A_826 = vector.shape_cast %get3A_825 : vector<1x1x16xf32> to vector<16xf32>
        %mul3A_827 = arith.mulf %get3A_820, %get3A_826 : vector<16xf32>
        %add3A_828 = arith.addf %add3A_814, %mul3A_827 : vector<16xf32>
        %get3A_829 = arith.constant 0 : i32
        %get3A_830 = arith.index_cast %get3A_829 : i32 to index
        %get3A_831 = arith.index_cast %add3A_745 : i32 to index
        %get3A_832 = arith.constant 96 : index
        %get3A_833 = tpu.vector_load %arg10[%get3A_830, %get3A_831, %get3A_832] {strides = array<i32>} : memref<2x128x128xf32, #tpu.memory_space<vmem>>, vector<1x1x16xf32>,
        %get3A_834 = vector.shape_cast %get3A_833 : vector<1x1x16xf32> to vector<16xf32>
        %get3A_835 = arith.constant 0 : i32
        %get3A_836 = arith.index_cast %get3A_835 : i32 to index
        %get3A_837 = arith.index_cast %add3A_745 : i32 to index
        %get3A_838 = arith.constant 96 : index
        %get3A_839 = tpu.vector_load %arg11[%get3A_836, %get3A_837, %get3A_838] {strides = array<i32>} : memref<2x128x128xf32, #tpu.memory_space<vmem>>, vector<1x1x16xf32>,
        %get3A_840 = vector.shape_cast %get3A_839 : vector<1x1x16xf32> to vector<16xf32>
        %mul3A_841 = arith.mulf %get3A_834, %get3A_840 : vector<16xf32>
        %add3A_842 = arith.addf %add3A_828, %mul3A_841 : vector<16xf32>
        %get3A_843 = arith.constant 0 : i32
        %get3A_844 = arith.index_cast %get3A_843 : i32 to index
        %get3A_845 = arith.index_cast %add3A_745 : i32 to index
        %get3A_846 = arith.constant 112 : index
        %get3A_847 = tpu.vector_load %arg10[%get3A_844, %get3A_845, %get3A_846] {strides = array<i32>} : memref<2x128x128xf32, #tpu.memory_space<vmem>>, vector<1x1x16xf32>,
        %get3A_848 = vector.shape_cast %get3A_847 : vector<1x1x16xf32> to vector<16xf32>
        %get3A_849 = arith.constant 0 : i32
        %get3A_850 = arith.index_cast %get3A_849 : i32 to index
        %get3A_851 = arith.index_cast %add3A_745 : i32 to index
        %get3A_852 = arith.constant 112 : index
        %get3A_853 = tpu.vector_load %arg11[%get3A_850, %get3A_851, %get3A_852] {strides = array<i32>} : memref<2x128x128xf32, #tpu.memory_space<vmem>>, vector<1x1x16xf32>,
        %get3A_854 = vector.shape_cast %get3A_853 : vector<1x1x16xf32> to vector<16xf32>
        %mul3A_855 = arith.mulf %get3A_848, %get3A_854 : vector<16xf32>
        %add3A_856 = arith.addf %add3A_842, %mul3A_855 : vector<16xf32>
        %xor3A = arith.constant 1 : i32
        %xor3A_857 = vector.broadcast %xor3A : i32 to vector<16xi32>
        %xor3A_858 = arith.xori %iota3A_447, %xor3A_857 : vector<16xi32>
        %broadcast_in_dim3A_859 = vector.shape_cast %xor3A_858 : vector<16xi32> to vector<16x1xi32>
        %gather3A = vector.shape_cast %broadcast_in_dim3A_859 : vector<16x1xi32> to vector<16xi32>
        %gather3A_860 = tpu.dynamic_gather %add3A_743[%gather3A] in [0] : vector<16xf32>, vector<16xi32> -> vector<16xf32>
        %add3A_861 = arith.addf %add3A_743, %gather3A_860 : vector<16xf32>
        %xor3A_862 = arith.constant 1 : i32
        %xor3A_863 = vector.broadcast %xor3A_862 : i32 to vector<16xi32>
        %xor3A_864 = arith.xori %iota3A_447, %xor3A_863 : vector<16xi32>
        %broadcast_in_dim3A_865 = vector.shape_cast %xor3A_864 : vector<16xi32> to vector<16x1xi32>
        %gather3A_866 = vector.shape_cast %broadcast_in_dim3A_865 : vector<16x1xi32> to vector<16xi32>
        %gather3A_867 = tpu.dynamic_gather %add3A_856[%gather3A_866] in [0] : vector<16xf32>, vector<16xi32> -> vector<16xf32>
        %add3A_868 = arith.addf %add3A_856, %gather3A_867 : vector<16xf32>
        %select_n3A = arith.select %eq3A_453, %add3A_861, %add3A_868 : vector<16xi1>, vector<16xf32>
        %xor3A_869 = arith.constant 2 : i32
        %xor3A_870 = vector.broadcast %xor3A_869 : i32 to vector<16xi32>
        %xor3A_871 = arith.xori %iota3A_447, %xor3A_870 : vector<16xi32>
        %broadcast_in_dim3A_872 = vector.shape_cast %xor3A_871 : vector<16xi32> to vector<16x1xi32>
        %gather3A_873 = vector.shape_cast %broadcast_in_dim3A_872 : vector<16x1xi32> to vector<16xi32>
        %gather3A_874 = tpu.dynamic_gather %select_n3A[%gather3A_873] in [0] : vector<16xf32>, vector<16xi32> -> vector<16xf32>
        %add3A_875 = arith.addf %select_n3A, %gather3A_874 : vector<16xf32>
        %xor3A_876 = arith.constant 4 : i32
        %xor3A_877 = vector.broadcast %xor3A_876 : i32 to vector<16xi32>
        %xor3A_878 = arith.xori %iota3A_447, %xor3A_877 : vector<16xi32>
        %broadcast_in_dim3A_879 = vector.shape_cast %xor3A_878 : vector<16xi32> to vector<16x1xi32>
        %gather3A_880 = vector.shape_cast %broadcast_in_dim3A_879 : vector<16x1xi32> to vector<16xi32>
        %gather3A_881 = tpu.dynamic_gather %add3A_875[%gather3A_880] in [0] : vector<16xf32>, vector<16xi32> -> vector<16xf32>
        %add3A_882 = arith.addf %add3A_875, %gather3A_881 : vector<16xf32>
        %xor3A_883 = arith.constant 8 : i32
        %xor3A_884 = vector.broadcast %xor3A_883 : i32 to vector<16xi32>
        %xor3A_885 = arith.xori %iota3A_447, %xor3A_884 : vector<16xi32>
        %broadcast_in_dim3A_886 = vector.shape_cast %xor3A_885 : vector<16xi32> to vector<16x1xi32>
        %gather3A_887 = vector.shape_cast %broadcast_in_dim3A_886 : vector<16x1xi32> to vector<16xi32>
        %gather3A_888 = tpu.dynamic_gather %add3A_882[%gather3A_887] in [0] : vector<16xf32>, vector<16xi32> -> vector<16xf32>
        %add3A_889 = arith.addf %add3A_882, %gather3A_888 : vector<16xf32>
        %eq3A_890 = vector.broadcast %scan3A_627 : i32 to vector<16xi32>
        %eq3A_891 = arith.cmpi eq, %shift_right_arithmetic3A_456, %eq3A_890 : vector<16xi32>
        %select_n3A_892 = arith.select %eq3A_891, %add3A_889, %scan3A_628 : vector<16xi1>, vector<16xf32>
        scf.yield %select_n3A_892 : vector<16xf32>
      }
      %scan3A_621 = arith.constant 8 : i32
      %add3A_622 = arith.constant 256 : i32
      %add3A_623 = arith.addi %add3A_622, %mul3A_614 : i32
      %swap3A = arith.index_cast %add3A_623 : i32 to index
      %swap3A_624 = tpu.vector_load %arg14[%swap3A] {strides = array<i32>} : memref<512xf32, #tpu.memory_space<vmem>>, vector<16xf32>,
      %swap3A_625 = vector.shape_cast %swap3A_624 : vector<16xf32> to vector<16xf32>
      %swap3A_626 = vector.shape_cast %scan3A_620 : vector<16xf32> to vector<16xf32>
      tpu.vector_store %arg14[%swap3A], %swap3A_626 {strides = array<i32>} : memref<512xf32, #tpu.memory_space<vmem>>, vector<16xf32>,
    }
    %scan3A_462 = arith.constant 8 : i32
    %scan3A_463 = arith.constant 0 : i32
    %scan3A_464 = arith.constant 0 : i32
    %scan3A_465 = arith.constant 8 : i32
    %scan3A_466 = arith.addi %scan3A_464, %scan3A_465 : i32
    %scan3A_467 = arith.constant 1 : i32
    scf.for %scan3A_612 = %scan3A_464 to %scan3A_466 step %scan3A_467  : i32 {
      %mul3A_613 = arith.constant 16 : i32
      %mul3A_614 = arith.muli %scan3A_612, %mul3A_613 : i32
      %add3A_615 = arith.constant 256 : i32
      %add3A_616 = arith.addi %add3A_615, %mul3A_614 : i32
      %get3A = arith.index_cast %add3A_616 : i32 to index
      %get3A_617 = tpu.vector_load %arg14[%get3A] {strides = array<i32>} : memref<512xf32, #tpu.memory_space<vmem>>, vector<16xf32>,
      %get3A_618 = vector.shape_cast %get3A_617 : vector<16xf32> to vector<16xf32>
      %get3A_619 = arith.index_cast %add3A_616 : i32 to index
      %get3A_620 = tpu.vector_load %arg12[%get3A_619] {strides = array<i32>} : memref<512xf32, #tpu.memory_space<vmem>>, vector<16xf32>,
      %get3A_621 = vector.shape_cast %get3A_620 : vector<16xf32> to vector<16xf32>
      %add3A_622 = arith.addf %get3A_618, %get3A_621 : vector<16xf32>
      %exp3A = math.exp %add3A_622 : vector<16xf32>
      %swap3A = arith.index_cast %add3A_616 : i32 to index
      %swap3A_623 = tpu.vector_load %arg15[%swap3A] {strides = array<i32>} : memref<512xf32, #tpu.memory_space<vmem>>, vector<16xf32>,
      %swap3A_624 = vector.shape_cast %swap3A_623 : vector<16xf32> to vector<16xf32>
      %swap3A_625 = vector.shape_cast %exp3A : vector<16xf32> to vector<16xf32>
      tpu.vector_store %arg15[%swap3A], %swap3A_625 {strides = array<i32>} : memref<512xf32, #tpu.memory_space<vmem>>, vector<16xf32>,
    }
    %scan3A_468 = arith.constant 8 : i32
    %add3A_469 = arith.constant 256 : i32
    %add3A_470 = arith.addi %mul3A_2, %add3A_469 : i32
    %dma_start3A_471 = arith.constant 256 : i32
    %dma_start3A_472 = tpu.memref_slice %arg15[%dma_start3A_471] : memref<512xf32, #tpu.memory_space<vmem>> -> memref<128xf32, #tpu.memory_space<vmem>>
    %dma_start3A_473 = tpu.memref_slice %arg7[%add3A_470] : memref<16384xf32, #tpu.memory_space<hbm>> -> memref<128xf32, #tpu.memory_space<hbm>>
    %dma_start3A_474 = tpu.memref_slice %arg7[%add3A_470] : memref<16384xf32, #tpu.memory_space<hbm>> -> memref<128xf32, #tpu.memory_space<hbm>>
    %dma_start3A_475 = arith.constant 256 : i32
    %dma_start3A_476 = tpu.memref_slice %arg15[%dma_start3A_475] : memref<512xf32, #tpu.memory_space<vmem>> -> memref<128xf32, #tpu.memory_space<vmem>>
    tpu.enqueue_dma source(%dma_start3A_476 : memref<128xf32, #tpu.memory_space<vmem>>) target(%dma_start3A_474 : memref<128xf32, #tpu.memory_space<hbm>>) target_semaphore(%arg19 : memref<!tpu.dma_semaphore, #tpu.memory_space<semaphore_mem>>)
    %add3A_477 = arith.constant 256 : i32
    %add3A_478 = arith.addi %mul3A_2, %add3A_477 : i32
    %dma_start3A_479 = arith.constant 256 : i32
    %dma_start3A_480 = tpu.memref_slice %arg13[%dma_start3A_479] : memref<512xf32, #tpu.memory_space<vmem>> -> memref<128xf32, #tpu.memory_space<vmem>>
    %dma_start3A_481 = tpu.memref_slice %arg8[%add3A_478] : memref<16384xf32, #tpu.memory_space<hbm>> -> memref<128xf32, #tpu.memory_space<hbm>>
    %dma_start3A_482 = tpu.memref_slice %arg8[%add3A_478] : memref<16384xf32, #tpu.memory_space<hbm>> -> memref<128xf32, #tpu.memory_space<hbm>>
    %dma_start3A_483 = arith.constant 256 : i32
    %dma_start3A_484 = tpu.memref_slice %arg13[%dma_start3A_483] : memref<512xf32, #tpu.memory_space<vmem>> -> memref<128xf32, #tpu.memory_space<vmem>>
    tpu.enqueue_dma source(%dma_start3A_484 : memref<128xf32, #tpu.memory_space<vmem>>) target(%dma_start3A_482 : memref<128xf32, #tpu.memory_space<hbm>>) target_semaphore(%arg19 : memref<!tpu.dma_semaphore, #tpu.memory_space<semaphore_mem>>)
    %dma_wait3A_485 = arith.constant 3 : i32
    %dma_wait3A_486 = arith.constant 1 : i32
    %dma_wait3A_487 = arith.constant 0 : i32
    %dma_wait3A_488 = arith.constant 0 : i32
    %dma_wait3A_489 = tpu.memref_slice %arg10[%dma_wait3A_486, %dma_wait3A_487, %dma_wait3A_488] : memref<2x128x128xf32, #tpu.memory_space<vmem>> -> memref<1x128x128xf32, #tpu.memory_space<vmem>>
    %dma_wait3A_490 = tpu.memref_squeeze %dma_wait3A_489 : memref<1x128x128xf32, #tpu.memory_space<vmem>> -> memref<128x128xf32, #tpu.memory_space<vmem>>
    %dma_wait3A_491 = arith.constant 0 : i32
    %dma_wait3A_492 = tpu.memref_slice %arg9[%dma_wait3A_485, %dma_wait3A_491] : memref<4x128xi32, #tpu.memory_space<vmem>> -> memref<1x128xi32, #tpu.memory_space<vmem>>
    %dma_wait3A_493 = tpu.memref_squeeze %dma_wait3A_492 : memref<1x128xi32, #tpu.memory_space<vmem>> -> memref<128xi32, #tpu.memory_space<vmem>>
    %dma_wait3A_494 = arith.constant 0 : i32
    %dma_wait3A_495 = arith.constant 0 : i32
    %dma_wait3A_496 = tpu.memref_slice %arg2[%dma_wait3A_494, %dma_wait3A_495] : memref<100000x128xf32, #tpu.memory_space<hbm>> -> memref<100000x128xf32, #tpu.memory_space<hbm>>
    tpu.wait_indirect_dma semaphore(%arg17 : memref<!tpu.dma_semaphore, #tpu.memory_space<semaphore_mem>>) src(%dma_wait3A_496 : memref<100000x128xf32, #tpu.memory_space<hbm>>) dst(%dma_wait3A_490 : memref<128x128xf32, #tpu.memory_space<vmem>>)
    %dma_wait3A_497 = arith.constant 1 : i32
    %dma_wait3A_498 = arith.constant 0 : i32
    %dma_wait3A_499 = arith.constant 0 : i32
    %dma_wait3A_500 = tpu.memref_slice %arg11[%dma_wait3A_497, %dma_wait3A_498, %dma_wait3A_499] : memref<2x128x128xf32, #tpu.memory_space<vmem>> -> memref<1x128x128xf32, #tpu.memory_space<vmem>>
    %dma_wait3A_501 = tpu.memref_squeeze %dma_wait3A_500 : memref<1x128x128xf32, #tpu.memory_space<vmem>> -> memref<128x128xf32, #tpu.memory_space<vmem>>
    %dma_wait3A_502 = arith.constant 0 : i32
    %dma_wait3A_503 = tpu.memref_slice %arg6[%add3A_376, %dma_wait3A_502] : memref<16384x128xf32, #tpu.memory_space<hbm>> -> memref<128x128xf32, #tpu.memory_space<hbm>>
    %dma_wait3A_504 = arith.constant 0 : i32
    %dma_wait3A_505 = arith.constant 0 : i32
    %dma_wait3A_506 = tpu.memref_slice %arg11[%dma_wait3A_497, %dma_wait3A_504, %dma_wait3A_505] : memref<2x128x128xf32, #tpu.memory_space<vmem>> -> memref<1x128x128xf32, #tpu.memory_space<vmem>>
    %dma_wait3A_507 = tpu.memref_squeeze %dma_wait3A_506 : memref<1x128x128xf32, #tpu.memory_space<vmem>> -> memref<128x128xf32, #tpu.memory_space<vmem>>
    %dma_wait3A_508 = arith.constant 0 : i32
    %dma_wait3A_509 = tpu.memref_slice %arg6[%add3A_376, %dma_wait3A_508] : memref<16384x128xf32, #tpu.memory_space<hbm>> -> memref<128x128xf32, #tpu.memory_space<hbm>>
    tpu.wait_dma2 semaphore(%arg17 : memref<!tpu.dma_semaphore, #tpu.memory_space<semaphore_mem>>) src(%dma_wait3A_509 : memref<128x128xf32, #tpu.memory_space<hbm>>) dst(%dma_wait3A_507 : memref<128x128xf32, #tpu.memory_space<vmem>>)
    %dma_wait3A_510 = arith.constant 3 : i32
    %dma_wait3A_511 = arith.constant 384 : i32
    %dma_wait3A_512 = tpu.memref_slice %arg12[%dma_wait3A_511] : memref<512xf32, #tpu.memory_space<vmem>> -> memref<128xf32, #tpu.memory_space<vmem>>
    %dma_wait3A_513 = arith.constant 0 : i32
    %dma_wait3A_514 = tpu.memref_slice %arg9[%dma_wait3A_510, %dma_wait3A_513] : memref<4x128xi32, #tpu.memory_space<vmem>> -> memref<1x128xi32, #tpu.memory_space<vmem>>
    %dma_wait3A_515 = tpu.memref_squeeze %dma_wait3A_514 : memref<1x128xi32, #tpu.memory_space<vmem>> -> memref<128xi32, #tpu.memory_space<vmem>>
    %dma_wait3A_516 = arith.constant 0 : i32
    %dma_wait3A_517 = tpu.memref_slice %arg3[%dma_wait3A_516] : memref<100000xf32, #tpu.memory_space<hbm>> -> memref<100000xf32, #tpu.memory_space<hbm>>
    tpu.wait_indirect_dma semaphore(%arg17 : memref<!tpu.dma_semaphore, #tpu.memory_space<semaphore_mem>>) src(%dma_wait3A_517 : memref<100000xf32, #tpu.memory_space<hbm>>) dst(%dma_wait3A_512 : memref<128xf32, #tpu.memory_space<vmem>>)
    %dma_wait3A_518 = arith.constant 3 : i32
    %dma_wait3A_519 = arith.constant 384 : i32
    %dma_wait3A_520 = tpu.memref_slice %arg13[%dma_wait3A_519] : memref<512xf32, #tpu.memory_space<vmem>> -> memref<128xf32, #tpu.memory_space<vmem>>
    %dma_wait3A_521 = arith.constant 0 : i32
    %dma_wait3A_522 = tpu.memref_slice %arg9[%dma_wait3A_518, %dma_wait3A_521] : memref<4x128xi32, #tpu.memory_space<vmem>> -> memref<1x128xi32, #tpu.memory_space<vmem>>
    %dma_wait3A_523 = tpu.memref_squeeze %dma_wait3A_522 : memref<1x128xi32, #tpu.memory_space<vmem>> -> memref<128xi32, #tpu.memory_space<vmem>>
    %dma_wait3A_524 = arith.constant 0 : i32
    %dma_wait3A_525 = tpu.memref_slice %arg4[%dma_wait3A_524] : memref<100000xf32, #tpu.memory_space<hbm>> -> memref<100000xf32, #tpu.memory_space<hbm>>
    tpu.wait_indirect_dma semaphore(%arg17 : memref<!tpu.dma_semaphore, #tpu.memory_space<semaphore_mem>>) src(%dma_wait3A_525 : memref<100000xf32, #tpu.memory_space<hbm>>) dst(%dma_wait3A_520 : memref<128xf32, #tpu.memory_space<vmem>>)
    %iota3A_526 = tpu.iota {dimensions = array<i32: 0>} : vector<16xi32>
    %and3A_527 = arith.constant 1 : i32
    %and3A_528 = vector.broadcast %and3A_527 : i32 to vector<16xi32>
    %and3A_529 = arith.andi %iota3A_526, %and3A_528 : vector<16xi32>
    %eq3A_530 = arith.constant 0 : i32
    %eq3A_531 = vector.broadcast %eq3A_530 : i32 to vector<16xi32>
    %eq3A_532 = arith.cmpi eq, %and3A_529, %eq3A_531 : vector<16xi32>
    %shift_right_arithmetic3A_533 = arith.constant 1 : i32
    %shift_right_arithmetic3A_534 = vector.broadcast %shift_right_arithmetic3A_533 : i32 to vector<16xi32>
    %shift_right_arithmetic3A_535 = arith.shrsi %iota3A_526, %shift_right_arithmetic3A_534 : vector<16xi32>
    %scan3A_536 = arith.constant 0 : i32
    %scan3A_537 = arith.constant 0 : i32
    %scan3A_538 = arith.constant 8 : i32
    %scan3A_539 = arith.addi %scan3A_537, %scan3A_538 : i32
    %scan3A_540 = arith.constant 1 : i32
    scf.for %scan3A_612 = %scan3A_537 to %scan3A_539 step %scan3A_540  : i32 {
      %mul3A_613 = arith.constant 16 : i32
      %mul3A_614 = arith.muli %scan3A_612, %mul3A_613 : i32
      %broadcast_in_dim3A = arith.constant 0.000000e+00 : f32
      %broadcast_in_dim3A_615 = vector.broadcast %broadcast_in_dim3A : f32 to vector<16xf32>
      %scan3A_616 = arith.constant 0 : i32
      %scan3A_617 = arith.constant 8 : i32
      %scan3A_618 = arith.addi %scan3A_616, %scan3A_617 : i32
      %scan3A_619 = arith.constant 1 : i32
      %scan3A_620 = scf.for %scan3A_627 = %scan3A_616 to %scan3A_618 step %scan3A_619 iter_args(%scan3A_628 = %broadcast_in_dim3A_615) -> (vector<16xf32>)  : i32 {
        %mul3A_629 = arith.constant 2 : i32
        %mul3A_630 = arith.muli %scan3A_627, %mul3A_629 : i32
        %add3A_631 = arith.addi %mul3A_614, %mul3A_630 : i32
        %add3A_632 = arith.constant 0 : i32
        %add3A_633 = arith.addi %add3A_631, %add3A_632 : i32
        %get3A = arith.constant 1 : i32
        %get3A_634 = arith.index_cast %get3A : i32 to index
        %get3A_635 = arith.index_cast %add3A_633 : i32 to index
        %get3A_636 = arith.constant 0 : index
        %get3A_637 = tpu.vector_load %arg10[%get3A_634, %get3A_635, %get3A_636] {strides = array<i32>} : memref<2x128x128xf32, #tpu.memory_space<vmem>>, vector<1x1x16xf32>,
        %get3A_638 = vector.shape_cast %get3A_637 : vector<1x1x16xf32> to vector<16xf32>
        %get3A_639 = arith.constant 1 : i32
        %get3A_640 = arith.index_cast %get3A_639 : i32 to index
        %get3A_641 = arith.index_cast %add3A_633 : i32 to index
        %get3A_642 = arith.constant 0 : index
        %get3A_643 = tpu.vector_load %arg11[%get3A_640, %get3A_641, %get3A_642] {strides = array<i32>} : memref<2x128x128xf32, #tpu.memory_space<vmem>>, vector<1x1x16xf32>,
        %get3A_644 = vector.shape_cast %get3A_643 : vector<1x1x16xf32> to vector<16xf32>
        %mul3A_645 = arith.mulf %get3A_638, %get3A_644 : vector<16xf32>
        %get3A_646 = arith.constant 1 : i32
        %get3A_647 = arith.index_cast %get3A_646 : i32 to index
        %get3A_648 = arith.index_cast %add3A_633 : i32 to index
        %get3A_649 = arith.constant 16 : index
        %get3A_650 = tpu.vector_load %arg10[%get3A_647, %get3A_648, %get3A_649] {strides = array<i32>} : memref<2x128x128xf32, #tpu.memory_space<vmem>>, vector<1x1x16xf32>,
        %get3A_651 = vector.shape_cast %get3A_650 : vector<1x1x16xf32> to vector<16xf32>
        %get3A_652 = arith.constant 1 : i32
        %get3A_653 = arith.index_cast %get3A_652 : i32 to index
        %get3A_654 = arith.index_cast %add3A_633 : i32 to index
        %get3A_655 = arith.constant 16 : index
        %get3A_656 = tpu.vector_load %arg11[%get3A_653, %get3A_654, %get3A_655] {strides = array<i32>} : memref<2x128x128xf32, #tpu.memory_space<vmem>>, vector<1x1x16xf32>,
        %get3A_657 = vector.shape_cast %get3A_656 : vector<1x1x16xf32> to vector<16xf32>
        %mul3A_658 = arith.mulf %get3A_651, %get3A_657 : vector<16xf32>
        %add3A_659 = arith.addf %mul3A_645, %mul3A_658 : vector<16xf32>
        %get3A_660 = arith.constant 1 : i32
        %get3A_661 = arith.index_cast %get3A_660 : i32 to index
        %get3A_662 = arith.index_cast %add3A_633 : i32 to index
        %get3A_663 = arith.constant 32 : index
        %get3A_664 = tpu.vector_load %arg10[%get3A_661, %get3A_662, %get3A_663] {strides = array<i32>} : memref<2x128x128xf32, #tpu.memory_space<vmem>>, vector<1x1x16xf32>,
        %get3A_665 = vector.shape_cast %get3A_664 : vector<1x1x16xf32> to vector<16xf32>
        %get3A_666 = arith.constant 1 : i32
        %get3A_667 = arith.index_cast %get3A_666 : i32 to index
        %get3A_668 = arith.index_cast %add3A_633 : i32 to index
        %get3A_669 = arith.constant 32 : index
        %get3A_670 = tpu.vector_load %arg11[%get3A_667, %get3A_668, %get3A_669] {strides = array<i32>} : memref<2x128x128xf32, #tpu.memory_space<vmem>>, vector<1x1x16xf32>,
        %get3A_671 = vector.shape_cast %get3A_670 : vector<1x1x16xf32> to vector<16xf32>
        %mul3A_672 = arith.mulf %get3A_665, %get3A_671 : vector<16xf32>
        %add3A_673 = arith.addf %add3A_659, %mul3A_672 : vector<16xf32>
        %get3A_674 = arith.constant 1 : i32
        %get3A_675 = arith.index_cast %get3A_674 : i32 to index
        %get3A_676 = arith.index_cast %add3A_633 : i32 to index
        %get3A_677 = arith.constant 48 : index
        %get3A_678 = tpu.vector_load %arg10[%get3A_675, %get3A_676, %get3A_677] {strides = array<i32>} : memref<2x128x128xf32, #tpu.memory_space<vmem>>, vector<1x1x16xf32>,
        %get3A_679 = vector.shape_cast %get3A_678 : vector<1x1x16xf32> to vector<16xf32>
        %get3A_680 = arith.constant 1 : i32
        %get3A_681 = arith.index_cast %get3A_680 : i32 to index
        %get3A_682 = arith.index_cast %add3A_633 : i32 to index
        %get3A_683 = arith.constant 48 : index
        %get3A_684 = tpu.vector_load %arg11[%get3A_681, %get3A_682, %get3A_683] {strides = array<i32>} : memref<2x128x128xf32, #tpu.memory_space<vmem>>, vector<1x1x16xf32>,
        %get3A_685 = vector.shape_cast %get3A_684 : vector<1x1x16xf32> to vector<16xf32>
        %mul3A_686 = arith.mulf %get3A_679, %get3A_685 : vector<16xf32>
        %add3A_687 = arith.addf %add3A_673, %mul3A_686 : vector<16xf32>
        %get3A_688 = arith.constant 1 : i32
        %get3A_689 = arith.index_cast %get3A_688 : i32 to index
        %get3A_690 = arith.index_cast %add3A_633 : i32 to index
        %get3A_691 = arith.constant 64 : index
        %get3A_692 = tpu.vector_load %arg10[%get3A_689, %get3A_690, %get3A_691] {strides = array<i32>} : memref<2x128x128xf32, #tpu.memory_space<vmem>>, vector<1x1x16xf32>,
        %get3A_693 = vector.shape_cast %get3A_692 : vector<1x1x16xf32> to vector<16xf32>
        %get3A_694 = arith.constant 1 : i32
        %get3A_695 = arith.index_cast %get3A_694 : i32 to index
        %get3A_696 = arith.index_cast %add3A_633 : i32 to index
        %get3A_697 = arith.constant 64 : index
        %get3A_698 = tpu.vector_load %arg11[%get3A_695, %get3A_696, %get3A_697] {strides = array<i32>} : memref<2x128x128xf32, #tpu.memory_space<vmem>>, vector<1x1x16xf32>,
        %get3A_699 = vector.shape_cast %get3A_698 : vector<1x1x16xf32> to vector<16xf32>
        %mul3A_700 = arith.mulf %get3A_693, %get3A_699 : vector<16xf32>
        %add3A_701 = arith.addf %add3A_687, %mul3A_700 : vector<16xf32>
        %get3A_702 = arith.constant 1 : i32
        %get3A_703 = arith.index_cast %get3A_702 : i32 to index
        %get3A_704 = arith.index_cast %add3A_633 : i32 to index
        %get3A_705 = arith.constant 80 : index
        %get3A_706 = tpu.vector_load %arg10[%get3A_703, %get3A_704, %get3A_705] {strides = array<i32>} : memref<2x128x128xf32, #tpu.memory_space<vmem>>, vector<1x1x16xf32>,
        %get3A_707 = vector.shape_cast %get3A_706 : vector<1x1x16xf32> to vector<16xf32>
        %get3A_708 = arith.constant 1 : i32
        %get3A_709 = arith.index_cast %get3A_708 : i32 to index
        %get3A_710 = arith.index_cast %add3A_633 : i32 to index
        %get3A_711 = arith.constant 80 : index
        %get3A_712 = tpu.vector_load %arg11[%get3A_709, %get3A_710, %get3A_711] {strides = array<i32>} : memref<2x128x128xf32, #tpu.memory_space<vmem>>, vector<1x1x16xf32>,
        %get3A_713 = vector.shape_cast %get3A_712 : vector<1x1x16xf32> to vector<16xf32>
        %mul3A_714 = arith.mulf %get3A_707, %get3A_713 : vector<16xf32>
        %add3A_715 = arith.addf %add3A_701, %mul3A_714 : vector<16xf32>
        %get3A_716 = arith.constant 1 : i32
        %get3A_717 = arith.index_cast %get3A_716 : i32 to index
        %get3A_718 = arith.index_cast %add3A_633 : i32 to index
        %get3A_719 = arith.constant 96 : index
        %get3A_720 = tpu.vector_load %arg10[%get3A_717, %get3A_718, %get3A_719] {strides = array<i32>} : memref<2x128x128xf32, #tpu.memory_space<vmem>>, vector<1x1x16xf32>,
        %get3A_721 = vector.shape_cast %get3A_720 : vector<1x1x16xf32> to vector<16xf32>
        %get3A_722 = arith.constant 1 : i32
        %get3A_723 = arith.index_cast %get3A_722 : i32 to index
        %get3A_724 = arith.index_cast %add3A_633 : i32 to index
        %get3A_725 = arith.constant 96 : index
        %get3A_726 = tpu.vector_load %arg11[%get3A_723, %get3A_724, %get3A_725] {strides = array<i32>} : memref<2x128x128xf32, #tpu.memory_space<vmem>>, vector<1x1x16xf32>,
        %get3A_727 = vector.shape_cast %get3A_726 : vector<1x1x16xf32> to vector<16xf32>
        %mul3A_728 = arith.mulf %get3A_721, %get3A_727 : vector<16xf32>
        %add3A_729 = arith.addf %add3A_715, %mul3A_728 : vector<16xf32>
        %get3A_730 = arith.constant 1 : i32
        %get3A_731 = arith.index_cast %get3A_730 : i32 to index
        %get3A_732 = arith.index_cast %add3A_633 : i32 to index
        %get3A_733 = arith.constant 112 : index
        %get3A_734 = tpu.vector_load %arg10[%get3A_731, %get3A_732, %get3A_733] {strides = array<i32>} : memref<2x128x128xf32, #tpu.memory_space<vmem>>, vector<1x1x16xf32>,
        %get3A_735 = vector.shape_cast %get3A_734 : vector<1x1x16xf32> to vector<16xf32>
        %get3A_736 = arith.constant 1 : i32
        %get3A_737 = arith.index_cast %get3A_736 : i32 to index
        %get3A_738 = arith.index_cast %add3A_633 : i32 to index
        %get3A_739 = arith.constant 112 : index
        %get3A_740 = tpu.vector_load %arg11[%get3A_737, %get3A_738, %get3A_739] {strides = array<i32>} : memref<2x128x128xf32, #tpu.memory_space<vmem>>, vector<1x1x16xf32>,
        %get3A_741 = vector.shape_cast %get3A_740 : vector<1x1x16xf32> to vector<16xf32>
        %mul3A_742 = arith.mulf %get3A_735, %get3A_741 : vector<16xf32>
        %add3A_743 = arith.addf %add3A_729, %mul3A_742 : vector<16xf32>
        %add3A_744 = arith.constant 1 : i32
        %add3A_745 = arith.addi %add3A_631, %add3A_744 : i32
        %get3A_746 = arith.constant 1 : i32
        %get3A_747 = arith.index_cast %get3A_746 : i32 to index
        %get3A_748 = arith.index_cast %add3A_745 : i32 to index
        %get3A_749 = arith.constant 0 : index
        %get3A_750 = tpu.vector_load %arg10[%get3A_747, %get3A_748, %get3A_749] {strides = array<i32>} : memref<2x128x128xf32, #tpu.memory_space<vmem>>, vector<1x1x16xf32>,
        %get3A_751 = vector.shape_cast %get3A_750 : vector<1x1x16xf32> to vector<16xf32>
        %get3A_752 = arith.constant 1 : i32
        %get3A_753 = arith.index_cast %get3A_752 : i32 to index
        %get3A_754 = arith.index_cast %add3A_745 : i32 to index
        %get3A_755 = arith.constant 0 : index
        %get3A_756 = tpu.vector_load %arg11[%get3A_753, %get3A_754, %get3A_755] {strides = array<i32>} : memref<2x128x128xf32, #tpu.memory_space<vmem>>, vector<1x1x16xf32>,
        %get3A_757 = vector.shape_cast %get3A_756 : vector<1x1x16xf32> to vector<16xf32>
        %mul3A_758 = arith.mulf %get3A_751, %get3A_757 : vector<16xf32>
        %get3A_759 = arith.constant 1 : i32
        %get3A_760 = arith.index_cast %get3A_759 : i32 to index
        %get3A_761 = arith.index_cast %add3A_745 : i32 to index
        %get3A_762 = arith.constant 16 : index
        %get3A_763 = tpu.vector_load %arg10[%get3A_760, %get3A_761, %get3A_762] {strides = array<i32>} : memref<2x128x128xf32, #tpu.memory_space<vmem>>, vector<1x1x16xf32>,
        %get3A_764 = vector.shape_cast %get3A_763 : vector<1x1x16xf32> to vector<16xf32>
        %get3A_765 = arith.constant 1 : i32
        %get3A_766 = arith.index_cast %get3A_765 : i32 to index
        %get3A_767 = arith.index_cast %add3A_745 : i32 to index
        %get3A_768 = arith.constant 16 : index
        %get3A_769 = tpu.vector_load %arg11[%get3A_766, %get3A_767, %get3A_768] {strides = array<i32>} : memref<2x128x128xf32, #tpu.memory_space<vmem>>, vector<1x1x16xf32>,
        %get3A_770 = vector.shape_cast %get3A_769 : vector<1x1x16xf32> to vector<16xf32>
        %mul3A_771 = arith.mulf %get3A_764, %get3A_770 : vector<16xf32>
        %add3A_772 = arith.addf %mul3A_758, %mul3A_771 : vector<16xf32>
        %get3A_773 = arith.constant 1 : i32
        %get3A_774 = arith.index_cast %get3A_773 : i32 to index
        %get3A_775 = arith.index_cast %add3A_745 : i32 to index
        %get3A_776 = arith.constant 32 : index
        %get3A_777 = tpu.vector_load %arg10[%get3A_774, %get3A_775, %get3A_776] {strides = array<i32>} : memref<2x128x128xf32, #tpu.memory_space<vmem>>, vector<1x1x16xf32>,
        %get3A_778 = vector.shape_cast %get3A_777 : vector<1x1x16xf32> to vector<16xf32>
        %get3A_779 = arith.constant 1 : i32
        %get3A_780 = arith.index_cast %get3A_779 : i32 to index
        %get3A_781 = arith.index_cast %add3A_745 : i32 to index
        %get3A_782 = arith.constant 32 : index
        %get3A_783 = tpu.vector_load %arg11[%get3A_780, %get3A_781, %get3A_782] {strides = array<i32>} : memref<2x128x128xf32, #tpu.memory_space<vmem>>, vector<1x1x16xf32>,
        %get3A_784 = vector.shape_cast %get3A_783 : vector<1x1x16xf32> to vector<16xf32>
        %mul3A_785 = arith.mulf %get3A_778, %get3A_784 : vector<16xf32>
        %add3A_786 = arith.addf %add3A_772, %mul3A_785 : vector<16xf32>
        %get3A_787 = arith.constant 1 : i32
        %get3A_788 = arith.index_cast %get3A_787 : i32 to index
        %get3A_789 = arith.index_cast %add3A_745 : i32 to index
        %get3A_790 = arith.constant 48 : index
        %get3A_791 = tpu.vector_load %arg10[%get3A_788, %get3A_789, %get3A_790] {strides = array<i32>} : memref<2x128x128xf32, #tpu.memory_space<vmem>>, vector<1x1x16xf32>,
        %get3A_792 = vector.shape_cast %get3A_791 : vector<1x1x16xf32> to vector<16xf32>
        %get3A_793 = arith.constant 1 : i32
        %get3A_794 = arith.index_cast %get3A_793 : i32 to index
        %get3A_795 = arith.index_cast %add3A_745 : i32 to index
        %get3A_796 = arith.constant 48 : index
        %get3A_797 = tpu.vector_load %arg11[%get3A_794, %get3A_795, %get3A_796] {strides = array<i32>} : memref<2x128x128xf32, #tpu.memory_space<vmem>>, vector<1x1x16xf32>,
        %get3A_798 = vector.shape_cast %get3A_797 : vector<1x1x16xf32> to vector<16xf32>
        %mul3A_799 = arith.mulf %get3A_792, %get3A_798 : vector<16xf32>
        %add3A_800 = arith.addf %add3A_786, %mul3A_799 : vector<16xf32>
        %get3A_801 = arith.constant 1 : i32
        %get3A_802 = arith.index_cast %get3A_801 : i32 to index
        %get3A_803 = arith.index_cast %add3A_745 : i32 to index
        %get3A_804 = arith.constant 64 : index
        %get3A_805 = tpu.vector_load %arg10[%get3A_802, %get3A_803, %get3A_804] {strides = array<i32>} : memref<2x128x128xf32, #tpu.memory_space<vmem>>, vector<1x1x16xf32>,
        %get3A_806 = vector.shape_cast %get3A_805 : vector<1x1x16xf32> to vector<16xf32>
        %get3A_807 = arith.constant 1 : i32
        %get3A_808 = arith.index_cast %get3A_807 : i32 to index
        %get3A_809 = arith.index_cast %add3A_745 : i32 to index
        %get3A_810 = arith.constant 64 : index
        %get3A_811 = tpu.vector_load %arg11[%get3A_808, %get3A_809, %get3A_810] {strides = array<i32>} : memref<2x128x128xf32, #tpu.memory_space<vmem>>, vector<1x1x16xf32>,
        %get3A_812 = vector.shape_cast %get3A_811 : vector<1x1x16xf32> to vector<16xf32>
        %mul3A_813 = arith.mulf %get3A_806, %get3A_812 : vector<16xf32>
        %add3A_814 = arith.addf %add3A_800, %mul3A_813 : vector<16xf32>
        %get3A_815 = arith.constant 1 : i32
        %get3A_816 = arith.index_cast %get3A_815 : i32 to index
        %get3A_817 = arith.index_cast %add3A_745 : i32 to index
        %get3A_818 = arith.constant 80 : index
        %get3A_819 = tpu.vector_load %arg10[%get3A_816, %get3A_817, %get3A_818] {strides = array<i32>} : memref<2x128x128xf32, #tpu.memory_space<vmem>>, vector<1x1x16xf32>,
        %get3A_820 = vector.shape_cast %get3A_819 : vector<1x1x16xf32> to vector<16xf32>
        %get3A_821 = arith.constant 1 : i32
        %get3A_822 = arith.index_cast %get3A_821 : i32 to index
        %get3A_823 = arith.index_cast %add3A_745 : i32 to index
        %get3A_824 = arith.constant 80 : index
        %get3A_825 = tpu.vector_load %arg11[%get3A_822, %get3A_823, %get3A_824] {strides = array<i32>} : memref<2x128x128xf32, #tpu.memory_space<vmem>>, vector<1x1x16xf32>,
        %get3A_826 = vector.shape_cast %get3A_825 : vector<1x1x16xf32> to vector<16xf32>
        %mul3A_827 = arith.mulf %get3A_820, %get3A_826 : vector<16xf32>
        %add3A_828 = arith.addf %add3A_814, %mul3A_827 : vector<16xf32>
        %get3A_829 = arith.constant 1 : i32
        %get3A_830 = arith.index_cast %get3A_829 : i32 to index
        %get3A_831 = arith.index_cast %add3A_745 : i32 to index
        %get3A_832 = arith.constant 96 : index
        %get3A_833 = tpu.vector_load %arg10[%get3A_830, %get3A_831, %get3A_832] {strides = array<i32>} : memref<2x128x128xf32, #tpu.memory_space<vmem>>, vector<1x1x16xf32>,
        %get3A_834 = vector.shape_cast %get3A_833 : vector<1x1x16xf32> to vector<16xf32>
        %get3A_835 = arith.constant 1 : i32
        %get3A_836 = arith.index_cast %get3A_835 : i32 to index
        %get3A_837 = arith.index_cast %add3A_745 : i32 to index
        %get3A_838 = arith.constant 96 : index
        %get3A_839 = tpu.vector_load %arg11[%get3A_836, %get3A_837, %get3A_838] {strides = array<i32>} : memref<2x128x128xf32, #tpu.memory_space<vmem>>, vector<1x1x16xf32>,
        %get3A_840 = vector.shape_cast %get3A_839 : vector<1x1x16xf32> to vector<16xf32>
        %mul3A_841 = arith.mulf %get3A_834, %get3A_840 : vector<16xf32>
        %add3A_842 = arith.addf %add3A_828, %mul3A_841 : vector<16xf32>
        %get3A_843 = arith.constant 1 : i32
        %get3A_844 = arith.index_cast %get3A_843 : i32 to index
        %get3A_845 = arith.index_cast %add3A_745 : i32 to index
        %get3A_846 = arith.constant 112 : index
        %get3A_847 = tpu.vector_load %arg10[%get3A_844, %get3A_845, %get3A_846] {strides = array<i32>} : memref<2x128x128xf32, #tpu.memory_space<vmem>>, vector<1x1x16xf32>,
        %get3A_848 = vector.shape_cast %get3A_847 : vector<1x1x16xf32> to vector<16xf32>
        %get3A_849 = arith.constant 1 : i32
        %get3A_850 = arith.index_cast %get3A_849 : i32 to index
        %get3A_851 = arith.index_cast %add3A_745 : i32 to index
        %get3A_852 = arith.constant 112 : index
        %get3A_853 = tpu.vector_load %arg11[%get3A_850, %get3A_851, %get3A_852] {strides = array<i32>} : memref<2x128x128xf32, #tpu.memory_space<vmem>>, vector<1x1x16xf32>,
        %get3A_854 = vector.shape_cast %get3A_853 : vector<1x1x16xf32> to vector<16xf32>
        %mul3A_855 = arith.mulf %get3A_848, %get3A_854 : vector<16xf32>
        %add3A_856 = arith.addf %add3A_842, %mul3A_855 : vector<16xf32>
        %xor3A = arith.constant 1 : i32
        %xor3A_857 = vector.broadcast %xor3A : i32 to vector<16xi32>
        %xor3A_858 = arith.xori %iota3A_526, %xor3A_857 : vector<16xi32>
        %broadcast_in_dim3A_859 = vector.shape_cast %xor3A_858 : vector<16xi32> to vector<16x1xi32>
        %gather3A = vector.shape_cast %broadcast_in_dim3A_859 : vector<16x1xi32> to vector<16xi32>
        %gather3A_860 = tpu.dynamic_gather %add3A_743[%gather3A] in [0] : vector<16xf32>, vector<16xi32> -> vector<16xf32>
        %add3A_861 = arith.addf %add3A_743, %gather3A_860 : vector<16xf32>
        %xor3A_862 = arith.constant 1 : i32
        %xor3A_863 = vector.broadcast %xor3A_862 : i32 to vector<16xi32>
        %xor3A_864 = arith.xori %iota3A_526, %xor3A_863 : vector<16xi32>
        %broadcast_in_dim3A_865 = vector.shape_cast %xor3A_864 : vector<16xi32> to vector<16x1xi32>
        %gather3A_866 = vector.shape_cast %broadcast_in_dim3A_865 : vector<16x1xi32> to vector<16xi32>
        %gather3A_867 = tpu.dynamic_gather %add3A_856[%gather3A_866] in [0] : vector<16xf32>, vector<16xi32> -> vector<16xf32>
        %add3A_868 = arith.addf %add3A_856, %gather3A_867 : vector<16xf32>
        %select_n3A = arith.select %eq3A_532, %add3A_861, %add3A_868 : vector<16xi1>, vector<16xf32>
        %xor3A_869 = arith.constant 2 : i32
        %xor3A_870 = vector.broadcast %xor3A_869 : i32 to vector<16xi32>
        %xor3A_871 = arith.xori %iota3A_526, %xor3A_870 : vector<16xi32>
        %broadcast_in_dim3A_872 = vector.shape_cast %xor3A_871 : vector<16xi32> to vector<16x1xi32>
        %gather3A_873 = vector.shape_cast %broadcast_in_dim3A_872 : vector<16x1xi32> to vector<16xi32>
        %gather3A_874 = tpu.dynamic_gather %select_n3A[%gather3A_873] in [0] : vector<16xf32>, vector<16xi32> -> vector<16xf32>
        %add3A_875 = arith.addf %select_n3A, %gather3A_874 : vector<16xf32>
        %xor3A_876 = arith.constant 4 : i32
        %xor3A_877 = vector.broadcast %xor3A_876 : i32 to vector<16xi32>
        %xor3A_878 = arith.xori %iota3A_526, %xor3A_877 : vector<16xi32>
        %broadcast_in_dim3A_879 = vector.shape_cast %xor3A_878 : vector<16xi32> to vector<16x1xi32>
        %gather3A_880 = vector.shape_cast %broadcast_in_dim3A_879 : vector<16x1xi32> to vector<16xi32>
        %gather3A_881 = tpu.dynamic_gather %add3A_875[%gather3A_880] in [0] : vector<16xf32>, vector<16xi32> -> vector<16xf32>
        %add3A_882 = arith.addf %add3A_875, %gather3A_881 : vector<16xf32>
        %xor3A_883 = arith.constant 8 : i32
        %xor3A_884 = vector.broadcast %xor3A_883 : i32 to vector<16xi32>
        %xor3A_885 = arith.xori %iota3A_526, %xor3A_884 : vector<16xi32>
        %broadcast_in_dim3A_886 = vector.shape_cast %xor3A_885 : vector<16xi32> to vector<16x1xi32>
        %gather3A_887 = vector.shape_cast %broadcast_in_dim3A_886 : vector<16x1xi32> to vector<16xi32>
        %gather3A_888 = tpu.dynamic_gather %add3A_882[%gather3A_887] in [0] : vector<16xf32>, vector<16xi32> -> vector<16xf32>
        %add3A_889 = arith.addf %add3A_882, %gather3A_888 : vector<16xf32>
        %eq3A_890 = vector.broadcast %scan3A_627 : i32 to vector<16xi32>
        %eq3A_891 = arith.cmpi eq, %shift_right_arithmetic3A_535, %eq3A_890 : vector<16xi32>
        %select_n3A_892 = arith.select %eq3A_891, %add3A_889, %scan3A_628 : vector<16xi1>, vector<16xf32>
        scf.yield %select_n3A_892 : vector<16xf32>
      }
      %scan3A_621 = arith.constant 8 : i32
      %add3A_622 = arith.constant 384 : i32
      %add3A_623 = arith.addi %add3A_622, %mul3A_614 : i32
      %swap3A = arith.index_cast %add3A_623 : i32 to index
      %swap3A_624 = tpu.vector_load %arg14[%swap3A] {strides = array<i32>} : memref<512xf32, #tpu.memory_space<vmem>>, vector<16xf32>,
      %swap3A_625 = vector.shape_cast %swap3A_624 : vector<16xf32> to vector<16xf32>
      %swap3A_626 = vector.shape_cast %scan3A_620 : vector<16xf32> to vector<16xf32>
      tpu.vector_store %arg14[%swap3A], %swap3A_626 {strides = array<i32>} : memref<512xf32, #tpu.memory_space<vmem>>, vector<16xf32>,
    }
    %scan3A_541 = arith.constant 8 : i32
    %scan3A_542 = arith.constant 0 : i32
    %scan3A_543 = arith.constant 0 : i32
    %scan3A_544 = arith.constant 8 : i32
    %scan3A_545 = arith.addi %scan3A_543, %scan3A_544 : i32
    %scan3A_546 = arith.constant 1 : i32
    scf.for %scan3A_612 = %scan3A_543 to %scan3A_545 step %scan3A_546  : i32 {
      %mul3A_613 = arith.constant 16 : i32
      %mul3A_614 = arith.muli %scan3A_612, %mul3A_613 : i32
      %add3A_615 = arith.constant 384 : i32
      %add3A_616 = arith.addi %add3A_615, %mul3A_614 : i32
      %get3A = arith.index_cast %add3A_616 : i32 to index
      %get3A_617 = tpu.vector_load %arg14[%get3A] {strides = array<i32>} : memref<512xf32, #tpu.memory_space<vmem>>, vector<16xf32>,
      %get3A_618 = vector.shape_cast %get3A_617 : vector<16xf32> to vector<16xf32>
      %get3A_619 = arith.index_cast %add3A_616 : i32 to index
      %get3A_620 = tpu.vector_load %arg12[%get3A_619] {strides = array<i32>} : memref<512xf32, #tpu.memory_space<vmem>>, vector<16xf32>,
      %get3A_621 = vector.shape_cast %get3A_620 : vector<16xf32> to vector<16xf32>
      %add3A_622 = arith.addf %get3A_618, %get3A_621 : vector<16xf32>
      %exp3A = math.exp %add3A_622 : vector<16xf32>
      %swap3A = arith.index_cast %add3A_616 : i32 to index
      %swap3A_623 = tpu.vector_load %arg15[%swap3A] {strides = array<i32>} : memref<512xf32, #tpu.memory_space<vmem>>, vector<16xf32>,
      %swap3A_624 = vector.shape_cast %swap3A_623 : vector<16xf32> to vector<16xf32>
      %swap3A_625 = vector.shape_cast %exp3A : vector<16xf32> to vector<16xf32>
      tpu.vector_store %arg15[%swap3A], %swap3A_625 {strides = array<i32>} : memref<512xf32, #tpu.memory_space<vmem>>, vector<16xf32>,
    }
    %scan3A_547 = arith.constant 8 : i32
    %add3A_548 = arith.constant 384 : i32
    %add3A_549 = arith.addi %mul3A_2, %add3A_548 : i32
    %dma_start3A_550 = arith.constant 384 : i32
    %dma_start3A_551 = tpu.memref_slice %arg15[%dma_start3A_550] : memref<512xf32, #tpu.memory_space<vmem>> -> memref<128xf32, #tpu.memory_space<vmem>>
    %dma_start3A_552 = tpu.memref_slice %arg7[%add3A_549] : memref<16384xf32, #tpu.memory_space<hbm>> -> memref<128xf32, #tpu.memory_space<hbm>>
    %dma_start3A_553 = tpu.memref_slice %arg7[%add3A_549] : memref<16384xf32, #tpu.memory_space<hbm>> -> memref<128xf32, #tpu.memory_space<hbm>>
    %dma_start3A_554 = arith.constant 384 : i32
    %dma_start3A_555 = tpu.memref_slice %arg15[%dma_start3A_554] : memref<512xf32, #tpu.memory_space<vmem>> -> memref<128xf32, #tpu.memory_space<vmem>>
    tpu.enqueue_dma source(%dma_start3A_555 : memref<128xf32, #tpu.memory_space<vmem>>) target(%dma_start3A_553 : memref<128xf32, #tpu.memory_space<hbm>>) target_semaphore(%arg19 : memref<!tpu.dma_semaphore, #tpu.memory_space<semaphore_mem>>)
    %add3A_556 = arith.constant 384 : i32
    %add3A_557 = arith.addi %mul3A_2, %add3A_556 : i32
    %dma_start3A_558 = arith.constant 384 : i32
    %dma_start3A_559 = tpu.memref_slice %arg13[%dma_start3A_558] : memref<512xf32, #tpu.memory_space<vmem>> -> memref<128xf32, #tpu.memory_space<vmem>>
    %dma_start3A_560 = tpu.memref_slice %arg8[%add3A_557] : memref<16384xf32, #tpu.memory_space<hbm>> -> memref<128xf32, #tpu.memory_space<hbm>>
    %dma_start3A_561 = tpu.memref_slice %arg8[%add3A_557] : memref<16384xf32, #tpu.memory_space<hbm>> -> memref<128xf32, #tpu.memory_space<hbm>>
    %dma_start3A_562 = arith.constant 384 : i32
    %dma_start3A_563 = tpu.memref_slice %arg13[%dma_start3A_562] : memref<512xf32, #tpu.memory_space<vmem>> -> memref<128xf32, #tpu.memory_space<vmem>>
    tpu.enqueue_dma source(%dma_start3A_563 : memref<128xf32, #tpu.memory_space<vmem>>) target(%dma_start3A_561 : memref<128xf32, #tpu.memory_space<hbm>>) target_semaphore(%arg19 : memref<!tpu.dma_semaphore, #tpu.memory_space<semaphore_mem>>)
    %dma_wait3A_564 = arith.constant 0 : i32
    %dma_wait3A_565 = tpu.memref_slice %arg15[%dma_wait3A_564] : memref<512xf32, #tpu.memory_space<vmem>> -> memref<128xf32, #tpu.memory_space<vmem>>
    %dma_wait3A_566 = tpu.memref_slice %arg7[%add3A_208] : memref<16384xf32, #tpu.memory_space<hbm>> -> memref<128xf32, #tpu.memory_space<hbm>>
    %dma_wait3A_567 = tpu.memref_slice %arg7[%add3A_208] : memref<16384xf32, #tpu.memory_space<hbm>> -> memref<128xf32, #tpu.memory_space<hbm>>
    %dma_wait3A_568 = arith.constant 0 : i32
    %dma_wait3A_569 = tpu.memref_slice %arg15[%dma_wait3A_568] : memref<512xf32, #tpu.memory_space<vmem>> -> memref<128xf32, #tpu.memory_space<vmem>>
    tpu.wait_dma2 semaphore(%arg19 : memref<!tpu.dma_semaphore, #tpu.memory_space<semaphore_mem>>) src(%dma_wait3A_569 : memref<128xf32, #tpu.memory_space<vmem>>) dst(%dma_wait3A_567 : memref<128xf32, #tpu.memory_space<hbm>>)
    %dma_wait3A_570 = arith.constant 0 : i32
    %dma_wait3A_571 = tpu.memref_slice %arg13[%dma_wait3A_570] : memref<512xf32, #tpu.memory_space<vmem>> -> memref<128xf32, #tpu.memory_space<vmem>>
    %dma_wait3A_572 = tpu.memref_slice %arg8[%add3A_216] : memref<16384xf32, #tpu.memory_space<hbm>> -> memref<128xf32, #tpu.memory_space<hbm>>
    %dma_wait3A_573 = tpu.memref_slice %arg8[%add3A_216] : memref<16384xf32, #tpu.memory_space<hbm>> -> memref<128xf32, #tpu.memory_space<hbm>>
    %dma_wait3A_574 = arith.constant 0 : i32
    %dma_wait3A_575 = tpu.memref_slice %arg13[%dma_wait3A_574] : memref<512xf32, #tpu.memory_space<vmem>> -> memref<128xf32, #tpu.memory_space<vmem>>
    tpu.wait_dma2 semaphore(%arg19 : memref<!tpu.dma_semaphore, #tpu.memory_space<semaphore_mem>>) src(%dma_wait3A_575 : memref<128xf32, #tpu.memory_space<vmem>>) dst(%dma_wait3A_573 : memref<128xf32, #tpu.memory_space<hbm>>)
    %dma_wait3A_576 = arith.constant 128 : i32
    %dma_wait3A_577 = tpu.memref_slice %arg15[%dma_wait3A_576] : memref<512xf32, #tpu.memory_space<vmem>> -> memref<128xf32, #tpu.memory_space<vmem>>
    %dma_wait3A_578 = tpu.memref_slice %arg7[%add3A_339] : memref<16384xf32, #tpu.memory_space<hbm>> -> memref<128xf32, #tpu.memory_space<hbm>>
    %dma_wait3A_579 = tpu.memref_slice %arg7[%add3A_339] : memref<16384xf32, #tpu.memory_space<hbm>> -> memref<128xf32, #tpu.memory_space<hbm>>
    %dma_wait3A_580 = arith.constant 128 : i32
    %dma_wait3A_581 = tpu.memref_slice %arg15[%dma_wait3A_580] : memref<512xf32, #tpu.memory_space<vmem>> -> memref<128xf32, #tpu.memory_space<vmem>>
    tpu.wait_dma2 semaphore(%arg19 : memref<!tpu.dma_semaphore, #tpu.memory_space<semaphore_mem>>) src(%dma_wait3A_581 : memref<128xf32, #tpu.memory_space<vmem>>) dst(%dma_wait3A_579 : memref<128xf32, #tpu.memory_space<hbm>>)
    %dma_wait3A_582 = arith.constant 128 : i32
    %dma_wait3A_583 = tpu.memref_slice %arg13[%dma_wait3A_582] : memref<512xf32, #tpu.memory_space<vmem>> -> memref<128xf32, #tpu.memory_space<vmem>>
    %dma_wait3A_584 = tpu.memref_slice %arg8[%add3A_347] : memref<16384xf32, #tpu.memory_space<hbm>> -> memref<128xf32, #tpu.memory_space<hbm>>
    %dma_wait3A_585 = tpu.memref_slice %arg8[%add3A_347] : memref<16384xf32, #tpu.memory_space<hbm>> -> memref<128xf32, #tpu.memory_space<hbm>>
    %dma_wait3A_586 = arith.constant 128 : i32
    %dma_wait3A_587 = tpu.memref_slice %arg13[%dma_wait3A_586] : memref<512xf32, #tpu.memory_space<vmem>> -> memref<128xf32, #tpu.memory_space<vmem>>
    tpu.wait_dma2 semaphore(%arg19 : memref<!tpu.dma_semaphore, #tpu.memory_space<semaphore_mem>>) src(%dma_wait3A_587 : memref<128xf32, #tpu.memory_space<vmem>>) dst(%dma_wait3A_585 : memref<128xf32, #tpu.memory_space<hbm>>)
    %dma_wait3A_588 = arith.constant 256 : i32
    %dma_wait3A_589 = tpu.memref_slice %arg15[%dma_wait3A_588] : memref<512xf32, #tpu.memory_space<vmem>> -> memref<128xf32, #tpu.memory_space<vmem>>
    %dma_wait3A_590 = tpu.memref_slice %arg7[%add3A_470] : memref<16384xf32, #tpu.memory_space<hbm>> -> memref<128xf32, #tpu.memory_space<hbm>>
    %dma_wait3A_591 = tpu.memref_slice %arg7[%add3A_470] : memref<16384xf32, #tpu.memory_space<hbm>> -> memref<128xf32, #tpu.memory_space<hbm>>
    %dma_wait3A_592 = arith.constant 256 : i32
    %dma_wait3A_593 = tpu.memref_slice %arg15[%dma_wait3A_592] : memref<512xf32, #tpu.memory_space<vmem>> -> memref<128xf32, #tpu.memory_space<vmem>>
    tpu.wait_dma2 semaphore(%arg19 : memref<!tpu.dma_semaphore, #tpu.memory_space<semaphore_mem>>) src(%dma_wait3A_593 : memref<128xf32, #tpu.memory_space<vmem>>) dst(%dma_wait3A_591 : memref<128xf32, #tpu.memory_space<hbm>>)
    %dma_wait3A_594 = arith.constant 256 : i32
    %dma_wait3A_595 = tpu.memref_slice %arg13[%dma_wait3A_594] : memref<512xf32, #tpu.memory_space<vmem>> -> memref<128xf32, #tpu.memory_space<vmem>>
    %dma_wait3A_596 = tpu.memref_slice %arg8[%add3A_478] : memref<16384xf32, #tpu.memory_space<hbm>> -> memref<128xf32, #tpu.memory_space<hbm>>
    %dma_wait3A_597 = tpu.memref_slice %arg8[%add3A_478] : memref<16384xf32, #tpu.memory_space<hbm>> -> memref<128xf32, #tpu.memory_space<hbm>>
    %dma_wait3A_598 = arith.constant 256 : i32
    %dma_wait3A_599 = tpu.memref_slice %arg13[%dma_wait3A_598] : memref<512xf32, #tpu.memory_space<vmem>> -> memref<128xf32, #tpu.memory_space<vmem>>
    tpu.wait_dma2 semaphore(%arg19 : memref<!tpu.dma_semaphore, #tpu.memory_space<semaphore_mem>>) src(%dma_wait3A_599 : memref<128xf32, #tpu.memory_space<vmem>>) dst(%dma_wait3A_597 : memref<128xf32, #tpu.memory_space<hbm>>)
    %dma_wait3A_600 = arith.constant 384 : i32
    %dma_wait3A_601 = tpu.memref_slice %arg15[%dma_wait3A_600] : memref<512xf32, #tpu.memory_space<vmem>> -> memref<128xf32, #tpu.memory_space<vmem>>
    %dma_wait3A_602 = tpu.memref_slice %arg7[%add3A_549] : memref<16384xf32, #tpu.memory_space<hbm>> -> memref<128xf32, #tpu.memory_space<hbm>>
    %dma_wait3A_603 = tpu.memref_slice %arg7[%add3A_549] : memref<16384xf32, #tpu.memory_space<hbm>> -> memref<128xf32, #tpu.memory_space<hbm>>
    %dma_wait3A_604 = arith.constant 384 : i32
    %dma_wait3A_605 = tpu.memref_slice %arg15[%dma_wait3A_604] : memref<512xf32, #tpu.memory_space<vmem>> -> memref<128xf32, #tpu.memory_space<vmem>>
    tpu.wait_dma2 semaphore(%arg19 : memref<!tpu.dma_semaphore, #tpu.memory_space<semaphore_mem>>) src(%dma_wait3A_605 : memref<128xf32, #tpu.memory_space<vmem>>) dst(%dma_wait3A_603 : memref<128xf32, #tpu.memory_space<hbm>>)
    %dma_wait3A_606 = arith.constant 384 : i32
    %dma_wait3A_607 = tpu.memref_slice %arg13[%dma_wait3A_606] : memref<512xf32, #tpu.memory_space<vmem>> -> memref<128xf32, #tpu.memory_space<vmem>>
    %dma_wait3A_608 = tpu.memref_slice %arg8[%add3A_557] : memref<16384xf32, #tpu.memory_space<hbm>> -> memref<128xf32, #tpu.memory_space<hbm>>
    %dma_wait3A_609 = tpu.memref_slice %arg8[%add3A_557] : memref<16384xf32, #tpu.memory_space<hbm>> -> memref<128xf32, #tpu.memory_space<hbm>>
    %dma_wait3A_610 = arith.constant 384 : i32
    %dma_wait3A_611 = tpu.memref_slice %arg13[%dma_wait3A_610] : memref<512xf32, #tpu.memory_space<vmem>> -> memref<128xf32, #tpu.memory_space<vmem>>
    tpu.wait_dma2 semaphore(%arg19 : memref<!tpu.dma_semaphore, #tpu.memory_space<semaphore_mem>>) src(%dma_wait3A_611 : memref<128xf32, #tpu.memory_space<vmem>>) dst(%dma_wait3A_609 : memref<128xf32, #tpu.memory_space<hbm>>)
    return
  }
}

module attributes {stable_mosaic.version = 14 : i64} {
  func.func @_tc_body(%arg0: i32, %arg1: memref<25xi32, #tpu.memory_space<smem>>, %arg2: memref<4096x128xf32, #tpu.memory_space<vmem>>, %arg3: memref<100000x128xf32, #tpu.memory_space<any>>, %arg4: memref<100000xf32, #tpu.memory_space<vmem>>, %arg5: memref<100000xf32, #tpu.memory_space<vmem>>, %arg6: memref<25x4096xf32, #tpu.memory_space<vmem>>, %arg7: memref<25x4096xf32, #tpu.memory_space<vmem>>, %arg8: memref<32x128xf32, #tpu.memory_space<vmem>>, %arg9: memref<2x32xf32, #tpu.memory_space<vmem>>, %arg10: memref<!tpu.dma_semaphore, #tpu.memory_space<semaphore_mem>>) attributes {dimension_semantics = [#tpu.dimension_semantics<arbitrary>], iteration_bounds = array<i64: 4>, scalar_prefetch = 0 : i64, scratch_operands = 3 : i64, tpu.core_type = #tpu.core_type<tc>, window_params = [{transform_indices = @transform_0, window_bounds = array<i64: 25>}, {transform_indices = @transform_1, window_bounds = array<i64: 4096, 128>}, {}, {pipeline_mode = #tpu.pipeline_mode<synchronous>, transform_indices = @transform_3, window_bounds = array<i64: 100000>}, {pipeline_mode = #tpu.pipeline_mode<synchronous>, transform_indices = @transform_4, window_bounds = array<i64: 100000>}, {transform_indices = @transform_5, window_bounds = array<i64: 25, 4096>}, {transform_indices = @transform_6, window_bounds = array<i64: 25, 4096>}]} {
    %eq3A = arith.constant 0 : i32
    %eq3A_0 = arith.cmpi eq, %arg0, %eq3A : i32
    %convert_element_type3A = arith.extui %eq3A_0 : i1 to i32
    %cond3A = arith.constant 0 : i32
    %cond3A_1 = arith.cmpi ne, %convert_element_type3A, %cond3A : i32
    scf.if %cond3A_1 {
      %get3A_27 = arith.constant 0 : index
      %get3A_28 = memref.load %arg1[%get3A_27] : memref<25xi32, #tpu.memory_space<smem>>
      %get3A_29 = arith.constant 1 : index
      %get3A_30 = memref.load %arg1[%get3A_29] : memref<25xi32, #tpu.memory_space<smem>>
      %get3A_31 = arith.constant 2 : index
      %get3A_32 = memref.load %arg1[%get3A_31] : memref<25xi32, #tpu.memory_space<smem>>
      %get3A_33 = arith.constant 3 : index
      %get3A_34 = memref.load %arg1[%get3A_33] : memref<25xi32, #tpu.memory_space<smem>>
      %get3A_35 = arith.constant 4 : index
      %get3A_36 = memref.load %arg1[%get3A_35] : memref<25xi32, #tpu.memory_space<smem>>
      %get3A_37 = arith.constant 5 : index
      %get3A_38 = memref.load %arg1[%get3A_37] : memref<25xi32, #tpu.memory_space<smem>>
      %get3A_39 = arith.constant 6 : index
      %get3A_40 = memref.load %arg1[%get3A_39] : memref<25xi32, #tpu.memory_space<smem>>
      %get3A_41 = arith.constant 7 : index
      %get3A_42 = memref.load %arg1[%get3A_41] : memref<25xi32, #tpu.memory_space<smem>>
      %get3A_43 = arith.constant 8 : index
      %get3A_44 = memref.load %arg1[%get3A_43] : memref<25xi32, #tpu.memory_space<smem>>
      %get3A_45 = arith.constant 9 : index
      %get3A_46 = memref.load %arg1[%get3A_45] : memref<25xi32, #tpu.memory_space<smem>>
      %get3A_47 = arith.constant 10 : index
      %get3A_48 = memref.load %arg1[%get3A_47] : memref<25xi32, #tpu.memory_space<smem>>
      %get3A_49 = arith.constant 11 : index
      %get3A_50 = memref.load %arg1[%get3A_49] : memref<25xi32, #tpu.memory_space<smem>>
      %get3A_51 = arith.constant 12 : index
      %get3A_52 = memref.load %arg1[%get3A_51] : memref<25xi32, #tpu.memory_space<smem>>
      %get3A_53 = arith.constant 13 : index
      %get3A_54 = memref.load %arg1[%get3A_53] : memref<25xi32, #tpu.memory_space<smem>>
      %get3A_55 = arith.constant 14 : index
      %get3A_56 = memref.load %arg1[%get3A_55] : memref<25xi32, #tpu.memory_space<smem>>
      %get3A_57 = arith.constant 15 : index
      %get3A_58 = memref.load %arg1[%get3A_57] : memref<25xi32, #tpu.memory_space<smem>>
      %get3A_59 = arith.constant 16 : index
      %get3A_60 = memref.load %arg1[%get3A_59] : memref<25xi32, #tpu.memory_space<smem>>
      %get3A_61 = arith.constant 17 : index
      %get3A_62 = memref.load %arg1[%get3A_61] : memref<25xi32, #tpu.memory_space<smem>>
      %get3A_63 = arith.constant 18 : index
      %get3A_64 = memref.load %arg1[%get3A_63] : memref<25xi32, #tpu.memory_space<smem>>
      %get3A_65 = arith.constant 19 : index
      %get3A_66 = memref.load %arg1[%get3A_65] : memref<25xi32, #tpu.memory_space<smem>>
      %get3A_67 = arith.constant 20 : index
      %get3A_68 = memref.load %arg1[%get3A_67] : memref<25xi32, #tpu.memory_space<smem>>
      %get3A_69 = arith.constant 21 : index
      %get3A_70 = memref.load %arg1[%get3A_69] : memref<25xi32, #tpu.memory_space<smem>>
      %get3A_71 = arith.constant 22 : index
      %get3A_72 = memref.load %arg1[%get3A_71] : memref<25xi32, #tpu.memory_space<smem>>
      %get3A_73 = arith.constant 23 : index
      %get3A_74 = memref.load %arg1[%get3A_73] : memref<25xi32, #tpu.memory_space<smem>>
      %get3A_75 = arith.constant 24 : index
      %get3A_76 = memref.load %arg1[%get3A_75] : memref<25xi32, #tpu.memory_space<smem>>
      %dma_start3A = arith.constant 0 : i32
      %dma_start3A_77 = arith.constant 0 : i32
      %dma_start3A_78 = tpu.memref_slice %arg8[%dma_start3A, %dma_start3A_77] : memref<32x128xf32, #tpu.memory_space<vmem>> -> memref<1x128xf32, #tpu.memory_space<vmem>>
      %dma_start3A_79 = arith.constant 0 : i32
      %dma_start3A_80 = tpu.memref_slice %arg3[%get3A_28, %dma_start3A_79] : memref<100000x128xf32, #tpu.memory_space<any>> -> memref<1x128xf32, #tpu.memory_space<any>>
      tpu.enqueue_dma source(%dma_start3A_80 : memref<1x128xf32, #tpu.memory_space<any>>) target(%dma_start3A_78 : memref<1x128xf32, #tpu.memory_space<vmem>>) target_semaphore(%arg10 : memref<!tpu.dma_semaphore, #tpu.memory_space<semaphore_mem>>)
      %dma_start3A_81 = arith.constant 1 : i32
      %dma_start3A_82 = arith.constant 0 : i32
      %dma_start3A_83 = tpu.memref_slice %arg8[%dma_start3A_81, %dma_start3A_82] : memref<32x128xf32, #tpu.memory_space<vmem>> -> memref<1x128xf32, #tpu.memory_space<vmem>>
      %dma_start3A_84 = arith.constant 0 : i32
      %dma_start3A_85 = tpu.memref_slice %arg3[%get3A_30, %dma_start3A_84] : memref<100000x128xf32, #tpu.memory_space<any>> -> memref<1x128xf32, #tpu.memory_space<any>>
      tpu.enqueue_dma source(%dma_start3A_85 : memref<1x128xf32, #tpu.memory_space<any>>) target(%dma_start3A_83 : memref<1x128xf32, #tpu.memory_space<vmem>>) target_semaphore(%arg10 : memref<!tpu.dma_semaphore, #tpu.memory_space<semaphore_mem>>)
      %dma_start3A_86 = arith.constant 2 : i32
      %dma_start3A_87 = arith.constant 0 : i32
      %dma_start3A_88 = tpu.memref_slice %arg8[%dma_start3A_86, %dma_start3A_87] : memref<32x128xf32, #tpu.memory_space<vmem>> -> memref<1x128xf32, #tpu.memory_space<vmem>>
      %dma_start3A_89 = arith.constant 0 : i32
      %dma_start3A_90 = tpu.memref_slice %arg3[%get3A_32, %dma_start3A_89] : memref<100000x128xf32, #tpu.memory_space<any>> -> memref<1x128xf32, #tpu.memory_space<any>>
      tpu.enqueue_dma source(%dma_start3A_90 : memref<1x128xf32, #tpu.memory_space<any>>) target(%dma_start3A_88 : memref<1x128xf32, #tpu.memory_space<vmem>>) target_semaphore(%arg10 : memref<!tpu.dma_semaphore, #tpu.memory_space<semaphore_mem>>)
      %dma_start3A_91 = arith.constant 3 : i32
      %dma_start3A_92 = arith.constant 0 : i32
      %dma_start3A_93 = tpu.memref_slice %arg8[%dma_start3A_91, %dma_start3A_92] : memref<32x128xf32, #tpu.memory_space<vmem>> -> memref<1x128xf32, #tpu.memory_space<vmem>>
      %dma_start3A_94 = arith.constant 0 : i32
      %dma_start3A_95 = tpu.memref_slice %arg3[%get3A_34, %dma_start3A_94] : memref<100000x128xf32, #tpu.memory_space<any>> -> memref<1x128xf32, #tpu.memory_space<any>>
      tpu.enqueue_dma source(%dma_start3A_95 : memref<1x128xf32, #tpu.memory_space<any>>) target(%dma_start3A_93 : memref<1x128xf32, #tpu.memory_space<vmem>>) target_semaphore(%arg10 : memref<!tpu.dma_semaphore, #tpu.memory_space<semaphore_mem>>)
      %dma_start3A_96 = arith.constant 4 : i32
      %dma_start3A_97 = arith.constant 0 : i32
      %dma_start3A_98 = tpu.memref_slice %arg8[%dma_start3A_96, %dma_start3A_97] : memref<32x128xf32, #tpu.memory_space<vmem>> -> memref<1x128xf32, #tpu.memory_space<vmem>>
      %dma_start3A_99 = arith.constant 0 : i32
      %dma_start3A_100 = tpu.memref_slice %arg3[%get3A_36, %dma_start3A_99] : memref<100000x128xf32, #tpu.memory_space<any>> -> memref<1x128xf32, #tpu.memory_space<any>>
      tpu.enqueue_dma source(%dma_start3A_100 : memref<1x128xf32, #tpu.memory_space<any>>) target(%dma_start3A_98 : memref<1x128xf32, #tpu.memory_space<vmem>>) target_semaphore(%arg10 : memref<!tpu.dma_semaphore, #tpu.memory_space<semaphore_mem>>)
      %dma_start3A_101 = arith.constant 5 : i32
      %dma_start3A_102 = arith.constant 0 : i32
      %dma_start3A_103 = tpu.memref_slice %arg8[%dma_start3A_101, %dma_start3A_102] : memref<32x128xf32, #tpu.memory_space<vmem>> -> memref<1x128xf32, #tpu.memory_space<vmem>>
      %dma_start3A_104 = arith.constant 0 : i32
      %dma_start3A_105 = tpu.memref_slice %arg3[%get3A_38, %dma_start3A_104] : memref<100000x128xf32, #tpu.memory_space<any>> -> memref<1x128xf32, #tpu.memory_space<any>>
      tpu.enqueue_dma source(%dma_start3A_105 : memref<1x128xf32, #tpu.memory_space<any>>) target(%dma_start3A_103 : memref<1x128xf32, #tpu.memory_space<vmem>>) target_semaphore(%arg10 : memref<!tpu.dma_semaphore, #tpu.memory_space<semaphore_mem>>)
      %dma_start3A_106 = arith.constant 6 : i32
      %dma_start3A_107 = arith.constant 0 : i32
      %dma_start3A_108 = tpu.memref_slice %arg8[%dma_start3A_106, %dma_start3A_107] : memref<32x128xf32, #tpu.memory_space<vmem>> -> memref<1x128xf32, #tpu.memory_space<vmem>>
      %dma_start3A_109 = arith.constant 0 : i32
      %dma_start3A_110 = tpu.memref_slice %arg3[%get3A_40, %dma_start3A_109] : memref<100000x128xf32, #tpu.memory_space<any>> -> memref<1x128xf32, #tpu.memory_space<any>>
      tpu.enqueue_dma source(%dma_start3A_110 : memref<1x128xf32, #tpu.memory_space<any>>) target(%dma_start3A_108 : memref<1x128xf32, #tpu.memory_space<vmem>>) target_semaphore(%arg10 : memref<!tpu.dma_semaphore, #tpu.memory_space<semaphore_mem>>)
      %dma_start3A_111 = arith.constant 7 : i32
      %dma_start3A_112 = arith.constant 0 : i32
      %dma_start3A_113 = tpu.memref_slice %arg8[%dma_start3A_111, %dma_start3A_112] : memref<32x128xf32, #tpu.memory_space<vmem>> -> memref<1x128xf32, #tpu.memory_space<vmem>>
      %dma_start3A_114 = arith.constant 0 : i32
      %dma_start3A_115 = tpu.memref_slice %arg3[%get3A_42, %dma_start3A_114] : memref<100000x128xf32, #tpu.memory_space<any>> -> memref<1x128xf32, #tpu.memory_space<any>>
      tpu.enqueue_dma source(%dma_start3A_115 : memref<1x128xf32, #tpu.memory_space<any>>) target(%dma_start3A_113 : memref<1x128xf32, #tpu.memory_space<vmem>>) target_semaphore(%arg10 : memref<!tpu.dma_semaphore, #tpu.memory_space<semaphore_mem>>)
      %dma_start3A_116 = arith.constant 8 : i32
      %dma_start3A_117 = arith.constant 0 : i32
      %dma_start3A_118 = tpu.memref_slice %arg8[%dma_start3A_116, %dma_start3A_117] : memref<32x128xf32, #tpu.memory_space<vmem>> -> memref<1x128xf32, #tpu.memory_space<vmem>>
      %dma_start3A_119 = arith.constant 0 : i32
      %dma_start3A_120 = tpu.memref_slice %arg3[%get3A_44, %dma_start3A_119] : memref<100000x128xf32, #tpu.memory_space<any>> -> memref<1x128xf32, #tpu.memory_space<any>>
      tpu.enqueue_dma source(%dma_start3A_120 : memref<1x128xf32, #tpu.memory_space<any>>) target(%dma_start3A_118 : memref<1x128xf32, #tpu.memory_space<vmem>>) target_semaphore(%arg10 : memref<!tpu.dma_semaphore, #tpu.memory_space<semaphore_mem>>)
      %dma_start3A_121 = arith.constant 9 : i32
      %dma_start3A_122 = arith.constant 0 : i32
      %dma_start3A_123 = tpu.memref_slice %arg8[%dma_start3A_121, %dma_start3A_122] : memref<32x128xf32, #tpu.memory_space<vmem>> -> memref<1x128xf32, #tpu.memory_space<vmem>>
      %dma_start3A_124 = arith.constant 0 : i32
      %dma_start3A_125 = tpu.memref_slice %arg3[%get3A_46, %dma_start3A_124] : memref<100000x128xf32, #tpu.memory_space<any>> -> memref<1x128xf32, #tpu.memory_space<any>>
      tpu.enqueue_dma source(%dma_start3A_125 : memref<1x128xf32, #tpu.memory_space<any>>) target(%dma_start3A_123 : memref<1x128xf32, #tpu.memory_space<vmem>>) target_semaphore(%arg10 : memref<!tpu.dma_semaphore, #tpu.memory_space<semaphore_mem>>)
      %dma_start3A_126 = arith.constant 10 : i32
      %dma_start3A_127 = arith.constant 0 : i32
      %dma_start3A_128 = tpu.memref_slice %arg8[%dma_start3A_126, %dma_start3A_127] : memref<32x128xf32, #tpu.memory_space<vmem>> -> memref<1x128xf32, #tpu.memory_space<vmem>>
      %dma_start3A_129 = arith.constant 0 : i32
      %dma_start3A_130 = tpu.memref_slice %arg3[%get3A_48, %dma_start3A_129] : memref<100000x128xf32, #tpu.memory_space<any>> -> memref<1x128xf32, #tpu.memory_space<any>>
      tpu.enqueue_dma source(%dma_start3A_130 : memref<1x128xf32, #tpu.memory_space<any>>) target(%dma_start3A_128 : memref<1x128xf32, #tpu.memory_space<vmem>>) target_semaphore(%arg10 : memref<!tpu.dma_semaphore, #tpu.memory_space<semaphore_mem>>)
      %dma_start3A_131 = arith.constant 11 : i32
      %dma_start3A_132 = arith.constant 0 : i32
      %dma_start3A_133 = tpu.memref_slice %arg8[%dma_start3A_131, %dma_start3A_132] : memref<32x128xf32, #tpu.memory_space<vmem>> -> memref<1x128xf32, #tpu.memory_space<vmem>>
      %dma_start3A_134 = arith.constant 0 : i32
      %dma_start3A_135 = tpu.memref_slice %arg3[%get3A_50, %dma_start3A_134] : memref<100000x128xf32, #tpu.memory_space<any>> -> memref<1x128xf32, #tpu.memory_space<any>>
      tpu.enqueue_dma source(%dma_start3A_135 : memref<1x128xf32, #tpu.memory_space<any>>) target(%dma_start3A_133 : memref<1x128xf32, #tpu.memory_space<vmem>>) target_semaphore(%arg10 : memref<!tpu.dma_semaphore, #tpu.memory_space<semaphore_mem>>)
      %dma_start3A_136 = arith.constant 12 : i32
      %dma_start3A_137 = arith.constant 0 : i32
      %dma_start3A_138 = tpu.memref_slice %arg8[%dma_start3A_136, %dma_start3A_137] : memref<32x128xf32, #tpu.memory_space<vmem>> -> memref<1x128xf32, #tpu.memory_space<vmem>>
      %dma_start3A_139 = arith.constant 0 : i32
      %dma_start3A_140 = tpu.memref_slice %arg3[%get3A_52, %dma_start3A_139] : memref<100000x128xf32, #tpu.memory_space<any>> -> memref<1x128xf32, #tpu.memory_space<any>>
      tpu.enqueue_dma source(%dma_start3A_140 : memref<1x128xf32, #tpu.memory_space<any>>) target(%dma_start3A_138 : memref<1x128xf32, #tpu.memory_space<vmem>>) target_semaphore(%arg10 : memref<!tpu.dma_semaphore, #tpu.memory_space<semaphore_mem>>)
      %dma_start3A_141 = arith.constant 13 : i32
      %dma_start3A_142 = arith.constant 0 : i32
      %dma_start3A_143 = tpu.memref_slice %arg8[%dma_start3A_141, %dma_start3A_142] : memref<32x128xf32, #tpu.memory_space<vmem>> -> memref<1x128xf32, #tpu.memory_space<vmem>>
      %dma_start3A_144 = arith.constant 0 : i32
      %dma_start3A_145 = tpu.memref_slice %arg3[%get3A_54, %dma_start3A_144] : memref<100000x128xf32, #tpu.memory_space<any>> -> memref<1x128xf32, #tpu.memory_space<any>>
      tpu.enqueue_dma source(%dma_start3A_145 : memref<1x128xf32, #tpu.memory_space<any>>) target(%dma_start3A_143 : memref<1x128xf32, #tpu.memory_space<vmem>>) target_semaphore(%arg10 : memref<!tpu.dma_semaphore, #tpu.memory_space<semaphore_mem>>)
      %dma_start3A_146 = arith.constant 14 : i32
      %dma_start3A_147 = arith.constant 0 : i32
      %dma_start3A_148 = tpu.memref_slice %arg8[%dma_start3A_146, %dma_start3A_147] : memref<32x128xf32, #tpu.memory_space<vmem>> -> memref<1x128xf32, #tpu.memory_space<vmem>>
      %dma_start3A_149 = arith.constant 0 : i32
      %dma_start3A_150 = tpu.memref_slice %arg3[%get3A_56, %dma_start3A_149] : memref<100000x128xf32, #tpu.memory_space<any>> -> memref<1x128xf32, #tpu.memory_space<any>>
      tpu.enqueue_dma source(%dma_start3A_150 : memref<1x128xf32, #tpu.memory_space<any>>) target(%dma_start3A_148 : memref<1x128xf32, #tpu.memory_space<vmem>>) target_semaphore(%arg10 : memref<!tpu.dma_semaphore, #tpu.memory_space<semaphore_mem>>)
      %dma_start3A_151 = arith.constant 15 : i32
      %dma_start3A_152 = arith.constant 0 : i32
      %dma_start3A_153 = tpu.memref_slice %arg8[%dma_start3A_151, %dma_start3A_152] : memref<32x128xf32, #tpu.memory_space<vmem>> -> memref<1x128xf32, #tpu.memory_space<vmem>>
      %dma_start3A_154 = arith.constant 0 : i32
      %dma_start3A_155 = tpu.memref_slice %arg3[%get3A_58, %dma_start3A_154] : memref<100000x128xf32, #tpu.memory_space<any>> -> memref<1x128xf32, #tpu.memory_space<any>>
      tpu.enqueue_dma source(%dma_start3A_155 : memref<1x128xf32, #tpu.memory_space<any>>) target(%dma_start3A_153 : memref<1x128xf32, #tpu.memory_space<vmem>>) target_semaphore(%arg10 : memref<!tpu.dma_semaphore, #tpu.memory_space<semaphore_mem>>)
      %dma_start3A_156 = arith.constant 16 : i32
      %dma_start3A_157 = arith.constant 0 : i32
      %dma_start3A_158 = tpu.memref_slice %arg8[%dma_start3A_156, %dma_start3A_157] : memref<32x128xf32, #tpu.memory_space<vmem>> -> memref<1x128xf32, #tpu.memory_space<vmem>>
      %dma_start3A_159 = arith.constant 0 : i32
      %dma_start3A_160 = tpu.memref_slice %arg3[%get3A_60, %dma_start3A_159] : memref<100000x128xf32, #tpu.memory_space<any>> -> memref<1x128xf32, #tpu.memory_space<any>>
      tpu.enqueue_dma source(%dma_start3A_160 : memref<1x128xf32, #tpu.memory_space<any>>) target(%dma_start3A_158 : memref<1x128xf32, #tpu.memory_space<vmem>>) target_semaphore(%arg10 : memref<!tpu.dma_semaphore, #tpu.memory_space<semaphore_mem>>)
      %dma_start3A_161 = arith.constant 17 : i32
      %dma_start3A_162 = arith.constant 0 : i32
      %dma_start3A_163 = tpu.memref_slice %arg8[%dma_start3A_161, %dma_start3A_162] : memref<32x128xf32, #tpu.memory_space<vmem>> -> memref<1x128xf32, #tpu.memory_space<vmem>>
      %dma_start3A_164 = arith.constant 0 : i32
      %dma_start3A_165 = tpu.memref_slice %arg3[%get3A_62, %dma_start3A_164] : memref<100000x128xf32, #tpu.memory_space<any>> -> memref<1x128xf32, #tpu.memory_space<any>>
      tpu.enqueue_dma source(%dma_start3A_165 : memref<1x128xf32, #tpu.memory_space<any>>) target(%dma_start3A_163 : memref<1x128xf32, #tpu.memory_space<vmem>>) target_semaphore(%arg10 : memref<!tpu.dma_semaphore, #tpu.memory_space<semaphore_mem>>)
      %dma_start3A_166 = arith.constant 18 : i32
      %dma_start3A_167 = arith.constant 0 : i32
      %dma_start3A_168 = tpu.memref_slice %arg8[%dma_start3A_166, %dma_start3A_167] : memref<32x128xf32, #tpu.memory_space<vmem>> -> memref<1x128xf32, #tpu.memory_space<vmem>>
      %dma_start3A_169 = arith.constant 0 : i32
      %dma_start3A_170 = tpu.memref_slice %arg3[%get3A_64, %dma_start3A_169] : memref<100000x128xf32, #tpu.memory_space<any>> -> memref<1x128xf32, #tpu.memory_space<any>>
      tpu.enqueue_dma source(%dma_start3A_170 : memref<1x128xf32, #tpu.memory_space<any>>) target(%dma_start3A_168 : memref<1x128xf32, #tpu.memory_space<vmem>>) target_semaphore(%arg10 : memref<!tpu.dma_semaphore, #tpu.memory_space<semaphore_mem>>)
      %dma_start3A_171 = arith.constant 19 : i32
      %dma_start3A_172 = arith.constant 0 : i32
      %dma_start3A_173 = tpu.memref_slice %arg8[%dma_start3A_171, %dma_start3A_172] : memref<32x128xf32, #tpu.memory_space<vmem>> -> memref<1x128xf32, #tpu.memory_space<vmem>>
      %dma_start3A_174 = arith.constant 0 : i32
      %dma_start3A_175 = tpu.memref_slice %arg3[%get3A_66, %dma_start3A_174] : memref<100000x128xf32, #tpu.memory_space<any>> -> memref<1x128xf32, #tpu.memory_space<any>>
      tpu.enqueue_dma source(%dma_start3A_175 : memref<1x128xf32, #tpu.memory_space<any>>) target(%dma_start3A_173 : memref<1x128xf32, #tpu.memory_space<vmem>>) target_semaphore(%arg10 : memref<!tpu.dma_semaphore, #tpu.memory_space<semaphore_mem>>)
      %dma_start3A_176 = arith.constant 20 : i32
      %dma_start3A_177 = arith.constant 0 : i32
      %dma_start3A_178 = tpu.memref_slice %arg8[%dma_start3A_176, %dma_start3A_177] : memref<32x128xf32, #tpu.memory_space<vmem>> -> memref<1x128xf32, #tpu.memory_space<vmem>>
      %dma_start3A_179 = arith.constant 0 : i32
      %dma_start3A_180 = tpu.memref_slice %arg3[%get3A_68, %dma_start3A_179] : memref<100000x128xf32, #tpu.memory_space<any>> -> memref<1x128xf32, #tpu.memory_space<any>>
      tpu.enqueue_dma source(%dma_start3A_180 : memref<1x128xf32, #tpu.memory_space<any>>) target(%dma_start3A_178 : memref<1x128xf32, #tpu.memory_space<vmem>>) target_semaphore(%arg10 : memref<!tpu.dma_semaphore, #tpu.memory_space<semaphore_mem>>)
      %dma_start3A_181 = arith.constant 21 : i32
      %dma_start3A_182 = arith.constant 0 : i32
      %dma_start3A_183 = tpu.memref_slice %arg8[%dma_start3A_181, %dma_start3A_182] : memref<32x128xf32, #tpu.memory_space<vmem>> -> memref<1x128xf32, #tpu.memory_space<vmem>>
      %dma_start3A_184 = arith.constant 0 : i32
      %dma_start3A_185 = tpu.memref_slice %arg3[%get3A_70, %dma_start3A_184] : memref<100000x128xf32, #tpu.memory_space<any>> -> memref<1x128xf32, #tpu.memory_space<any>>
      tpu.enqueue_dma source(%dma_start3A_185 : memref<1x128xf32, #tpu.memory_space<any>>) target(%dma_start3A_183 : memref<1x128xf32, #tpu.memory_space<vmem>>) target_semaphore(%arg10 : memref<!tpu.dma_semaphore, #tpu.memory_space<semaphore_mem>>)
      %dma_start3A_186 = arith.constant 22 : i32
      %dma_start3A_187 = arith.constant 0 : i32
      %dma_start3A_188 = tpu.memref_slice %arg8[%dma_start3A_186, %dma_start3A_187] : memref<32x128xf32, #tpu.memory_space<vmem>> -> memref<1x128xf32, #tpu.memory_space<vmem>>
      %dma_start3A_189 = arith.constant 0 : i32
      %dma_start3A_190 = tpu.memref_slice %arg3[%get3A_72, %dma_start3A_189] : memref<100000x128xf32, #tpu.memory_space<any>> -> memref<1x128xf32, #tpu.memory_space<any>>
      tpu.enqueue_dma source(%dma_start3A_190 : memref<1x128xf32, #tpu.memory_space<any>>) target(%dma_start3A_188 : memref<1x128xf32, #tpu.memory_space<vmem>>) target_semaphore(%arg10 : memref<!tpu.dma_semaphore, #tpu.memory_space<semaphore_mem>>)
      %dma_start3A_191 = arith.constant 23 : i32
      %dma_start3A_192 = arith.constant 0 : i32
      %dma_start3A_193 = tpu.memref_slice %arg8[%dma_start3A_191, %dma_start3A_192] : memref<32x128xf32, #tpu.memory_space<vmem>> -> memref<1x128xf32, #tpu.memory_space<vmem>>
      %dma_start3A_194 = arith.constant 0 : i32
      %dma_start3A_195 = tpu.memref_slice %arg3[%get3A_74, %dma_start3A_194] : memref<100000x128xf32, #tpu.memory_space<any>> -> memref<1x128xf32, #tpu.memory_space<any>>
      tpu.enqueue_dma source(%dma_start3A_195 : memref<1x128xf32, #tpu.memory_space<any>>) target(%dma_start3A_193 : memref<1x128xf32, #tpu.memory_space<vmem>>) target_semaphore(%arg10 : memref<!tpu.dma_semaphore, #tpu.memory_space<semaphore_mem>>)
      %dma_start3A_196 = arith.constant 24 : i32
      %dma_start3A_197 = arith.constant 0 : i32
      %dma_start3A_198 = tpu.memref_slice %arg8[%dma_start3A_196, %dma_start3A_197] : memref<32x128xf32, #tpu.memory_space<vmem>> -> memref<1x128xf32, #tpu.memory_space<vmem>>
      %dma_start3A_199 = arith.constant 0 : i32
      %dma_start3A_200 = tpu.memref_slice %arg3[%get3A_76, %dma_start3A_199] : memref<100000x128xf32, #tpu.memory_space<any>> -> memref<1x128xf32, #tpu.memory_space<any>>
      tpu.enqueue_dma source(%dma_start3A_200 : memref<1x128xf32, #tpu.memory_space<any>>) target(%dma_start3A_198 : memref<1x128xf32, #tpu.memory_space<vmem>>) target_semaphore(%arg10 : memref<!tpu.dma_semaphore, #tpu.memory_space<semaphore_mem>>)
      %iota3A = tpu.iota {dimensions = array<i32: 1>} : vector<1x128xi32>
      %iota3A_201 = vector.shape_cast %iota3A : vector<1x128xi32> to vector<128xi32>
      %iota3A_202 = tpu.iota {dimensions = array<i32: 1>} : vector<1x32xi32>
      %iota3A_203 = vector.shape_cast %iota3A_202 : vector<1x32xi32> to vector<32xi32>
      %broadcast_in_dim3A_204 = arith.constant 0.000000e+00 : f32
      %broadcast_in_dim3A_205 = vector.broadcast %broadcast_in_dim3A_204 : f32 to vector<32xf32>
      %broadcast_in_dim3A_206 = arith.constant 0.000000e+00 : f32
      %broadcast_in_dim3A_207 = vector.broadcast %broadcast_in_dim3A_206 : f32 to vector<32xf32>
      %get3A_208 = arith.constant 0 : index
      %get3A_209 = memref.load %arg1[%get3A_208] : memref<25xi32, #tpu.memory_space<smem>>
      %jit3A = arith.constant 128 : i32
      %div3A = arith.divsi %get3A_209, %jit3A : i32
      %sign3A = arith.constant 0 : i32
      %sign3A_210 = arith.cmpi sgt, %get3A_209, %sign3A : i32
      %sign3A_211 = arith.extui %sign3A_210 : i1 to i32
      %sign3A_212 = arith.constant 0 : i32
      %sign3A_213 = arith.cmpi slt, %get3A_209, %sign3A_212 : i32
      %sign3A_214 = arith.extui %sign3A_213 : i1 to i32
      %sign3A_215 = arith.subi %sign3A_211, %sign3A_214 : i32
      %sign3A_216 = arith.constant 0 : i32
      %sign3A_217 = arith.cmpi sgt, %jit3A, %sign3A_216 : i32
      %sign3A_218 = arith.extui %sign3A_217 : i1 to i32
      %sign3A_219 = arith.constant 0 : i32
      %sign3A_220 = arith.cmpi slt, %jit3A, %sign3A_219 : i32
      %sign3A_221 = arith.extui %sign3A_220 : i1 to i32
      %sign3A_222 = arith.subi %sign3A_218, %sign3A_221 : i32
      %ne3A = arith.cmpi ne, %sign3A_215, %sign3A_222 : i32
      %rem3A = arith.remsi %get3A_209, %jit3A : i32
      %ne3A_223 = arith.constant 0 : i32
      %ne3A_224 = arith.cmpi ne, %rem3A, %ne3A_223 : i32
      %and3A = arith.andi %ne3A, %ne3A_224 : i1
      %sub3A = arith.constant 1 : i32
      %sub3A_225 = arith.subi %div3A, %sub3A : i32
      %select_n3A = arith.select %and3A, %sub3A_225, %div3A : i32
      %mul3A = arith.constant 128 : i32
      %mul3A_226 = arith.muli %select_n3A, %mul3A : i32
      %multiple_of3A = tpu.assume_multiple %mul3A_226, 128 : i32
      %jit3A_227 = arith.constant 128 : i32
      %eq3A_228 = arith.constant 0 : i32
      %eq3A_229 = arith.cmpi eq, %jit3A_227, %eq3A_228 : i32
      %jit3A_230 = arith.constant 1 : i32
      %select_n3A_231 = arith.select %eq3A_229, %jit3A_230, %jit3A_227 : i32
      %rem3A_232 = arith.remsi %get3A_209, %select_n3A_231 : i32
      %ne3A_233 = arith.constant 0 : i32
      %ne3A_234 = arith.cmpi ne, %rem3A_232, %ne3A_233 : i32
      %lt3A = arith.constant 0 : i32
      %lt3A_235 = arith.cmpi slt, %rem3A_232, %lt3A : i32
      %lt3A_236 = arith.constant 0 : i32
      %lt3A_237 = arith.cmpi slt, %select_n3A_231, %lt3A_236 : i32
      %ne3A_238 = arith.xori %lt3A_235, %lt3A_237 : i1
      %and3A_239 = arith.andi %ne3A_238, %ne3A_234 : i1
      %add3A_240 = arith.addi %rem3A_232, %select_n3A_231 : i32
      %select_n3A_241 = arith.select %and3A_239, %add3A_240, %rem3A_232 : i32
      %eq3A_242 = vector.broadcast %select_n3A_241 : i32 to vector<128xi32>
      %eq3A_243 = arith.cmpi eq, %iota3A_201, %eq3A_242 : vector<128xi32>
      %get3A_244 = arith.index_cast %multiple_of3A : i32 to index
      %get3A_245 = vector.load %arg4[%get3A_244] : memref<100000xf32, #tpu.memory_space<vmem>>, vector<128xf32>
      %jit3A_246 = arith.constant 0.000000e+00 : f32
      %broadcast_in_dim3A_247 = vector.broadcast %jit3A_246 : f32 to vector<128xf32>
      %select_n3A_248 = arith.select %eq3A_243, %get3A_245, %broadcast_in_dim3A_247 : vector<128xi1>, vector<128xf32>
      %reduce_sum3A = vector.shape_cast %select_n3A_248 : vector<128xf32> to vector<1x128xf32>
      %reduce_sum3A_249 = arith.constant dense<0.000000e+00> : vector<1xf32>
      %reduce_sum3A_250 = vector.multi_reduction <add>, %reduce_sum3A, %reduce_sum3A_249 [1] : vector<1x128xf32> to vector<1xf32>
      %reduce_sum3A_251 = vector.shape_cast %reduce_sum3A_250 : vector<1xf32> to vector<1x1xf32>
      %reduce_sum3A_252 = vector.extract %reduce_sum3A_251[0, 0] : f32 from vector<1x1xf32>
      %eq3A_253 = vector.broadcast %select_n3A_241 : i32 to vector<128xi32>
      %eq3A_254 = arith.cmpi eq, %iota3A_201, %eq3A_253 : vector<128xi32>
      %get3A_255 = arith.index_cast %multiple_of3A : i32 to index
      %get3A_256 = vector.load %arg5[%get3A_255] : memref<100000xf32, #tpu.memory_space<vmem>>, vector<128xf32>
      %jit3A_257 = arith.constant 0.000000e+00 : f32
      %broadcast_in_dim3A_258 = vector.broadcast %jit3A_257 : f32 to vector<128xf32>
      %select_n3A_259 = arith.select %eq3A_254, %get3A_256, %broadcast_in_dim3A_258 : vector<128xi1>, vector<128xf32>
      %reduce_sum3A_260 = vector.shape_cast %select_n3A_259 : vector<128xf32> to vector<1x128xf32>
      %reduce_sum3A_261 = arith.constant dense<0.000000e+00> : vector<1xf32>
      %reduce_sum3A_262 = vector.multi_reduction <add>, %reduce_sum3A_260, %reduce_sum3A_261 [1] : vector<1x128xf32> to vector<1xf32>
      %reduce_sum3A_263 = vector.shape_cast %reduce_sum3A_262 : vector<1xf32> to vector<1x1xf32>
      %reduce_sum3A_264 = vector.extract %reduce_sum3A_263[0, 0] : f32 from vector<1x1xf32>
      %eq3A_265 = arith.constant 0 : i32
      %eq3A_266 = vector.broadcast %eq3A_265 : i32 to vector<32xi32>
      %eq3A_267 = arith.cmpi eq, %iota3A_203, %eq3A_266 : vector<32xi32>
      %broadcast_in_dim3A_268 = vector.broadcast %reduce_sum3A_252 : f32 to vector<32xf32>
      %select_n3A_269 = arith.select %eq3A_267, %broadcast_in_dim3A_268, %broadcast_in_dim3A_205 : vector<32xi1>, vector<32xf32>
      %eq3A_270 = arith.constant 0 : i32
      %eq3A_271 = vector.broadcast %eq3A_270 : i32 to vector<32xi32>
      %eq3A_272 = arith.cmpi eq, %iota3A_203, %eq3A_271 : vector<32xi32>
      %broadcast_in_dim3A_273 = vector.broadcast %reduce_sum3A_264 : f32 to vector<32xf32>
      %select_n3A_274 = arith.select %eq3A_272, %broadcast_in_dim3A_273, %broadcast_in_dim3A_207 : vector<32xi1>, vector<32xf32>
      %get3A_275 = arith.constant 1 : index
      %get3A_276 = memref.load %arg1[%get3A_275] : memref<25xi32, #tpu.memory_space<smem>>
      %jit3A_277 = arith.constant 128 : i32
      %div3A_278 = arith.divsi %get3A_276, %jit3A_277 : i32
      %sign3A_279 = arith.constant 0 : i32
      %sign3A_280 = arith.cmpi sgt, %get3A_276, %sign3A_279 : i32
      %sign3A_281 = arith.extui %sign3A_280 : i1 to i32
      %sign3A_282 = arith.constant 0 : i32
      %sign3A_283 = arith.cmpi slt, %get3A_276, %sign3A_282 : i32
      %sign3A_284 = arith.extui %sign3A_283 : i1 to i32
      %sign3A_285 = arith.subi %sign3A_281, %sign3A_284 : i32
      %sign3A_286 = arith.constant 0 : i32
      %sign3A_287 = arith.cmpi sgt, %jit3A_277, %sign3A_286 : i32
      %sign3A_288 = arith.extui %sign3A_287 : i1 to i32
      %sign3A_289 = arith.constant 0 : i32
      %sign3A_290 = arith.cmpi slt, %jit3A_277, %sign3A_289 : i32
      %sign3A_291 = arith.extui %sign3A_290 : i1 to i32
      %sign3A_292 = arith.subi %sign3A_288, %sign3A_291 : i32
      %ne3A_293 = arith.cmpi ne, %sign3A_285, %sign3A_292 : i32
      %rem3A_294 = arith.remsi %get3A_276, %jit3A_277 : i32
      %ne3A_295 = arith.constant 0 : i32
      %ne3A_296 = arith.cmpi ne, %rem3A_294, %ne3A_295 : i32
      %and3A_297 = arith.andi %ne3A_293, %ne3A_296 : i1
      %sub3A_298 = arith.constant 1 : i32
      %sub3A_299 = arith.subi %div3A_278, %sub3A_298 : i32
      %select_n3A_300 = arith.select %and3A_297, %sub3A_299, %div3A_278 : i32
      %mul3A_301 = arith.constant 128 : i32
      %mul3A_302 = arith.muli %select_n3A_300, %mul3A_301 : i32
      %multiple_of3A_303 = tpu.assume_multiple %mul3A_302, 128 : i32
      %jit3A_304 = arith.constant 128 : i32
      %eq3A_305 = arith.constant 0 : i32
      %eq3A_306 = arith.cmpi eq, %jit3A_304, %eq3A_305 : i32
      %jit3A_307 = arith.constant 1 : i32
      %select_n3A_308 = arith.select %eq3A_306, %jit3A_307, %jit3A_304 : i32
      %rem3A_309 = arith.remsi %get3A_276, %select_n3A_308 : i32
      %ne3A_310 = arith.constant 0 : i32
      %ne3A_311 = arith.cmpi ne, %rem3A_309, %ne3A_310 : i32
      %lt3A_312 = arith.constant 0 : i32
      %lt3A_313 = arith.cmpi slt, %rem3A_309, %lt3A_312 : i32
      %lt3A_314 = arith.constant 0 : i32
      %lt3A_315 = arith.cmpi slt, %select_n3A_308, %lt3A_314 : i32
      %ne3A_316 = arith.xori %lt3A_313, %lt3A_315 : i1
      %and3A_317 = arith.andi %ne3A_316, %ne3A_311 : i1
      %add3A_318 = arith.addi %rem3A_309, %select_n3A_308 : i32
      %select_n3A_319 = arith.select %and3A_317, %add3A_318, %rem3A_309 : i32
      %eq3A_320 = vector.broadcast %select_n3A_319 : i32 to vector<128xi32>
      %eq3A_321 = arith.cmpi eq, %iota3A_201, %eq3A_320 : vector<128xi32>
      %get3A_322 = arith.index_cast %multiple_of3A_303 : i32 to index
      %get3A_323 = vector.load %arg4[%get3A_322] : memref<100000xf32, #tpu.memory_space<vmem>>, vector<128xf32>
      %jit3A_324 = arith.constant 0.000000e+00 : f32
      %broadcast_in_dim3A_325 = vector.broadcast %jit3A_324 : f32 to vector<128xf32>
      %select_n3A_326 = arith.select %eq3A_321, %get3A_323, %broadcast_in_dim3A_325 : vector<128xi1>, vector<128xf32>
      %reduce_sum3A_327 = vector.shape_cast %select_n3A_326 : vector<128xf32> to vector<1x128xf32>
      %reduce_sum3A_328 = arith.constant dense<0.000000e+00> : vector<1xf32>
      %reduce_sum3A_329 = vector.multi_reduction <add>, %reduce_sum3A_327, %reduce_sum3A_328 [1] : vector<1x128xf32> to vector<1xf32>
      %reduce_sum3A_330 = vector.shape_cast %reduce_sum3A_329 : vector<1xf32> to vector<1x1xf32>
      %reduce_sum3A_331 = vector.extract %reduce_sum3A_330[0, 0] : f32 from vector<1x1xf32>
      %eq3A_332 = vector.broadcast %select_n3A_319 : i32 to vector<128xi32>
      %eq3A_333 = arith.cmpi eq, %iota3A_201, %eq3A_332 : vector<128xi32>
      %get3A_334 = arith.index_cast %multiple_of3A_303 : i32 to index
      %get3A_335 = vector.load %arg5[%get3A_334] : memref<100000xf32, #tpu.memory_space<vmem>>, vector<128xf32>
      %jit3A_336 = arith.constant 0.000000e+00 : f32
      %broadcast_in_dim3A_337 = vector.broadcast %jit3A_336 : f32 to vector<128xf32>
      %select_n3A_338 = arith.select %eq3A_333, %get3A_335, %broadcast_in_dim3A_337 : vector<128xi1>, vector<128xf32>
      %reduce_sum3A_339 = vector.shape_cast %select_n3A_338 : vector<128xf32> to vector<1x128xf32>
      %reduce_sum3A_340 = arith.constant dense<0.000000e+00> : vector<1xf32>
      %reduce_sum3A_341 = vector.multi_reduction <add>, %reduce_sum3A_339, %reduce_sum3A_340 [1] : vector<1x128xf32> to vector<1xf32>
      %reduce_sum3A_342 = vector.shape_cast %reduce_sum3A_341 : vector<1xf32> to vector<1x1xf32>
      %reduce_sum3A_343 = vector.extract %reduce_sum3A_342[0, 0] : f32 from vector<1x1xf32>
      %eq3A_344 = arith.constant 1 : i32
      %eq3A_345 = vector.broadcast %eq3A_344 : i32 to vector<32xi32>
      %eq3A_346 = arith.cmpi eq, %iota3A_203, %eq3A_345 : vector<32xi32>
      %broadcast_in_dim3A_347 = vector.broadcast %reduce_sum3A_331 : f32 to vector<32xf32>
      %select_n3A_348 = arith.select %eq3A_346, %broadcast_in_dim3A_347, %select_n3A_269 : vector<32xi1>, vector<32xf32>
      %eq3A_349 = arith.constant 1 : i32
      %eq3A_350 = vector.broadcast %eq3A_349 : i32 to vector<32xi32>
      %eq3A_351 = arith.cmpi eq, %iota3A_203, %eq3A_350 : vector<32xi32>
      %broadcast_in_dim3A_352 = vector.broadcast %reduce_sum3A_343 : f32 to vector<32xf32>
      %select_n3A_353 = arith.select %eq3A_351, %broadcast_in_dim3A_352, %select_n3A_274 : vector<32xi1>, vector<32xf32>
      %get3A_354 = arith.constant 2 : index
      %get3A_355 = memref.load %arg1[%get3A_354] : memref<25xi32, #tpu.memory_space<smem>>
      %jit3A_356 = arith.constant 128 : i32
      %div3A_357 = arith.divsi %get3A_355, %jit3A_356 : i32
      %sign3A_358 = arith.constant 0 : i32
      %sign3A_359 = arith.cmpi sgt, %get3A_355, %sign3A_358 : i32
      %sign3A_360 = arith.extui %sign3A_359 : i1 to i32
      %sign3A_361 = arith.constant 0 : i32
      %sign3A_362 = arith.cmpi slt, %get3A_355, %sign3A_361 : i32
      %sign3A_363 = arith.extui %sign3A_362 : i1 to i32
      %sign3A_364 = arith.subi %sign3A_360, %sign3A_363 : i32
      %sign3A_365 = arith.constant 0 : i32
      %sign3A_366 = arith.cmpi sgt, %jit3A_356, %sign3A_365 : i32
      %sign3A_367 = arith.extui %sign3A_366 : i1 to i32
      %sign3A_368 = arith.constant 0 : i32
      %sign3A_369 = arith.cmpi slt, %jit3A_356, %sign3A_368 : i32
      %sign3A_370 = arith.extui %sign3A_369 : i1 to i32
      %sign3A_371 = arith.subi %sign3A_367, %sign3A_370 : i32
      %ne3A_372 = arith.cmpi ne, %sign3A_364, %sign3A_371 : i32
      %rem3A_373 = arith.remsi %get3A_355, %jit3A_356 : i32
      %ne3A_374 = arith.constant 0 : i32
      %ne3A_375 = arith.cmpi ne, %rem3A_373, %ne3A_374 : i32
      %and3A_376 = arith.andi %ne3A_372, %ne3A_375 : i1
      %sub3A_377 = arith.constant 1 : i32
      %sub3A_378 = arith.subi %div3A_357, %sub3A_377 : i32
      %select_n3A_379 = arith.select %and3A_376, %sub3A_378, %div3A_357 : i32
      %mul3A_380 = arith.constant 128 : i32
      %mul3A_381 = arith.muli %select_n3A_379, %mul3A_380 : i32
      %multiple_of3A_382 = tpu.assume_multiple %mul3A_381, 128 : i32
      %jit3A_383 = arith.constant 128 : i32
      %eq3A_384 = arith.constant 0 : i32
      %eq3A_385 = arith.cmpi eq, %jit3A_383, %eq3A_384 : i32
      %jit3A_386 = arith.constant 1 : i32
      %select_n3A_387 = arith.select %eq3A_385, %jit3A_386, %jit3A_383 : i32
      %rem3A_388 = arith.remsi %get3A_355, %select_n3A_387 : i32
      %ne3A_389 = arith.constant 0 : i32
      %ne3A_390 = arith.cmpi ne, %rem3A_388, %ne3A_389 : i32
      %lt3A_391 = arith.constant 0 : i32
      %lt3A_392 = arith.cmpi slt, %rem3A_388, %lt3A_391 : i32
      %lt3A_393 = arith.constant 0 : i32
      %lt3A_394 = arith.cmpi slt, %select_n3A_387, %lt3A_393 : i32
      %ne3A_395 = arith.xori %lt3A_392, %lt3A_394 : i1
      %and3A_396 = arith.andi %ne3A_395, %ne3A_390 : i1
      %add3A_397 = arith.addi %rem3A_388, %select_n3A_387 : i32
      %select_n3A_398 = arith.select %and3A_396, %add3A_397, %rem3A_388 : i32
      %eq3A_399 = vector.broadcast %select_n3A_398 : i32 to vector<128xi32>
      %eq3A_400 = arith.cmpi eq, %iota3A_201, %eq3A_399 : vector<128xi32>
      %get3A_401 = arith.index_cast %multiple_of3A_382 : i32 to index
      %get3A_402 = vector.load %arg4[%get3A_401] : memref<100000xf32, #tpu.memory_space<vmem>>, vector<128xf32>
      %jit3A_403 = arith.constant 0.000000e+00 : f32
      %broadcast_in_dim3A_404 = vector.broadcast %jit3A_403 : f32 to vector<128xf32>
      %select_n3A_405 = arith.select %eq3A_400, %get3A_402, %broadcast_in_dim3A_404 : vector<128xi1>, vector<128xf32>
      %reduce_sum3A_406 = vector.shape_cast %select_n3A_405 : vector<128xf32> to vector<1x128xf32>
      %reduce_sum3A_407 = arith.constant dense<0.000000e+00> : vector<1xf32>
      %reduce_sum3A_408 = vector.multi_reduction <add>, %reduce_sum3A_406, %reduce_sum3A_407 [1] : vector<1x128xf32> to vector<1xf32>
      %reduce_sum3A_409 = vector.shape_cast %reduce_sum3A_408 : vector<1xf32> to vector<1x1xf32>
      %reduce_sum3A_410 = vector.extract %reduce_sum3A_409[0, 0] : f32 from vector<1x1xf32>
      %eq3A_411 = vector.broadcast %select_n3A_398 : i32 to vector<128xi32>
      %eq3A_412 = arith.cmpi eq, %iota3A_201, %eq3A_411 : vector<128xi32>
      %get3A_413 = arith.index_cast %multiple_of3A_382 : i32 to index
      %get3A_414 = vector.load %arg5[%get3A_413] : memref<100000xf32, #tpu.memory_space<vmem>>, vector<128xf32>
      %jit3A_415 = arith.constant 0.000000e+00 : f32
      %broadcast_in_dim3A_416 = vector.broadcast %jit3A_415 : f32 to vector<128xf32>
      %select_n3A_417 = arith.select %eq3A_412, %get3A_414, %broadcast_in_dim3A_416 : vector<128xi1>, vector<128xf32>
      %reduce_sum3A_418 = vector.shape_cast %select_n3A_417 : vector<128xf32> to vector<1x128xf32>
      %reduce_sum3A_419 = arith.constant dense<0.000000e+00> : vector<1xf32>
      %reduce_sum3A_420 = vector.multi_reduction <add>, %reduce_sum3A_418, %reduce_sum3A_419 [1] : vector<1x128xf32> to vector<1xf32>
      %reduce_sum3A_421 = vector.shape_cast %reduce_sum3A_420 : vector<1xf32> to vector<1x1xf32>
      %reduce_sum3A_422 = vector.extract %reduce_sum3A_421[0, 0] : f32 from vector<1x1xf32>
      %eq3A_423 = arith.constant 2 : i32
      %eq3A_424 = vector.broadcast %eq3A_423 : i32 to vector<32xi32>
      %eq3A_425 = arith.cmpi eq, %iota3A_203, %eq3A_424 : vector<32xi32>
      %broadcast_in_dim3A_426 = vector.broadcast %reduce_sum3A_410 : f32 to vector<32xf32>
      %select_n3A_427 = arith.select %eq3A_425, %broadcast_in_dim3A_426, %select_n3A_348 : vector<32xi1>, vector<32xf32>
      %eq3A_428 = arith.constant 2 : i32
      %eq3A_429 = vector.broadcast %eq3A_428 : i32 to vector<32xi32>
      %eq3A_430 = arith.cmpi eq, %iota3A_203, %eq3A_429 : vector<32xi32>
      %broadcast_in_dim3A_431 = vector.broadcast %reduce_sum3A_422 : f32 to vector<32xf32>
      %select_n3A_432 = arith.select %eq3A_430, %broadcast_in_dim3A_431, %select_n3A_353 : vector<32xi1>, vector<32xf32>
      %get3A_433 = arith.constant 3 : index
      %get3A_434 = memref.load %arg1[%get3A_433] : memref<25xi32, #tpu.memory_space<smem>>
      %jit3A_435 = arith.constant 128 : i32
      %div3A_436 = arith.divsi %get3A_434, %jit3A_435 : i32
      %sign3A_437 = arith.constant 0 : i32
      %sign3A_438 = arith.cmpi sgt, %get3A_434, %sign3A_437 : i32
      %sign3A_439 = arith.extui %sign3A_438 : i1 to i32
      %sign3A_440 = arith.constant 0 : i32
      %sign3A_441 = arith.cmpi slt, %get3A_434, %sign3A_440 : i32
      %sign3A_442 = arith.extui %sign3A_441 : i1 to i32
      %sign3A_443 = arith.subi %sign3A_439, %sign3A_442 : i32
      %sign3A_444 = arith.constant 0 : i32
      %sign3A_445 = arith.cmpi sgt, %jit3A_435, %sign3A_444 : i32
      %sign3A_446 = arith.extui %sign3A_445 : i1 to i32
      %sign3A_447 = arith.constant 0 : i32
      %sign3A_448 = arith.cmpi slt, %jit3A_435, %sign3A_447 : i32
      %sign3A_449 = arith.extui %sign3A_448 : i1 to i32
      %sign3A_450 = arith.subi %sign3A_446, %sign3A_449 : i32
      %ne3A_451 = arith.cmpi ne, %sign3A_443, %sign3A_450 : i32
      %rem3A_452 = arith.remsi %get3A_434, %jit3A_435 : i32
      %ne3A_453 = arith.constant 0 : i32
      %ne3A_454 = arith.cmpi ne, %rem3A_452, %ne3A_453 : i32
      %and3A_455 = arith.andi %ne3A_451, %ne3A_454 : i1
      %sub3A_456 = arith.constant 1 : i32
      %sub3A_457 = arith.subi %div3A_436, %sub3A_456 : i32
      %select_n3A_458 = arith.select %and3A_455, %sub3A_457, %div3A_436 : i32
      %mul3A_459 = arith.constant 128 : i32
      %mul3A_460 = arith.muli %select_n3A_458, %mul3A_459 : i32
      %multiple_of3A_461 = tpu.assume_multiple %mul3A_460, 128 : i32
      %jit3A_462 = arith.constant 128 : i32
      %eq3A_463 = arith.constant 0 : i32
      %eq3A_464 = arith.cmpi eq, %jit3A_462, %eq3A_463 : i32
      %jit3A_465 = arith.constant 1 : i32
      %select_n3A_466 = arith.select %eq3A_464, %jit3A_465, %jit3A_462 : i32
      %rem3A_467 = arith.remsi %get3A_434, %select_n3A_466 : i32
      %ne3A_468 = arith.constant 0 : i32
      %ne3A_469 = arith.cmpi ne, %rem3A_467, %ne3A_468 : i32
      %lt3A_470 = arith.constant 0 : i32
      %lt3A_471 = arith.cmpi slt, %rem3A_467, %lt3A_470 : i32
      %lt3A_472 = arith.constant 0 : i32
      %lt3A_473 = arith.cmpi slt, %select_n3A_466, %lt3A_472 : i32
      %ne3A_474 = arith.xori %lt3A_471, %lt3A_473 : i1
      %and3A_475 = arith.andi %ne3A_474, %ne3A_469 : i1
      %add3A_476 = arith.addi %rem3A_467, %select_n3A_466 : i32
      %select_n3A_477 = arith.select %and3A_475, %add3A_476, %rem3A_467 : i32
      %eq3A_478 = vector.broadcast %select_n3A_477 : i32 to vector<128xi32>
      %eq3A_479 = arith.cmpi eq, %iota3A_201, %eq3A_478 : vector<128xi32>
      %get3A_480 = arith.index_cast %multiple_of3A_461 : i32 to index
      %get3A_481 = vector.load %arg4[%get3A_480] : memref<100000xf32, #tpu.memory_space<vmem>>, vector<128xf32>
      %jit3A_482 = arith.constant 0.000000e+00 : f32
      %broadcast_in_dim3A_483 = vector.broadcast %jit3A_482 : f32 to vector<128xf32>
      %select_n3A_484 = arith.select %eq3A_479, %get3A_481, %broadcast_in_dim3A_483 : vector<128xi1>, vector<128xf32>
      %reduce_sum3A_485 = vector.shape_cast %select_n3A_484 : vector<128xf32> to vector<1x128xf32>
      %reduce_sum3A_486 = arith.constant dense<0.000000e+00> : vector<1xf32>
      %reduce_sum3A_487 = vector.multi_reduction <add>, %reduce_sum3A_485, %reduce_sum3A_486 [1] : vector<1x128xf32> to vector<1xf32>
      %reduce_sum3A_488 = vector.shape_cast %reduce_sum3A_487 : vector<1xf32> to vector<1x1xf32>
      %reduce_sum3A_489 = vector.extract %reduce_sum3A_488[0, 0] : f32 from vector<1x1xf32>
      %eq3A_490 = vector.broadcast %select_n3A_477 : i32 to vector<128xi32>
      %eq3A_491 = arith.cmpi eq, %iota3A_201, %eq3A_490 : vector<128xi32>
      %get3A_492 = arith.index_cast %multiple_of3A_461 : i32 to index
      %get3A_493 = vector.load %arg5[%get3A_492] : memref<100000xf32, #tpu.memory_space<vmem>>, vector<128xf32>
      %jit3A_494 = arith.constant 0.000000e+00 : f32
      %broadcast_in_dim3A_495 = vector.broadcast %jit3A_494 : f32 to vector<128xf32>
      %select_n3A_496 = arith.select %eq3A_491, %get3A_493, %broadcast_in_dim3A_495 : vector<128xi1>, vector<128xf32>
      %reduce_sum3A_497 = vector.shape_cast %select_n3A_496 : vector<128xf32> to vector<1x128xf32>
      %reduce_sum3A_498 = arith.constant dense<0.000000e+00> : vector<1xf32>
      %reduce_sum3A_499 = vector.multi_reduction <add>, %reduce_sum3A_497, %reduce_sum3A_498 [1] : vector<1x128xf32> to vector<1xf32>
      %reduce_sum3A_500 = vector.shape_cast %reduce_sum3A_499 : vector<1xf32> to vector<1x1xf32>
      %reduce_sum3A_501 = vector.extract %reduce_sum3A_500[0, 0] : f32 from vector<1x1xf32>
      %eq3A_502 = arith.constant 3 : i32
      %eq3A_503 = vector.broadcast %eq3A_502 : i32 to vector<32xi32>
      %eq3A_504 = arith.cmpi eq, %iota3A_203, %eq3A_503 : vector<32xi32>
      %broadcast_in_dim3A_505 = vector.broadcast %reduce_sum3A_489 : f32 to vector<32xf32>
      %select_n3A_506 = arith.select %eq3A_504, %broadcast_in_dim3A_505, %select_n3A_427 : vector<32xi1>, vector<32xf32>
      %eq3A_507 = arith.constant 3 : i32
      %eq3A_508 = vector.broadcast %eq3A_507 : i32 to vector<32xi32>
      %eq3A_509 = arith.cmpi eq, %iota3A_203, %eq3A_508 : vector<32xi32>
      %broadcast_in_dim3A_510 = vector.broadcast %reduce_sum3A_501 : f32 to vector<32xf32>
      %select_n3A_511 = arith.select %eq3A_509, %broadcast_in_dim3A_510, %select_n3A_432 : vector<32xi1>, vector<32xf32>
      %get3A_512 = arith.constant 4 : index
      %get3A_513 = memref.load %arg1[%get3A_512] : memref<25xi32, #tpu.memory_space<smem>>
      %jit3A_514 = arith.constant 128 : i32
      %div3A_515 = arith.divsi %get3A_513, %jit3A_514 : i32
      %sign3A_516 = arith.constant 0 : i32
      %sign3A_517 = arith.cmpi sgt, %get3A_513, %sign3A_516 : i32
      %sign3A_518 = arith.extui %sign3A_517 : i1 to i32
      %sign3A_519 = arith.constant 0 : i32
      %sign3A_520 = arith.cmpi slt, %get3A_513, %sign3A_519 : i32
      %sign3A_521 = arith.extui %sign3A_520 : i1 to i32
      %sign3A_522 = arith.subi %sign3A_518, %sign3A_521 : i32
      %sign3A_523 = arith.constant 0 : i32
      %sign3A_524 = arith.cmpi sgt, %jit3A_514, %sign3A_523 : i32
      %sign3A_525 = arith.extui %sign3A_524 : i1 to i32
      %sign3A_526 = arith.constant 0 : i32
      %sign3A_527 = arith.cmpi slt, %jit3A_514, %sign3A_526 : i32
      %sign3A_528 = arith.extui %sign3A_527 : i1 to i32
      %sign3A_529 = arith.subi %sign3A_525, %sign3A_528 : i32
      %ne3A_530 = arith.cmpi ne, %sign3A_522, %sign3A_529 : i32
      %rem3A_531 = arith.remsi %get3A_513, %jit3A_514 : i32
      %ne3A_532 = arith.constant 0 : i32
      %ne3A_533 = arith.cmpi ne, %rem3A_531, %ne3A_532 : i32
      %and3A_534 = arith.andi %ne3A_530, %ne3A_533 : i1
      %sub3A_535 = arith.constant 1 : i32
      %sub3A_536 = arith.subi %div3A_515, %sub3A_535 : i32
      %select_n3A_537 = arith.select %and3A_534, %sub3A_536, %div3A_515 : i32
      %mul3A_538 = arith.constant 128 : i32
      %mul3A_539 = arith.muli %select_n3A_537, %mul3A_538 : i32
      %multiple_of3A_540 = tpu.assume_multiple %mul3A_539, 128 : i32
      %jit3A_541 = arith.constant 128 : i32
      %eq3A_542 = arith.constant 0 : i32
      %eq3A_543 = arith.cmpi eq, %jit3A_541, %eq3A_542 : i32
      %jit3A_544 = arith.constant 1 : i32
      %select_n3A_545 = arith.select %eq3A_543, %jit3A_544, %jit3A_541 : i32
      %rem3A_546 = arith.remsi %get3A_513, %select_n3A_545 : i32
      %ne3A_547 = arith.constant 0 : i32
      %ne3A_548 = arith.cmpi ne, %rem3A_546, %ne3A_547 : i32
      %lt3A_549 = arith.constant 0 : i32
      %lt3A_550 = arith.cmpi slt, %rem3A_546, %lt3A_549 : i32
      %lt3A_551 = arith.constant 0 : i32
      %lt3A_552 = arith.cmpi slt, %select_n3A_545, %lt3A_551 : i32
      %ne3A_553 = arith.xori %lt3A_550, %lt3A_552 : i1
      %and3A_554 = arith.andi %ne3A_553, %ne3A_548 : i1
      %add3A_555 = arith.addi %rem3A_546, %select_n3A_545 : i32
      %select_n3A_556 = arith.select %and3A_554, %add3A_555, %rem3A_546 : i32
      %eq3A_557 = vector.broadcast %select_n3A_556 : i32 to vector<128xi32>
      %eq3A_558 = arith.cmpi eq, %iota3A_201, %eq3A_557 : vector<128xi32>
      %get3A_559 = arith.index_cast %multiple_of3A_540 : i32 to index
      %get3A_560 = vector.load %arg4[%get3A_559] : memref<100000xf32, #tpu.memory_space<vmem>>, vector<128xf32>
      %jit3A_561 = arith.constant 0.000000e+00 : f32
      %broadcast_in_dim3A_562 = vector.broadcast %jit3A_561 : f32 to vector<128xf32>
      %select_n3A_563 = arith.select %eq3A_558, %get3A_560, %broadcast_in_dim3A_562 : vector<128xi1>, vector<128xf32>
      %reduce_sum3A_564 = vector.shape_cast %select_n3A_563 : vector<128xf32> to vector<1x128xf32>
      %reduce_sum3A_565 = arith.constant dense<0.000000e+00> : vector<1xf32>
      %reduce_sum3A_566 = vector.multi_reduction <add>, %reduce_sum3A_564, %reduce_sum3A_565 [1] : vector<1x128xf32> to vector<1xf32>
      %reduce_sum3A_567 = vector.shape_cast %reduce_sum3A_566 : vector<1xf32> to vector<1x1xf32>
      %reduce_sum3A_568 = vector.extract %reduce_sum3A_567[0, 0] : f32 from vector<1x1xf32>
      %eq3A_569 = vector.broadcast %select_n3A_556 : i32 to vector<128xi32>
      %eq3A_570 = arith.cmpi eq, %iota3A_201, %eq3A_569 : vector<128xi32>
      %get3A_571 = arith.index_cast %multiple_of3A_540 : i32 to index
      %get3A_572 = vector.load %arg5[%get3A_571] : memref<100000xf32, #tpu.memory_space<vmem>>, vector<128xf32>
      %jit3A_573 = arith.constant 0.000000e+00 : f32
      %broadcast_in_dim3A_574 = vector.broadcast %jit3A_573 : f32 to vector<128xf32>
      %select_n3A_575 = arith.select %eq3A_570, %get3A_572, %broadcast_in_dim3A_574 : vector<128xi1>, vector<128xf32>
      %reduce_sum3A_576 = vector.shape_cast %select_n3A_575 : vector<128xf32> to vector<1x128xf32>
      %reduce_sum3A_577 = arith.constant dense<0.000000e+00> : vector<1xf32>
      %reduce_sum3A_578 = vector.multi_reduction <add>, %reduce_sum3A_576, %reduce_sum3A_577 [1] : vector<1x128xf32> to vector<1xf32>
      %reduce_sum3A_579 = vector.shape_cast %reduce_sum3A_578 : vector<1xf32> to vector<1x1xf32>
      %reduce_sum3A_580 = vector.extract %reduce_sum3A_579[0, 0] : f32 from vector<1x1xf32>
      %eq3A_581 = arith.constant 4 : i32
      %eq3A_582 = vector.broadcast %eq3A_581 : i32 to vector<32xi32>
      %eq3A_583 = arith.cmpi eq, %iota3A_203, %eq3A_582 : vector<32xi32>
      %broadcast_in_dim3A_584 = vector.broadcast %reduce_sum3A_568 : f32 to vector<32xf32>
      %select_n3A_585 = arith.select %eq3A_583, %broadcast_in_dim3A_584, %select_n3A_506 : vector<32xi1>, vector<32xf32>
      %eq3A_586 = arith.constant 4 : i32
      %eq3A_587 = vector.broadcast %eq3A_586 : i32 to vector<32xi32>
      %eq3A_588 = arith.cmpi eq, %iota3A_203, %eq3A_587 : vector<32xi32>
      %broadcast_in_dim3A_589 = vector.broadcast %reduce_sum3A_580 : f32 to vector<32xf32>
      %select_n3A_590 = arith.select %eq3A_588, %broadcast_in_dim3A_589, %select_n3A_511 : vector<32xi1>, vector<32xf32>
      %get3A_591 = arith.constant 5 : index
      %get3A_592 = memref.load %arg1[%get3A_591] : memref<25xi32, #tpu.memory_space<smem>>
      %jit3A_593 = arith.constant 128 : i32
      %div3A_594 = arith.divsi %get3A_592, %jit3A_593 : i32
      %sign3A_595 = arith.constant 0 : i32
      %sign3A_596 = arith.cmpi sgt, %get3A_592, %sign3A_595 : i32
      %sign3A_597 = arith.extui %sign3A_596 : i1 to i32
      %sign3A_598 = arith.constant 0 : i32
      %sign3A_599 = arith.cmpi slt, %get3A_592, %sign3A_598 : i32
      %sign3A_600 = arith.extui %sign3A_599 : i1 to i32
      %sign3A_601 = arith.subi %sign3A_597, %sign3A_600 : i32
      %sign3A_602 = arith.constant 0 : i32
      %sign3A_603 = arith.cmpi sgt, %jit3A_593, %sign3A_602 : i32
      %sign3A_604 = arith.extui %sign3A_603 : i1 to i32
      %sign3A_605 = arith.constant 0 : i32
      %sign3A_606 = arith.cmpi slt, %jit3A_593, %sign3A_605 : i32
      %sign3A_607 = arith.extui %sign3A_606 : i1 to i32
      %sign3A_608 = arith.subi %sign3A_604, %sign3A_607 : i32
      %ne3A_609 = arith.cmpi ne, %sign3A_601, %sign3A_608 : i32
      %rem3A_610 = arith.remsi %get3A_592, %jit3A_593 : i32
      %ne3A_611 = arith.constant 0 : i32
      %ne3A_612 = arith.cmpi ne, %rem3A_610, %ne3A_611 : i32
      %and3A_613 = arith.andi %ne3A_609, %ne3A_612 : i1
      %sub3A_614 = arith.constant 1 : i32
      %sub3A_615 = arith.subi %div3A_594, %sub3A_614 : i32
      %select_n3A_616 = arith.select %and3A_613, %sub3A_615, %div3A_594 : i32
      %mul3A_617 = arith.constant 128 : i32
      %mul3A_618 = arith.muli %select_n3A_616, %mul3A_617 : i32
      %multiple_of3A_619 = tpu.assume_multiple %mul3A_618, 128 : i32
      %jit3A_620 = arith.constant 128 : i32
      %eq3A_621 = arith.constant 0 : i32
      %eq3A_622 = arith.cmpi eq, %jit3A_620, %eq3A_621 : i32
      %jit3A_623 = arith.constant 1 : i32
      %select_n3A_624 = arith.select %eq3A_622, %jit3A_623, %jit3A_620 : i32
      %rem3A_625 = arith.remsi %get3A_592, %select_n3A_624 : i32
      %ne3A_626 = arith.constant 0 : i32
      %ne3A_627 = arith.cmpi ne, %rem3A_625, %ne3A_626 : i32
      %lt3A_628 = arith.constant 0 : i32
      %lt3A_629 = arith.cmpi slt, %rem3A_625, %lt3A_628 : i32
      %lt3A_630 = arith.constant 0 : i32
      %lt3A_631 = arith.cmpi slt, %select_n3A_624, %lt3A_630 : i32
      %ne3A_632 = arith.xori %lt3A_629, %lt3A_631 : i1
      %and3A_633 = arith.andi %ne3A_632, %ne3A_627 : i1
      %add3A_634 = arith.addi %rem3A_625, %select_n3A_624 : i32
      %select_n3A_635 = arith.select %and3A_633, %add3A_634, %rem3A_625 : i32
      %eq3A_636 = vector.broadcast %select_n3A_635 : i32 to vector<128xi32>
      %eq3A_637 = arith.cmpi eq, %iota3A_201, %eq3A_636 : vector<128xi32>
      %get3A_638 = arith.index_cast %multiple_of3A_619 : i32 to index
      %get3A_639 = vector.load %arg4[%get3A_638] : memref<100000xf32, #tpu.memory_space<vmem>>, vector<128xf32>
      %jit3A_640 = arith.constant 0.000000e+00 : f32
      %broadcast_in_dim3A_641 = vector.broadcast %jit3A_640 : f32 to vector<128xf32>
      %select_n3A_642 = arith.select %eq3A_637, %get3A_639, %broadcast_in_dim3A_641 : vector<128xi1>, vector<128xf32>
      %reduce_sum3A_643 = vector.shape_cast %select_n3A_642 : vector<128xf32> to vector<1x128xf32>
      %reduce_sum3A_644 = arith.constant dense<0.000000e+00> : vector<1xf32>
      %reduce_sum3A_645 = vector.multi_reduction <add>, %reduce_sum3A_643, %reduce_sum3A_644 [1] : vector<1x128xf32> to vector<1xf32>
      %reduce_sum3A_646 = vector.shape_cast %reduce_sum3A_645 : vector<1xf32> to vector<1x1xf32>
      %reduce_sum3A_647 = vector.extract %reduce_sum3A_646[0, 0] : f32 from vector<1x1xf32>
      %eq3A_648 = vector.broadcast %select_n3A_635 : i32 to vector<128xi32>
      %eq3A_649 = arith.cmpi eq, %iota3A_201, %eq3A_648 : vector<128xi32>
      %get3A_650 = arith.index_cast %multiple_of3A_619 : i32 to index
      %get3A_651 = vector.load %arg5[%get3A_650] : memref<100000xf32, #tpu.memory_space<vmem>>, vector<128xf32>
      %jit3A_652 = arith.constant 0.000000e+00 : f32
      %broadcast_in_dim3A_653 = vector.broadcast %jit3A_652 : f32 to vector<128xf32>
      %select_n3A_654 = arith.select %eq3A_649, %get3A_651, %broadcast_in_dim3A_653 : vector<128xi1>, vector<128xf32>
      %reduce_sum3A_655 = vector.shape_cast %select_n3A_654 : vector<128xf32> to vector<1x128xf32>
      %reduce_sum3A_656 = arith.constant dense<0.000000e+00> : vector<1xf32>
      %reduce_sum3A_657 = vector.multi_reduction <add>, %reduce_sum3A_655, %reduce_sum3A_656 [1] : vector<1x128xf32> to vector<1xf32>
      %reduce_sum3A_658 = vector.shape_cast %reduce_sum3A_657 : vector<1xf32> to vector<1x1xf32>
      %reduce_sum3A_659 = vector.extract %reduce_sum3A_658[0, 0] : f32 from vector<1x1xf32>
      %eq3A_660 = arith.constant 5 : i32
      %eq3A_661 = vector.broadcast %eq3A_660 : i32 to vector<32xi32>
      %eq3A_662 = arith.cmpi eq, %iota3A_203, %eq3A_661 : vector<32xi32>
      %broadcast_in_dim3A_663 = vector.broadcast %reduce_sum3A_647 : f32 to vector<32xf32>
      %select_n3A_664 = arith.select %eq3A_662, %broadcast_in_dim3A_663, %select_n3A_585 : vector<32xi1>, vector<32xf32>
      %eq3A_665 = arith.constant 5 : i32
      %eq3A_666 = vector.broadcast %eq3A_665 : i32 to vector<32xi32>
      %eq3A_667 = arith.cmpi eq, %iota3A_203, %eq3A_666 : vector<32xi32>
      %broadcast_in_dim3A_668 = vector.broadcast %reduce_sum3A_659 : f32 to vector<32xf32>
      %select_n3A_669 = arith.select %eq3A_667, %broadcast_in_dim3A_668, %select_n3A_590 : vector<32xi1>, vector<32xf32>
      %get3A_670 = arith.constant 6 : index
      %get3A_671 = memref.load %arg1[%get3A_670] : memref<25xi32, #tpu.memory_space<smem>>
      %jit3A_672 = arith.constant 128 : i32
      %div3A_673 = arith.divsi %get3A_671, %jit3A_672 : i32
      %sign3A_674 = arith.constant 0 : i32
      %sign3A_675 = arith.cmpi sgt, %get3A_671, %sign3A_674 : i32
      %sign3A_676 = arith.extui %sign3A_675 : i1 to i32
      %sign3A_677 = arith.constant 0 : i32
      %sign3A_678 = arith.cmpi slt, %get3A_671, %sign3A_677 : i32
      %sign3A_679 = arith.extui %sign3A_678 : i1 to i32
      %sign3A_680 = arith.subi %sign3A_676, %sign3A_679 : i32
      %sign3A_681 = arith.constant 0 : i32
      %sign3A_682 = arith.cmpi sgt, %jit3A_672, %sign3A_681 : i32
      %sign3A_683 = arith.extui %sign3A_682 : i1 to i32
      %sign3A_684 = arith.constant 0 : i32
      %sign3A_685 = arith.cmpi slt, %jit3A_672, %sign3A_684 : i32
      %sign3A_686 = arith.extui %sign3A_685 : i1 to i32
      %sign3A_687 = arith.subi %sign3A_683, %sign3A_686 : i32
      %ne3A_688 = arith.cmpi ne, %sign3A_680, %sign3A_687 : i32
      %rem3A_689 = arith.remsi %get3A_671, %jit3A_672 : i32
      %ne3A_690 = arith.constant 0 : i32
      %ne3A_691 = arith.cmpi ne, %rem3A_689, %ne3A_690 : i32
      %and3A_692 = arith.andi %ne3A_688, %ne3A_691 : i1
      %sub3A_693 = arith.constant 1 : i32
      %sub3A_694 = arith.subi %div3A_673, %sub3A_693 : i32
      %select_n3A_695 = arith.select %and3A_692, %sub3A_694, %div3A_673 : i32
      %mul3A_696 = arith.constant 128 : i32
      %mul3A_697 = arith.muli %select_n3A_695, %mul3A_696 : i32
      %multiple_of3A_698 = tpu.assume_multiple %mul3A_697, 128 : i32
      %jit3A_699 = arith.constant 128 : i32
      %eq3A_700 = arith.constant 0 : i32
      %eq3A_701 = arith.cmpi eq, %jit3A_699, %eq3A_700 : i32
      %jit3A_702 = arith.constant 1 : i32
      %select_n3A_703 = arith.select %eq3A_701, %jit3A_702, %jit3A_699 : i32
      %rem3A_704 = arith.remsi %get3A_671, %select_n3A_703 : i32
      %ne3A_705 = arith.constant 0 : i32
      %ne3A_706 = arith.cmpi ne, %rem3A_704, %ne3A_705 : i32
      %lt3A_707 = arith.constant 0 : i32
      %lt3A_708 = arith.cmpi slt, %rem3A_704, %lt3A_707 : i32
      %lt3A_709 = arith.constant 0 : i32
      %lt3A_710 = arith.cmpi slt, %select_n3A_703, %lt3A_709 : i32
      %ne3A_711 = arith.xori %lt3A_708, %lt3A_710 : i1
      %and3A_712 = arith.andi %ne3A_711, %ne3A_706 : i1
      %add3A_713 = arith.addi %rem3A_704, %select_n3A_703 : i32
      %select_n3A_714 = arith.select %and3A_712, %add3A_713, %rem3A_704 : i32
      %eq3A_715 = vector.broadcast %select_n3A_714 : i32 to vector<128xi32>
      %eq3A_716 = arith.cmpi eq, %iota3A_201, %eq3A_715 : vector<128xi32>
      %get3A_717 = arith.index_cast %multiple_of3A_698 : i32 to index
      %get3A_718 = vector.load %arg4[%get3A_717] : memref<100000xf32, #tpu.memory_space<vmem>>, vector<128xf32>
      %jit3A_719 = arith.constant 0.000000e+00 : f32
      %broadcast_in_dim3A_720 = vector.broadcast %jit3A_719 : f32 to vector<128xf32>
      %select_n3A_721 = arith.select %eq3A_716, %get3A_718, %broadcast_in_dim3A_720 : vector<128xi1>, vector<128xf32>
      %reduce_sum3A_722 = vector.shape_cast %select_n3A_721 : vector<128xf32> to vector<1x128xf32>
      %reduce_sum3A_723 = arith.constant dense<0.000000e+00> : vector<1xf32>
      %reduce_sum3A_724 = vector.multi_reduction <add>, %reduce_sum3A_722, %reduce_sum3A_723 [1] : vector<1x128xf32> to vector<1xf32>
      %reduce_sum3A_725 = vector.shape_cast %reduce_sum3A_724 : vector<1xf32> to vector<1x1xf32>
      %reduce_sum3A_726 = vector.extract %reduce_sum3A_725[0, 0] : f32 from vector<1x1xf32>
      %eq3A_727 = vector.broadcast %select_n3A_714 : i32 to vector<128xi32>
      %eq3A_728 = arith.cmpi eq, %iota3A_201, %eq3A_727 : vector<128xi32>
      %get3A_729 = arith.index_cast %multiple_of3A_698 : i32 to index
      %get3A_730 = vector.load %arg5[%get3A_729] : memref<100000xf32, #tpu.memory_space<vmem>>, vector<128xf32>
      %jit3A_731 = arith.constant 0.000000e+00 : f32
      %broadcast_in_dim3A_732 = vector.broadcast %jit3A_731 : f32 to vector<128xf32>
      %select_n3A_733 = arith.select %eq3A_728, %get3A_730, %broadcast_in_dim3A_732 : vector<128xi1>, vector<128xf32>
      %reduce_sum3A_734 = vector.shape_cast %select_n3A_733 : vector<128xf32> to vector<1x128xf32>
      %reduce_sum3A_735 = arith.constant dense<0.000000e+00> : vector<1xf32>
      %reduce_sum3A_736 = vector.multi_reduction <add>, %reduce_sum3A_734, %reduce_sum3A_735 [1] : vector<1x128xf32> to vector<1xf32>
      %reduce_sum3A_737 = vector.shape_cast %reduce_sum3A_736 : vector<1xf32> to vector<1x1xf32>
      %reduce_sum3A_738 = vector.extract %reduce_sum3A_737[0, 0] : f32 from vector<1x1xf32>
      %eq3A_739 = arith.constant 6 : i32
      %eq3A_740 = vector.broadcast %eq3A_739 : i32 to vector<32xi32>
      %eq3A_741 = arith.cmpi eq, %iota3A_203, %eq3A_740 : vector<32xi32>
      %broadcast_in_dim3A_742 = vector.broadcast %reduce_sum3A_726 : f32 to vector<32xf32>
      %select_n3A_743 = arith.select %eq3A_741, %broadcast_in_dim3A_742, %select_n3A_664 : vector<32xi1>, vector<32xf32>
      %eq3A_744 = arith.constant 6 : i32
      %eq3A_745 = vector.broadcast %eq3A_744 : i32 to vector<32xi32>
      %eq3A_746 = arith.cmpi eq, %iota3A_203, %eq3A_745 : vector<32xi32>
      %broadcast_in_dim3A_747 = vector.broadcast %reduce_sum3A_738 : f32 to vector<32xf32>
      %select_n3A_748 = arith.select %eq3A_746, %broadcast_in_dim3A_747, %select_n3A_669 : vector<32xi1>, vector<32xf32>
      %get3A_749 = arith.constant 7 : index
      %get3A_750 = memref.load %arg1[%get3A_749] : memref<25xi32, #tpu.memory_space<smem>>
      %jit3A_751 = arith.constant 128 : i32
      %div3A_752 = arith.divsi %get3A_750, %jit3A_751 : i32
      %sign3A_753 = arith.constant 0 : i32
      %sign3A_754 = arith.cmpi sgt, %get3A_750, %sign3A_753 : i32
      %sign3A_755 = arith.extui %sign3A_754 : i1 to i32
      %sign3A_756 = arith.constant 0 : i32
      %sign3A_757 = arith.cmpi slt, %get3A_750, %sign3A_756 : i32
      %sign3A_758 = arith.extui %sign3A_757 : i1 to i32
      %sign3A_759 = arith.subi %sign3A_755, %sign3A_758 : i32
      %sign3A_760 = arith.constant 0 : i32
      %sign3A_761 = arith.cmpi sgt, %jit3A_751, %sign3A_760 : i32
      %sign3A_762 = arith.extui %sign3A_761 : i1 to i32
      %sign3A_763 = arith.constant 0 : i32
      %sign3A_764 = arith.cmpi slt, %jit3A_751, %sign3A_763 : i32
      %sign3A_765 = arith.extui %sign3A_764 : i1 to i32
      %sign3A_766 = arith.subi %sign3A_762, %sign3A_765 : i32
      %ne3A_767 = arith.cmpi ne, %sign3A_759, %sign3A_766 : i32
      %rem3A_768 = arith.remsi %get3A_750, %jit3A_751 : i32
      %ne3A_769 = arith.constant 0 : i32
      %ne3A_770 = arith.cmpi ne, %rem3A_768, %ne3A_769 : i32
      %and3A_771 = arith.andi %ne3A_767, %ne3A_770 : i1
      %sub3A_772 = arith.constant 1 : i32
      %sub3A_773 = arith.subi %div3A_752, %sub3A_772 : i32
      %select_n3A_774 = arith.select %and3A_771, %sub3A_773, %div3A_752 : i32
      %mul3A_775 = arith.constant 128 : i32
      %mul3A_776 = arith.muli %select_n3A_774, %mul3A_775 : i32
      %multiple_of3A_777 = tpu.assume_multiple %mul3A_776, 128 : i32
      %jit3A_778 = arith.constant 128 : i32
      %eq3A_779 = arith.constant 0 : i32
      %eq3A_780 = arith.cmpi eq, %jit3A_778, %eq3A_779 : i32
      %jit3A_781 = arith.constant 1 : i32
      %select_n3A_782 = arith.select %eq3A_780, %jit3A_781, %jit3A_778 : i32
      %rem3A_783 = arith.remsi %get3A_750, %select_n3A_782 : i32
      %ne3A_784 = arith.constant 0 : i32
      %ne3A_785 = arith.cmpi ne, %rem3A_783, %ne3A_784 : i32
      %lt3A_786 = arith.constant 0 : i32
      %lt3A_787 = arith.cmpi slt, %rem3A_783, %lt3A_786 : i32
      %lt3A_788 = arith.constant 0 : i32
      %lt3A_789 = arith.cmpi slt, %select_n3A_782, %lt3A_788 : i32
      %ne3A_790 = arith.xori %lt3A_787, %lt3A_789 : i1
      %and3A_791 = arith.andi %ne3A_790, %ne3A_785 : i1
      %add3A_792 = arith.addi %rem3A_783, %select_n3A_782 : i32
      %select_n3A_793 = arith.select %and3A_791, %add3A_792, %rem3A_783 : i32
      %eq3A_794 = vector.broadcast %select_n3A_793 : i32 to vector<128xi32>
      %eq3A_795 = arith.cmpi eq, %iota3A_201, %eq3A_794 : vector<128xi32>
      %get3A_796 = arith.index_cast %multiple_of3A_777 : i32 to index
      %get3A_797 = vector.load %arg4[%get3A_796] : memref<100000xf32, #tpu.memory_space<vmem>>, vector<128xf32>
      %jit3A_798 = arith.constant 0.000000e+00 : f32
      %broadcast_in_dim3A_799 = vector.broadcast %jit3A_798 : f32 to vector<128xf32>
      %select_n3A_800 = arith.select %eq3A_795, %get3A_797, %broadcast_in_dim3A_799 : vector<128xi1>, vector<128xf32>
      %reduce_sum3A_801 = vector.shape_cast %select_n3A_800 : vector<128xf32> to vector<1x128xf32>
      %reduce_sum3A_802 = arith.constant dense<0.000000e+00> : vector<1xf32>
      %reduce_sum3A_803 = vector.multi_reduction <add>, %reduce_sum3A_801, %reduce_sum3A_802 [1] : vector<1x128xf32> to vector<1xf32>
      %reduce_sum3A_804 = vector.shape_cast %reduce_sum3A_803 : vector<1xf32> to vector<1x1xf32>
      %reduce_sum3A_805 = vector.extract %reduce_sum3A_804[0, 0] : f32 from vector<1x1xf32>
      %eq3A_806 = vector.broadcast %select_n3A_793 : i32 to vector<128xi32>
      %eq3A_807 = arith.cmpi eq, %iota3A_201, %eq3A_806 : vector<128xi32>
      %get3A_808 = arith.index_cast %multiple_of3A_777 : i32 to index
      %get3A_809 = vector.load %arg5[%get3A_808] : memref<100000xf32, #tpu.memory_space<vmem>>, vector<128xf32>
      %jit3A_810 = arith.constant 0.000000e+00 : f32
      %broadcast_in_dim3A_811 = vector.broadcast %jit3A_810 : f32 to vector<128xf32>
      %select_n3A_812 = arith.select %eq3A_807, %get3A_809, %broadcast_in_dim3A_811 : vector<128xi1>, vector<128xf32>
      %reduce_sum3A_813 = vector.shape_cast %select_n3A_812 : vector<128xf32> to vector<1x128xf32>
      %reduce_sum3A_814 = arith.constant dense<0.000000e+00> : vector<1xf32>
      %reduce_sum3A_815 = vector.multi_reduction <add>, %reduce_sum3A_813, %reduce_sum3A_814 [1] : vector<1x128xf32> to vector<1xf32>
      %reduce_sum3A_816 = vector.shape_cast %reduce_sum3A_815 : vector<1xf32> to vector<1x1xf32>
      %reduce_sum3A_817 = vector.extract %reduce_sum3A_816[0, 0] : f32 from vector<1x1xf32>
      %eq3A_818 = arith.constant 7 : i32
      %eq3A_819 = vector.broadcast %eq3A_818 : i32 to vector<32xi32>
      %eq3A_820 = arith.cmpi eq, %iota3A_203, %eq3A_819 : vector<32xi32>
      %broadcast_in_dim3A_821 = vector.broadcast %reduce_sum3A_805 : f32 to vector<32xf32>
      %select_n3A_822 = arith.select %eq3A_820, %broadcast_in_dim3A_821, %select_n3A_743 : vector<32xi1>, vector<32xf32>
      %eq3A_823 = arith.constant 7 : i32
      %eq3A_824 = vector.broadcast %eq3A_823 : i32 to vector<32xi32>
      %eq3A_825 = arith.cmpi eq, %iota3A_203, %eq3A_824 : vector<32xi32>
      %broadcast_in_dim3A_826 = vector.broadcast %reduce_sum3A_817 : f32 to vector<32xf32>
      %select_n3A_827 = arith.select %eq3A_825, %broadcast_in_dim3A_826, %select_n3A_748 : vector<32xi1>, vector<32xf32>
      %get3A_828 = arith.constant 8 : index
      %get3A_829 = memref.load %arg1[%get3A_828] : memref<25xi32, #tpu.memory_space<smem>>
      %jit3A_830 = arith.constant 128 : i32
      %div3A_831 = arith.divsi %get3A_829, %jit3A_830 : i32
      %sign3A_832 = arith.constant 0 : i32
      %sign3A_833 = arith.cmpi sgt, %get3A_829, %sign3A_832 : i32
      %sign3A_834 = arith.extui %sign3A_833 : i1 to i32
      %sign3A_835 = arith.constant 0 : i32
      %sign3A_836 = arith.cmpi slt, %get3A_829, %sign3A_835 : i32
      %sign3A_837 = arith.extui %sign3A_836 : i1 to i32
      %sign3A_838 = arith.subi %sign3A_834, %sign3A_837 : i32
      %sign3A_839 = arith.constant 0 : i32
      %sign3A_840 = arith.cmpi sgt, %jit3A_830, %sign3A_839 : i32
      %sign3A_841 = arith.extui %sign3A_840 : i1 to i32
      %sign3A_842 = arith.constant 0 : i32
      %sign3A_843 = arith.cmpi slt, %jit3A_830, %sign3A_842 : i32
      %sign3A_844 = arith.extui %sign3A_843 : i1 to i32
      %sign3A_845 = arith.subi %sign3A_841, %sign3A_844 : i32
      %ne3A_846 = arith.cmpi ne, %sign3A_838, %sign3A_845 : i32
      %rem3A_847 = arith.remsi %get3A_829, %jit3A_830 : i32
      %ne3A_848 = arith.constant 0 : i32
      %ne3A_849 = arith.cmpi ne, %rem3A_847, %ne3A_848 : i32
      %and3A_850 = arith.andi %ne3A_846, %ne3A_849 : i1
      %sub3A_851 = arith.constant 1 : i32
      %sub3A_852 = arith.subi %div3A_831, %sub3A_851 : i32
      %select_n3A_853 = arith.select %and3A_850, %sub3A_852, %div3A_831 : i32
      %mul3A_854 = arith.constant 128 : i32
      %mul3A_855 = arith.muli %select_n3A_853, %mul3A_854 : i32
      %multiple_of3A_856 = tpu.assume_multiple %mul3A_855, 128 : i32
      %jit3A_857 = arith.constant 128 : i32
      %eq3A_858 = arith.constant 0 : i32
      %eq3A_859 = arith.cmpi eq, %jit3A_857, %eq3A_858 : i32
      %jit3A_860 = arith.constant 1 : i32
      %select_n3A_861 = arith.select %eq3A_859, %jit3A_860, %jit3A_857 : i32
      %rem3A_862 = arith.remsi %get3A_829, %select_n3A_861 : i32
      %ne3A_863 = arith.constant 0 : i32
      %ne3A_864 = arith.cmpi ne, %rem3A_862, %ne3A_863 : i32
      %lt3A_865 = arith.constant 0 : i32
      %lt3A_866 = arith.cmpi slt, %rem3A_862, %lt3A_865 : i32
      %lt3A_867 = arith.constant 0 : i32
      %lt3A_868 = arith.cmpi slt, %select_n3A_861, %lt3A_867 : i32
      %ne3A_869 = arith.xori %lt3A_866, %lt3A_868 : i1
      %and3A_870 = arith.andi %ne3A_869, %ne3A_864 : i1
      %add3A_871 = arith.addi %rem3A_862, %select_n3A_861 : i32
      %select_n3A_872 = arith.select %and3A_870, %add3A_871, %rem3A_862 : i32
      %eq3A_873 = vector.broadcast %select_n3A_872 : i32 to vector<128xi32>
      %eq3A_874 = arith.cmpi eq, %iota3A_201, %eq3A_873 : vector<128xi32>
      %get3A_875 = arith.index_cast %multiple_of3A_856 : i32 to index
      %get3A_876 = vector.load %arg4[%get3A_875] : memref<100000xf32, #tpu.memory_space<vmem>>, vector<128xf32>
      %jit3A_877 = arith.constant 0.000000e+00 : f32
      %broadcast_in_dim3A_878 = vector.broadcast %jit3A_877 : f32 to vector<128xf32>
      %select_n3A_879 = arith.select %eq3A_874, %get3A_876, %broadcast_in_dim3A_878 : vector<128xi1>, vector<128xf32>
      %reduce_sum3A_880 = vector.shape_cast %select_n3A_879 : vector<128xf32> to vector<1x128xf32>
      %reduce_sum3A_881 = arith.constant dense<0.000000e+00> : vector<1xf32>
      %reduce_sum3A_882 = vector.multi_reduction <add>, %reduce_sum3A_880, %reduce_sum3A_881 [1] : vector<1x128xf32> to vector<1xf32>
      %reduce_sum3A_883 = vector.shape_cast %reduce_sum3A_882 : vector<1xf32> to vector<1x1xf32>
      %reduce_sum3A_884 = vector.extract %reduce_sum3A_883[0, 0] : f32 from vector<1x1xf32>
      %eq3A_885 = vector.broadcast %select_n3A_872 : i32 to vector<128xi32>
      %eq3A_886 = arith.cmpi eq, %iota3A_201, %eq3A_885 : vector<128xi32>
      %get3A_887 = arith.index_cast %multiple_of3A_856 : i32 to index
      %get3A_888 = vector.load %arg5[%get3A_887] : memref<100000xf32, #tpu.memory_space<vmem>>, vector<128xf32>
      %jit3A_889 = arith.constant 0.000000e+00 : f32
      %broadcast_in_dim3A_890 = vector.broadcast %jit3A_889 : f32 to vector<128xf32>
      %select_n3A_891 = arith.select %eq3A_886, %get3A_888, %broadcast_in_dim3A_890 : vector<128xi1>, vector<128xf32>
      %reduce_sum3A_892 = vector.shape_cast %select_n3A_891 : vector<128xf32> to vector<1x128xf32>
      %reduce_sum3A_893 = arith.constant dense<0.000000e+00> : vector<1xf32>
      %reduce_sum3A_894 = vector.multi_reduction <add>, %reduce_sum3A_892, %reduce_sum3A_893 [1] : vector<1x128xf32> to vector<1xf32>
      %reduce_sum3A_895 = vector.shape_cast %reduce_sum3A_894 : vector<1xf32> to vector<1x1xf32>
      %reduce_sum3A_896 = vector.extract %reduce_sum3A_895[0, 0] : f32 from vector<1x1xf32>
      %eq3A_897 = arith.constant 8 : i32
      %eq3A_898 = vector.broadcast %eq3A_897 : i32 to vector<32xi32>
      %eq3A_899 = arith.cmpi eq, %iota3A_203, %eq3A_898 : vector<32xi32>
      %broadcast_in_dim3A_900 = vector.broadcast %reduce_sum3A_884 : f32 to vector<32xf32>
      %select_n3A_901 = arith.select %eq3A_899, %broadcast_in_dim3A_900, %select_n3A_822 : vector<32xi1>, vector<32xf32>
      %eq3A_902 = arith.constant 8 : i32
      %eq3A_903 = vector.broadcast %eq3A_902 : i32 to vector<32xi32>
      %eq3A_904 = arith.cmpi eq, %iota3A_203, %eq3A_903 : vector<32xi32>
      %broadcast_in_dim3A_905 = vector.broadcast %reduce_sum3A_896 : f32 to vector<32xf32>
      %select_n3A_906 = arith.select %eq3A_904, %broadcast_in_dim3A_905, %select_n3A_827 : vector<32xi1>, vector<32xf32>
      %get3A_907 = arith.constant 9 : index
      %get3A_908 = memref.load %arg1[%get3A_907] : memref<25xi32, #tpu.memory_space<smem>>
      %jit3A_909 = arith.constant 128 : i32
      %div3A_910 = arith.divsi %get3A_908, %jit3A_909 : i32
      %sign3A_911 = arith.constant 0 : i32
      %sign3A_912 = arith.cmpi sgt, %get3A_908, %sign3A_911 : i32
      %sign3A_913 = arith.extui %sign3A_912 : i1 to i32
      %sign3A_914 = arith.constant 0 : i32
      %sign3A_915 = arith.cmpi slt, %get3A_908, %sign3A_914 : i32
      %sign3A_916 = arith.extui %sign3A_915 : i1 to i32
      %sign3A_917 = arith.subi %sign3A_913, %sign3A_916 : i32
      %sign3A_918 = arith.constant 0 : i32
      %sign3A_919 = arith.cmpi sgt, %jit3A_909, %sign3A_918 : i32
      %sign3A_920 = arith.extui %sign3A_919 : i1 to i32
      %sign3A_921 = arith.constant 0 : i32
      %sign3A_922 = arith.cmpi slt, %jit3A_909, %sign3A_921 : i32
      %sign3A_923 = arith.extui %sign3A_922 : i1 to i32
      %sign3A_924 = arith.subi %sign3A_920, %sign3A_923 : i32
      %ne3A_925 = arith.cmpi ne, %sign3A_917, %sign3A_924 : i32
      %rem3A_926 = arith.remsi %get3A_908, %jit3A_909 : i32
      %ne3A_927 = arith.constant 0 : i32
      %ne3A_928 = arith.cmpi ne, %rem3A_926, %ne3A_927 : i32
      %and3A_929 = arith.andi %ne3A_925, %ne3A_928 : i1
      %sub3A_930 = arith.constant 1 : i32
      %sub3A_931 = arith.subi %div3A_910, %sub3A_930 : i32
      %select_n3A_932 = arith.select %and3A_929, %sub3A_931, %div3A_910 : i32
      %mul3A_933 = arith.constant 128 : i32
      %mul3A_934 = arith.muli %select_n3A_932, %mul3A_933 : i32
      %multiple_of3A_935 = tpu.assume_multiple %mul3A_934, 128 : i32
      %jit3A_936 = arith.constant 128 : i32
      %eq3A_937 = arith.constant 0 : i32
      %eq3A_938 = arith.cmpi eq, %jit3A_936, %eq3A_937 : i32
      %jit3A_939 = arith.constant 1 : i32
      %select_n3A_940 = arith.select %eq3A_938, %jit3A_939, %jit3A_936 : i32
      %rem3A_941 = arith.remsi %get3A_908, %select_n3A_940 : i32
      %ne3A_942 = arith.constant 0 : i32
      %ne3A_943 = arith.cmpi ne, %rem3A_941, %ne3A_942 : i32
      %lt3A_944 = arith.constant 0 : i32
      %lt3A_945 = arith.cmpi slt, %rem3A_941, %lt3A_944 : i32
      %lt3A_946 = arith.constant 0 : i32
      %lt3A_947 = arith.cmpi slt, %select_n3A_940, %lt3A_946 : i32
      %ne3A_948 = arith.xori %lt3A_945, %lt3A_947 : i1
      %and3A_949 = arith.andi %ne3A_948, %ne3A_943 : i1
      %add3A_950 = arith.addi %rem3A_941, %select_n3A_940 : i32
      %select_n3A_951 = arith.select %and3A_949, %add3A_950, %rem3A_941 : i32
      %eq3A_952 = vector.broadcast %select_n3A_951 : i32 to vector<128xi32>
      %eq3A_953 = arith.cmpi eq, %iota3A_201, %eq3A_952 : vector<128xi32>
      %get3A_954 = arith.index_cast %multiple_of3A_935 : i32 to index
      %get3A_955 = vector.load %arg4[%get3A_954] : memref<100000xf32, #tpu.memory_space<vmem>>, vector<128xf32>
      %jit3A_956 = arith.constant 0.000000e+00 : f32
      %broadcast_in_dim3A_957 = vector.broadcast %jit3A_956 : f32 to vector<128xf32>
      %select_n3A_958 = arith.select %eq3A_953, %get3A_955, %broadcast_in_dim3A_957 : vector<128xi1>, vector<128xf32>
      %reduce_sum3A_959 = vector.shape_cast %select_n3A_958 : vector<128xf32> to vector<1x128xf32>
      %reduce_sum3A_960 = arith.constant dense<0.000000e+00> : vector<1xf32>
      %reduce_sum3A_961 = vector.multi_reduction <add>, %reduce_sum3A_959, %reduce_sum3A_960 [1] : vector<1x128xf32> to vector<1xf32>
      %reduce_sum3A_962 = vector.shape_cast %reduce_sum3A_961 : vector<1xf32> to vector<1x1xf32>
      %reduce_sum3A_963 = vector.extract %reduce_sum3A_962[0, 0] : f32 from vector<1x1xf32>
      %eq3A_964 = vector.broadcast %select_n3A_951 : i32 to vector<128xi32>
      %eq3A_965 = arith.cmpi eq, %iota3A_201, %eq3A_964 : vector<128xi32>
      %get3A_966 = arith.index_cast %multiple_of3A_935 : i32 to index
      %get3A_967 = vector.load %arg5[%get3A_966] : memref<100000xf32, #tpu.memory_space<vmem>>, vector<128xf32>
      %jit3A_968 = arith.constant 0.000000e+00 : f32
      %broadcast_in_dim3A_969 = vector.broadcast %jit3A_968 : f32 to vector<128xf32>
      %select_n3A_970 = arith.select %eq3A_965, %get3A_967, %broadcast_in_dim3A_969 : vector<128xi1>, vector<128xf32>
      %reduce_sum3A_971 = vector.shape_cast %select_n3A_970 : vector<128xf32> to vector<1x128xf32>
      %reduce_sum3A_972 = arith.constant dense<0.000000e+00> : vector<1xf32>
      %reduce_sum3A_973 = vector.multi_reduction <add>, %reduce_sum3A_971, %reduce_sum3A_972 [1] : vector<1x128xf32> to vector<1xf32>
      %reduce_sum3A_974 = vector.shape_cast %reduce_sum3A_973 : vector<1xf32> to vector<1x1xf32>
      %reduce_sum3A_975 = vector.extract %reduce_sum3A_974[0, 0] : f32 from vector<1x1xf32>
      %eq3A_976 = arith.constant 9 : i32
      %eq3A_977 = vector.broadcast %eq3A_976 : i32 to vector<32xi32>
      %eq3A_978 = arith.cmpi eq, %iota3A_203, %eq3A_977 : vector<32xi32>
      %broadcast_in_dim3A_979 = vector.broadcast %reduce_sum3A_963 : f32 to vector<32xf32>
      %select_n3A_980 = arith.select %eq3A_978, %broadcast_in_dim3A_979, %select_n3A_901 : vector<32xi1>, vector<32xf32>
      %eq3A_981 = arith.constant 9 : i32
      %eq3A_982 = vector.broadcast %eq3A_981 : i32 to vector<32xi32>
      %eq3A_983 = arith.cmpi eq, %iota3A_203, %eq3A_982 : vector<32xi32>
      %broadcast_in_dim3A_984 = vector.broadcast %reduce_sum3A_975 : f32 to vector<32xf32>
      %select_n3A_985 = arith.select %eq3A_983, %broadcast_in_dim3A_984, %select_n3A_906 : vector<32xi1>, vector<32xf32>
      %get3A_986 = arith.constant 10 : index
      %get3A_987 = memref.load %arg1[%get3A_986] : memref<25xi32, #tpu.memory_space<smem>>
      %jit3A_988 = arith.constant 128 : i32
      %div3A_989 = arith.divsi %get3A_987, %jit3A_988 : i32
      %sign3A_990 = arith.constant 0 : i32
      %sign3A_991 = arith.cmpi sgt, %get3A_987, %sign3A_990 : i32
      %sign3A_992 = arith.extui %sign3A_991 : i1 to i32
      %sign3A_993 = arith.constant 0 : i32
      %sign3A_994 = arith.cmpi slt, %get3A_987, %sign3A_993 : i32
      %sign3A_995 = arith.extui %sign3A_994 : i1 to i32
      %sign3A_996 = arith.subi %sign3A_992, %sign3A_995 : i32
      %sign3A_997 = arith.constant 0 : i32
      %sign3A_998 = arith.cmpi sgt, %jit3A_988, %sign3A_997 : i32
      %sign3A_999 = arith.extui %sign3A_998 : i1 to i32
      %sign3A_1000 = arith.constant 0 : i32
      %sign3A_1001 = arith.cmpi slt, %jit3A_988, %sign3A_1000 : i32
      %sign3A_1002 = arith.extui %sign3A_1001 : i1 to i32
      %sign3A_1003 = arith.subi %sign3A_999, %sign3A_1002 : i32
      %ne3A_1004 = arith.cmpi ne, %sign3A_996, %sign3A_1003 : i32
      %rem3A_1005 = arith.remsi %get3A_987, %jit3A_988 : i32
      %ne3A_1006 = arith.constant 0 : i32
      %ne3A_1007 = arith.cmpi ne, %rem3A_1005, %ne3A_1006 : i32
      %and3A_1008 = arith.andi %ne3A_1004, %ne3A_1007 : i1
      %sub3A_1009 = arith.constant 1 : i32
      %sub3A_1010 = arith.subi %div3A_989, %sub3A_1009 : i32
      %select_n3A_1011 = arith.select %and3A_1008, %sub3A_1010, %div3A_989 : i32
      %mul3A_1012 = arith.constant 128 : i32
      %mul3A_1013 = arith.muli %select_n3A_1011, %mul3A_1012 : i32
      %multiple_of3A_1014 = tpu.assume_multiple %mul3A_1013, 128 : i32
      %jit3A_1015 = arith.constant 128 : i32
      %eq3A_1016 = arith.constant 0 : i32
      %eq3A_1017 = arith.cmpi eq, %jit3A_1015, %eq3A_1016 : i32
      %jit3A_1018 = arith.constant 1 : i32
      %select_n3A_1019 = arith.select %eq3A_1017, %jit3A_1018, %jit3A_1015 : i32
      %rem3A_1020 = arith.remsi %get3A_987, %select_n3A_1019 : i32
      %ne3A_1021 = arith.constant 0 : i32
      %ne3A_1022 = arith.cmpi ne, %rem3A_1020, %ne3A_1021 : i32
      %lt3A_1023 = arith.constant 0 : i32
      %lt3A_1024 = arith.cmpi slt, %rem3A_1020, %lt3A_1023 : i32
      %lt3A_1025 = arith.constant 0 : i32
      %lt3A_1026 = arith.cmpi slt, %select_n3A_1019, %lt3A_1025 : i32
      %ne3A_1027 = arith.xori %lt3A_1024, %lt3A_1026 : i1
      %and3A_1028 = arith.andi %ne3A_1027, %ne3A_1022 : i1
      %add3A_1029 = arith.addi %rem3A_1020, %select_n3A_1019 : i32
      %select_n3A_1030 = arith.select %and3A_1028, %add3A_1029, %rem3A_1020 : i32
      %eq3A_1031 = vector.broadcast %select_n3A_1030 : i32 to vector<128xi32>
      %eq3A_1032 = arith.cmpi eq, %iota3A_201, %eq3A_1031 : vector<128xi32>
      %get3A_1033 = arith.index_cast %multiple_of3A_1014 : i32 to index
      %get3A_1034 = vector.load %arg4[%get3A_1033] : memref<100000xf32, #tpu.memory_space<vmem>>, vector<128xf32>
      %jit3A_1035 = arith.constant 0.000000e+00 : f32
      %broadcast_in_dim3A_1036 = vector.broadcast %jit3A_1035 : f32 to vector<128xf32>
      %select_n3A_1037 = arith.select %eq3A_1032, %get3A_1034, %broadcast_in_dim3A_1036 : vector<128xi1>, vector<128xf32>
      %reduce_sum3A_1038 = vector.shape_cast %select_n3A_1037 : vector<128xf32> to vector<1x128xf32>
      %reduce_sum3A_1039 = arith.constant dense<0.000000e+00> : vector<1xf32>
      %reduce_sum3A_1040 = vector.multi_reduction <add>, %reduce_sum3A_1038, %reduce_sum3A_1039 [1] : vector<1x128xf32> to vector<1xf32>
      %reduce_sum3A_1041 = vector.shape_cast %reduce_sum3A_1040 : vector<1xf32> to vector<1x1xf32>
      %reduce_sum3A_1042 = vector.extract %reduce_sum3A_1041[0, 0] : f32 from vector<1x1xf32>
      %eq3A_1043 = vector.broadcast %select_n3A_1030 : i32 to vector<128xi32>
      %eq3A_1044 = arith.cmpi eq, %iota3A_201, %eq3A_1043 : vector<128xi32>
      %get3A_1045 = arith.index_cast %multiple_of3A_1014 : i32 to index
      %get3A_1046 = vector.load %arg5[%get3A_1045] : memref<100000xf32, #tpu.memory_space<vmem>>, vector<128xf32>
      %jit3A_1047 = arith.constant 0.000000e+00 : f32
      %broadcast_in_dim3A_1048 = vector.broadcast %jit3A_1047 : f32 to vector<128xf32>
      %select_n3A_1049 = arith.select %eq3A_1044, %get3A_1046, %broadcast_in_dim3A_1048 : vector<128xi1>, vector<128xf32>
      %reduce_sum3A_1050 = vector.shape_cast %select_n3A_1049 : vector<128xf32> to vector<1x128xf32>
      %reduce_sum3A_1051 = arith.constant dense<0.000000e+00> : vector<1xf32>
      %reduce_sum3A_1052 = vector.multi_reduction <add>, %reduce_sum3A_1050, %reduce_sum3A_1051 [1] : vector<1x128xf32> to vector<1xf32>
      %reduce_sum3A_1053 = vector.shape_cast %reduce_sum3A_1052 : vector<1xf32> to vector<1x1xf32>
      %reduce_sum3A_1054 = vector.extract %reduce_sum3A_1053[0, 0] : f32 from vector<1x1xf32>
      %eq3A_1055 = arith.constant 10 : i32
      %eq3A_1056 = vector.broadcast %eq3A_1055 : i32 to vector<32xi32>
      %eq3A_1057 = arith.cmpi eq, %iota3A_203, %eq3A_1056 : vector<32xi32>
      %broadcast_in_dim3A_1058 = vector.broadcast %reduce_sum3A_1042 : f32 to vector<32xf32>
      %select_n3A_1059 = arith.select %eq3A_1057, %broadcast_in_dim3A_1058, %select_n3A_980 : vector<32xi1>, vector<32xf32>
      %eq3A_1060 = arith.constant 10 : i32
      %eq3A_1061 = vector.broadcast %eq3A_1060 : i32 to vector<32xi32>
      %eq3A_1062 = arith.cmpi eq, %iota3A_203, %eq3A_1061 : vector<32xi32>
      %broadcast_in_dim3A_1063 = vector.broadcast %reduce_sum3A_1054 : f32 to vector<32xf32>
      %select_n3A_1064 = arith.select %eq3A_1062, %broadcast_in_dim3A_1063, %select_n3A_985 : vector<32xi1>, vector<32xf32>
      %get3A_1065 = arith.constant 11 : index
      %get3A_1066 = memref.load %arg1[%get3A_1065] : memref<25xi32, #tpu.memory_space<smem>>
      %jit3A_1067 = arith.constant 128 : i32
      %div3A_1068 = arith.divsi %get3A_1066, %jit3A_1067 : i32
      %sign3A_1069 = arith.constant 0 : i32
      %sign3A_1070 = arith.cmpi sgt, %get3A_1066, %sign3A_1069 : i32
      %sign3A_1071 = arith.extui %sign3A_1070 : i1 to i32
      %sign3A_1072 = arith.constant 0 : i32
      %sign3A_1073 = arith.cmpi slt, %get3A_1066, %sign3A_1072 : i32
      %sign3A_1074 = arith.extui %sign3A_1073 : i1 to i32
      %sign3A_1075 = arith.subi %sign3A_1071, %sign3A_1074 : i32
      %sign3A_1076 = arith.constant 0 : i32
      %sign3A_1077 = arith.cmpi sgt, %jit3A_1067, %sign3A_1076 : i32
      %sign3A_1078 = arith.extui %sign3A_1077 : i1 to i32
      %sign3A_1079 = arith.constant 0 : i32
      %sign3A_1080 = arith.cmpi slt, %jit3A_1067, %sign3A_1079 : i32
      %sign3A_1081 = arith.extui %sign3A_1080 : i1 to i32
      %sign3A_1082 = arith.subi %sign3A_1078, %sign3A_1081 : i32
      %ne3A_1083 = arith.cmpi ne, %sign3A_1075, %sign3A_1082 : i32
      %rem3A_1084 = arith.remsi %get3A_1066, %jit3A_1067 : i32
      %ne3A_1085 = arith.constant 0 : i32
      %ne3A_1086 = arith.cmpi ne, %rem3A_1084, %ne3A_1085 : i32
      %and3A_1087 = arith.andi %ne3A_1083, %ne3A_1086 : i1
      %sub3A_1088 = arith.constant 1 : i32
      %sub3A_1089 = arith.subi %div3A_1068, %sub3A_1088 : i32
      %select_n3A_1090 = arith.select %and3A_1087, %sub3A_1089, %div3A_1068 : i32
      %mul3A_1091 = arith.constant 128 : i32
      %mul3A_1092 = arith.muli %select_n3A_1090, %mul3A_1091 : i32
      %multiple_of3A_1093 = tpu.assume_multiple %mul3A_1092, 128 : i32
      %jit3A_1094 = arith.constant 128 : i32
      %eq3A_1095 = arith.constant 0 : i32
      %eq3A_1096 = arith.cmpi eq, %jit3A_1094, %eq3A_1095 : i32
      %jit3A_1097 = arith.constant 1 : i32
      %select_n3A_1098 = arith.select %eq3A_1096, %jit3A_1097, %jit3A_1094 : i32
      %rem3A_1099 = arith.remsi %get3A_1066, %select_n3A_1098 : i32
      %ne3A_1100 = arith.constant 0 : i32
      %ne3A_1101 = arith.cmpi ne, %rem3A_1099, %ne3A_1100 : i32
      %lt3A_1102 = arith.constant 0 : i32
      %lt3A_1103 = arith.cmpi slt, %rem3A_1099, %lt3A_1102 : i32
      %lt3A_1104 = arith.constant 0 : i32
      %lt3A_1105 = arith.cmpi slt, %select_n3A_1098, %lt3A_1104 : i32
      %ne3A_1106 = arith.xori %lt3A_1103, %lt3A_1105 : i1
      %and3A_1107 = arith.andi %ne3A_1106, %ne3A_1101 : i1
      %add3A_1108 = arith.addi %rem3A_1099, %select_n3A_1098 : i32
      %select_n3A_1109 = arith.select %and3A_1107, %add3A_1108, %rem3A_1099 : i32
      %eq3A_1110 = vector.broadcast %select_n3A_1109 : i32 to vector<128xi32>
      %eq3A_1111 = arith.cmpi eq, %iota3A_201, %eq3A_1110 : vector<128xi32>
      %get3A_1112 = arith.index_cast %multiple_of3A_1093 : i32 to index
      %get3A_1113 = vector.load %arg4[%get3A_1112] : memref<100000xf32, #tpu.memory_space<vmem>>, vector<128xf32>
      %jit3A_1114 = arith.constant 0.000000e+00 : f32
      %broadcast_in_dim3A_1115 = vector.broadcast %jit3A_1114 : f32 to vector<128xf32>
      %select_n3A_1116 = arith.select %eq3A_1111, %get3A_1113, %broadcast_in_dim3A_1115 : vector<128xi1>, vector<128xf32>
      %reduce_sum3A_1117 = vector.shape_cast %select_n3A_1116 : vector<128xf32> to vector<1x128xf32>
      %reduce_sum3A_1118 = arith.constant dense<0.000000e+00> : vector<1xf32>
      %reduce_sum3A_1119 = vector.multi_reduction <add>, %reduce_sum3A_1117, %reduce_sum3A_1118 [1] : vector<1x128xf32> to vector<1xf32>
      %reduce_sum3A_1120 = vector.shape_cast %reduce_sum3A_1119 : vector<1xf32> to vector<1x1xf32>
      %reduce_sum3A_1121 = vector.extract %reduce_sum3A_1120[0, 0] : f32 from vector<1x1xf32>
      %eq3A_1122 = vector.broadcast %select_n3A_1109 : i32 to vector<128xi32>
      %eq3A_1123 = arith.cmpi eq, %iota3A_201, %eq3A_1122 : vector<128xi32>
      %get3A_1124 = arith.index_cast %multiple_of3A_1093 : i32 to index
      %get3A_1125 = vector.load %arg5[%get3A_1124] : memref<100000xf32, #tpu.memory_space<vmem>>, vector<128xf32>
      %jit3A_1126 = arith.constant 0.000000e+00 : f32
      %broadcast_in_dim3A_1127 = vector.broadcast %jit3A_1126 : f32 to vector<128xf32>
      %select_n3A_1128 = arith.select %eq3A_1123, %get3A_1125, %broadcast_in_dim3A_1127 : vector<128xi1>, vector<128xf32>
      %reduce_sum3A_1129 = vector.shape_cast %select_n3A_1128 : vector<128xf32> to vector<1x128xf32>
      %reduce_sum3A_1130 = arith.constant dense<0.000000e+00> : vector<1xf32>
      %reduce_sum3A_1131 = vector.multi_reduction <add>, %reduce_sum3A_1129, %reduce_sum3A_1130 [1] : vector<1x128xf32> to vector<1xf32>
      %reduce_sum3A_1132 = vector.shape_cast %reduce_sum3A_1131 : vector<1xf32> to vector<1x1xf32>
      %reduce_sum3A_1133 = vector.extract %reduce_sum3A_1132[0, 0] : f32 from vector<1x1xf32>
      %eq3A_1134 = arith.constant 11 : i32
      %eq3A_1135 = vector.broadcast %eq3A_1134 : i32 to vector<32xi32>
      %eq3A_1136 = arith.cmpi eq, %iota3A_203, %eq3A_1135 : vector<32xi32>
      %broadcast_in_dim3A_1137 = vector.broadcast %reduce_sum3A_1121 : f32 to vector<32xf32>
      %select_n3A_1138 = arith.select %eq3A_1136, %broadcast_in_dim3A_1137, %select_n3A_1059 : vector<32xi1>, vector<32xf32>
      %eq3A_1139 = arith.constant 11 : i32
      %eq3A_1140 = vector.broadcast %eq3A_1139 : i32 to vector<32xi32>
      %eq3A_1141 = arith.cmpi eq, %iota3A_203, %eq3A_1140 : vector<32xi32>
      %broadcast_in_dim3A_1142 = vector.broadcast %reduce_sum3A_1133 : f32 to vector<32xf32>
      %select_n3A_1143 = arith.select %eq3A_1141, %broadcast_in_dim3A_1142, %select_n3A_1064 : vector<32xi1>, vector<32xf32>
      %get3A_1144 = arith.constant 12 : index
      %get3A_1145 = memref.load %arg1[%get3A_1144] : memref<25xi32, #tpu.memory_space<smem>>
      %jit3A_1146 = arith.constant 128 : i32
      %div3A_1147 = arith.divsi %get3A_1145, %jit3A_1146 : i32
      %sign3A_1148 = arith.constant 0 : i32
      %sign3A_1149 = arith.cmpi sgt, %get3A_1145, %sign3A_1148 : i32
      %sign3A_1150 = arith.extui %sign3A_1149 : i1 to i32
      %sign3A_1151 = arith.constant 0 : i32
      %sign3A_1152 = arith.cmpi slt, %get3A_1145, %sign3A_1151 : i32
      %sign3A_1153 = arith.extui %sign3A_1152 : i1 to i32
      %sign3A_1154 = arith.subi %sign3A_1150, %sign3A_1153 : i32
      %sign3A_1155 = arith.constant 0 : i32
      %sign3A_1156 = arith.cmpi sgt, %jit3A_1146, %sign3A_1155 : i32
      %sign3A_1157 = arith.extui %sign3A_1156 : i1 to i32
      %sign3A_1158 = arith.constant 0 : i32
      %sign3A_1159 = arith.cmpi slt, %jit3A_1146, %sign3A_1158 : i32
      %sign3A_1160 = arith.extui %sign3A_1159 : i1 to i32
      %sign3A_1161 = arith.subi %sign3A_1157, %sign3A_1160 : i32
      %ne3A_1162 = arith.cmpi ne, %sign3A_1154, %sign3A_1161 : i32
      %rem3A_1163 = arith.remsi %get3A_1145, %jit3A_1146 : i32
      %ne3A_1164 = arith.constant 0 : i32
      %ne3A_1165 = arith.cmpi ne, %rem3A_1163, %ne3A_1164 : i32
      %and3A_1166 = arith.andi %ne3A_1162, %ne3A_1165 : i1
      %sub3A_1167 = arith.constant 1 : i32
      %sub3A_1168 = arith.subi %div3A_1147, %sub3A_1167 : i32
      %select_n3A_1169 = arith.select %and3A_1166, %sub3A_1168, %div3A_1147 : i32
      %mul3A_1170 = arith.constant 128 : i32
      %mul3A_1171 = arith.muli %select_n3A_1169, %mul3A_1170 : i32
      %multiple_of3A_1172 = tpu.assume_multiple %mul3A_1171, 128 : i32
      %jit3A_1173 = arith.constant 128 : i32
      %eq3A_1174 = arith.constant 0 : i32
      %eq3A_1175 = arith.cmpi eq, %jit3A_1173, %eq3A_1174 : i32
      %jit3A_1176 = arith.constant 1 : i32
      %select_n3A_1177 = arith.select %eq3A_1175, %jit3A_1176, %jit3A_1173 : i32
      %rem3A_1178 = arith.remsi %get3A_1145, %select_n3A_1177 : i32
      %ne3A_1179 = arith.constant 0 : i32
      %ne3A_1180 = arith.cmpi ne, %rem3A_1178, %ne3A_1179 : i32
      %lt3A_1181 = arith.constant 0 : i32
      %lt3A_1182 = arith.cmpi slt, %rem3A_1178, %lt3A_1181 : i32
      %lt3A_1183 = arith.constant 0 : i32
      %lt3A_1184 = arith.cmpi slt, %select_n3A_1177, %lt3A_1183 : i32
      %ne3A_1185 = arith.xori %lt3A_1182, %lt3A_1184 : i1
      %and3A_1186 = arith.andi %ne3A_1185, %ne3A_1180 : i1
      %add3A_1187 = arith.addi %rem3A_1178, %select_n3A_1177 : i32
      %select_n3A_1188 = arith.select %and3A_1186, %add3A_1187, %rem3A_1178 : i32
      %eq3A_1189 = vector.broadcast %select_n3A_1188 : i32 to vector<128xi32>
      %eq3A_1190 = arith.cmpi eq, %iota3A_201, %eq3A_1189 : vector<128xi32>
      %get3A_1191 = arith.index_cast %multiple_of3A_1172 : i32 to index
      %get3A_1192 = vector.load %arg4[%get3A_1191] : memref<100000xf32, #tpu.memory_space<vmem>>, vector<128xf32>
      %jit3A_1193 = arith.constant 0.000000e+00 : f32
      %broadcast_in_dim3A_1194 = vector.broadcast %jit3A_1193 : f32 to vector<128xf32>
      %select_n3A_1195 = arith.select %eq3A_1190, %get3A_1192, %broadcast_in_dim3A_1194 : vector<128xi1>, vector<128xf32>
      %reduce_sum3A_1196 = vector.shape_cast %select_n3A_1195 : vector<128xf32> to vector<1x128xf32>
      %reduce_sum3A_1197 = arith.constant dense<0.000000e+00> : vector<1xf32>
      %reduce_sum3A_1198 = vector.multi_reduction <add>, %reduce_sum3A_1196, %reduce_sum3A_1197 [1] : vector<1x128xf32> to vector<1xf32>
      %reduce_sum3A_1199 = vector.shape_cast %reduce_sum3A_1198 : vector<1xf32> to vector<1x1xf32>
      %reduce_sum3A_1200 = vector.extract %reduce_sum3A_1199[0, 0] : f32 from vector<1x1xf32>
      %eq3A_1201 = vector.broadcast %select_n3A_1188 : i32 to vector<128xi32>
      %eq3A_1202 = arith.cmpi eq, %iota3A_201, %eq3A_1201 : vector<128xi32>
      %get3A_1203 = arith.index_cast %multiple_of3A_1172 : i32 to index
      %get3A_1204 = vector.load %arg5[%get3A_1203] : memref<100000xf32, #tpu.memory_space<vmem>>, vector<128xf32>
      %jit3A_1205 = arith.constant 0.000000e+00 : f32
      %broadcast_in_dim3A_1206 = vector.broadcast %jit3A_1205 : f32 to vector<128xf32>
      %select_n3A_1207 = arith.select %eq3A_1202, %get3A_1204, %broadcast_in_dim3A_1206 : vector<128xi1>, vector<128xf32>
      %reduce_sum3A_1208 = vector.shape_cast %select_n3A_1207 : vector<128xf32> to vector<1x128xf32>
      %reduce_sum3A_1209 = arith.constant dense<0.000000e+00> : vector<1xf32>
      %reduce_sum3A_1210 = vector.multi_reduction <add>, %reduce_sum3A_1208, %reduce_sum3A_1209 [1] : vector<1x128xf32> to vector<1xf32>
      %reduce_sum3A_1211 = vector.shape_cast %reduce_sum3A_1210 : vector<1xf32> to vector<1x1xf32>
      %reduce_sum3A_1212 = vector.extract %reduce_sum3A_1211[0, 0] : f32 from vector<1x1xf32>
      %eq3A_1213 = arith.constant 12 : i32
      %eq3A_1214 = vector.broadcast %eq3A_1213 : i32 to vector<32xi32>
      %eq3A_1215 = arith.cmpi eq, %iota3A_203, %eq3A_1214 : vector<32xi32>
      %broadcast_in_dim3A_1216 = vector.broadcast %reduce_sum3A_1200 : f32 to vector<32xf32>
      %select_n3A_1217 = arith.select %eq3A_1215, %broadcast_in_dim3A_1216, %select_n3A_1138 : vector<32xi1>, vector<32xf32>
      %eq3A_1218 = arith.constant 12 : i32
      %eq3A_1219 = vector.broadcast %eq3A_1218 : i32 to vector<32xi32>
      %eq3A_1220 = arith.cmpi eq, %iota3A_203, %eq3A_1219 : vector<32xi32>
      %broadcast_in_dim3A_1221 = vector.broadcast %reduce_sum3A_1212 : f32 to vector<32xf32>
      %select_n3A_1222 = arith.select %eq3A_1220, %broadcast_in_dim3A_1221, %select_n3A_1143 : vector<32xi1>, vector<32xf32>
      %get3A_1223 = arith.constant 13 : index
      %get3A_1224 = memref.load %arg1[%get3A_1223] : memref<25xi32, #tpu.memory_space<smem>>
      %jit3A_1225 = arith.constant 128 : i32
      %div3A_1226 = arith.divsi %get3A_1224, %jit3A_1225 : i32
      %sign3A_1227 = arith.constant 0 : i32
      %sign3A_1228 = arith.cmpi sgt, %get3A_1224, %sign3A_1227 : i32
      %sign3A_1229 = arith.extui %sign3A_1228 : i1 to i32
      %sign3A_1230 = arith.constant 0 : i32
      %sign3A_1231 = arith.cmpi slt, %get3A_1224, %sign3A_1230 : i32
      %sign3A_1232 = arith.extui %sign3A_1231 : i1 to i32
      %sign3A_1233 = arith.subi %sign3A_1229, %sign3A_1232 : i32
      %sign3A_1234 = arith.constant 0 : i32
      %sign3A_1235 = arith.cmpi sgt, %jit3A_1225, %sign3A_1234 : i32
      %sign3A_1236 = arith.extui %sign3A_1235 : i1 to i32
      %sign3A_1237 = arith.constant 0 : i32
      %sign3A_1238 = arith.cmpi slt, %jit3A_1225, %sign3A_1237 : i32
      %sign3A_1239 = arith.extui %sign3A_1238 : i1 to i32
      %sign3A_1240 = arith.subi %sign3A_1236, %sign3A_1239 : i32
      %ne3A_1241 = arith.cmpi ne, %sign3A_1233, %sign3A_1240 : i32
      %rem3A_1242 = arith.remsi %get3A_1224, %jit3A_1225 : i32
      %ne3A_1243 = arith.constant 0 : i32
      %ne3A_1244 = arith.cmpi ne, %rem3A_1242, %ne3A_1243 : i32
      %and3A_1245 = arith.andi %ne3A_1241, %ne3A_1244 : i1
      %sub3A_1246 = arith.constant 1 : i32
      %sub3A_1247 = arith.subi %div3A_1226, %sub3A_1246 : i32
      %select_n3A_1248 = arith.select %and3A_1245, %sub3A_1247, %div3A_1226 : i32
      %mul3A_1249 = arith.constant 128 : i32
      %mul3A_1250 = arith.muli %select_n3A_1248, %mul3A_1249 : i32
      %multiple_of3A_1251 = tpu.assume_multiple %mul3A_1250, 128 : i32
      %jit3A_1252 = arith.constant 128 : i32
      %eq3A_1253 = arith.constant 0 : i32
      %eq3A_1254 = arith.cmpi eq, %jit3A_1252, %eq3A_1253 : i32
      %jit3A_1255 = arith.constant 1 : i32
      %select_n3A_1256 = arith.select %eq3A_1254, %jit3A_1255, %jit3A_1252 : i32
      %rem3A_1257 = arith.remsi %get3A_1224, %select_n3A_1256 : i32
      %ne3A_1258 = arith.constant 0 : i32
      %ne3A_1259 = arith.cmpi ne, %rem3A_1257, %ne3A_1258 : i32
      %lt3A_1260 = arith.constant 0 : i32
      %lt3A_1261 = arith.cmpi slt, %rem3A_1257, %lt3A_1260 : i32
      %lt3A_1262 = arith.constant 0 : i32
      %lt3A_1263 = arith.cmpi slt, %select_n3A_1256, %lt3A_1262 : i32
      %ne3A_1264 = arith.xori %lt3A_1261, %lt3A_1263 : i1
      %and3A_1265 = arith.andi %ne3A_1264, %ne3A_1259 : i1
      %add3A_1266 = arith.addi %rem3A_1257, %select_n3A_1256 : i32
      %select_n3A_1267 = arith.select %and3A_1265, %add3A_1266, %rem3A_1257 : i32
      %eq3A_1268 = vector.broadcast %select_n3A_1267 : i32 to vector<128xi32>
      %eq3A_1269 = arith.cmpi eq, %iota3A_201, %eq3A_1268 : vector<128xi32>
      %get3A_1270 = arith.index_cast %multiple_of3A_1251 : i32 to index
      %get3A_1271 = vector.load %arg4[%get3A_1270] : memref<100000xf32, #tpu.memory_space<vmem>>, vector<128xf32>
      %jit3A_1272 = arith.constant 0.000000e+00 : f32
      %broadcast_in_dim3A_1273 = vector.broadcast %jit3A_1272 : f32 to vector<128xf32>
      %select_n3A_1274 = arith.select %eq3A_1269, %get3A_1271, %broadcast_in_dim3A_1273 : vector<128xi1>, vector<128xf32>
      %reduce_sum3A_1275 = vector.shape_cast %select_n3A_1274 : vector<128xf32> to vector<1x128xf32>
      %reduce_sum3A_1276 = arith.constant dense<0.000000e+00> : vector<1xf32>
      %reduce_sum3A_1277 = vector.multi_reduction <add>, %reduce_sum3A_1275, %reduce_sum3A_1276 [1] : vector<1x128xf32> to vector<1xf32>
      %reduce_sum3A_1278 = vector.shape_cast %reduce_sum3A_1277 : vector<1xf32> to vector<1x1xf32>
      %reduce_sum3A_1279 = vector.extract %reduce_sum3A_1278[0, 0] : f32 from vector<1x1xf32>
      %eq3A_1280 = vector.broadcast %select_n3A_1267 : i32 to vector<128xi32>
      %eq3A_1281 = arith.cmpi eq, %iota3A_201, %eq3A_1280 : vector<128xi32>
      %get3A_1282 = arith.index_cast %multiple_of3A_1251 : i32 to index
      %get3A_1283 = vector.load %arg5[%get3A_1282] : memref<100000xf32, #tpu.memory_space<vmem>>, vector<128xf32>
      %jit3A_1284 = arith.constant 0.000000e+00 : f32
      %broadcast_in_dim3A_1285 = vector.broadcast %jit3A_1284 : f32 to vector<128xf32>
      %select_n3A_1286 = arith.select %eq3A_1281, %get3A_1283, %broadcast_in_dim3A_1285 : vector<128xi1>, vector<128xf32>
      %reduce_sum3A_1287 = vector.shape_cast %select_n3A_1286 : vector<128xf32> to vector<1x128xf32>
      %reduce_sum3A_1288 = arith.constant dense<0.000000e+00> : vector<1xf32>
      %reduce_sum3A_1289 = vector.multi_reduction <add>, %reduce_sum3A_1287, %reduce_sum3A_1288 [1] : vector<1x128xf32> to vector<1xf32>
      %reduce_sum3A_1290 = vector.shape_cast %reduce_sum3A_1289 : vector<1xf32> to vector<1x1xf32>
      %reduce_sum3A_1291 = vector.extract %reduce_sum3A_1290[0, 0] : f32 from vector<1x1xf32>
      %eq3A_1292 = arith.constant 13 : i32
      %eq3A_1293 = vector.broadcast %eq3A_1292 : i32 to vector<32xi32>
      %eq3A_1294 = arith.cmpi eq, %iota3A_203, %eq3A_1293 : vector<32xi32>
      %broadcast_in_dim3A_1295 = vector.broadcast %reduce_sum3A_1279 : f32 to vector<32xf32>
      %select_n3A_1296 = arith.select %eq3A_1294, %broadcast_in_dim3A_1295, %select_n3A_1217 : vector<32xi1>, vector<32xf32>
      %eq3A_1297 = arith.constant 13 : i32
      %eq3A_1298 = vector.broadcast %eq3A_1297 : i32 to vector<32xi32>
      %eq3A_1299 = arith.cmpi eq, %iota3A_203, %eq3A_1298 : vector<32xi32>
      %broadcast_in_dim3A_1300 = vector.broadcast %reduce_sum3A_1291 : f32 to vector<32xf32>
      %select_n3A_1301 = arith.select %eq3A_1299, %broadcast_in_dim3A_1300, %select_n3A_1222 : vector<32xi1>, vector<32xf32>
      %get3A_1302 = arith.constant 14 : index
      %get3A_1303 = memref.load %arg1[%get3A_1302] : memref<25xi32, #tpu.memory_space<smem>>
      %jit3A_1304 = arith.constant 128 : i32
      %div3A_1305 = arith.divsi %get3A_1303, %jit3A_1304 : i32
      %sign3A_1306 = arith.constant 0 : i32
      %sign3A_1307 = arith.cmpi sgt, %get3A_1303, %sign3A_1306 : i32
      %sign3A_1308 = arith.extui %sign3A_1307 : i1 to i32
      %sign3A_1309 = arith.constant 0 : i32
      %sign3A_1310 = arith.cmpi slt, %get3A_1303, %sign3A_1309 : i32
      %sign3A_1311 = arith.extui %sign3A_1310 : i1 to i32
      %sign3A_1312 = arith.subi %sign3A_1308, %sign3A_1311 : i32
      %sign3A_1313 = arith.constant 0 : i32
      %sign3A_1314 = arith.cmpi sgt, %jit3A_1304, %sign3A_1313 : i32
      %sign3A_1315 = arith.extui %sign3A_1314 : i1 to i32
      %sign3A_1316 = arith.constant 0 : i32
      %sign3A_1317 = arith.cmpi slt, %jit3A_1304, %sign3A_1316 : i32
      %sign3A_1318 = arith.extui %sign3A_1317 : i1 to i32
      %sign3A_1319 = arith.subi %sign3A_1315, %sign3A_1318 : i32
      %ne3A_1320 = arith.cmpi ne, %sign3A_1312, %sign3A_1319 : i32
      %rem3A_1321 = arith.remsi %get3A_1303, %jit3A_1304 : i32
      %ne3A_1322 = arith.constant 0 : i32
      %ne3A_1323 = arith.cmpi ne, %rem3A_1321, %ne3A_1322 : i32
      %and3A_1324 = arith.andi %ne3A_1320, %ne3A_1323 : i1
      %sub3A_1325 = arith.constant 1 : i32
      %sub3A_1326 = arith.subi %div3A_1305, %sub3A_1325 : i32
      %select_n3A_1327 = arith.select %and3A_1324, %sub3A_1326, %div3A_1305 : i32
      %mul3A_1328 = arith.constant 128 : i32
      %mul3A_1329 = arith.muli %select_n3A_1327, %mul3A_1328 : i32
      %multiple_of3A_1330 = tpu.assume_multiple %mul3A_1329, 128 : i32
      %jit3A_1331 = arith.constant 128 : i32
      %eq3A_1332 = arith.constant 0 : i32
      %eq3A_1333 = arith.cmpi eq, %jit3A_1331, %eq3A_1332 : i32
      %jit3A_1334 = arith.constant 1 : i32
      %select_n3A_1335 = arith.select %eq3A_1333, %jit3A_1334, %jit3A_1331 : i32
      %rem3A_1336 = arith.remsi %get3A_1303, %select_n3A_1335 : i32
      %ne3A_1337 = arith.constant 0 : i32
      %ne3A_1338 = arith.cmpi ne, %rem3A_1336, %ne3A_1337 : i32
      %lt3A_1339 = arith.constant 0 : i32
      %lt3A_1340 = arith.cmpi slt, %rem3A_1336, %lt3A_1339 : i32
      %lt3A_1341 = arith.constant 0 : i32
      %lt3A_1342 = arith.cmpi slt, %select_n3A_1335, %lt3A_1341 : i32
      %ne3A_1343 = arith.xori %lt3A_1340, %lt3A_1342 : i1
      %and3A_1344 = arith.andi %ne3A_1343, %ne3A_1338 : i1
      %add3A_1345 = arith.addi %rem3A_1336, %select_n3A_1335 : i32
      %select_n3A_1346 = arith.select %and3A_1344, %add3A_1345, %rem3A_1336 : i32
      %eq3A_1347 = vector.broadcast %select_n3A_1346 : i32 to vector<128xi32>
      %eq3A_1348 = arith.cmpi eq, %iota3A_201, %eq3A_1347 : vector<128xi32>
      %get3A_1349 = arith.index_cast %multiple_of3A_1330 : i32 to index
      %get3A_1350 = vector.load %arg4[%get3A_1349] : memref<100000xf32, #tpu.memory_space<vmem>>, vector<128xf32>
      %jit3A_1351 = arith.constant 0.000000e+00 : f32
      %broadcast_in_dim3A_1352 = vector.broadcast %jit3A_1351 : f32 to vector<128xf32>
      %select_n3A_1353 = arith.select %eq3A_1348, %get3A_1350, %broadcast_in_dim3A_1352 : vector<128xi1>, vector<128xf32>
      %reduce_sum3A_1354 = vector.shape_cast %select_n3A_1353 : vector<128xf32> to vector<1x128xf32>
      %reduce_sum3A_1355 = arith.constant dense<0.000000e+00> : vector<1xf32>
      %reduce_sum3A_1356 = vector.multi_reduction <add>, %reduce_sum3A_1354, %reduce_sum3A_1355 [1] : vector<1x128xf32> to vector<1xf32>
      %reduce_sum3A_1357 = vector.shape_cast %reduce_sum3A_1356 : vector<1xf32> to vector<1x1xf32>
      %reduce_sum3A_1358 = vector.extract %reduce_sum3A_1357[0, 0] : f32 from vector<1x1xf32>
      %eq3A_1359 = vector.broadcast %select_n3A_1346 : i32 to vector<128xi32>
      %eq3A_1360 = arith.cmpi eq, %iota3A_201, %eq3A_1359 : vector<128xi32>
      %get3A_1361 = arith.index_cast %multiple_of3A_1330 : i32 to index
      %get3A_1362 = vector.load %arg5[%get3A_1361] : memref<100000xf32, #tpu.memory_space<vmem>>, vector<128xf32>
      %jit3A_1363 = arith.constant 0.000000e+00 : f32
      %broadcast_in_dim3A_1364 = vector.broadcast %jit3A_1363 : f32 to vector<128xf32>
      %select_n3A_1365 = arith.select %eq3A_1360, %get3A_1362, %broadcast_in_dim3A_1364 : vector<128xi1>, vector<128xf32>
      %reduce_sum3A_1366 = vector.shape_cast %select_n3A_1365 : vector<128xf32> to vector<1x128xf32>
      %reduce_sum3A_1367 = arith.constant dense<0.000000e+00> : vector<1xf32>
      %reduce_sum3A_1368 = vector.multi_reduction <add>, %reduce_sum3A_1366, %reduce_sum3A_1367 [1] : vector<1x128xf32> to vector<1xf32>
      %reduce_sum3A_1369 = vector.shape_cast %reduce_sum3A_1368 : vector<1xf32> to vector<1x1xf32>
      %reduce_sum3A_1370 = vector.extract %reduce_sum3A_1369[0, 0] : f32 from vector<1x1xf32>
      %eq3A_1371 = arith.constant 14 : i32
      %eq3A_1372 = vector.broadcast %eq3A_1371 : i32 to vector<32xi32>
      %eq3A_1373 = arith.cmpi eq, %iota3A_203, %eq3A_1372 : vector<32xi32>
      %broadcast_in_dim3A_1374 = vector.broadcast %reduce_sum3A_1358 : f32 to vector<32xf32>
      %select_n3A_1375 = arith.select %eq3A_1373, %broadcast_in_dim3A_1374, %select_n3A_1296 : vector<32xi1>, vector<32xf32>
      %eq3A_1376 = arith.constant 14 : i32
      %eq3A_1377 = vector.broadcast %eq3A_1376 : i32 to vector<32xi32>
      %eq3A_1378 = arith.cmpi eq, %iota3A_203, %eq3A_1377 : vector<32xi32>
      %broadcast_in_dim3A_1379 = vector.broadcast %reduce_sum3A_1370 : f32 to vector<32xf32>
      %select_n3A_1380 = arith.select %eq3A_1378, %broadcast_in_dim3A_1379, %select_n3A_1301 : vector<32xi1>, vector<32xf32>
      %get3A_1381 = arith.constant 15 : index
      %get3A_1382 = memref.load %arg1[%get3A_1381] : memref<25xi32, #tpu.memory_space<smem>>
      %jit3A_1383 = arith.constant 128 : i32
      %div3A_1384 = arith.divsi %get3A_1382, %jit3A_1383 : i32
      %sign3A_1385 = arith.constant 0 : i32
      %sign3A_1386 = arith.cmpi sgt, %get3A_1382, %sign3A_1385 : i32
      %sign3A_1387 = arith.extui %sign3A_1386 : i1 to i32
      %sign3A_1388 = arith.constant 0 : i32
      %sign3A_1389 = arith.cmpi slt, %get3A_1382, %sign3A_1388 : i32
      %sign3A_1390 = arith.extui %sign3A_1389 : i1 to i32
      %sign3A_1391 = arith.subi %sign3A_1387, %sign3A_1390 : i32
      %sign3A_1392 = arith.constant 0 : i32
      %sign3A_1393 = arith.cmpi sgt, %jit3A_1383, %sign3A_1392 : i32
      %sign3A_1394 = arith.extui %sign3A_1393 : i1 to i32
      %sign3A_1395 = arith.constant 0 : i32
      %sign3A_1396 = arith.cmpi slt, %jit3A_1383, %sign3A_1395 : i32
      %sign3A_1397 = arith.extui %sign3A_1396 : i1 to i32
      %sign3A_1398 = arith.subi %sign3A_1394, %sign3A_1397 : i32
      %ne3A_1399 = arith.cmpi ne, %sign3A_1391, %sign3A_1398 : i32
      %rem3A_1400 = arith.remsi %get3A_1382, %jit3A_1383 : i32
      %ne3A_1401 = arith.constant 0 : i32
      %ne3A_1402 = arith.cmpi ne, %rem3A_1400, %ne3A_1401 : i32
      %and3A_1403 = arith.andi %ne3A_1399, %ne3A_1402 : i1
      %sub3A_1404 = arith.constant 1 : i32
      %sub3A_1405 = arith.subi %div3A_1384, %sub3A_1404 : i32
      %select_n3A_1406 = arith.select %and3A_1403, %sub3A_1405, %div3A_1384 : i32
      %mul3A_1407 = arith.constant 128 : i32
      %mul3A_1408 = arith.muli %select_n3A_1406, %mul3A_1407 : i32
      %multiple_of3A_1409 = tpu.assume_multiple %mul3A_1408, 128 : i32
      %jit3A_1410 = arith.constant 128 : i32
      %eq3A_1411 = arith.constant 0 : i32
      %eq3A_1412 = arith.cmpi eq, %jit3A_1410, %eq3A_1411 : i32
      %jit3A_1413 = arith.constant 1 : i32
      %select_n3A_1414 = arith.select %eq3A_1412, %jit3A_1413, %jit3A_1410 : i32
      %rem3A_1415 = arith.remsi %get3A_1382, %select_n3A_1414 : i32
      %ne3A_1416 = arith.constant 0 : i32
      %ne3A_1417 = arith.cmpi ne, %rem3A_1415, %ne3A_1416 : i32
      %lt3A_1418 = arith.constant 0 : i32
      %lt3A_1419 = arith.cmpi slt, %rem3A_1415, %lt3A_1418 : i32
      %lt3A_1420 = arith.constant 0 : i32
      %lt3A_1421 = arith.cmpi slt, %select_n3A_1414, %lt3A_1420 : i32
      %ne3A_1422 = arith.xori %lt3A_1419, %lt3A_1421 : i1
      %and3A_1423 = arith.andi %ne3A_1422, %ne3A_1417 : i1
      %add3A_1424 = arith.addi %rem3A_1415, %select_n3A_1414 : i32
      %select_n3A_1425 = arith.select %and3A_1423, %add3A_1424, %rem3A_1415 : i32
      %eq3A_1426 = vector.broadcast %select_n3A_1425 : i32 to vector<128xi32>
      %eq3A_1427 = arith.cmpi eq, %iota3A_201, %eq3A_1426 : vector<128xi32>
      %get3A_1428 = arith.index_cast %multiple_of3A_1409 : i32 to index
      %get3A_1429 = vector.load %arg4[%get3A_1428] : memref<100000xf32, #tpu.memory_space<vmem>>, vector<128xf32>
      %jit3A_1430 = arith.constant 0.000000e+00 : f32
      %broadcast_in_dim3A_1431 = vector.broadcast %jit3A_1430 : f32 to vector<128xf32>
      %select_n3A_1432 = arith.select %eq3A_1427, %get3A_1429, %broadcast_in_dim3A_1431 : vector<128xi1>, vector<128xf32>
      %reduce_sum3A_1433 = vector.shape_cast %select_n3A_1432 : vector<128xf32> to vector<1x128xf32>
      %reduce_sum3A_1434 = arith.constant dense<0.000000e+00> : vector<1xf32>
      %reduce_sum3A_1435 = vector.multi_reduction <add>, %reduce_sum3A_1433, %reduce_sum3A_1434 [1] : vector<1x128xf32> to vector<1xf32>
      %reduce_sum3A_1436 = vector.shape_cast %reduce_sum3A_1435 : vector<1xf32> to vector<1x1xf32>
      %reduce_sum3A_1437 = vector.extract %reduce_sum3A_1436[0, 0] : f32 from vector<1x1xf32>
      %eq3A_1438 = vector.broadcast %select_n3A_1425 : i32 to vector<128xi32>
      %eq3A_1439 = arith.cmpi eq, %iota3A_201, %eq3A_1438 : vector<128xi32>
      %get3A_1440 = arith.index_cast %multiple_of3A_1409 : i32 to index
      %get3A_1441 = vector.load %arg5[%get3A_1440] : memref<100000xf32, #tpu.memory_space<vmem>>, vector<128xf32>
      %jit3A_1442 = arith.constant 0.000000e+00 : f32
      %broadcast_in_dim3A_1443 = vector.broadcast %jit3A_1442 : f32 to vector<128xf32>
      %select_n3A_1444 = arith.select %eq3A_1439, %get3A_1441, %broadcast_in_dim3A_1443 : vector<128xi1>, vector<128xf32>
      %reduce_sum3A_1445 = vector.shape_cast %select_n3A_1444 : vector<128xf32> to vector<1x128xf32>
      %reduce_sum3A_1446 = arith.constant dense<0.000000e+00> : vector<1xf32>
      %reduce_sum3A_1447 = vector.multi_reduction <add>, %reduce_sum3A_1445, %reduce_sum3A_1446 [1] : vector<1x128xf32> to vector<1xf32>
      %reduce_sum3A_1448 = vector.shape_cast %reduce_sum3A_1447 : vector<1xf32> to vector<1x1xf32>
      %reduce_sum3A_1449 = vector.extract %reduce_sum3A_1448[0, 0] : f32 from vector<1x1xf32>
      %eq3A_1450 = arith.constant 15 : i32
      %eq3A_1451 = vector.broadcast %eq3A_1450 : i32 to vector<32xi32>
      %eq3A_1452 = arith.cmpi eq, %iota3A_203, %eq3A_1451 : vector<32xi32>
      %broadcast_in_dim3A_1453 = vector.broadcast %reduce_sum3A_1437 : f32 to vector<32xf32>
      %select_n3A_1454 = arith.select %eq3A_1452, %broadcast_in_dim3A_1453, %select_n3A_1375 : vector<32xi1>, vector<32xf32>
      %eq3A_1455 = arith.constant 15 : i32
      %eq3A_1456 = vector.broadcast %eq3A_1455 : i32 to vector<32xi32>
      %eq3A_1457 = arith.cmpi eq, %iota3A_203, %eq3A_1456 : vector<32xi32>
      %broadcast_in_dim3A_1458 = vector.broadcast %reduce_sum3A_1449 : f32 to vector<32xf32>
      %select_n3A_1459 = arith.select %eq3A_1457, %broadcast_in_dim3A_1458, %select_n3A_1380 : vector<32xi1>, vector<32xf32>
      %get3A_1460 = arith.constant 16 : index
      %get3A_1461 = memref.load %arg1[%get3A_1460] : memref<25xi32, #tpu.memory_space<smem>>
      %jit3A_1462 = arith.constant 128 : i32
      %div3A_1463 = arith.divsi %get3A_1461, %jit3A_1462 : i32
      %sign3A_1464 = arith.constant 0 : i32
      %sign3A_1465 = arith.cmpi sgt, %get3A_1461, %sign3A_1464 : i32
      %sign3A_1466 = arith.extui %sign3A_1465 : i1 to i32
      %sign3A_1467 = arith.constant 0 : i32
      %sign3A_1468 = arith.cmpi slt, %get3A_1461, %sign3A_1467 : i32
      %sign3A_1469 = arith.extui %sign3A_1468 : i1 to i32
      %sign3A_1470 = arith.subi %sign3A_1466, %sign3A_1469 : i32
      %sign3A_1471 = arith.constant 0 : i32
      %sign3A_1472 = arith.cmpi sgt, %jit3A_1462, %sign3A_1471 : i32
      %sign3A_1473 = arith.extui %sign3A_1472 : i1 to i32
      %sign3A_1474 = arith.constant 0 : i32
      %sign3A_1475 = arith.cmpi slt, %jit3A_1462, %sign3A_1474 : i32
      %sign3A_1476 = arith.extui %sign3A_1475 : i1 to i32
      %sign3A_1477 = arith.subi %sign3A_1473, %sign3A_1476 : i32
      %ne3A_1478 = arith.cmpi ne, %sign3A_1470, %sign3A_1477 : i32
      %rem3A_1479 = arith.remsi %get3A_1461, %jit3A_1462 : i32
      %ne3A_1480 = arith.constant 0 : i32
      %ne3A_1481 = arith.cmpi ne, %rem3A_1479, %ne3A_1480 : i32
      %and3A_1482 = arith.andi %ne3A_1478, %ne3A_1481 : i1
      %sub3A_1483 = arith.constant 1 : i32
      %sub3A_1484 = arith.subi %div3A_1463, %sub3A_1483 : i32
      %select_n3A_1485 = arith.select %and3A_1482, %sub3A_1484, %div3A_1463 : i32
      %mul3A_1486 = arith.constant 128 : i32
      %mul3A_1487 = arith.muli %select_n3A_1485, %mul3A_1486 : i32
      %multiple_of3A_1488 = tpu.assume_multiple %mul3A_1487, 128 : i32
      %jit3A_1489 = arith.constant 128 : i32
      %eq3A_1490 = arith.constant 0 : i32
      %eq3A_1491 = arith.cmpi eq, %jit3A_1489, %eq3A_1490 : i32
      %jit3A_1492 = arith.constant 1 : i32
      %select_n3A_1493 = arith.select %eq3A_1491, %jit3A_1492, %jit3A_1489 : i32
      %rem3A_1494 = arith.remsi %get3A_1461, %select_n3A_1493 : i32
      %ne3A_1495 = arith.constant 0 : i32
      %ne3A_1496 = arith.cmpi ne, %rem3A_1494, %ne3A_1495 : i32
      %lt3A_1497 = arith.constant 0 : i32
      %lt3A_1498 = arith.cmpi slt, %rem3A_1494, %lt3A_1497 : i32
      %lt3A_1499 = arith.constant 0 : i32
      %lt3A_1500 = arith.cmpi slt, %select_n3A_1493, %lt3A_1499 : i32
      %ne3A_1501 = arith.xori %lt3A_1498, %lt3A_1500 : i1
      %and3A_1502 = arith.andi %ne3A_1501, %ne3A_1496 : i1
      %add3A_1503 = arith.addi %rem3A_1494, %select_n3A_1493 : i32
      %select_n3A_1504 = arith.select %and3A_1502, %add3A_1503, %rem3A_1494 : i32
      %eq3A_1505 = vector.broadcast %select_n3A_1504 : i32 to vector<128xi32>
      %eq3A_1506 = arith.cmpi eq, %iota3A_201, %eq3A_1505 : vector<128xi32>
      %get3A_1507 = arith.index_cast %multiple_of3A_1488 : i32 to index
      %get3A_1508 = vector.load %arg4[%get3A_1507] : memref<100000xf32, #tpu.memory_space<vmem>>, vector<128xf32>
      %jit3A_1509 = arith.constant 0.000000e+00 : f32
      %broadcast_in_dim3A_1510 = vector.broadcast %jit3A_1509 : f32 to vector<128xf32>
      %select_n3A_1511 = arith.select %eq3A_1506, %get3A_1508, %broadcast_in_dim3A_1510 : vector<128xi1>, vector<128xf32>
      %reduce_sum3A_1512 = vector.shape_cast %select_n3A_1511 : vector<128xf32> to vector<1x128xf32>
      %reduce_sum3A_1513 = arith.constant dense<0.000000e+00> : vector<1xf32>
      %reduce_sum3A_1514 = vector.multi_reduction <add>, %reduce_sum3A_1512, %reduce_sum3A_1513 [1] : vector<1x128xf32> to vector<1xf32>
      %reduce_sum3A_1515 = vector.shape_cast %reduce_sum3A_1514 : vector<1xf32> to vector<1x1xf32>
      %reduce_sum3A_1516 = vector.extract %reduce_sum3A_1515[0, 0] : f32 from vector<1x1xf32>
      %eq3A_1517 = vector.broadcast %select_n3A_1504 : i32 to vector<128xi32>
      %eq3A_1518 = arith.cmpi eq, %iota3A_201, %eq3A_1517 : vector<128xi32>
      %get3A_1519 = arith.index_cast %multiple_of3A_1488 : i32 to index
      %get3A_1520 = vector.load %arg5[%get3A_1519] : memref<100000xf32, #tpu.memory_space<vmem>>, vector<128xf32>
      %jit3A_1521 = arith.constant 0.000000e+00 : f32
      %broadcast_in_dim3A_1522 = vector.broadcast %jit3A_1521 : f32 to vector<128xf32>
      %select_n3A_1523 = arith.select %eq3A_1518, %get3A_1520, %broadcast_in_dim3A_1522 : vector<128xi1>, vector<128xf32>
      %reduce_sum3A_1524 = vector.shape_cast %select_n3A_1523 : vector<128xf32> to vector<1x128xf32>
      %reduce_sum3A_1525 = arith.constant dense<0.000000e+00> : vector<1xf32>
      %reduce_sum3A_1526 = vector.multi_reduction <add>, %reduce_sum3A_1524, %reduce_sum3A_1525 [1] : vector<1x128xf32> to vector<1xf32>
      %reduce_sum3A_1527 = vector.shape_cast %reduce_sum3A_1526 : vector<1xf32> to vector<1x1xf32>
      %reduce_sum3A_1528 = vector.extract %reduce_sum3A_1527[0, 0] : f32 from vector<1x1xf32>
      %eq3A_1529 = arith.constant 16 : i32
      %eq3A_1530 = vector.broadcast %eq3A_1529 : i32 to vector<32xi32>
      %eq3A_1531 = arith.cmpi eq, %iota3A_203, %eq3A_1530 : vector<32xi32>
      %broadcast_in_dim3A_1532 = vector.broadcast %reduce_sum3A_1516 : f32 to vector<32xf32>
      %select_n3A_1533 = arith.select %eq3A_1531, %broadcast_in_dim3A_1532, %select_n3A_1454 : vector<32xi1>, vector<32xf32>
      %eq3A_1534 = arith.constant 16 : i32
      %eq3A_1535 = vector.broadcast %eq3A_1534 : i32 to vector<32xi32>
      %eq3A_1536 = arith.cmpi eq, %iota3A_203, %eq3A_1535 : vector<32xi32>
      %broadcast_in_dim3A_1537 = vector.broadcast %reduce_sum3A_1528 : f32 to vector<32xf32>
      %select_n3A_1538 = arith.select %eq3A_1536, %broadcast_in_dim3A_1537, %select_n3A_1459 : vector<32xi1>, vector<32xf32>
      %get3A_1539 = arith.constant 17 : index
      %get3A_1540 = memref.load %arg1[%get3A_1539] : memref<25xi32, #tpu.memory_space<smem>>
      %jit3A_1541 = arith.constant 128 : i32
      %div3A_1542 = arith.divsi %get3A_1540, %jit3A_1541 : i32
      %sign3A_1543 = arith.constant 0 : i32
      %sign3A_1544 = arith.cmpi sgt, %get3A_1540, %sign3A_1543 : i32
      %sign3A_1545 = arith.extui %sign3A_1544 : i1 to i32
      %sign3A_1546 = arith.constant 0 : i32
      %sign3A_1547 = arith.cmpi slt, %get3A_1540, %sign3A_1546 : i32
      %sign3A_1548 = arith.extui %sign3A_1547 : i1 to i32
      %sign3A_1549 = arith.subi %sign3A_1545, %sign3A_1548 : i32
      %sign3A_1550 = arith.constant 0 : i32
      %sign3A_1551 = arith.cmpi sgt, %jit3A_1541, %sign3A_1550 : i32
      %sign3A_1552 = arith.extui %sign3A_1551 : i1 to i32
      %sign3A_1553 = arith.constant 0 : i32
      %sign3A_1554 = arith.cmpi slt, %jit3A_1541, %sign3A_1553 : i32
      %sign3A_1555 = arith.extui %sign3A_1554 : i1 to i32
      %sign3A_1556 = arith.subi %sign3A_1552, %sign3A_1555 : i32
      %ne3A_1557 = arith.cmpi ne, %sign3A_1549, %sign3A_1556 : i32
      %rem3A_1558 = arith.remsi %get3A_1540, %jit3A_1541 : i32
      %ne3A_1559 = arith.constant 0 : i32
      %ne3A_1560 = arith.cmpi ne, %rem3A_1558, %ne3A_1559 : i32
      %and3A_1561 = arith.andi %ne3A_1557, %ne3A_1560 : i1
      %sub3A_1562 = arith.constant 1 : i32
      %sub3A_1563 = arith.subi %div3A_1542, %sub3A_1562 : i32
      %select_n3A_1564 = arith.select %and3A_1561, %sub3A_1563, %div3A_1542 : i32
      %mul3A_1565 = arith.constant 128 : i32
      %mul3A_1566 = arith.muli %select_n3A_1564, %mul3A_1565 : i32
      %multiple_of3A_1567 = tpu.assume_multiple %mul3A_1566, 128 : i32
      %jit3A_1568 = arith.constant 128 : i32
      %eq3A_1569 = arith.constant 0 : i32
      %eq3A_1570 = arith.cmpi eq, %jit3A_1568, %eq3A_1569 : i32
      %jit3A_1571 = arith.constant 1 : i32
      %select_n3A_1572 = arith.select %eq3A_1570, %jit3A_1571, %jit3A_1568 : i32
      %rem3A_1573 = arith.remsi %get3A_1540, %select_n3A_1572 : i32
      %ne3A_1574 = arith.constant 0 : i32
      %ne3A_1575 = arith.cmpi ne, %rem3A_1573, %ne3A_1574 : i32
      %lt3A_1576 = arith.constant 0 : i32
      %lt3A_1577 = arith.cmpi slt, %rem3A_1573, %lt3A_1576 : i32
      %lt3A_1578 = arith.constant 0 : i32
      %lt3A_1579 = arith.cmpi slt, %select_n3A_1572, %lt3A_1578 : i32
      %ne3A_1580 = arith.xori %lt3A_1577, %lt3A_1579 : i1
      %and3A_1581 = arith.andi %ne3A_1580, %ne3A_1575 : i1
      %add3A_1582 = arith.addi %rem3A_1573, %select_n3A_1572 : i32
      %select_n3A_1583 = arith.select %and3A_1581, %add3A_1582, %rem3A_1573 : i32
      %eq3A_1584 = vector.broadcast %select_n3A_1583 : i32 to vector<128xi32>
      %eq3A_1585 = arith.cmpi eq, %iota3A_201, %eq3A_1584 : vector<128xi32>
      %get3A_1586 = arith.index_cast %multiple_of3A_1567 : i32 to index
      %get3A_1587 = vector.load %arg4[%get3A_1586] : memref<100000xf32, #tpu.memory_space<vmem>>, vector<128xf32>
      %jit3A_1588 = arith.constant 0.000000e+00 : f32
      %broadcast_in_dim3A_1589 = vector.broadcast %jit3A_1588 : f32 to vector<128xf32>
      %select_n3A_1590 = arith.select %eq3A_1585, %get3A_1587, %broadcast_in_dim3A_1589 : vector<128xi1>, vector<128xf32>
      %reduce_sum3A_1591 = vector.shape_cast %select_n3A_1590 : vector<128xf32> to vector<1x128xf32>
      %reduce_sum3A_1592 = arith.constant dense<0.000000e+00> : vector<1xf32>
      %reduce_sum3A_1593 = vector.multi_reduction <add>, %reduce_sum3A_1591, %reduce_sum3A_1592 [1] : vector<1x128xf32> to vector<1xf32>
      %reduce_sum3A_1594 = vector.shape_cast %reduce_sum3A_1593 : vector<1xf32> to vector<1x1xf32>
      %reduce_sum3A_1595 = vector.extract %reduce_sum3A_1594[0, 0] : f32 from vector<1x1xf32>
      %eq3A_1596 = vector.broadcast %select_n3A_1583 : i32 to vector<128xi32>
      %eq3A_1597 = arith.cmpi eq, %iota3A_201, %eq3A_1596 : vector<128xi32>
      %get3A_1598 = arith.index_cast %multiple_of3A_1567 : i32 to index
      %get3A_1599 = vector.load %arg5[%get3A_1598] : memref<100000xf32, #tpu.memory_space<vmem>>, vector<128xf32>
      %jit3A_1600 = arith.constant 0.000000e+00 : f32
      %broadcast_in_dim3A_1601 = vector.broadcast %jit3A_1600 : f32 to vector<128xf32>
      %select_n3A_1602 = arith.select %eq3A_1597, %get3A_1599, %broadcast_in_dim3A_1601 : vector<128xi1>, vector<128xf32>
      %reduce_sum3A_1603 = vector.shape_cast %select_n3A_1602 : vector<128xf32> to vector<1x128xf32>
      %reduce_sum3A_1604 = arith.constant dense<0.000000e+00> : vector<1xf32>
      %reduce_sum3A_1605 = vector.multi_reduction <add>, %reduce_sum3A_1603, %reduce_sum3A_1604 [1] : vector<1x128xf32> to vector<1xf32>
      %reduce_sum3A_1606 = vector.shape_cast %reduce_sum3A_1605 : vector<1xf32> to vector<1x1xf32>
      %reduce_sum3A_1607 = vector.extract %reduce_sum3A_1606[0, 0] : f32 from vector<1x1xf32>
      %eq3A_1608 = arith.constant 17 : i32
      %eq3A_1609 = vector.broadcast %eq3A_1608 : i32 to vector<32xi32>
      %eq3A_1610 = arith.cmpi eq, %iota3A_203, %eq3A_1609 : vector<32xi32>
      %broadcast_in_dim3A_1611 = vector.broadcast %reduce_sum3A_1595 : f32 to vector<32xf32>
      %select_n3A_1612 = arith.select %eq3A_1610, %broadcast_in_dim3A_1611, %select_n3A_1533 : vector<32xi1>, vector<32xf32>
      %eq3A_1613 = arith.constant 17 : i32
      %eq3A_1614 = vector.broadcast %eq3A_1613 : i32 to vector<32xi32>
      %eq3A_1615 = arith.cmpi eq, %iota3A_203, %eq3A_1614 : vector<32xi32>
      %broadcast_in_dim3A_1616 = vector.broadcast %reduce_sum3A_1607 : f32 to vector<32xf32>
      %select_n3A_1617 = arith.select %eq3A_1615, %broadcast_in_dim3A_1616, %select_n3A_1538 : vector<32xi1>, vector<32xf32>
      %get3A_1618 = arith.constant 18 : index
      %get3A_1619 = memref.load %arg1[%get3A_1618] : memref<25xi32, #tpu.memory_space<smem>>
      %jit3A_1620 = arith.constant 128 : i32
      %div3A_1621 = arith.divsi %get3A_1619, %jit3A_1620 : i32
      %sign3A_1622 = arith.constant 0 : i32
      %sign3A_1623 = arith.cmpi sgt, %get3A_1619, %sign3A_1622 : i32
      %sign3A_1624 = arith.extui %sign3A_1623 : i1 to i32
      %sign3A_1625 = arith.constant 0 : i32
      %sign3A_1626 = arith.cmpi slt, %get3A_1619, %sign3A_1625 : i32
      %sign3A_1627 = arith.extui %sign3A_1626 : i1 to i32
      %sign3A_1628 = arith.subi %sign3A_1624, %sign3A_1627 : i32
      %sign3A_1629 = arith.constant 0 : i32
      %sign3A_1630 = arith.cmpi sgt, %jit3A_1620, %sign3A_1629 : i32
      %sign3A_1631 = arith.extui %sign3A_1630 : i1 to i32
      %sign3A_1632 = arith.constant 0 : i32
      %sign3A_1633 = arith.cmpi slt, %jit3A_1620, %sign3A_1632 : i32
      %sign3A_1634 = arith.extui %sign3A_1633 : i1 to i32
      %sign3A_1635 = arith.subi %sign3A_1631, %sign3A_1634 : i32
      %ne3A_1636 = arith.cmpi ne, %sign3A_1628, %sign3A_1635 : i32
      %rem3A_1637 = arith.remsi %get3A_1619, %jit3A_1620 : i32
      %ne3A_1638 = arith.constant 0 : i32
      %ne3A_1639 = arith.cmpi ne, %rem3A_1637, %ne3A_1638 : i32
      %and3A_1640 = arith.andi %ne3A_1636, %ne3A_1639 : i1
      %sub3A_1641 = arith.constant 1 : i32
      %sub3A_1642 = arith.subi %div3A_1621, %sub3A_1641 : i32
      %select_n3A_1643 = arith.select %and3A_1640, %sub3A_1642, %div3A_1621 : i32
      %mul3A_1644 = arith.constant 128 : i32
      %mul3A_1645 = arith.muli %select_n3A_1643, %mul3A_1644 : i32
      %multiple_of3A_1646 = tpu.assume_multiple %mul3A_1645, 128 : i32
      %jit3A_1647 = arith.constant 128 : i32
      %eq3A_1648 = arith.constant 0 : i32
      %eq3A_1649 = arith.cmpi eq, %jit3A_1647, %eq3A_1648 : i32
      %jit3A_1650 = arith.constant 1 : i32
      %select_n3A_1651 = arith.select %eq3A_1649, %jit3A_1650, %jit3A_1647 : i32
      %rem3A_1652 = arith.remsi %get3A_1619, %select_n3A_1651 : i32
      %ne3A_1653 = arith.constant 0 : i32
      %ne3A_1654 = arith.cmpi ne, %rem3A_1652, %ne3A_1653 : i32
      %lt3A_1655 = arith.constant 0 : i32
      %lt3A_1656 = arith.cmpi slt, %rem3A_1652, %lt3A_1655 : i32
      %lt3A_1657 = arith.constant 0 : i32
      %lt3A_1658 = arith.cmpi slt, %select_n3A_1651, %lt3A_1657 : i32
      %ne3A_1659 = arith.xori %lt3A_1656, %lt3A_1658 : i1
      %and3A_1660 = arith.andi %ne3A_1659, %ne3A_1654 : i1
      %add3A_1661 = arith.addi %rem3A_1652, %select_n3A_1651 : i32
      %select_n3A_1662 = arith.select %and3A_1660, %add3A_1661, %rem3A_1652 : i32
      %eq3A_1663 = vector.broadcast %select_n3A_1662 : i32 to vector<128xi32>
      %eq3A_1664 = arith.cmpi eq, %iota3A_201, %eq3A_1663 : vector<128xi32>
      %get3A_1665 = arith.index_cast %multiple_of3A_1646 : i32 to index
      %get3A_1666 = vector.load %arg4[%get3A_1665] : memref<100000xf32, #tpu.memory_space<vmem>>, vector<128xf32>
      %jit3A_1667 = arith.constant 0.000000e+00 : f32
      %broadcast_in_dim3A_1668 = vector.broadcast %jit3A_1667 : f32 to vector<128xf32>
      %select_n3A_1669 = arith.select %eq3A_1664, %get3A_1666, %broadcast_in_dim3A_1668 : vector<128xi1>, vector<128xf32>
      %reduce_sum3A_1670 = vector.shape_cast %select_n3A_1669 : vector<128xf32> to vector<1x128xf32>
      %reduce_sum3A_1671 = arith.constant dense<0.000000e+00> : vector<1xf32>
      %reduce_sum3A_1672 = vector.multi_reduction <add>, %reduce_sum3A_1670, %reduce_sum3A_1671 [1] : vector<1x128xf32> to vector<1xf32>
      %reduce_sum3A_1673 = vector.shape_cast %reduce_sum3A_1672 : vector<1xf32> to vector<1x1xf32>
      %reduce_sum3A_1674 = vector.extract %reduce_sum3A_1673[0, 0] : f32 from vector<1x1xf32>
      %eq3A_1675 = vector.broadcast %select_n3A_1662 : i32 to vector<128xi32>
      %eq3A_1676 = arith.cmpi eq, %iota3A_201, %eq3A_1675 : vector<128xi32>
      %get3A_1677 = arith.index_cast %multiple_of3A_1646 : i32 to index
      %get3A_1678 = vector.load %arg5[%get3A_1677] : memref<100000xf32, #tpu.memory_space<vmem>>, vector<128xf32>
      %jit3A_1679 = arith.constant 0.000000e+00 : f32
      %broadcast_in_dim3A_1680 = vector.broadcast %jit3A_1679 : f32 to vector<128xf32>
      %select_n3A_1681 = arith.select %eq3A_1676, %get3A_1678, %broadcast_in_dim3A_1680 : vector<128xi1>, vector<128xf32>
      %reduce_sum3A_1682 = vector.shape_cast %select_n3A_1681 : vector<128xf32> to vector<1x128xf32>
      %reduce_sum3A_1683 = arith.constant dense<0.000000e+00> : vector<1xf32>
      %reduce_sum3A_1684 = vector.multi_reduction <add>, %reduce_sum3A_1682, %reduce_sum3A_1683 [1] : vector<1x128xf32> to vector<1xf32>
      %reduce_sum3A_1685 = vector.shape_cast %reduce_sum3A_1684 : vector<1xf32> to vector<1x1xf32>
      %reduce_sum3A_1686 = vector.extract %reduce_sum3A_1685[0, 0] : f32 from vector<1x1xf32>
      %eq3A_1687 = arith.constant 18 : i32
      %eq3A_1688 = vector.broadcast %eq3A_1687 : i32 to vector<32xi32>
      %eq3A_1689 = arith.cmpi eq, %iota3A_203, %eq3A_1688 : vector<32xi32>
      %broadcast_in_dim3A_1690 = vector.broadcast %reduce_sum3A_1674 : f32 to vector<32xf32>
      %select_n3A_1691 = arith.select %eq3A_1689, %broadcast_in_dim3A_1690, %select_n3A_1612 : vector<32xi1>, vector<32xf32>
      %eq3A_1692 = arith.constant 18 : i32
      %eq3A_1693 = vector.broadcast %eq3A_1692 : i32 to vector<32xi32>
      %eq3A_1694 = arith.cmpi eq, %iota3A_203, %eq3A_1693 : vector<32xi32>
      %broadcast_in_dim3A_1695 = vector.broadcast %reduce_sum3A_1686 : f32 to vector<32xf32>
      %select_n3A_1696 = arith.select %eq3A_1694, %broadcast_in_dim3A_1695, %select_n3A_1617 : vector<32xi1>, vector<32xf32>
      %get3A_1697 = arith.constant 19 : index
      %get3A_1698 = memref.load %arg1[%get3A_1697] : memref<25xi32, #tpu.memory_space<smem>>
      %jit3A_1699 = arith.constant 128 : i32
      %div3A_1700 = arith.divsi %get3A_1698, %jit3A_1699 : i32
      %sign3A_1701 = arith.constant 0 : i32
      %sign3A_1702 = arith.cmpi sgt, %get3A_1698, %sign3A_1701 : i32
      %sign3A_1703 = arith.extui %sign3A_1702 : i1 to i32
      %sign3A_1704 = arith.constant 0 : i32
      %sign3A_1705 = arith.cmpi slt, %get3A_1698, %sign3A_1704 : i32
      %sign3A_1706 = arith.extui %sign3A_1705 : i1 to i32
      %sign3A_1707 = arith.subi %sign3A_1703, %sign3A_1706 : i32
      %sign3A_1708 = arith.constant 0 : i32
      %sign3A_1709 = arith.cmpi sgt, %jit3A_1699, %sign3A_1708 : i32
      %sign3A_1710 = arith.extui %sign3A_1709 : i1 to i32
      %sign3A_1711 = arith.constant 0 : i32
      %sign3A_1712 = arith.cmpi slt, %jit3A_1699, %sign3A_1711 : i32
      %sign3A_1713 = arith.extui %sign3A_1712 : i1 to i32
      %sign3A_1714 = arith.subi %sign3A_1710, %sign3A_1713 : i32
      %ne3A_1715 = arith.cmpi ne, %sign3A_1707, %sign3A_1714 : i32
      %rem3A_1716 = arith.remsi %get3A_1698, %jit3A_1699 : i32
      %ne3A_1717 = arith.constant 0 : i32
      %ne3A_1718 = arith.cmpi ne, %rem3A_1716, %ne3A_1717 : i32
      %and3A_1719 = arith.andi %ne3A_1715, %ne3A_1718 : i1
      %sub3A_1720 = arith.constant 1 : i32
      %sub3A_1721 = arith.subi %div3A_1700, %sub3A_1720 : i32
      %select_n3A_1722 = arith.select %and3A_1719, %sub3A_1721, %div3A_1700 : i32
      %mul3A_1723 = arith.constant 128 : i32
      %mul3A_1724 = arith.muli %select_n3A_1722, %mul3A_1723 : i32
      %multiple_of3A_1725 = tpu.assume_multiple %mul3A_1724, 128 : i32
      %jit3A_1726 = arith.constant 128 : i32
      %eq3A_1727 = arith.constant 0 : i32
      %eq3A_1728 = arith.cmpi eq, %jit3A_1726, %eq3A_1727 : i32
      %jit3A_1729 = arith.constant 1 : i32
      %select_n3A_1730 = arith.select %eq3A_1728, %jit3A_1729, %jit3A_1726 : i32
      %rem3A_1731 = arith.remsi %get3A_1698, %select_n3A_1730 : i32
      %ne3A_1732 = arith.constant 0 : i32
      %ne3A_1733 = arith.cmpi ne, %rem3A_1731, %ne3A_1732 : i32
      %lt3A_1734 = arith.constant 0 : i32
      %lt3A_1735 = arith.cmpi slt, %rem3A_1731, %lt3A_1734 : i32
      %lt3A_1736 = arith.constant 0 : i32
      %lt3A_1737 = arith.cmpi slt, %select_n3A_1730, %lt3A_1736 : i32
      %ne3A_1738 = arith.xori %lt3A_1735, %lt3A_1737 : i1
      %and3A_1739 = arith.andi %ne3A_1738, %ne3A_1733 : i1
      %add3A_1740 = arith.addi %rem3A_1731, %select_n3A_1730 : i32
      %select_n3A_1741 = arith.select %and3A_1739, %add3A_1740, %rem3A_1731 : i32
      %eq3A_1742 = vector.broadcast %select_n3A_1741 : i32 to vector<128xi32>
      %eq3A_1743 = arith.cmpi eq, %iota3A_201, %eq3A_1742 : vector<128xi32>
      %get3A_1744 = arith.index_cast %multiple_of3A_1725 : i32 to index
      %get3A_1745 = vector.load %arg4[%get3A_1744] : memref<100000xf32, #tpu.memory_space<vmem>>, vector<128xf32>
      %jit3A_1746 = arith.constant 0.000000e+00 : f32
      %broadcast_in_dim3A_1747 = vector.broadcast %jit3A_1746 : f32 to vector<128xf32>
      %select_n3A_1748 = arith.select %eq3A_1743, %get3A_1745, %broadcast_in_dim3A_1747 : vector<128xi1>, vector<128xf32>
      %reduce_sum3A_1749 = vector.shape_cast %select_n3A_1748 : vector<128xf32> to vector<1x128xf32>
      %reduce_sum3A_1750 = arith.constant dense<0.000000e+00> : vector<1xf32>
      %reduce_sum3A_1751 = vector.multi_reduction <add>, %reduce_sum3A_1749, %reduce_sum3A_1750 [1] : vector<1x128xf32> to vector<1xf32>
      %reduce_sum3A_1752 = vector.shape_cast %reduce_sum3A_1751 : vector<1xf32> to vector<1x1xf32>
      %reduce_sum3A_1753 = vector.extract %reduce_sum3A_1752[0, 0] : f32 from vector<1x1xf32>
      %eq3A_1754 = vector.broadcast %select_n3A_1741 : i32 to vector<128xi32>
      %eq3A_1755 = arith.cmpi eq, %iota3A_201, %eq3A_1754 : vector<128xi32>
      %get3A_1756 = arith.index_cast %multiple_of3A_1725 : i32 to index
      %get3A_1757 = vector.load %arg5[%get3A_1756] : memref<100000xf32, #tpu.memory_space<vmem>>, vector<128xf32>
      %jit3A_1758 = arith.constant 0.000000e+00 : f32
      %broadcast_in_dim3A_1759 = vector.broadcast %jit3A_1758 : f32 to vector<128xf32>
      %select_n3A_1760 = arith.select %eq3A_1755, %get3A_1757, %broadcast_in_dim3A_1759 : vector<128xi1>, vector<128xf32>
      %reduce_sum3A_1761 = vector.shape_cast %select_n3A_1760 : vector<128xf32> to vector<1x128xf32>
      %reduce_sum3A_1762 = arith.constant dense<0.000000e+00> : vector<1xf32>
      %reduce_sum3A_1763 = vector.multi_reduction <add>, %reduce_sum3A_1761, %reduce_sum3A_1762 [1] : vector<1x128xf32> to vector<1xf32>
      %reduce_sum3A_1764 = vector.shape_cast %reduce_sum3A_1763 : vector<1xf32> to vector<1x1xf32>
      %reduce_sum3A_1765 = vector.extract %reduce_sum3A_1764[0, 0] : f32 from vector<1x1xf32>
      %eq3A_1766 = arith.constant 19 : i32
      %eq3A_1767 = vector.broadcast %eq3A_1766 : i32 to vector<32xi32>
      %eq3A_1768 = arith.cmpi eq, %iota3A_203, %eq3A_1767 : vector<32xi32>
      %broadcast_in_dim3A_1769 = vector.broadcast %reduce_sum3A_1753 : f32 to vector<32xf32>
      %select_n3A_1770 = arith.select %eq3A_1768, %broadcast_in_dim3A_1769, %select_n3A_1691 : vector<32xi1>, vector<32xf32>
      %eq3A_1771 = arith.constant 19 : i32
      %eq3A_1772 = vector.broadcast %eq3A_1771 : i32 to vector<32xi32>
      %eq3A_1773 = arith.cmpi eq, %iota3A_203, %eq3A_1772 : vector<32xi32>
      %broadcast_in_dim3A_1774 = vector.broadcast %reduce_sum3A_1765 : f32 to vector<32xf32>
      %select_n3A_1775 = arith.select %eq3A_1773, %broadcast_in_dim3A_1774, %select_n3A_1696 : vector<32xi1>, vector<32xf32>
      %get3A_1776 = arith.constant 20 : index
      %get3A_1777 = memref.load %arg1[%get3A_1776] : memref<25xi32, #tpu.memory_space<smem>>
      %jit3A_1778 = arith.constant 128 : i32
      %div3A_1779 = arith.divsi %get3A_1777, %jit3A_1778 : i32
      %sign3A_1780 = arith.constant 0 : i32
      %sign3A_1781 = arith.cmpi sgt, %get3A_1777, %sign3A_1780 : i32
      %sign3A_1782 = arith.extui %sign3A_1781 : i1 to i32
      %sign3A_1783 = arith.constant 0 : i32
      %sign3A_1784 = arith.cmpi slt, %get3A_1777, %sign3A_1783 : i32
      %sign3A_1785 = arith.extui %sign3A_1784 : i1 to i32
      %sign3A_1786 = arith.subi %sign3A_1782, %sign3A_1785 : i32
      %sign3A_1787 = arith.constant 0 : i32
      %sign3A_1788 = arith.cmpi sgt, %jit3A_1778, %sign3A_1787 : i32
      %sign3A_1789 = arith.extui %sign3A_1788 : i1 to i32
      %sign3A_1790 = arith.constant 0 : i32
      %sign3A_1791 = arith.cmpi slt, %jit3A_1778, %sign3A_1790 : i32
      %sign3A_1792 = arith.extui %sign3A_1791 : i1 to i32
      %sign3A_1793 = arith.subi %sign3A_1789, %sign3A_1792 : i32
      %ne3A_1794 = arith.cmpi ne, %sign3A_1786, %sign3A_1793 : i32
      %rem3A_1795 = arith.remsi %get3A_1777, %jit3A_1778 : i32
      %ne3A_1796 = arith.constant 0 : i32
      %ne3A_1797 = arith.cmpi ne, %rem3A_1795, %ne3A_1796 : i32
      %and3A_1798 = arith.andi %ne3A_1794, %ne3A_1797 : i1
      %sub3A_1799 = arith.constant 1 : i32
      %sub3A_1800 = arith.subi %div3A_1779, %sub3A_1799 : i32
      %select_n3A_1801 = arith.select %and3A_1798, %sub3A_1800, %div3A_1779 : i32
      %mul3A_1802 = arith.constant 128 : i32
      %mul3A_1803 = arith.muli %select_n3A_1801, %mul3A_1802 : i32
      %multiple_of3A_1804 = tpu.assume_multiple %mul3A_1803, 128 : i32
      %jit3A_1805 = arith.constant 128 : i32
      %eq3A_1806 = arith.constant 0 : i32
      %eq3A_1807 = arith.cmpi eq, %jit3A_1805, %eq3A_1806 : i32
      %jit3A_1808 = arith.constant 1 : i32
      %select_n3A_1809 = arith.select %eq3A_1807, %jit3A_1808, %jit3A_1805 : i32
      %rem3A_1810 = arith.remsi %get3A_1777, %select_n3A_1809 : i32
      %ne3A_1811 = arith.constant 0 : i32
      %ne3A_1812 = arith.cmpi ne, %rem3A_1810, %ne3A_1811 : i32
      %lt3A_1813 = arith.constant 0 : i32
      %lt3A_1814 = arith.cmpi slt, %rem3A_1810, %lt3A_1813 : i32
      %lt3A_1815 = arith.constant 0 : i32
      %lt3A_1816 = arith.cmpi slt, %select_n3A_1809, %lt3A_1815 : i32
      %ne3A_1817 = arith.xori %lt3A_1814, %lt3A_1816 : i1
      %and3A_1818 = arith.andi %ne3A_1817, %ne3A_1812 : i1
      %add3A_1819 = arith.addi %rem3A_1810, %select_n3A_1809 : i32
      %select_n3A_1820 = arith.select %and3A_1818, %add3A_1819, %rem3A_1810 : i32
      %eq3A_1821 = vector.broadcast %select_n3A_1820 : i32 to vector<128xi32>
      %eq3A_1822 = arith.cmpi eq, %iota3A_201, %eq3A_1821 : vector<128xi32>
      %get3A_1823 = arith.index_cast %multiple_of3A_1804 : i32 to index
      %get3A_1824 = vector.load %arg4[%get3A_1823] : memref<100000xf32, #tpu.memory_space<vmem>>, vector<128xf32>
      %jit3A_1825 = arith.constant 0.000000e+00 : f32
      %broadcast_in_dim3A_1826 = vector.broadcast %jit3A_1825 : f32 to vector<128xf32>
      %select_n3A_1827 = arith.select %eq3A_1822, %get3A_1824, %broadcast_in_dim3A_1826 : vector<128xi1>, vector<128xf32>
      %reduce_sum3A_1828 = vector.shape_cast %select_n3A_1827 : vector<128xf32> to vector<1x128xf32>
      %reduce_sum3A_1829 = arith.constant dense<0.000000e+00> : vector<1xf32>
      %reduce_sum3A_1830 = vector.multi_reduction <add>, %reduce_sum3A_1828, %reduce_sum3A_1829 [1] : vector<1x128xf32> to vector<1xf32>
      %reduce_sum3A_1831 = vector.shape_cast %reduce_sum3A_1830 : vector<1xf32> to vector<1x1xf32>
      %reduce_sum3A_1832 = vector.extract %reduce_sum3A_1831[0, 0] : f32 from vector<1x1xf32>
      %eq3A_1833 = vector.broadcast %select_n3A_1820 : i32 to vector<128xi32>
      %eq3A_1834 = arith.cmpi eq, %iota3A_201, %eq3A_1833 : vector<128xi32>
      %get3A_1835 = arith.index_cast %multiple_of3A_1804 : i32 to index
      %get3A_1836 = vector.load %arg5[%get3A_1835] : memref<100000xf32, #tpu.memory_space<vmem>>, vector<128xf32>
      %jit3A_1837 = arith.constant 0.000000e+00 : f32
      %broadcast_in_dim3A_1838 = vector.broadcast %jit3A_1837 : f32 to vector<128xf32>
      %select_n3A_1839 = arith.select %eq3A_1834, %get3A_1836, %broadcast_in_dim3A_1838 : vector<128xi1>, vector<128xf32>
      %reduce_sum3A_1840 = vector.shape_cast %select_n3A_1839 : vector<128xf32> to vector<1x128xf32>
      %reduce_sum3A_1841 = arith.constant dense<0.000000e+00> : vector<1xf32>
      %reduce_sum3A_1842 = vector.multi_reduction <add>, %reduce_sum3A_1840, %reduce_sum3A_1841 [1] : vector<1x128xf32> to vector<1xf32>
      %reduce_sum3A_1843 = vector.shape_cast %reduce_sum3A_1842 : vector<1xf32> to vector<1x1xf32>
      %reduce_sum3A_1844 = vector.extract %reduce_sum3A_1843[0, 0] : f32 from vector<1x1xf32>
      %eq3A_1845 = arith.constant 20 : i32
      %eq3A_1846 = vector.broadcast %eq3A_1845 : i32 to vector<32xi32>
      %eq3A_1847 = arith.cmpi eq, %iota3A_203, %eq3A_1846 : vector<32xi32>
      %broadcast_in_dim3A_1848 = vector.broadcast %reduce_sum3A_1832 : f32 to vector<32xf32>
      %select_n3A_1849 = arith.select %eq3A_1847, %broadcast_in_dim3A_1848, %select_n3A_1770 : vector<32xi1>, vector<32xf32>
      %eq3A_1850 = arith.constant 20 : i32
      %eq3A_1851 = vector.broadcast %eq3A_1850 : i32 to vector<32xi32>
      %eq3A_1852 = arith.cmpi eq, %iota3A_203, %eq3A_1851 : vector<32xi32>
      %broadcast_in_dim3A_1853 = vector.broadcast %reduce_sum3A_1844 : f32 to vector<32xf32>
      %select_n3A_1854 = arith.select %eq3A_1852, %broadcast_in_dim3A_1853, %select_n3A_1775 : vector<32xi1>, vector<32xf32>
      %get3A_1855 = arith.constant 21 : index
      %get3A_1856 = memref.load %arg1[%get3A_1855] : memref<25xi32, #tpu.memory_space<smem>>
      %jit3A_1857 = arith.constant 128 : i32
      %div3A_1858 = arith.divsi %get3A_1856, %jit3A_1857 : i32
      %sign3A_1859 = arith.constant 0 : i32
      %sign3A_1860 = arith.cmpi sgt, %get3A_1856, %sign3A_1859 : i32
      %sign3A_1861 = arith.extui %sign3A_1860 : i1 to i32
      %sign3A_1862 = arith.constant 0 : i32
      %sign3A_1863 = arith.cmpi slt, %get3A_1856, %sign3A_1862 : i32
      %sign3A_1864 = arith.extui %sign3A_1863 : i1 to i32
      %sign3A_1865 = arith.subi %sign3A_1861, %sign3A_1864 : i32
      %sign3A_1866 = arith.constant 0 : i32
      %sign3A_1867 = arith.cmpi sgt, %jit3A_1857, %sign3A_1866 : i32
      %sign3A_1868 = arith.extui %sign3A_1867 : i1 to i32
      %sign3A_1869 = arith.constant 0 : i32
      %sign3A_1870 = arith.cmpi slt, %jit3A_1857, %sign3A_1869 : i32
      %sign3A_1871 = arith.extui %sign3A_1870 : i1 to i32
      %sign3A_1872 = arith.subi %sign3A_1868, %sign3A_1871 : i32
      %ne3A_1873 = arith.cmpi ne, %sign3A_1865, %sign3A_1872 : i32
      %rem3A_1874 = arith.remsi %get3A_1856, %jit3A_1857 : i32
      %ne3A_1875 = arith.constant 0 : i32
      %ne3A_1876 = arith.cmpi ne, %rem3A_1874, %ne3A_1875 : i32
      %and3A_1877 = arith.andi %ne3A_1873, %ne3A_1876 : i1
      %sub3A_1878 = arith.constant 1 : i32
      %sub3A_1879 = arith.subi %div3A_1858, %sub3A_1878 : i32
      %select_n3A_1880 = arith.select %and3A_1877, %sub3A_1879, %div3A_1858 : i32
      %mul3A_1881 = arith.constant 128 : i32
      %mul3A_1882 = arith.muli %select_n3A_1880, %mul3A_1881 : i32
      %multiple_of3A_1883 = tpu.assume_multiple %mul3A_1882, 128 : i32
      %jit3A_1884 = arith.constant 128 : i32
      %eq3A_1885 = arith.constant 0 : i32
      %eq3A_1886 = arith.cmpi eq, %jit3A_1884, %eq3A_1885 : i32
      %jit3A_1887 = arith.constant 1 : i32
      %select_n3A_1888 = arith.select %eq3A_1886, %jit3A_1887, %jit3A_1884 : i32
      %rem3A_1889 = arith.remsi %get3A_1856, %select_n3A_1888 : i32
      %ne3A_1890 = arith.constant 0 : i32
      %ne3A_1891 = arith.cmpi ne, %rem3A_1889, %ne3A_1890 : i32
      %lt3A_1892 = arith.constant 0 : i32
      %lt3A_1893 = arith.cmpi slt, %rem3A_1889, %lt3A_1892 : i32
      %lt3A_1894 = arith.constant 0 : i32
      %lt3A_1895 = arith.cmpi slt, %select_n3A_1888, %lt3A_1894 : i32
      %ne3A_1896 = arith.xori %lt3A_1893, %lt3A_1895 : i1
      %and3A_1897 = arith.andi %ne3A_1896, %ne3A_1891 : i1
      %add3A_1898 = arith.addi %rem3A_1889, %select_n3A_1888 : i32
      %select_n3A_1899 = arith.select %and3A_1897, %add3A_1898, %rem3A_1889 : i32
      %eq3A_1900 = vector.broadcast %select_n3A_1899 : i32 to vector<128xi32>
      %eq3A_1901 = arith.cmpi eq, %iota3A_201, %eq3A_1900 : vector<128xi32>
      %get3A_1902 = arith.index_cast %multiple_of3A_1883 : i32 to index
      %get3A_1903 = vector.load %arg4[%get3A_1902] : memref<100000xf32, #tpu.memory_space<vmem>>, vector<128xf32>
      %jit3A_1904 = arith.constant 0.000000e+00 : f32
      %broadcast_in_dim3A_1905 = vector.broadcast %jit3A_1904 : f32 to vector<128xf32>
      %select_n3A_1906 = arith.select %eq3A_1901, %get3A_1903, %broadcast_in_dim3A_1905 : vector<128xi1>, vector<128xf32>
      %reduce_sum3A_1907 = vector.shape_cast %select_n3A_1906 : vector<128xf32> to vector<1x128xf32>
      %reduce_sum3A_1908 = arith.constant dense<0.000000e+00> : vector<1xf32>
      %reduce_sum3A_1909 = vector.multi_reduction <add>, %reduce_sum3A_1907, %reduce_sum3A_1908 [1] : vector<1x128xf32> to vector<1xf32>
      %reduce_sum3A_1910 = vector.shape_cast %reduce_sum3A_1909 : vector<1xf32> to vector<1x1xf32>
      %reduce_sum3A_1911 = vector.extract %reduce_sum3A_1910[0, 0] : f32 from vector<1x1xf32>
      %eq3A_1912 = vector.broadcast %select_n3A_1899 : i32 to vector<128xi32>
      %eq3A_1913 = arith.cmpi eq, %iota3A_201, %eq3A_1912 : vector<128xi32>
      %get3A_1914 = arith.index_cast %multiple_of3A_1883 : i32 to index
      %get3A_1915 = vector.load %arg5[%get3A_1914] : memref<100000xf32, #tpu.memory_space<vmem>>, vector<128xf32>
      %jit3A_1916 = arith.constant 0.000000e+00 : f32
      %broadcast_in_dim3A_1917 = vector.broadcast %jit3A_1916 : f32 to vector<128xf32>
      %select_n3A_1918 = arith.select %eq3A_1913, %get3A_1915, %broadcast_in_dim3A_1917 : vector<128xi1>, vector<128xf32>
      %reduce_sum3A_1919 = vector.shape_cast %select_n3A_1918 : vector<128xf32> to vector<1x128xf32>
      %reduce_sum3A_1920 = arith.constant dense<0.000000e+00> : vector<1xf32>
      %reduce_sum3A_1921 = vector.multi_reduction <add>, %reduce_sum3A_1919, %reduce_sum3A_1920 [1] : vector<1x128xf32> to vector<1xf32>
      %reduce_sum3A_1922 = vector.shape_cast %reduce_sum3A_1921 : vector<1xf32> to vector<1x1xf32>
      %reduce_sum3A_1923 = vector.extract %reduce_sum3A_1922[0, 0] : f32 from vector<1x1xf32>
      %eq3A_1924 = arith.constant 21 : i32
      %eq3A_1925 = vector.broadcast %eq3A_1924 : i32 to vector<32xi32>
      %eq3A_1926 = arith.cmpi eq, %iota3A_203, %eq3A_1925 : vector<32xi32>
      %broadcast_in_dim3A_1927 = vector.broadcast %reduce_sum3A_1911 : f32 to vector<32xf32>
      %select_n3A_1928 = arith.select %eq3A_1926, %broadcast_in_dim3A_1927, %select_n3A_1849 : vector<32xi1>, vector<32xf32>
      %eq3A_1929 = arith.constant 21 : i32
      %eq3A_1930 = vector.broadcast %eq3A_1929 : i32 to vector<32xi32>
      %eq3A_1931 = arith.cmpi eq, %iota3A_203, %eq3A_1930 : vector<32xi32>
      %broadcast_in_dim3A_1932 = vector.broadcast %reduce_sum3A_1923 : f32 to vector<32xf32>
      %select_n3A_1933 = arith.select %eq3A_1931, %broadcast_in_dim3A_1932, %select_n3A_1854 : vector<32xi1>, vector<32xf32>
      %get3A_1934 = arith.constant 22 : index
      %get3A_1935 = memref.load %arg1[%get3A_1934] : memref<25xi32, #tpu.memory_space<smem>>
      %jit3A_1936 = arith.constant 128 : i32
      %div3A_1937 = arith.divsi %get3A_1935, %jit3A_1936 : i32
      %sign3A_1938 = arith.constant 0 : i32
      %sign3A_1939 = arith.cmpi sgt, %get3A_1935, %sign3A_1938 : i32
      %sign3A_1940 = arith.extui %sign3A_1939 : i1 to i32
      %sign3A_1941 = arith.constant 0 : i32
      %sign3A_1942 = arith.cmpi slt, %get3A_1935, %sign3A_1941 : i32
      %sign3A_1943 = arith.extui %sign3A_1942 : i1 to i32
      %sign3A_1944 = arith.subi %sign3A_1940, %sign3A_1943 : i32
      %sign3A_1945 = arith.constant 0 : i32
      %sign3A_1946 = arith.cmpi sgt, %jit3A_1936, %sign3A_1945 : i32
      %sign3A_1947 = arith.extui %sign3A_1946 : i1 to i32
      %sign3A_1948 = arith.constant 0 : i32
      %sign3A_1949 = arith.cmpi slt, %jit3A_1936, %sign3A_1948 : i32
      %sign3A_1950 = arith.extui %sign3A_1949 : i1 to i32
      %sign3A_1951 = arith.subi %sign3A_1947, %sign3A_1950 : i32
      %ne3A_1952 = arith.cmpi ne, %sign3A_1944, %sign3A_1951 : i32
      %rem3A_1953 = arith.remsi %get3A_1935, %jit3A_1936 : i32
      %ne3A_1954 = arith.constant 0 : i32
      %ne3A_1955 = arith.cmpi ne, %rem3A_1953, %ne3A_1954 : i32
      %and3A_1956 = arith.andi %ne3A_1952, %ne3A_1955 : i1
      %sub3A_1957 = arith.constant 1 : i32
      %sub3A_1958 = arith.subi %div3A_1937, %sub3A_1957 : i32
      %select_n3A_1959 = arith.select %and3A_1956, %sub3A_1958, %div3A_1937 : i32
      %mul3A_1960 = arith.constant 128 : i32
      %mul3A_1961 = arith.muli %select_n3A_1959, %mul3A_1960 : i32
      %multiple_of3A_1962 = tpu.assume_multiple %mul3A_1961, 128 : i32
      %jit3A_1963 = arith.constant 128 : i32
      %eq3A_1964 = arith.constant 0 : i32
      %eq3A_1965 = arith.cmpi eq, %jit3A_1963, %eq3A_1964 : i32
      %jit3A_1966 = arith.constant 1 : i32
      %select_n3A_1967 = arith.select %eq3A_1965, %jit3A_1966, %jit3A_1963 : i32
      %rem3A_1968 = arith.remsi %get3A_1935, %select_n3A_1967 : i32
      %ne3A_1969 = arith.constant 0 : i32
      %ne3A_1970 = arith.cmpi ne, %rem3A_1968, %ne3A_1969 : i32
      %lt3A_1971 = arith.constant 0 : i32
      %lt3A_1972 = arith.cmpi slt, %rem3A_1968, %lt3A_1971 : i32
      %lt3A_1973 = arith.constant 0 : i32
      %lt3A_1974 = arith.cmpi slt, %select_n3A_1967, %lt3A_1973 : i32
      %ne3A_1975 = arith.xori %lt3A_1972, %lt3A_1974 : i1
      %and3A_1976 = arith.andi %ne3A_1975, %ne3A_1970 : i1
      %add3A_1977 = arith.addi %rem3A_1968, %select_n3A_1967 : i32
      %select_n3A_1978 = arith.select %and3A_1976, %add3A_1977, %rem3A_1968 : i32
      %eq3A_1979 = vector.broadcast %select_n3A_1978 : i32 to vector<128xi32>
      %eq3A_1980 = arith.cmpi eq, %iota3A_201, %eq3A_1979 : vector<128xi32>
      %get3A_1981 = arith.index_cast %multiple_of3A_1962 : i32 to index
      %get3A_1982 = vector.load %arg4[%get3A_1981] : memref<100000xf32, #tpu.memory_space<vmem>>, vector<128xf32>
      %jit3A_1983 = arith.constant 0.000000e+00 : f32
      %broadcast_in_dim3A_1984 = vector.broadcast %jit3A_1983 : f32 to vector<128xf32>
      %select_n3A_1985 = arith.select %eq3A_1980, %get3A_1982, %broadcast_in_dim3A_1984 : vector<128xi1>, vector<128xf32>
      %reduce_sum3A_1986 = vector.shape_cast %select_n3A_1985 : vector<128xf32> to vector<1x128xf32>
      %reduce_sum3A_1987 = arith.constant dense<0.000000e+00> : vector<1xf32>
      %reduce_sum3A_1988 = vector.multi_reduction <add>, %reduce_sum3A_1986, %reduce_sum3A_1987 [1] : vector<1x128xf32> to vector<1xf32>
      %reduce_sum3A_1989 = vector.shape_cast %reduce_sum3A_1988 : vector<1xf32> to vector<1x1xf32>
      %reduce_sum3A_1990 = vector.extract %reduce_sum3A_1989[0, 0] : f32 from vector<1x1xf32>
      %eq3A_1991 = vector.broadcast %select_n3A_1978 : i32 to vector<128xi32>
      %eq3A_1992 = arith.cmpi eq, %iota3A_201, %eq3A_1991 : vector<128xi32>
      %get3A_1993 = arith.index_cast %multiple_of3A_1962 : i32 to index
      %get3A_1994 = vector.load %arg5[%get3A_1993] : memref<100000xf32, #tpu.memory_space<vmem>>, vector<128xf32>
      %jit3A_1995 = arith.constant 0.000000e+00 : f32
      %broadcast_in_dim3A_1996 = vector.broadcast %jit3A_1995 : f32 to vector<128xf32>
      %select_n3A_1997 = arith.select %eq3A_1992, %get3A_1994, %broadcast_in_dim3A_1996 : vector<128xi1>, vector<128xf32>
      %reduce_sum3A_1998 = vector.shape_cast %select_n3A_1997 : vector<128xf32> to vector<1x128xf32>
      %reduce_sum3A_1999 = arith.constant dense<0.000000e+00> : vector<1xf32>
      %reduce_sum3A_2000 = vector.multi_reduction <add>, %reduce_sum3A_1998, %reduce_sum3A_1999 [1] : vector<1x128xf32> to vector<1xf32>
      %reduce_sum3A_2001 = vector.shape_cast %reduce_sum3A_2000 : vector<1xf32> to vector<1x1xf32>
      %reduce_sum3A_2002 = vector.extract %reduce_sum3A_2001[0, 0] : f32 from vector<1x1xf32>
      %eq3A_2003 = arith.constant 22 : i32
      %eq3A_2004 = vector.broadcast %eq3A_2003 : i32 to vector<32xi32>
      %eq3A_2005 = arith.cmpi eq, %iota3A_203, %eq3A_2004 : vector<32xi32>
      %broadcast_in_dim3A_2006 = vector.broadcast %reduce_sum3A_1990 : f32 to vector<32xf32>
      %select_n3A_2007 = arith.select %eq3A_2005, %broadcast_in_dim3A_2006, %select_n3A_1928 : vector<32xi1>, vector<32xf32>
      %eq3A_2008 = arith.constant 22 : i32
      %eq3A_2009 = vector.broadcast %eq3A_2008 : i32 to vector<32xi32>
      %eq3A_2010 = arith.cmpi eq, %iota3A_203, %eq3A_2009 : vector<32xi32>
      %broadcast_in_dim3A_2011 = vector.broadcast %reduce_sum3A_2002 : f32 to vector<32xf32>
      %select_n3A_2012 = arith.select %eq3A_2010, %broadcast_in_dim3A_2011, %select_n3A_1933 : vector<32xi1>, vector<32xf32>
      %get3A_2013 = arith.constant 23 : index
      %get3A_2014 = memref.load %arg1[%get3A_2013] : memref<25xi32, #tpu.memory_space<smem>>
      %jit3A_2015 = arith.constant 128 : i32
      %div3A_2016 = arith.divsi %get3A_2014, %jit3A_2015 : i32
      %sign3A_2017 = arith.constant 0 : i32
      %sign3A_2018 = arith.cmpi sgt, %get3A_2014, %sign3A_2017 : i32
      %sign3A_2019 = arith.extui %sign3A_2018 : i1 to i32
      %sign3A_2020 = arith.constant 0 : i32
      %sign3A_2021 = arith.cmpi slt, %get3A_2014, %sign3A_2020 : i32
      %sign3A_2022 = arith.extui %sign3A_2021 : i1 to i32
      %sign3A_2023 = arith.subi %sign3A_2019, %sign3A_2022 : i32
      %sign3A_2024 = arith.constant 0 : i32
      %sign3A_2025 = arith.cmpi sgt, %jit3A_2015, %sign3A_2024 : i32
      %sign3A_2026 = arith.extui %sign3A_2025 : i1 to i32
      %sign3A_2027 = arith.constant 0 : i32
      %sign3A_2028 = arith.cmpi slt, %jit3A_2015, %sign3A_2027 : i32
      %sign3A_2029 = arith.extui %sign3A_2028 : i1 to i32
      %sign3A_2030 = arith.subi %sign3A_2026, %sign3A_2029 : i32
      %ne3A_2031 = arith.cmpi ne, %sign3A_2023, %sign3A_2030 : i32
      %rem3A_2032 = arith.remsi %get3A_2014, %jit3A_2015 : i32
      %ne3A_2033 = arith.constant 0 : i32
      %ne3A_2034 = arith.cmpi ne, %rem3A_2032, %ne3A_2033 : i32
      %and3A_2035 = arith.andi %ne3A_2031, %ne3A_2034 : i1
      %sub3A_2036 = arith.constant 1 : i32
      %sub3A_2037 = arith.subi %div3A_2016, %sub3A_2036 : i32
      %select_n3A_2038 = arith.select %and3A_2035, %sub3A_2037, %div3A_2016 : i32
      %mul3A_2039 = arith.constant 128 : i32
      %mul3A_2040 = arith.muli %select_n3A_2038, %mul3A_2039 : i32
      %multiple_of3A_2041 = tpu.assume_multiple %mul3A_2040, 128 : i32
      %jit3A_2042 = arith.constant 128 : i32
      %eq3A_2043 = arith.constant 0 : i32
      %eq3A_2044 = arith.cmpi eq, %jit3A_2042, %eq3A_2043 : i32
      %jit3A_2045 = arith.constant 1 : i32
      %select_n3A_2046 = arith.select %eq3A_2044, %jit3A_2045, %jit3A_2042 : i32
      %rem3A_2047 = arith.remsi %get3A_2014, %select_n3A_2046 : i32
      %ne3A_2048 = arith.constant 0 : i32
      %ne3A_2049 = arith.cmpi ne, %rem3A_2047, %ne3A_2048 : i32
      %lt3A_2050 = arith.constant 0 : i32
      %lt3A_2051 = arith.cmpi slt, %rem3A_2047, %lt3A_2050 : i32
      %lt3A_2052 = arith.constant 0 : i32
      %lt3A_2053 = arith.cmpi slt, %select_n3A_2046, %lt3A_2052 : i32
      %ne3A_2054 = arith.xori %lt3A_2051, %lt3A_2053 : i1
      %and3A_2055 = arith.andi %ne3A_2054, %ne3A_2049 : i1
      %add3A_2056 = arith.addi %rem3A_2047, %select_n3A_2046 : i32
      %select_n3A_2057 = arith.select %and3A_2055, %add3A_2056, %rem3A_2047 : i32
      %eq3A_2058 = vector.broadcast %select_n3A_2057 : i32 to vector<128xi32>
      %eq3A_2059 = arith.cmpi eq, %iota3A_201, %eq3A_2058 : vector<128xi32>
      %get3A_2060 = arith.index_cast %multiple_of3A_2041 : i32 to index
      %get3A_2061 = vector.load %arg4[%get3A_2060] : memref<100000xf32, #tpu.memory_space<vmem>>, vector<128xf32>
      %jit3A_2062 = arith.constant 0.000000e+00 : f32
      %broadcast_in_dim3A_2063 = vector.broadcast %jit3A_2062 : f32 to vector<128xf32>
      %select_n3A_2064 = arith.select %eq3A_2059, %get3A_2061, %broadcast_in_dim3A_2063 : vector<128xi1>, vector<128xf32>
      %reduce_sum3A_2065 = vector.shape_cast %select_n3A_2064 : vector<128xf32> to vector<1x128xf32>
      %reduce_sum3A_2066 = arith.constant dense<0.000000e+00> : vector<1xf32>
      %reduce_sum3A_2067 = vector.multi_reduction <add>, %reduce_sum3A_2065, %reduce_sum3A_2066 [1] : vector<1x128xf32> to vector<1xf32>
      %reduce_sum3A_2068 = vector.shape_cast %reduce_sum3A_2067 : vector<1xf32> to vector<1x1xf32>
      %reduce_sum3A_2069 = vector.extract %reduce_sum3A_2068[0, 0] : f32 from vector<1x1xf32>
      %eq3A_2070 = vector.broadcast %select_n3A_2057 : i32 to vector<128xi32>
      %eq3A_2071 = arith.cmpi eq, %iota3A_201, %eq3A_2070 : vector<128xi32>
      %get3A_2072 = arith.index_cast %multiple_of3A_2041 : i32 to index
      %get3A_2073 = vector.load %arg5[%get3A_2072] : memref<100000xf32, #tpu.memory_space<vmem>>, vector<128xf32>
      %jit3A_2074 = arith.constant 0.000000e+00 : f32
      %broadcast_in_dim3A_2075 = vector.broadcast %jit3A_2074 : f32 to vector<128xf32>
      %select_n3A_2076 = arith.select %eq3A_2071, %get3A_2073, %broadcast_in_dim3A_2075 : vector<128xi1>, vector<128xf32>
      %reduce_sum3A_2077 = vector.shape_cast %select_n3A_2076 : vector<128xf32> to vector<1x128xf32>
      %reduce_sum3A_2078 = arith.constant dense<0.000000e+00> : vector<1xf32>
      %reduce_sum3A_2079 = vector.multi_reduction <add>, %reduce_sum3A_2077, %reduce_sum3A_2078 [1] : vector<1x128xf32> to vector<1xf32>
      %reduce_sum3A_2080 = vector.shape_cast %reduce_sum3A_2079 : vector<1xf32> to vector<1x1xf32>
      %reduce_sum3A_2081 = vector.extract %reduce_sum3A_2080[0, 0] : f32 from vector<1x1xf32>
      %eq3A_2082 = arith.constant 23 : i32
      %eq3A_2083 = vector.broadcast %eq3A_2082 : i32 to vector<32xi32>
      %eq3A_2084 = arith.cmpi eq, %iota3A_203, %eq3A_2083 : vector<32xi32>
      %broadcast_in_dim3A_2085 = vector.broadcast %reduce_sum3A_2069 : f32 to vector<32xf32>
      %select_n3A_2086 = arith.select %eq3A_2084, %broadcast_in_dim3A_2085, %select_n3A_2007 : vector<32xi1>, vector<32xf32>
      %eq3A_2087 = arith.constant 23 : i32
      %eq3A_2088 = vector.broadcast %eq3A_2087 : i32 to vector<32xi32>
      %eq3A_2089 = arith.cmpi eq, %iota3A_203, %eq3A_2088 : vector<32xi32>
      %broadcast_in_dim3A_2090 = vector.broadcast %reduce_sum3A_2081 : f32 to vector<32xf32>
      %select_n3A_2091 = arith.select %eq3A_2089, %broadcast_in_dim3A_2090, %select_n3A_2012 : vector<32xi1>, vector<32xf32>
      %get3A_2092 = arith.constant 24 : index
      %get3A_2093 = memref.load %arg1[%get3A_2092] : memref<25xi32, #tpu.memory_space<smem>>
      %jit3A_2094 = arith.constant 128 : i32
      %div3A_2095 = arith.divsi %get3A_2093, %jit3A_2094 : i32
      %sign3A_2096 = arith.constant 0 : i32
      %sign3A_2097 = arith.cmpi sgt, %get3A_2093, %sign3A_2096 : i32
      %sign3A_2098 = arith.extui %sign3A_2097 : i1 to i32
      %sign3A_2099 = arith.constant 0 : i32
      %sign3A_2100 = arith.cmpi slt, %get3A_2093, %sign3A_2099 : i32
      %sign3A_2101 = arith.extui %sign3A_2100 : i1 to i32
      %sign3A_2102 = arith.subi %sign3A_2098, %sign3A_2101 : i32
      %sign3A_2103 = arith.constant 0 : i32
      %sign3A_2104 = arith.cmpi sgt, %jit3A_2094, %sign3A_2103 : i32
      %sign3A_2105 = arith.extui %sign3A_2104 : i1 to i32
      %sign3A_2106 = arith.constant 0 : i32
      %sign3A_2107 = arith.cmpi slt, %jit3A_2094, %sign3A_2106 : i32
      %sign3A_2108 = arith.extui %sign3A_2107 : i1 to i32
      %sign3A_2109 = arith.subi %sign3A_2105, %sign3A_2108 : i32
      %ne3A_2110 = arith.cmpi ne, %sign3A_2102, %sign3A_2109 : i32
      %rem3A_2111 = arith.remsi %get3A_2093, %jit3A_2094 : i32
      %ne3A_2112 = arith.constant 0 : i32
      %ne3A_2113 = arith.cmpi ne, %rem3A_2111, %ne3A_2112 : i32
      %and3A_2114 = arith.andi %ne3A_2110, %ne3A_2113 : i1
      %sub3A_2115 = arith.constant 1 : i32
      %sub3A_2116 = arith.subi %div3A_2095, %sub3A_2115 : i32
      %select_n3A_2117 = arith.select %and3A_2114, %sub3A_2116, %div3A_2095 : i32
      %mul3A_2118 = arith.constant 128 : i32
      %mul3A_2119 = arith.muli %select_n3A_2117, %mul3A_2118 : i32
      %multiple_of3A_2120 = tpu.assume_multiple %mul3A_2119, 128 : i32
      %jit3A_2121 = arith.constant 128 : i32
      %eq3A_2122 = arith.constant 0 : i32
      %eq3A_2123 = arith.cmpi eq, %jit3A_2121, %eq3A_2122 : i32
      %jit3A_2124 = arith.constant 1 : i32
      %select_n3A_2125 = arith.select %eq3A_2123, %jit3A_2124, %jit3A_2121 : i32
      %rem3A_2126 = arith.remsi %get3A_2093, %select_n3A_2125 : i32
      %ne3A_2127 = arith.constant 0 : i32
      %ne3A_2128 = arith.cmpi ne, %rem3A_2126, %ne3A_2127 : i32
      %lt3A_2129 = arith.constant 0 : i32
      %lt3A_2130 = arith.cmpi slt, %rem3A_2126, %lt3A_2129 : i32
      %lt3A_2131 = arith.constant 0 : i32
      %lt3A_2132 = arith.cmpi slt, %select_n3A_2125, %lt3A_2131 : i32
      %ne3A_2133 = arith.xori %lt3A_2130, %lt3A_2132 : i1
      %and3A_2134 = arith.andi %ne3A_2133, %ne3A_2128 : i1
      %add3A_2135 = arith.addi %rem3A_2126, %select_n3A_2125 : i32
      %select_n3A_2136 = arith.select %and3A_2134, %add3A_2135, %rem3A_2126 : i32
      %eq3A_2137 = vector.broadcast %select_n3A_2136 : i32 to vector<128xi32>
      %eq3A_2138 = arith.cmpi eq, %iota3A_201, %eq3A_2137 : vector<128xi32>
      %get3A_2139 = arith.index_cast %multiple_of3A_2120 : i32 to index
      %get3A_2140 = vector.load %arg4[%get3A_2139] : memref<100000xf32, #tpu.memory_space<vmem>>, vector<128xf32>
      %jit3A_2141 = arith.constant 0.000000e+00 : f32
      %broadcast_in_dim3A_2142 = vector.broadcast %jit3A_2141 : f32 to vector<128xf32>
      %select_n3A_2143 = arith.select %eq3A_2138, %get3A_2140, %broadcast_in_dim3A_2142 : vector<128xi1>, vector<128xf32>
      %reduce_sum3A_2144 = vector.shape_cast %select_n3A_2143 : vector<128xf32> to vector<1x128xf32>
      %reduce_sum3A_2145 = arith.constant dense<0.000000e+00> : vector<1xf32>
      %reduce_sum3A_2146 = vector.multi_reduction <add>, %reduce_sum3A_2144, %reduce_sum3A_2145 [1] : vector<1x128xf32> to vector<1xf32>
      %reduce_sum3A_2147 = vector.shape_cast %reduce_sum3A_2146 : vector<1xf32> to vector<1x1xf32>
      %reduce_sum3A_2148 = vector.extract %reduce_sum3A_2147[0, 0] : f32 from vector<1x1xf32>
      %eq3A_2149 = vector.broadcast %select_n3A_2136 : i32 to vector<128xi32>
      %eq3A_2150 = arith.cmpi eq, %iota3A_201, %eq3A_2149 : vector<128xi32>
      %get3A_2151 = arith.index_cast %multiple_of3A_2120 : i32 to index
      %get3A_2152 = vector.load %arg5[%get3A_2151] : memref<100000xf32, #tpu.memory_space<vmem>>, vector<128xf32>
      %jit3A_2153 = arith.constant 0.000000e+00 : f32
      %broadcast_in_dim3A_2154 = vector.broadcast %jit3A_2153 : f32 to vector<128xf32>
      %select_n3A_2155 = arith.select %eq3A_2150, %get3A_2152, %broadcast_in_dim3A_2154 : vector<128xi1>, vector<128xf32>
      %reduce_sum3A_2156 = vector.shape_cast %select_n3A_2155 : vector<128xf32> to vector<1x128xf32>
      %reduce_sum3A_2157 = arith.constant dense<0.000000e+00> : vector<1xf32>
      %reduce_sum3A_2158 = vector.multi_reduction <add>, %reduce_sum3A_2156, %reduce_sum3A_2157 [1] : vector<1x128xf32> to vector<1xf32>
      %reduce_sum3A_2159 = vector.shape_cast %reduce_sum3A_2158 : vector<1xf32> to vector<1x1xf32>
      %reduce_sum3A_2160 = vector.extract %reduce_sum3A_2159[0, 0] : f32 from vector<1x1xf32>
      %eq3A_2161 = arith.constant 24 : i32
      %eq3A_2162 = vector.broadcast %eq3A_2161 : i32 to vector<32xi32>
      %eq3A_2163 = arith.cmpi eq, %iota3A_203, %eq3A_2162 : vector<32xi32>
      %broadcast_in_dim3A_2164 = vector.broadcast %reduce_sum3A_2148 : f32 to vector<32xf32>
      %select_n3A_2165 = arith.select %eq3A_2163, %broadcast_in_dim3A_2164, %select_n3A_2086 : vector<32xi1>, vector<32xf32>
      %eq3A_2166 = arith.constant 24 : i32
      %eq3A_2167 = vector.broadcast %eq3A_2166 : i32 to vector<32xi32>
      %eq3A_2168 = arith.cmpi eq, %iota3A_203, %eq3A_2167 : vector<32xi32>
      %broadcast_in_dim3A_2169 = vector.broadcast %reduce_sum3A_2160 : f32 to vector<32xf32>
      %select_n3A_2170 = arith.select %eq3A_2168, %broadcast_in_dim3A_2169, %select_n3A_2091 : vector<32xi1>, vector<32xf32>
      %swap3A_2171 = arith.constant 0 : index
      %swap3A_2172 = arith.constant 0 : index
      %swap3A_2173 = vector.load %arg9[%swap3A_2171, %swap3A_2172] : memref<2x32xf32, #tpu.memory_space<vmem>>, vector<1x32xf32>
      %swap3A_2174 = vector.shape_cast %swap3A_2173 : vector<1x32xf32> to vector<32xf32>
      %swap3A_2175 = vector.shape_cast %select_n3A_2165 : vector<32xf32> to vector<1x32xf32>
      tpu.vector_store %arg9[%swap3A_2171, %swap3A_2172], %swap3A_2175 {strides = array<i32>} : memref<2x32xf32, #tpu.memory_space<vmem>>, vector<1x32xf32>,
      %swap3A_2176 = arith.constant 1 : index
      %swap3A_2177 = arith.constant 0 : index
      %swap3A_2178 = vector.load %arg9[%swap3A_2176, %swap3A_2177] : memref<2x32xf32, #tpu.memory_space<vmem>>, vector<1x32xf32>
      %swap3A_2179 = vector.shape_cast %swap3A_2178 : vector<1x32xf32> to vector<32xf32>
      %swap3A_2180 = vector.shape_cast %select_n3A_2170 : vector<32xf32> to vector<1x32xf32>
      tpu.vector_store %arg9[%swap3A_2176, %swap3A_2177], %swap3A_2180 {strides = array<i32>} : memref<2x32xf32, #tpu.memory_space<vmem>>, vector<1x32xf32>,
      %dma_wait3A = arith.constant 0 : i32
      %dma_wait3A_2181 = arith.constant 0 : i32
      %dma_wait3A_2182 = tpu.memref_slice %arg8[%dma_wait3A, %dma_wait3A_2181] : memref<32x128xf32, #tpu.memory_space<vmem>> -> memref<1x128xf32, #tpu.memory_space<vmem>>
      %dma_wait3A_2183 = arith.constant 0 : i32
      %dma_wait3A_2184 = tpu.memref_slice %arg3[%get3A_28, %dma_wait3A_2183] : memref<100000x128xf32, #tpu.memory_space<any>> -> memref<1x128xf32, #tpu.memory_space<any>>
      tpu.wait_dma2 semaphore(%arg10 : memref<!tpu.dma_semaphore, #tpu.memory_space<semaphore_mem>>) src(%dma_wait3A_2184 : memref<1x128xf32, #tpu.memory_space<any>>) dst(%dma_wait3A_2182 : memref<1x128xf32, #tpu.memory_space<vmem>>)
      %dma_wait3A_2185 = arith.constant 1 : i32
      %dma_wait3A_2186 = arith.constant 0 : i32
      %dma_wait3A_2187 = tpu.memref_slice %arg8[%dma_wait3A_2185, %dma_wait3A_2186] : memref<32x128xf32, #tpu.memory_space<vmem>> -> memref<1x128xf32, #tpu.memory_space<vmem>>
      %dma_wait3A_2188 = arith.constant 0 : i32
      %dma_wait3A_2189 = tpu.memref_slice %arg3[%get3A_30, %dma_wait3A_2188] : memref<100000x128xf32, #tpu.memory_space<any>> -> memref<1x128xf32, #tpu.memory_space<any>>
      tpu.wait_dma2 semaphore(%arg10 : memref<!tpu.dma_semaphore, #tpu.memory_space<semaphore_mem>>) src(%dma_wait3A_2189 : memref<1x128xf32, #tpu.memory_space<any>>) dst(%dma_wait3A_2187 : memref<1x128xf32, #tpu.memory_space<vmem>>)
      %dma_wait3A_2190 = arith.constant 2 : i32
      %dma_wait3A_2191 = arith.constant 0 : i32
      %dma_wait3A_2192 = tpu.memref_slice %arg8[%dma_wait3A_2190, %dma_wait3A_2191] : memref<32x128xf32, #tpu.memory_space<vmem>> -> memref<1x128xf32, #tpu.memory_space<vmem>>
      %dma_wait3A_2193 = arith.constant 0 : i32
      %dma_wait3A_2194 = tpu.memref_slice %arg3[%get3A_32, %dma_wait3A_2193] : memref<100000x128xf32, #tpu.memory_space<any>> -> memref<1x128xf32, #tpu.memory_space<any>>
      tpu.wait_dma2 semaphore(%arg10 : memref<!tpu.dma_semaphore, #tpu.memory_space<semaphore_mem>>) src(%dma_wait3A_2194 : memref<1x128xf32, #tpu.memory_space<any>>) dst(%dma_wait3A_2192 : memref<1x128xf32, #tpu.memory_space<vmem>>)
      %dma_wait3A_2195 = arith.constant 3 : i32
      %dma_wait3A_2196 = arith.constant 0 : i32
      %dma_wait3A_2197 = tpu.memref_slice %arg8[%dma_wait3A_2195, %dma_wait3A_2196] : memref<32x128xf32, #tpu.memory_space<vmem>> -> memref<1x128xf32, #tpu.memory_space<vmem>>
      %dma_wait3A_2198 = arith.constant 0 : i32
      %dma_wait3A_2199 = tpu.memref_slice %arg3[%get3A_34, %dma_wait3A_2198] : memref<100000x128xf32, #tpu.memory_space<any>> -> memref<1x128xf32, #tpu.memory_space<any>>
      tpu.wait_dma2 semaphore(%arg10 : memref<!tpu.dma_semaphore, #tpu.memory_space<semaphore_mem>>) src(%dma_wait3A_2199 : memref<1x128xf32, #tpu.memory_space<any>>) dst(%dma_wait3A_2197 : memref<1x128xf32, #tpu.memory_space<vmem>>)
      %dma_wait3A_2200 = arith.constant 4 : i32
      %dma_wait3A_2201 = arith.constant 0 : i32
      %dma_wait3A_2202 = tpu.memref_slice %arg8[%dma_wait3A_2200, %dma_wait3A_2201] : memref<32x128xf32, #tpu.memory_space<vmem>> -> memref<1x128xf32, #tpu.memory_space<vmem>>
      %dma_wait3A_2203 = arith.constant 0 : i32
      %dma_wait3A_2204 = tpu.memref_slice %arg3[%get3A_36, %dma_wait3A_2203] : memref<100000x128xf32, #tpu.memory_space<any>> -> memref<1x128xf32, #tpu.memory_space<any>>
      tpu.wait_dma2 semaphore(%arg10 : memref<!tpu.dma_semaphore, #tpu.memory_space<semaphore_mem>>) src(%dma_wait3A_2204 : memref<1x128xf32, #tpu.memory_space<any>>) dst(%dma_wait3A_2202 : memref<1x128xf32, #tpu.memory_space<vmem>>)
      %dma_wait3A_2205 = arith.constant 5 : i32
      %dma_wait3A_2206 = arith.constant 0 : i32
      %dma_wait3A_2207 = tpu.memref_slice %arg8[%dma_wait3A_2205, %dma_wait3A_2206] : memref<32x128xf32, #tpu.memory_space<vmem>> -> memref<1x128xf32, #tpu.memory_space<vmem>>
      %dma_wait3A_2208 = arith.constant 0 : i32
      %dma_wait3A_2209 = tpu.memref_slice %arg3[%get3A_38, %dma_wait3A_2208] : memref<100000x128xf32, #tpu.memory_space<any>> -> memref<1x128xf32, #tpu.memory_space<any>>
      tpu.wait_dma2 semaphore(%arg10 : memref<!tpu.dma_semaphore, #tpu.memory_space<semaphore_mem>>) src(%dma_wait3A_2209 : memref<1x128xf32, #tpu.memory_space<any>>) dst(%dma_wait3A_2207 : memref<1x128xf32, #tpu.memory_space<vmem>>)
      %dma_wait3A_2210 = arith.constant 6 : i32
      %dma_wait3A_2211 = arith.constant 0 : i32
      %dma_wait3A_2212 = tpu.memref_slice %arg8[%dma_wait3A_2210, %dma_wait3A_2211] : memref<32x128xf32, #tpu.memory_space<vmem>> -> memref<1x128xf32, #tpu.memory_space<vmem>>
      %dma_wait3A_2213 = arith.constant 0 : i32
      %dma_wait3A_2214 = tpu.memref_slice %arg3[%get3A_40, %dma_wait3A_2213] : memref<100000x128xf32, #tpu.memory_space<any>> -> memref<1x128xf32, #tpu.memory_space<any>>
      tpu.wait_dma2 semaphore(%arg10 : memref<!tpu.dma_semaphore, #tpu.memory_space<semaphore_mem>>) src(%dma_wait3A_2214 : memref<1x128xf32, #tpu.memory_space<any>>) dst(%dma_wait3A_2212 : memref<1x128xf32, #tpu.memory_space<vmem>>)
      %dma_wait3A_2215 = arith.constant 7 : i32
      %dma_wait3A_2216 = arith.constant 0 : i32
      %dma_wait3A_2217 = tpu.memref_slice %arg8[%dma_wait3A_2215, %dma_wait3A_2216] : memref<32x128xf32, #tpu.memory_space<vmem>> -> memref<1x128xf32, #tpu.memory_space<vmem>>
      %dma_wait3A_2218 = arith.constant 0 : i32
      %dma_wait3A_2219 = tpu.memref_slice %arg3[%get3A_42, %dma_wait3A_2218] : memref<100000x128xf32, #tpu.memory_space<any>> -> memref<1x128xf32, #tpu.memory_space<any>>
      tpu.wait_dma2 semaphore(%arg10 : memref<!tpu.dma_semaphore, #tpu.memory_space<semaphore_mem>>) src(%dma_wait3A_2219 : memref<1x128xf32, #tpu.memory_space<any>>) dst(%dma_wait3A_2217 : memref<1x128xf32, #tpu.memory_space<vmem>>)
      %dma_wait3A_2220 = arith.constant 8 : i32
      %dma_wait3A_2221 = arith.constant 0 : i32
      %dma_wait3A_2222 = tpu.memref_slice %arg8[%dma_wait3A_2220, %dma_wait3A_2221] : memref<32x128xf32, #tpu.memory_space<vmem>> -> memref<1x128xf32, #tpu.memory_space<vmem>>
      %dma_wait3A_2223 = arith.constant 0 : i32
      %dma_wait3A_2224 = tpu.memref_slice %arg3[%get3A_44, %dma_wait3A_2223] : memref<100000x128xf32, #tpu.memory_space<any>> -> memref<1x128xf32, #tpu.memory_space<any>>
      tpu.wait_dma2 semaphore(%arg10 : memref<!tpu.dma_semaphore, #tpu.memory_space<semaphore_mem>>) src(%dma_wait3A_2224 : memref<1x128xf32, #tpu.memory_space<any>>) dst(%dma_wait3A_2222 : memref<1x128xf32, #tpu.memory_space<vmem>>)
      %dma_wait3A_2225 = arith.constant 9 : i32
      %dma_wait3A_2226 = arith.constant 0 : i32
      %dma_wait3A_2227 = tpu.memref_slice %arg8[%dma_wait3A_2225, %dma_wait3A_2226] : memref<32x128xf32, #tpu.memory_space<vmem>> -> memref<1x128xf32, #tpu.memory_space<vmem>>
      %dma_wait3A_2228 = arith.constant 0 : i32
      %dma_wait3A_2229 = tpu.memref_slice %arg3[%get3A_46, %dma_wait3A_2228] : memref<100000x128xf32, #tpu.memory_space<any>> -> memref<1x128xf32, #tpu.memory_space<any>>
      tpu.wait_dma2 semaphore(%arg10 : memref<!tpu.dma_semaphore, #tpu.memory_space<semaphore_mem>>) src(%dma_wait3A_2229 : memref<1x128xf32, #tpu.memory_space<any>>) dst(%dma_wait3A_2227 : memref<1x128xf32, #tpu.memory_space<vmem>>)
      %dma_wait3A_2230 = arith.constant 10 : i32
      %dma_wait3A_2231 = arith.constant 0 : i32
      %dma_wait3A_2232 = tpu.memref_slice %arg8[%dma_wait3A_2230, %dma_wait3A_2231] : memref<32x128xf32, #tpu.memory_space<vmem>> -> memref<1x128xf32, #tpu.memory_space<vmem>>
      %dma_wait3A_2233 = arith.constant 0 : i32
      %dma_wait3A_2234 = tpu.memref_slice %arg3[%get3A_48, %dma_wait3A_2233] : memref<100000x128xf32, #tpu.memory_space<any>> -> memref<1x128xf32, #tpu.memory_space<any>>
      tpu.wait_dma2 semaphore(%arg10 : memref<!tpu.dma_semaphore, #tpu.memory_space<semaphore_mem>>) src(%dma_wait3A_2234 : memref<1x128xf32, #tpu.memory_space<any>>) dst(%dma_wait3A_2232 : memref<1x128xf32, #tpu.memory_space<vmem>>)
      %dma_wait3A_2235 = arith.constant 11 : i32
      %dma_wait3A_2236 = arith.constant 0 : i32
      %dma_wait3A_2237 = tpu.memref_slice %arg8[%dma_wait3A_2235, %dma_wait3A_2236] : memref<32x128xf32, #tpu.memory_space<vmem>> -> memref<1x128xf32, #tpu.memory_space<vmem>>
      %dma_wait3A_2238 = arith.constant 0 : i32
      %dma_wait3A_2239 = tpu.memref_slice %arg3[%get3A_50, %dma_wait3A_2238] : memref<100000x128xf32, #tpu.memory_space<any>> -> memref<1x128xf32, #tpu.memory_space<any>>
      tpu.wait_dma2 semaphore(%arg10 : memref<!tpu.dma_semaphore, #tpu.memory_space<semaphore_mem>>) src(%dma_wait3A_2239 : memref<1x128xf32, #tpu.memory_space<any>>) dst(%dma_wait3A_2237 : memref<1x128xf32, #tpu.memory_space<vmem>>)
      %dma_wait3A_2240 = arith.constant 12 : i32
      %dma_wait3A_2241 = arith.constant 0 : i32
      %dma_wait3A_2242 = tpu.memref_slice %arg8[%dma_wait3A_2240, %dma_wait3A_2241] : memref<32x128xf32, #tpu.memory_space<vmem>> -> memref<1x128xf32, #tpu.memory_space<vmem>>
      %dma_wait3A_2243 = arith.constant 0 : i32
      %dma_wait3A_2244 = tpu.memref_slice %arg3[%get3A_52, %dma_wait3A_2243] : memref<100000x128xf32, #tpu.memory_space<any>> -> memref<1x128xf32, #tpu.memory_space<any>>
      tpu.wait_dma2 semaphore(%arg10 : memref<!tpu.dma_semaphore, #tpu.memory_space<semaphore_mem>>) src(%dma_wait3A_2244 : memref<1x128xf32, #tpu.memory_space<any>>) dst(%dma_wait3A_2242 : memref<1x128xf32, #tpu.memory_space<vmem>>)
      %dma_wait3A_2245 = arith.constant 13 : i32
      %dma_wait3A_2246 = arith.constant 0 : i32
      %dma_wait3A_2247 = tpu.memref_slice %arg8[%dma_wait3A_2245, %dma_wait3A_2246] : memref<32x128xf32, #tpu.memory_space<vmem>> -> memref<1x128xf32, #tpu.memory_space<vmem>>
      %dma_wait3A_2248 = arith.constant 0 : i32
      %dma_wait3A_2249 = tpu.memref_slice %arg3[%get3A_54, %dma_wait3A_2248] : memref<100000x128xf32, #tpu.memory_space<any>> -> memref<1x128xf32, #tpu.memory_space<any>>
      tpu.wait_dma2 semaphore(%arg10 : memref<!tpu.dma_semaphore, #tpu.memory_space<semaphore_mem>>) src(%dma_wait3A_2249 : memref<1x128xf32, #tpu.memory_space<any>>) dst(%dma_wait3A_2247 : memref<1x128xf32, #tpu.memory_space<vmem>>)
      %dma_wait3A_2250 = arith.constant 14 : i32
      %dma_wait3A_2251 = arith.constant 0 : i32
      %dma_wait3A_2252 = tpu.memref_slice %arg8[%dma_wait3A_2250, %dma_wait3A_2251] : memref<32x128xf32, #tpu.memory_space<vmem>> -> memref<1x128xf32, #tpu.memory_space<vmem>>
      %dma_wait3A_2253 = arith.constant 0 : i32
      %dma_wait3A_2254 = tpu.memref_slice %arg3[%get3A_56, %dma_wait3A_2253] : memref<100000x128xf32, #tpu.memory_space<any>> -> memref<1x128xf32, #tpu.memory_space<any>>
      tpu.wait_dma2 semaphore(%arg10 : memref<!tpu.dma_semaphore, #tpu.memory_space<semaphore_mem>>) src(%dma_wait3A_2254 : memref<1x128xf32, #tpu.memory_space<any>>) dst(%dma_wait3A_2252 : memref<1x128xf32, #tpu.memory_space<vmem>>)
      %dma_wait3A_2255 = arith.constant 15 : i32
      %dma_wait3A_2256 = arith.constant 0 : i32
      %dma_wait3A_2257 = tpu.memref_slice %arg8[%dma_wait3A_2255, %dma_wait3A_2256] : memref<32x128xf32, #tpu.memory_space<vmem>> -> memref<1x128xf32, #tpu.memory_space<vmem>>
      %dma_wait3A_2258 = arith.constant 0 : i32
      %dma_wait3A_2259 = tpu.memref_slice %arg3[%get3A_58, %dma_wait3A_2258] : memref<100000x128xf32, #tpu.memory_space<any>> -> memref<1x128xf32, #tpu.memory_space<any>>
      tpu.wait_dma2 semaphore(%arg10 : memref<!tpu.dma_semaphore, #tpu.memory_space<semaphore_mem>>) src(%dma_wait3A_2259 : memref<1x128xf32, #tpu.memory_space<any>>) dst(%dma_wait3A_2257 : memref<1x128xf32, #tpu.memory_space<vmem>>)
      %dma_wait3A_2260 = arith.constant 16 : i32
      %dma_wait3A_2261 = arith.constant 0 : i32
      %dma_wait3A_2262 = tpu.memref_slice %arg8[%dma_wait3A_2260, %dma_wait3A_2261] : memref<32x128xf32, #tpu.memory_space<vmem>> -> memref<1x128xf32, #tpu.memory_space<vmem>>
      %dma_wait3A_2263 = arith.constant 0 : i32
      %dma_wait3A_2264 = tpu.memref_slice %arg3[%get3A_60, %dma_wait3A_2263] : memref<100000x128xf32, #tpu.memory_space<any>> -> memref<1x128xf32, #tpu.memory_space<any>>
      tpu.wait_dma2 semaphore(%arg10 : memref<!tpu.dma_semaphore, #tpu.memory_space<semaphore_mem>>) src(%dma_wait3A_2264 : memref<1x128xf32, #tpu.memory_space<any>>) dst(%dma_wait3A_2262 : memref<1x128xf32, #tpu.memory_space<vmem>>)
      %dma_wait3A_2265 = arith.constant 17 : i32
      %dma_wait3A_2266 = arith.constant 0 : i32
      %dma_wait3A_2267 = tpu.memref_slice %arg8[%dma_wait3A_2265, %dma_wait3A_2266] : memref<32x128xf32, #tpu.memory_space<vmem>> -> memref<1x128xf32, #tpu.memory_space<vmem>>
      %dma_wait3A_2268 = arith.constant 0 : i32
      %dma_wait3A_2269 = tpu.memref_slice %arg3[%get3A_62, %dma_wait3A_2268] : memref<100000x128xf32, #tpu.memory_space<any>> -> memref<1x128xf32, #tpu.memory_space<any>>
      tpu.wait_dma2 semaphore(%arg10 : memref<!tpu.dma_semaphore, #tpu.memory_space<semaphore_mem>>) src(%dma_wait3A_2269 : memref<1x128xf32, #tpu.memory_space<any>>) dst(%dma_wait3A_2267 : memref<1x128xf32, #tpu.memory_space<vmem>>)
      %dma_wait3A_2270 = arith.constant 18 : i32
      %dma_wait3A_2271 = arith.constant 0 : i32
      %dma_wait3A_2272 = tpu.memref_slice %arg8[%dma_wait3A_2270, %dma_wait3A_2271] : memref<32x128xf32, #tpu.memory_space<vmem>> -> memref<1x128xf32, #tpu.memory_space<vmem>>
      %dma_wait3A_2273 = arith.constant 0 : i32
      %dma_wait3A_2274 = tpu.memref_slice %arg3[%get3A_64, %dma_wait3A_2273] : memref<100000x128xf32, #tpu.memory_space<any>> -> memref<1x128xf32, #tpu.memory_space<any>>
      tpu.wait_dma2 semaphore(%arg10 : memref<!tpu.dma_semaphore, #tpu.memory_space<semaphore_mem>>) src(%dma_wait3A_2274 : memref<1x128xf32, #tpu.memory_space<any>>) dst(%dma_wait3A_2272 : memref<1x128xf32, #tpu.memory_space<vmem>>)
      %dma_wait3A_2275 = arith.constant 19 : i32
      %dma_wait3A_2276 = arith.constant 0 : i32
      %dma_wait3A_2277 = tpu.memref_slice %arg8[%dma_wait3A_2275, %dma_wait3A_2276] : memref<32x128xf32, #tpu.memory_space<vmem>> -> memref<1x128xf32, #tpu.memory_space<vmem>>
      %dma_wait3A_2278 = arith.constant 0 : i32
      %dma_wait3A_2279 = tpu.memref_slice %arg3[%get3A_66, %dma_wait3A_2278] : memref<100000x128xf32, #tpu.memory_space<any>> -> memref<1x128xf32, #tpu.memory_space<any>>
      tpu.wait_dma2 semaphore(%arg10 : memref<!tpu.dma_semaphore, #tpu.memory_space<semaphore_mem>>) src(%dma_wait3A_2279 : memref<1x128xf32, #tpu.memory_space<any>>) dst(%dma_wait3A_2277 : memref<1x128xf32, #tpu.memory_space<vmem>>)
      %dma_wait3A_2280 = arith.constant 20 : i32
      %dma_wait3A_2281 = arith.constant 0 : i32
      %dma_wait3A_2282 = tpu.memref_slice %arg8[%dma_wait3A_2280, %dma_wait3A_2281] : memref<32x128xf32, #tpu.memory_space<vmem>> -> memref<1x128xf32, #tpu.memory_space<vmem>>
      %dma_wait3A_2283 = arith.constant 0 : i32
      %dma_wait3A_2284 = tpu.memref_slice %arg3[%get3A_68, %dma_wait3A_2283] : memref<100000x128xf32, #tpu.memory_space<any>> -> memref<1x128xf32, #tpu.memory_space<any>>
      tpu.wait_dma2 semaphore(%arg10 : memref<!tpu.dma_semaphore, #tpu.memory_space<semaphore_mem>>) src(%dma_wait3A_2284 : memref<1x128xf32, #tpu.memory_space<any>>) dst(%dma_wait3A_2282 : memref<1x128xf32, #tpu.memory_space<vmem>>)
      %dma_wait3A_2285 = arith.constant 21 : i32
      %dma_wait3A_2286 = arith.constant 0 : i32
      %dma_wait3A_2287 = tpu.memref_slice %arg8[%dma_wait3A_2285, %dma_wait3A_2286] : memref<32x128xf32, #tpu.memory_space<vmem>> -> memref<1x128xf32, #tpu.memory_space<vmem>>
      %dma_wait3A_2288 = arith.constant 0 : i32
      %dma_wait3A_2289 = tpu.memref_slice %arg3[%get3A_70, %dma_wait3A_2288] : memref<100000x128xf32, #tpu.memory_space<any>> -> memref<1x128xf32, #tpu.memory_space<any>>
      tpu.wait_dma2 semaphore(%arg10 : memref<!tpu.dma_semaphore, #tpu.memory_space<semaphore_mem>>) src(%dma_wait3A_2289 : memref<1x128xf32, #tpu.memory_space<any>>) dst(%dma_wait3A_2287 : memref<1x128xf32, #tpu.memory_space<vmem>>)
      %dma_wait3A_2290 = arith.constant 22 : i32
      %dma_wait3A_2291 = arith.constant 0 : i32
      %dma_wait3A_2292 = tpu.memref_slice %arg8[%dma_wait3A_2290, %dma_wait3A_2291] : memref<32x128xf32, #tpu.memory_space<vmem>> -> memref<1x128xf32, #tpu.memory_space<vmem>>
      %dma_wait3A_2293 = arith.constant 0 : i32
      %dma_wait3A_2294 = tpu.memref_slice %arg3[%get3A_72, %dma_wait3A_2293] : memref<100000x128xf32, #tpu.memory_space<any>> -> memref<1x128xf32, #tpu.memory_space<any>>
      tpu.wait_dma2 semaphore(%arg10 : memref<!tpu.dma_semaphore, #tpu.memory_space<semaphore_mem>>) src(%dma_wait3A_2294 : memref<1x128xf32, #tpu.memory_space<any>>) dst(%dma_wait3A_2292 : memref<1x128xf32, #tpu.memory_space<vmem>>)
      %dma_wait3A_2295 = arith.constant 23 : i32
      %dma_wait3A_2296 = arith.constant 0 : i32
      %dma_wait3A_2297 = tpu.memref_slice %arg8[%dma_wait3A_2295, %dma_wait3A_2296] : memref<32x128xf32, #tpu.memory_space<vmem>> -> memref<1x128xf32, #tpu.memory_space<vmem>>
      %dma_wait3A_2298 = arith.constant 0 : i32
      %dma_wait3A_2299 = tpu.memref_slice %arg3[%get3A_74, %dma_wait3A_2298] : memref<100000x128xf32, #tpu.memory_space<any>> -> memref<1x128xf32, #tpu.memory_space<any>>
      tpu.wait_dma2 semaphore(%arg10 : memref<!tpu.dma_semaphore, #tpu.memory_space<semaphore_mem>>) src(%dma_wait3A_2299 : memref<1x128xf32, #tpu.memory_space<any>>) dst(%dma_wait3A_2297 : memref<1x128xf32, #tpu.memory_space<vmem>>)
      %dma_wait3A_2300 = arith.constant 24 : i32
      %dma_wait3A_2301 = arith.constant 0 : i32
      %dma_wait3A_2302 = tpu.memref_slice %arg8[%dma_wait3A_2300, %dma_wait3A_2301] : memref<32x128xf32, #tpu.memory_space<vmem>> -> memref<1x128xf32, #tpu.memory_space<vmem>>
      %dma_wait3A_2303 = arith.constant 0 : i32
      %dma_wait3A_2304 = tpu.memref_slice %arg3[%get3A_76, %dma_wait3A_2303] : memref<100000x128xf32, #tpu.memory_space<any>> -> memref<1x128xf32, #tpu.memory_space<any>>
      tpu.wait_dma2 semaphore(%arg10 : memref<!tpu.dma_semaphore, #tpu.memory_space<semaphore_mem>>) src(%dma_wait3A_2304 : memref<1x128xf32, #tpu.memory_space<any>>) dst(%dma_wait3A_2302 : memref<1x128xf32, #tpu.memory_space<vmem>>)
    } else {
    }
    %get3A = arith.constant 0 : index
    %get3A_2 = arith.constant 0 : index
    %get3A_3 = vector.load %arg2[%get3A, %get3A_2] : memref<4096x128xf32, #tpu.memory_space<vmem>>, vector<4096x128xf32>
    %get3A_4 = arith.constant 0 : index
    %get3A_5 = arith.constant 0 : index
    %get3A_6 = vector.load %arg8[%get3A_4, %get3A_5] : memref<32x128xf32, #tpu.memory_space<vmem>>, vector<32x128xf32>
    %dot_general3A = arith.constant dense<0.000000e+00> : vector<32x4096xf32>
    %dot_general3A_7 = tpu.matmul %get3A_6, %get3A_3, %dot_general3A {dimension_numbers = #tpu.dot_dimension_numbers<[1], [1], [0], [0], [0, 0, 1, 0], [], []>, transpose_lhs_hint = false} : vector<32x128xf32>, vector<4096x128xf32>, vector<32x4096xf32> -> vector<32x4096xf32>
    %slice3A = vector.extract_strided_slice %dot_general3A_7 {offsets = [0, 0], sizes = [25, 4096], strides = [1, 1]} : vector<32x4096xf32> to vector<25x4096xf32>
    %get3A_8 = arith.constant 0 : index
    %get3A_9 = arith.constant 0 : index
    %get3A_10 = vector.load %arg9[%get3A_8, %get3A_9] : memref<2x32xf32, #tpu.memory_space<vmem>>, vector<1x32xf32>
    %get3A_11 = vector.shape_cast %get3A_10 : vector<1x32xf32> to vector<32xf32>
    %slice3A_12 = vector.extract_strided_slice %get3A_11 {offsets = [0], sizes = [25], strides = [1]} : vector<32xf32> to vector<25xf32>
    %broadcast_in_dim3A = vector.shape_cast %slice3A_12 : vector<25xf32> to vector<25x1xf32>
    %add3A = vector.broadcast %broadcast_in_dim3A : vector<25x1xf32> to vector<25x4096xf32>
    %add3A_13 = arith.addf %slice3A, %add3A : vector<25x4096xf32>
    %exp3A = math.exp %add3A_13 : vector<25x4096xf32>
    %swap3A = arith.constant 0 : index
    %swap3A_14 = arith.constant 0 : index
    %swap3A_15 = vector.load %arg6[%swap3A, %swap3A_14] : memref<25x4096xf32, #tpu.memory_space<vmem>>, vector<25x4096xf32>
    tpu.vector_store %arg6[%swap3A, %swap3A_14], %exp3A {strides = array<i32>} : memref<25x4096xf32, #tpu.memory_space<vmem>>, vector<25x4096xf32>,
    %get3A_16 = arith.constant 1 : index
    %get3A_17 = arith.constant 0 : index
    %get3A_18 = vector.load %arg9[%get3A_16, %get3A_17] : memref<2x32xf32, #tpu.memory_space<vmem>>, vector<1x32xf32>
    %get3A_19 = vector.shape_cast %get3A_18 : vector<1x32xf32> to vector<32xf32>
    %slice3A_20 = vector.extract_strided_slice %get3A_19 {offsets = [0], sizes = [25], strides = [1]} : vector<32xf32> to vector<25xf32>
    %broadcast_in_dim3A_21 = vector.shape_cast %slice3A_20 : vector<25xf32> to vector<25x1xf32>
    %broadcast_in_dim3A_22 = vector.shape_cast %broadcast_in_dim3A_21 : vector<25x1xf32> to vector<25x1xf32>
    %broadcast_in_dim3A_23 = vector.broadcast %broadcast_in_dim3A_22 : vector<25x1xf32> to vector<25x4096xf32>
    %swap3A_24 = arith.constant 0 : index
    %swap3A_25 = arith.constant 0 : index
    %swap3A_26 = vector.load %arg7[%swap3A_24, %swap3A_25] : memref<25x4096xf32, #tpu.memory_space<vmem>>, vector<25x4096xf32>
    tpu.vector_store %arg7[%swap3A_24, %swap3A_25], %broadcast_in_dim3A_23 {strides = array<i32>} : memref<25x4096xf32, #tpu.memory_space<vmem>>, vector<25x4096xf32>,
    return
  }
  func.func @transform_0(%arg0: i32) -> i32 {
    %c0_i32 = arith.constant 0 : i32
    %c0_i32_0 = arith.constant 0 : i32
    return %c0_i32 : i32
  }
  func.func @transform_1(%arg0: i32) -> (i32, i32) {
    %c0_i32 = arith.constant 0 : i32
    %c0_i32_0 = arith.constant 0 : i32
    return %arg0, %c0_i32 : i32, i32
  }
  func.func @transform_3(%arg0: i32) -> i32 {
    %c0_i32 = arith.constant 0 : i32
    %c0_i32_0 = arith.constant 0 : i32
    return %c0_i32 : i32
  }
  func.func @transform_4(%arg0: i32) -> i32 {
    %c0_i32 = arith.constant 0 : i32
    %c0_i32_0 = arith.constant 0 : i32
    return %c0_i32 : i32
  }
  func.func @transform_5(%arg0: i32) -> (i32, i32) {
    %c0_i32 = arith.constant 0 : i32
    %c0_i32_0 = arith.constant 0 : i32
    return %c0_i32, %arg0 : i32, i32
  }
  func.func @transform_6(%arg0: i32) -> (i32, i32) {
    %c0_i32 = arith.constant 0 : i32
    %c0_i32_0 = arith.constant 0 : i32
    return %c0_i32, %arg0 : i32, i32
  }
}

</mosaic_0001>

<sc_bundles>
// kernel: kernel.4.cloned.1.call-start
scs
__scs_entry_jumppad:
0x0: {  	(pc) =	sbr.rel $0x88, $3  }
0x1: {  	(tag) =	ssettag $0x0;
	lr =	simm.s32 $0x1  }
0x2: {  	[smem:$0x3F9B] =	sst lr;
	_ =	strace $0xD0000000  }
0x3: {  	_ = 	snop  }
0x4: {  	_ = 	snop  }
0x5: {  	_ = 	snop  }
0x6: {  	_ = 	snop  }
0x7: {  	_ = 	snop  }
__scs_overlays_trampoline_lowered:
0x8: {  	[smem:$0x3FAA] =	sst s0  }
0x9: {  	[smem:$0x3FAB] =	sst s1  }
0xa: {  	[smem:$0x3FAC] =	sst s2  }
0xb: {  	[smem:$0x3FAD] =	sst s3  }
0xc: {  	[smem:$0x3FAE] =	sst s4  }
0xd: {  	[smem:$0x3FAF] =	sst s5  }
0xe: {  	[smem:$0x3FB0] =	sst s6  }
0xf: {  	[smem:$0x3FB1] =	sst s7  }
0x10: {  	[smem:$0x3FB2] =	sst s8  }
0x11: {  	[smem:$0x3FB3] =	sst s9;
	s0 =	simm.s32 @!p0 $0x0  }
0x12: {  	s1 =	sld [smem:$0x3F99];
	s0 =	simm.s32 @p0 $0x1  }
0x13: {  	[smem:$0x3FB4] =	sst s0;
	s0 =	simm.s32 @!p1 $0x0  }
0x14: {  	s2 =	sld [smem:$0x3F98];
	s0 =	simm.s32 @p1 $0x1  }
0x15: {  	[smem:$0x3FB5] =	sst s0;
	s0 =	simm.s32 @!p2 $0x0  }
0x16: {  	s3 =	sld [smem:$0x3FDB];
	s0 =	simm.s32 @p2 $0x1  }
0x17: {  	s4 =	simm.s32 $0x1BF5;
	[smem:$0x3FB7] =	sst s0  }
0x18: {  	s0 =	sld [smem:$0x3F9A];
	_ =	swait.ge [sflag:s4], $0x0  }
0x19: {  	s7 =	sld [smem:$0x3F9B]  }
0x1a: {  	s8 =	sadd.s32 $0xFFFFE003, lr  }
0x1b: {  	s9 =	sadd.s32 $0xFFFFFEF7, lr;
	s5 =	simm.s32 $0xFFFFFFFF;
	p2 =	slt.u32 s8, $0xFFFFF086  }
0x1c: {  	p1 =	slt.u32 s9, $0xF7A;
	s5 =	simm.s32 @!p2 $0x0  }
0x1d: {  	s5 =	simm.s32 @p1 $0x1;
	p0 =	seq.s32 s7, s2  }
0x1e: {  	s7 =	smul.u32 @!p0 $0xF7A, s2;
	p2 =	seq.s32 @!p0 s5, $0x0  }
0x1f: {  	s9 =	smul.u32 $0xF7A, s1;
	s8 =	simm.s32 @!p0 $0x1BF5;
	p2 =	por !p2, p0  }
0x20: {  	[sflag:s8] =	ssyncset.s32 @!p0 $0xFFFFF086;
	s6 =	sadd.s32 @!p0 s3, s7;
	s7 =	simm.s32 @!p0 $0x108  }
0x21: {  	s3 =	sadd.s32 s3, s9;
	s6 =	sadd.s32 @!p0 $0x88, s6;
	s7 =	simm.s32 @p2 $0x1082  }
0x22: {  	[simem:s7], [sflag:s8] =	dma.local @!p0 [hbm:s6], $0xF7A  }
0x23: {  	s9 =	sor.u32 $0xD0000000, s2;
	s6 =	simm.s32 $0x108;
	_ =	swait.ge @!p0 [sflag:s8], $0x0  }
0x24: {  	s3 =	sadd.s32 $0x88, s3;
	s6 =	simm.s32 @!p1 $0x1082;
	[sflag:s4] =	ssyncset.s32 $0xFFFFF086  }
0x25: {  	[simem:s6], [sflag:s4] =	dma.local [hbm:s3], $0xF7A  }
0x26: {  	[smem:$0x3F9B] =	sst s1;
	(tag) =	ssettag s2;
	_ =	strace s9  }
0x27: {  	s1 =	sld [smem:$0x3FAB]  }
0x28: {  	s2 =	sld [smem:$0x3FAC]  }
0x29: {  	s4 =	sld [smem:$0x3FAE]  }
0x2a: {  	p0 =	seq.s32 s5, $0x0;
	s5 =	sld [smem:$0x3FAF]  }
0x2b: {  	s6 =	sld [smem:$0x3FB0]  }
0x2c: {  	s7 =	sld [smem:$0x3FB1]  }
0x2d: {  	s3 =	simm.s32 $0x108;
	s8 =	sld [smem:$0x3FB2]  }
0x2e: {  	s3 =	simm.s32 @!p0 $0x1082;
	s9 =	sld [smem:$0x3FB3]  }
0x2f: {  	lr =	sadd.s32 s0, s3;
	s0 =	sld [smem:$0x3FAA]  }
0x30: {  	s3 =	sld [smem:$0x3FAD]  }
0x31: {  	[smem:$0x3FB6] =	sst s10  }
0x32: {  	s10 =	sld [smem:$0x3FB4];
	_ =	sdelay $0x3  }
0x33: {  	p0 =	seq.s32 s10, $0x1;
	s10 =	sld [smem:$0x3FB6];
	_ =	sdelay $0x3  }
0x34: {  	[smem:$0x3FB6] =	sst s10  }
0x35: {  	s10 =	sld [smem:$0x3FB5];
	_ =	sdelay $0x3  }
0x36: {  	p1 =	seq.s32 s10, $0x1;
	s10 =	sld [smem:$0x3FB6];
	_ =	sdelay $0x3  }
0x37: {  	[smem:$0x3FB6] =	sst s10  }
0x38: {  	s10 =	sld [smem:$0x3FB7]  }
0x39: {  	_ = 	snop;
	(pc) =	sbr.ind lr, $3  }
0x3a: {  	_ = 	snop  }
0x3b: {  	_ = 	snop  }
0x3c: {  	p2 =	seq.s32 s10, $0x1;
	s10 =	sld [smem:$0x3FB6]  }
0x3d: {  	_ =	shalt  }
0x3e: {  	_ =	shalt  }
0x3f: {  	_ =	shalt  }
0x40: {  	_ =	shalt  }
0x41: {  	_ =	shalt  }
0x42: {  	_ =	shalt  }
0x43: {  	_ =	shalt  }
0x44: {  	_ =	shalt  }
0x45: {  	_ =	shalt  }
0x46: {  	_ =	shalt  }
0x47: {  	_ =	shalt  }
0x48: {  	_ =	shalt  }
0x49: {  	_ =	shalt  }
0x4a: {  	_ =	shalt  }
0x4b: {  	_ =	shalt  }
0x4c: {  	_ =	shalt  }
0x4d: {  	_ =	shalt  }
0x4e: {  	_ =	shalt  }
0x4f: {  	_ =	shalt  }
0x50: {  	_ =	shalt  }
0x51: {  	_ =	shalt  }
0x52: {  	_ =	shalt  }
0x53: {  	_ =	shalt  }
0x54: {  	_ =	shalt  }
0x55: {  	_ =	shalt  }
0x56: {  	_ =	shalt  }
0x57: {  	_ =	shalt  }
0x58: {  	_ =	shalt  }
0x59: {  	_ =	shalt  }
0x5a: {  	_ =	shalt  }
0x5b: {  	_ =	shalt  }
0x5c: {  	_ =	shalt  }
0x5d: {  	_ =	shalt  }
0x5e: {  	_ =	shalt  }
0x5f: {  	_ =	shalt  }
0x60: {  	_ =	shalt  }
0x61: {  	_ =	shalt  }
0x62: {  	_ =	shalt  }
0x63: {  	_ =	shalt  }
0x64: {  	_ =	shalt  }
0x65: {  	_ =	shalt  }
0x66: {  	_ =	shalt  }
0x67: {  	_ =	shalt  }
0x68: {  	_ =	shalt  }
0x69: {  	_ =	shalt  }
0x6a: {  	_ =	shalt  }
0x6b: {  	_ =	shalt  }
0x6c: {  	_ =	shalt  }
0x6d: {  	_ =	shalt  }
0x6e: {  	_ =	shalt  }
0x6f: {  	_ =	shalt  }
0x70: {  	_ =	shalt  }
0x71: {  	_ =	shalt  }
0x72: {  	_ =	shalt  }
0x73: {  	_ =	shalt  }
0x74: {  	_ =	shalt  }
0x75: {  	_ =	shalt  }
0x76: {  	_ =	shalt  }
0x77: {  	_ =	shalt  }
0x78: {  	_ =	shalt  }
0x79: {  	_ =	shalt  }
0x7a: {  	_ =	shalt  }
0x7b: {  	_ =	shalt  }
0x7c: {  	_ =	shalt  }
0x7d: {  	_ =	shalt  }
0x7e: {  	_ =	shalt  }
0x7f: {  	_ =	shalt  }
0x80: {  	_ =	shalt  }
0x81: {  	_ =	shalt  }
0x82: {  	_ =	shalt  }
0x83: {  	_ =	shalt  }
0x84: {  	_ =	shalt  }
0x85: {  	_ =	shalt  }
0x86: {  	_ =	shalt  }
0x87: {  	_ =	shalt  }
.Lfunc_end0:
.L_simem_size_0:
called_computation_lowered:
.L_overlay_start_0:
0x88: {  	s2 =	sld [smem:$0x3FD9]  }
0x89: {  	s3 =	sld [smem:$0x3FFE];
	_ =	sdelay $0x1  }
0x8a: {  	s1 =	srdreg.scid  }
0x8b: {  	s0 =	sand.u32 $0x1, s1  }
0x8c: {  	s15 =	sshll.u32 s0, $0xA;
	s2 =	sadd.s32 s3, s2  }
0x8d: {  	s2 =	sadd.s32 s2, s15  }
0x8e: {  	[smem:$0x3FC2] =	sst s2  }
0x8f: {  	_ = 	snop  }
0x90: {  	s2 =	sld [smem:$0x3FC9]  }
0x91: {  	s16 =	sld [smem:$0x3FC8]  }
0x92: {  	s4 =	sld [smem:$0x3FD0]  }
0x93: {  	s5 =	sld [smem:$0x3FC6]  }
0x94: {  	s6 =	sld [smem:$0x3FC5]  }
0x95: {  	s8 =	simm.s32 $0xA;
	s9 =	simm.s32 $0x10;
	s7 =	sld [smem:$0x3FC4]  }
0x96: {  	[smem:s9], [sflag:s8] =	dma.local [hbm:s4], $0x1  }
0x97: {  	_ =	swait.eq [sflag:s8], $0x1  }
0x98: {  	[sflag:s8] =	ssyncset.done $0x0  }
0x99: {  	s17 =	sld [smem:$0x10];
	[sflag:s8] =	ssyncadd.s32 $0xFFFFFFFF  }
0x9a: {  	s18 =	sld [smem:$0x11];
	(tm) =	ssettm $0x1  }
0x9b: {  	s19 =	sld [smem:$0x3FFB];
	_ =	sdelay $0x3  }
0x9c: {  	_ =	strace s19  }
0x9d: {  	s9 =	sld [smem:$0x3FFC];
	_ =	sdelay $0x3  }
0x9e: {  	_ =	strace s9  }
0x9f: {  	s9 =	sld [smem:$0x3FFD];
	_ =	sdelay $0x3  }
0xa0: {  	_ =	strace s9  }
0xa1: {  	_ =	strace $0x8FFFFFFF  }
0xa2: {  	s20 =	sld [smem:$0x3FDB];
	_ =	sdelay $0x1  }
0xa3: {  	s10 =	simm.s32 $_scs_section_size  }
0xa4: {  	s11 =	simm.s32 $_size__tile_overlayer_lowered;
	s12 =	simm.s32 $_tile_overlayer_lowered  }
0xa5: {  	s23 =	simm.s32 $0x1BFF;
	s22 =	sshll.u32 s12, $0x1;
	s9 =	sadd.s32 s10, s20  }
0xa6: {  	s13 =	simm.s32 $0x0;
	s21 =	sshll.u32 s11, $0x1;
	s11 =	sadd.s32 s22, s9  }
0xa7: {  	[timem:s13], [sflag:s23] =	dma.local [hbm:s11], s21  }
0xa8: {  	_ =	swait.ge [sflag:s23], s21  }
0xa9: {  	s10 =	ssub.s32 $0x0, s21;
	[sflag:s23] =	ssyncset.done $0x0  }
0xaa: {  	[sflag:s23] =	ssyncadd.s32 s10;
	_ =	sdelay $0x1  }
0xab: {  	s24 =	simm.s32 $0x1B8B  }
0xac: {  	_ =	swait.ge [sflag:s24], $0x1  }
0xad: {  	[sflag:s24] =	ssyncset.done $0x0  }
0xae: {  	s25 =	simm.s32 $0x1B8E;
	[sflag:s24] =	ssyncadd.s32 $0xFFFFFFFF  }
0xaf: {  	s26 =	simm.s32 $execute0_lowered;
	[smem:$0x3FD2] =	sst s25  }
0xb0: {  	s10 =	sshll.u32 s26, $0x1;
	_ =	strace $0x80000046;
	[dreg:$0x1] =	wrdreg $0xFFFFFFFF  }
0xb1: {  	s28 =	simm.s32 $_size_execute0_lowered;
	s9 =	sadd.s32 s9, s10;
	[dreg:$0x0] =	wrdreg $0x0  }
0xb2: {  	s10 =	sshll.u32 s28, $0x1;
	[dreg:$0x2] =	wrdreg s9  }
0xb3: {  	[dreg:$0x3] =	wrdreg s10  }
0xb4: {  	[dreg:$0x4] =	wrdreg $0xC0  }
0xb5: {  	_ =	task [dreg:s13], $0x5FFFF  }
0xb6: {  	[dreg:$0x1] =	wrdreg $0xFFFFFFFF  }
0xb7: {  	[dreg:$0x0] =	wrdreg $0x60  }
0xb8: {  	[dreg:$0x2] =	wrdreg s5  }
0xb9: {  	[dreg:$0x3] =	wrdreg s6  }
0xba: {  	[dreg:$0x4] =	wrdreg s7  }
0xbb: {  	[dreg:$0x5] =	wrdreg s16  }
0xbc: {  	[dreg:$0x6] =	wrdreg s2  }
0xbd: {  	[dreg:$0x7] =	wrdreg s17  }
0xbe: {  	[dreg:$0x8] =	wrdreg s18  }
0xbf: {  	[dreg:$0x9] =	wrdreg $0x9  }
0xc0: {  	_ =	task.clear_ibuf [dreg:s13], $0xAFFFF;
	_ =	strace $0x90000046  }
0xc1: {  	s29 =	simm.s32 $0x9;
	_ =	strace $0x80000048  }
0xc2: {  	_ =	swait.ge [sflag:s29], $0x1  }
0xc3: {  	[sflag:s29] =	ssyncadd.s32 $0xFFFFFFFF  }
0xc4: {  	_ =	strace $0x90000048  }
0xc5: {  	_ =	sfence  }
0xc6: {  	s30 =	sld [smem:$0x0];
	_ =	sdelay $0x2  }
0xc7: {  	s31 =	sshll.u32 s1, $0xD;
	s1 =	sshrl.u32 s1, $0x2  }
0xc8: {  	s3 =	sand.u32 $0x4000, s31;
	s1 =	sadd.s32 s1, s30  }
0xc9: {  	s0 =	sor.u32 s3, s0;
	s1 =	sshll.u32 s1, $0x11  }
0xca: {  	s0 =	sor.u32 s1, s0  }
0xcb: {  	s0 =	sadd.s32 $0x8F2B, s0  }
0xcc: {  	[sflag:s0] =	ssyncadd.remote.s32 $0x1  }
0xcd: {  	_ =	sfence.sel $0xFFFF  }
0xce: {  	[dreg:$0x0] =	wrdreg $0xFFFFFFFF;
	(pc) =	sbr.abs _section_cstart, $3  }
0xcf: {  	[dreg:$0x1] =	wrdreg $0xFFFFFFFF  }
0xd0: {  	_ =	task.clear_ibuf [dreg:s13], $0x2FFFF;
	_ =	strace $0x9FFFFFFF  }
0xd1: {  	(tm) =	ssettm $0x7FFFFFFF  }
tec
execute0_lowered:
.L_overlay_start_1:
0x0: {  	(tag) =	ssettag $0x1  }
0x1: {  	s0 =	rddreg [dreg:$0x0]  }
0x2: {  	s2 =	rddreg [dreg:$0x1]  }
0x3: {  	s3 =	rddreg [dreg:$0x2]  }
0x4: {  	s1 =	rddreg [dreg:$0x3]  }
0x5: {  	s4 =	rddreg [dreg:$0x4]  }
0x6: {  	s6 =	rddreg [dreg:$0x5]  }
0x7: {  	s7 =	rddreg [dreg:$0x6]  }
0x8: {  	s8 =	srdreg.scid;
	s5 =	simm.s32 $0x0;
	s10 =	stileid.u32  }
0x9: {  	s31 =	simm.s32 $0x10400;
	s29 =	simm.s32 $0x10480;
	s30 =	simm.s32 $0x1  }
0xa: {  	s28 =	simm.s32 $0x10500;
	s8 =	sand.u32 $0x1, s8;
	s10 =	sshll.u32 s10, $0xA  }
0xb: {  	[smem:$0x7FF] =	sst s5;
	s9 =	ssub.s32 $0x2, s8;
	s8 =	sshll.u32 s8, $0x9  }
0xc: {  	_ =	strace $0x80000047;
	s11 =	sshrl.u32 s9, $0x1;
	s8 =	sor.u32 s8, s10  }
0xd: {  	v0 =	vimm.s32 $0xEFCDAB89;
	s9 =	ssub.s32 s9, s11;
	s10 =	sshrl.u32 s8, $0x3;
	s25 =	sor.u32 $0x80, s8  }
0xe: {  	v1 =	vimm.s32 $0x67452301;
	vm0 =	vcmask $0xB08;
	s12 =	sor.u32 $0x100, s8;
	s15 =	sor.u32 $0x180, s8;
	s18 =	sshll.u32 s8, $0x4  }
0xf: {  	vm1 =	vcmask $0x300;
	v2 =	vimm.s32 $0xDCFE98BA;
	v3 =	vimm.s32 $0x54761032;
	s8 =	simm.s32 $0x4;
	s24 =	sadd.s32 s1, s10;
	s13 =	sshrl.u32 s25, $0x3  }
0x10: {  	v0 =	vunpack.c.l.s4.s8 v0;
	v1 =	vunpack.c.l.s4.s8 v1;
	vm0 =	vmor vm1, vm0;
	s14 =	sshrl.u32 s12, $0x3;
	s22 =	sadd.s32 s6, s10;
	[dreg:$0x8] =	wrdreg s24  }
0x11: {  	vm1 =	vcmask $0x1310;
	v2 =	vunpack.c.l.s4.s8 v2;
	v3 =	vunpack.c.l.s4.s8 v3;
	s17 =	sshrl.u32 s15, $0x3;
	s23 =	sadd.s32 s7, s10;
	[dreg:$0xe] =	wrdreg s22  }
0x12: {  	vm0 =	vmor vm0, vm1;
	vm1 =	vcmask $0x1B18;
	v0 =	vunpack.c.0.s8.s32 v0;
	s19 =	sshll.u32 s25, $0x4;
	s16 =	sadd.s32 s1, s13;
	[dreg:$0xf] =	wrdreg s23  }
0x13: {  	v1 =	vunpack.c.0.s8.s32 v1;
	v2 =	vunpack.c.0.s8.s32 v2;
	v3 =	vunpack.c.0.s8.s32 v3;
	s21 =	sshll.u32 s12, $0x4;
	s26 =	sadd.s32 s1, s14;
	[dreg:$0x9] =	wrdreg s16  }
0x14: {  	v5 =	vimm.s32 $0x76543210;
	vm0 =	vmor vm0, vm1;
	s1 =	sadd.s32 s1, s17;
	s20 =	sadd.s32 s4, s19;
	[dreg:$0xa] =	wrdreg s26  }
0x15: {  	vm1 =	vcmask $0x2320;
	v4 =	vcombine.low v1, v0;
	v0 =	vcombine.low v3, v2;
	s24 =	sadd.s32 s6, s13;
	s25 =	sadd.s32 s7, s13;
	[dreg:$0xb] =	wrdreg s1  }
0x16: {  	v1 =	vimm.s32 $0xBA98FEDC;
	v2 =	vimm.s32 $0x32107654;
	v3 =	vimm.s32 $0xFEDCBA98;
	s19 =	sadd.s32 s7, s14;
	s22 =	smax.u32 s9, $0x1;
	[dreg:$0xd] =	wrdreg s20  }
0x17: {  	s23 =	simm.s32 $0x80;
	v1 =	vunpack.c.l.s4.s8 v1;
	v2 =	vunpack.c.l.s4.s8 v2;
	v3 =	vunpack.c.l.s4.s8 v3;
	s9 =	simm.s32 $0x0;
	[dreg:$0x11] =	wrdreg s24  }
0x18: {  	v5 =	vunpack.c.l.s4.s8 v5;
	vm0 =	vmor vm0, vm1;
	vm1 =	vcmask $0x2B28;
	s1 =	sadd.s32 s4, s18;
	[dreg:$0x12] =	wrdreg s25;
	s26 =	sshll.u32 s15, $0x4  }
0x19: {  	s18 =	sadd.s32 s6, s14;
	s20 =	sadd.s32 s6, s17;
	s24 =	simm.s32 $0x100;
	v1 =	vunpack.c.0.s8.s32 v1;
	v2 =	vunpack.c.0.s8.s32 v2;
	v3 =	vunpack.c.0.s8.s32 v3  }
0x1a: {  	v5 =	vunpack.c.0.s8.s32 v5;
	vm0 =	vmor vm0, vm1;
	vm1 =	vcmask $0x3330;
	s25 =	simm.s32 $0x180;
	s6 =	simm.s32 $0x2;
	[dreg:$0xc] =	wrdreg s1  }
0x1b: {  	vm0 =	vmor vm0, vm1;
	s1 =	sadd.s32 s4, s21;
	s21 =	sadd.s32 s7, s17;
	s7 =	simm.s32 $0x10580;
	v1 =	vcombine.low v2, v1;
	v2 =	vand.u32 $0xF, v3  }
0x1c: {  	vm1 =	vcmask $0x3B38;
	[dreg:$0x10] =	wrdreg s1;
	s1 =	sadd.s32 s4, s26;
	s26 =	simm.s32 $0x3;
	v2 =	vcombine.low v2, v5;
	v5 =	vlaneseq.u32  }
0x1d: {  	vm0 =	vmor vm0, vm1;
	s4 =	simm.s32 $0xC200;
	[dreg:$0x13] =	wrdreg s1;
	s1 =	simm.s32 $0x4200;
	v3 =	vand.u32 $0xF, v4;
	v4 =	vshrl.u32 v5, $0x1  }
.LBB2_1:
0x1e: {  	s10 =	rddreg [dreg:$0x8]  }
0x1f: {  	[tilespmem:s5], [sflag:$0x3] =	stream.linear.gather [hbm4b:s10+s5], $0x80, $0x38;
	[tilespmem:$0x10A00] =	vst v63  }
0x20: {  	s17 =	rddreg [dreg:$0x9]  }
0x21: {  	[tilespmem:s23], [sflag:$0x3] =	stream.linear.gather [hbm4b:s17+s5], $0x80, $0x38;
	[tilespmem:$0x10A00] =	vst v63  }
0x22: {  	s11 =	rddreg [dreg:$0xa]  }
0x23: {  	[tilespmem:s24], [sflag:$0x3] =	stream.linear.gather [hbm4b:s11+s5], $0x80, $0x38;
	[tilespmem:$0x10A00] =	vst v63  }
0x24: {  	s12 =	rddreg [dreg:$0xb]  }
0x25: {  	[tilespmem:s25], [sflag:$0x3] =	stream.linear.gather [hbm4b:s12+s5], $0x80, $0x38;
	[tilespmem:$0x10A00] =	vst v63  }
0x26: {  	_ =	swait.ge [sflag:s26], $0x80  }
0x27: {  	[sflag:s26] =	ssyncset.done $0x0  }
0x28: {  	s13 =	simm.s32 $0x200;
	[sflag:s26] =	ssyncadd.s32 $0xFFFFFF80  }
0x29: {  	[tilespmem:s13], [sflag:$0x1] =	stream.indirect.gather [hbm4b:s0+s23], $0x80, s5, s23, $0xb8;
	[tilespmem:$0x10A00] =	vst v63  }
0x2a: {  	s11 =	simm.s32 $0x8200;
	s14 =	rddreg [dreg:$0xc]  }
0x2b: {  	[tilespmem:s11], [sflag:$0x1] =	stream.linear.gather [hbm4b:s14+s5], $0x4000, $0x38;
	[tilespmem:$0x10A00] =	vst v63  }
0x2c: {  	s15 =	simm.s32 $0x10200  }
0x2d: {  	[tilespmem:s15], [sflag:$0x1] =	stream.indirect.gather [hbm4b:s2+s23], $0x1, s5, s23, $0xb8;
	[tilespmem:$0x10A00] =	vst v63  }
0x2e: {  	_ = 	snop  }
0x2f: {  	[tilespmem:s31], [sflag:$0x1] =	stream.indirect.gather [hbm4b:s3+s23], $0x1, s5, s23, $0xb8;
	[tilespmem:$0x10A00] =	vst v63  }
0x30: {  	_ =	swait.ge [sflag:s26], $0x80  }
0x31: {  	[sflag:s26] =	ssyncset.done $0x0  }
0x32: {  	[sflag:s26] =	ssyncadd.s32 $0xFFFFFF80  }
0x33: {  	[tilespmem:s1], [sflag:$0x2] =	stream.indirect.gather [hbm4b:s0+s23], $0x80, s23, s23, $0xb8;
	[tilespmem:$0x10A00] =	vst v63  }
0x34: {  	s16 =	rddreg [dreg:$0xd]  }
0x35: {  	[tilespmem:s4], [sflag:$0x2] =	stream.linear.gather [hbm4b:s16+s5], $0x4000, $0x38;
	[tilespmem:$0x10A00] =	vst v63  }
0x36: {  	s17 =	simm.s32 $0x10280  }
0x37: {  	[tilespmem:s17], [sflag:$0x2] =	stream.indirect.gather [hbm4b:s2+s23], $0x1, s23, s23, $0xb8;
	[tilespmem:$0x10A00] =	vst v63  }
0x38: {  	_ = 	snop  }
0x39: {  	[tilespmem:s29], [sflag:$0x2] =	stream.indirect.gather [hbm4b:s3+s23], $0x1, s23, s23, $0xb8;
	[tilespmem:$0x10A00] =	vst v63  }
0x3a: {  	_ =	swait.ge [sflag:s30], $0x4000  }
0x3b: {  	[sflag:s30] =	ssyncset.done $0x0  }
0x3c: {  	[sflag:s30] =	ssyncadd.s32 $0xFFFFC000  }
0x3d: {  	_ =	swait.ge [sflag:s30], $0x4000  }
0x3e: {  	[sflag:s30] =	ssyncset.done $0x0  }
0x3f: {  	[sflag:s30] =	ssyncadd.s32 $0xFFFFC000  }
0x40: {  	_ =	swait.ge [sflag:s30], $0x80  }
0x41: {  	[sflag:s30] =	ssyncset.done $0x0  }
0x42: {  	[sflag:s30] =	ssyncadd.s32 $0xFFFFFF80  }
0x43: {  	_ =	swait.ge [sflag:s30], $0x80  }
0x44: {  	s10 =	simm.s32 $0x8280;
	[sflag:s30] =	ssyncset.done $0x0  }
0x45: {  	s12 =	simm.s32 $0x0;
	s11 =	simm.s32 $0x280;
	[sflag:s30] =	ssyncadd.s32 $0xFFFFFF80  }
.LBB2_2:
0x46: {  	v8 =	vld [tilespmem:s11+$0xFFFFFFF0]  }
0x47: {  	v10 =	vld [tilespmem:s10+$0xFFFFFFF0]  }
0x48: {  	v6 =	vld [tilespmem:s11+$0xFFFFFFE0]  }
0x49: {  	v9 =	vld [tilespmem:s10+$0xFFFFFFE0]  }
0x4a: {  	v5 =	vld [tilespmem:s11+$0xFFFFFFD0]  }
0x4b: {  	v7 =	vld [tilespmem:s10+$0xFFFFFFD0]  }
0x4c: {  	v11 =	vld [tilespmem:s11+$0xFFFFFFC0]  }
0x4d: {  	v12 =	vld [tilespmem:s10+$0xFFFFFFC0]  }
0x4e: {  	v13 =	vld [tilespmem:s11+$0xFFFFFFB0]  }
0x4f: {  	v14 =	vld [tilespmem:s10+$0xFFFFFFB0]  }
0x50: {  	v15 =	vld [tilespmem:s11+$0xFFFFFFA0]  }
0x51: {  	v16 =	vld [tilespmem:s10+$0xFFFFFFA0]  }
0x52: {  	v17 =	vld [tilespmem:s11+$0xFFFFFF80]  }
0x53: {  	v18 =	vld [tilespmem:s10+$0xFFFFFF80]  }
0x54: {  	v19 =	vld [tilespmem:s11+$0xFFFFFF90]  }
0x55: {  	v20 =	vld [tilespmem:s10+$0xFFFFFF90]  }
0x56: {  	v21 =	vld [tilespmem:s11+$0x0]  }
0x57: {  	v22 =	vld [tilespmem:s10+$0x0]  }
0x58: {  	v23 =	vld [tilespmem:s11+$0x10]  }
0x59: {  	v24 =	vld [tilespmem:s10+$0x10]  }
0x5a: {  	v25 =	vld [tilespmem:s11+$0x20]  }
0x5b: {  	v26 =	vld [tilespmem:s10+$0x20]  }
0x5c: {  	v27 =	vld [tilespmem:s11+$0x30]  }
0x5d: {  	v17 =	vmul.f32 v18, v17;
	v18 =	vmul.f32 v20, v19;
	v19 =	vld [tilespmem:s10+$0x30]  }
0x5e: {  	v20 =	vmul.f32 v22, v21;
	v21 =	vmul.f32 v24, v23;
	v22 =	vld [tilespmem:s11+$0x40]  }
0x5f: {  	v15 =	vmul.f32 v16, v15;
	v16 =	vld [tilespmem:s10+$0x40];
	v13 =	vmul.f32 v14, v13  }
0x60: {  	v14 =	vld [tilespmem:s10+$0x50];
	v17 =	vadd.f32 v18, v17;
	v18 =	vadd.f32 v21, v20;
	v20 =	vmul.f32 v26, v25  }
0x61: {  	v11 =	vmul.f32 v12, v11;
	v21 =	vld [tilespmem:s11+$0x50]  }
0x62: {  	v12 =	vld [tilespmem:s10+$0x60];
	v15 =	vadd.f32 v15, v17;
	v17 =	vadd.f32 v20, v18;
	v18 =	vmul.f32 v19, v27  }
0x63: {  	v19 =	vld [tilespmem:s11+$0x60]  }
0x64: {  	v20 =	vld [tilespmem:s10+$0x70];
	v16 =	vmul.f32 v16, v22;
	v13 =	vadd.f32 v13, v15;
	v15 =	vadd.f32 v18, v17  }
0x65: {  	s13 =	sadd.s32 $0x100, s11;
	v8 =	vmul.f32 v10, v8;
	v17 =	vld [tilespmem:s11+$0x70];
	v18 =	vmul.f32 v7, v5  }
0x66: {  	s14 =	sadd.s32 $0x100, s10;
	v10 =	vld [tilespmem:s13+$0xFFFFFFD0];
	v14 =	vmul.f32 v14, v21;
	v11 =	vadd.f32 v11, v13;
	v13 =	vadd.f32 v16, v15  }
0x67: {  	v23 =	vld [tilespmem:s14+$0xFFFFFF90];
	v15 =	vmul.f32 v9, v6  }
0x68: {  	v24 =	vld [tilespmem:s14+$0x0];
	v11 =	vadd.f32 v18, v11;
	v12 =	vmul.f32 v12, v19;
	v13 =	vadd.f32 v14, v13  }
0x69: {  	v25 =	vld [tilespmem:s13+$0x10]  }
0x6a: {  	v26 =	vld [tilespmem:s14+$0x10];
	v14 =	vadd.f32 v15, v11;
	v15 =	vmul.f32 v20, v17;
	v13 =	vadd.f32 v12, v13  }
0x6b: {  	v22 =	vld [tilespmem:s13+$0x0]  }
0x6c: {  	v5 =	vld [tilespmem:s13+$0xFFFFFFF0];
	v8 =	vadd.f32 v8, v14;
	v17 =	vadd.f32 v15, v13  }
0x6d: {  	v7 =	vld [tilespmem:s14+$0xFFFFFFF0]  }
0x6e: {  	v21 =	vld [tilespmem:s13+$0xFFFFFF90];
	v18 =	vperm.xlane v8, v3;
	v19 =	vperm.xlane v17, v3  }
0x6f: {  	v6 =	vld [tilespmem:s13+$0xFFFFFFE0]  }
0x70: {  	v9 =	vld [tilespmem:s14+$0xFFFFFFE0];
	v8 =	vadd.f32 v18, v8;
	v18 =	vadd.f32 v19, v17  }
0x71: {  	v16 =	vld [tilespmem:s13+$0xFFFFFFA0]  }
0x72: {  	v11 =	vld [tilespmem:s14+$0xFFFFFFD0];
	v8 =	vsel vm0, v8, v18  }
0x73: {  	v20 =	vld [tilespmem:s14+$0xFFFFFF80];
	v18 =	vperm.xlane v8, v0  }
0x74: {  	v12 =	vld [tilespmem:s13+$0xFFFFFFC0]  }
0x75: {  	v14 =	vld [tilespmem:s13+$0xFFFFFFB0];
	v18 =	vadd.f32 v8, v18  }
0x76: {  	v13 =	vld [tilespmem:s14+$0xFFFFFFC0]  }
0x77: {  	v15 =	vld [tilespmem:s14+$0xFFFFFFB0];
	v27 =	vperm.xlane v18, v1  }
0x78: {  	v19 =	vld [tilespmem:s13+$0xFFFFFF80]  }
0x79: {  	s16 =	simm.s32 $0x0;
	s15 =	simm.s32 $0x1;
	s17 =	simm.s32 $0x2;
	v17 =	vld [tilespmem:s14+$0xFFFFFFA0];
	v8 =	vimm.f32 $0.0e+00;
	v18 =	vadd.f32 v18, v27  }
.LBB2_3:
0x7a: {  	p0 =	sne.s32 s17, $0x7;
	v27 =	vld [tilespmem:s13+$0x20]  }
0x7b: {  	v28 =	vld [tilespmem:s14+$0x20];
	v29 =	vperm.xlane v18, v2  }
0x7c: {  	v31 =	vmov s16;
	s16 =	smov.u32 s15;
	s15 =	smov.u32 s17;
	v30 =	vld [tilespmem:s13+$0x30]  }
0x7d: {  	v19 =	vmul.f32 v20, v19;
	v20 =	vmul.f32 v23, v21;
	v21 =	vld [tilespmem:s14+$0x30];
	v18 =	vadd.f32 v18, v29  }
0x7e: {  	vm1 =	veq.s32 v31, v4;
	v22 =	vmul.f32 v24, v22;
	v23 =	vmul.f32 v26, v25;
	v24 =	vld [tilespmem:s13+$0x40]  }
0x7f: {  	v16 =	vmul.f32 v17, v16;
	v17 =	vld [tilespmem:s14+$0x40];
	v8 =	vsel vm1, v18, v8  }
0x80: {  	v18 =	vadd.f32 v20, v19;
	v19 =	vadd.f32 v23, v22;
	v20 =	vmul.f32 v28, v27;
	v22 =	vld [tilespmem:s13+$0x50]  }
0x81: {  	v14 =	vmul.f32 v15, v14;
	v15 =	vld [tilespmem:s14+$0x50]  }
0x82: {  	v16 =	vadd.f32 v16, v18;
	v18 =	vadd.f32 v20, v19;
	v19 =	vmul.f32 v21, v30;
	v20 =	vld [tilespmem:s13+$0x60]  }
0x83: {  	v12 =	vmul.f32 v13, v12;
	v13 =	vld [tilespmem:s14+$0x60]  }
0x84: {  	v14 =	vadd.f32 v14, v16;
	v16 =	vadd.f32 v19, v18;
	v17 =	vmul.f32 v17, v24;
	v18 =	vld [tilespmem:s13+$0x70]  }
0x85: {  	v10 =	vmul.f32 v11, v10;
	s13 =	sadd.s32 $0x100, s13;
	v11 =	vld [tilespmem:s14+$0x70]  }
0x86: {  	v12 =	vadd.f32 v12, v14;
	s14 =	sadd.s32 $0x100, s14;
	v19 =	vld [tilespmem:s13+$0xFFFFFFF0];
	v14 =	vadd.f32 v17, v16;
	v15 =	vmul.f32 v15, v22  }
0x87: {  	v17 =	vmul.f32 v9, v6;
	v16 =	vld [tilespmem:s14+$0xFFFFFFF0]  }
0x88: {  	v12 =	vadd.f32 v10, v12;
	v6 =	vld [tilespmem:s13+$0xFFFFFFE0];
	v14 =	vadd.f32 v15, v14;
	v13 =	vmul.f32 v13, v20  }
0x89: {  	v20 =	vmul.f32 v7, v5;
	v9 =	vld [tilespmem:s14+$0xFFFFFFE0]  }
0x8a: {  	v15 =	vadd.f32 v17, v12;
	v10 =	vld [tilespmem:s13+$0xFFFFFFD0];
	v13 =	vadd.f32 v13, v14;
	v14 =	vmul.f32 v11, v18  }
0x8b: {  	v11 =	vld [tilespmem:s14+$0xFFFFFFD0];
	v5 =	vmov v19  }
0x8c: {  	v17 =	vadd.f32 v20, v15;
	v12 =	vld [tilespmem:s13+$0xFFFFFFC0];
	v18 =	vadd.f32 v14, v13;
	v7 =	vmov v16  }
0x8d: {  	v13 =	vld [tilespmem:s14+$0xFFFFFFC0]  }
0x8e: {  	v19 =	vperm.xlane v17, v3;
	v14 =	vld [tilespmem:s13+$0xFFFFFFB0];
	v20 =	vperm.xlane v18, v3  }
0x8f: {  	v15 =	vld [tilespmem:s14+$0xFFFFFFB0]  }
0x90: {  	v21 =	vadd.f32 v19, v17;
	v16 =	vld [tilespmem:s13+$0xFFFFFFA0];
	v18 =	vadd.f32 v20, v18  }
0x91: {  	v17 =	vld [tilespmem:s14+$0xFFFFFFA0]  }
0x92: {  	v19 =	vld [tilespmem:s13+$0xFFFFFF80];
	v18 =	vsel vm0, v21, v18  }
0x93: {  	v20 =	vld [tilespmem:s14+$0xFFFFFF80];
	v22 =	vperm.xlane v18, v0  }
0x94: {  	v21 =	vld [tilespmem:s13+$0xFFFFFF90]  }
.Ltmp0:
0x95: {  	v23 =	vld [tilespmem:s14+$0xFFFFFF90];
	v18 =	vadd.f32 v18, v22;
	(pc) =	sbr.rel @p0 .LBB2_3-.Ltmp0, $4  }
0x96: {  	v22 =	vld [tilespmem:s13+$0x0]  }
0x97: {  	v24 =	vld [tilespmem:s14+$0x0];
	v27 =	vperm.xlane v18, v1  }
0x98: {  	v25 =	vld [tilespmem:s13+$0x10]  }
0x99: {  	s17 =	sadd.s32 $0x1, s17;
	v26 =	vld [tilespmem:s14+$0x10];
	v18 =	vadd.f32 v18, v27  }
0x9a: {  	v27 =	vld [tilespmem:s13+$0x20]  }
0x9b: {  	v28 =	vld [tilespmem:s14+$0x20]  }
0x9c: {  	v29 =	vld [tilespmem:s13+$0x30]  }
0x9d: {  	v19 =	vmul.f32 v20, v19;
	v41 =	vmul.f32 v23, v21;
	v42 =	vld [tilespmem:s14+$0x30]  }
0x9e: {  	v44 =	vld [tilespmem:s13+$0x40];
	v22 =	vmul.f32 v24, v22;
	v43 =	vmul.f32 v26, v25  }
0x9f: {  	v16 =	vmul.f32 v17, v16;
	v45 =	vld [tilespmem:s14+$0x40]  }
0xa0: {  	v48 =	vld [tilespmem:s13+$0x50];
	v19 =	vadd.f32 v41, v19;
	v47 =	vmul.f32 v28, v27;
	v46 =	vadd.f32 v43, v22  }
0xa1: {  	v14 =	vmul.f32 v15, v14;
	v49 =	vld [tilespmem:s14+$0x50]  }
0xa2: {  	v52 =	vld [tilespmem:s13+$0x60];
	v16 =	vadd.f32 v16, v19;
	v51 =	vmul.f32 v42, v29;
	v50 =	vadd.f32 v47, v46  }
0xa3: {  	v12 =	vmul.f32 v13, v12;
	v53 =	vld [tilespmem:s14+$0x60]  }
0xa4: {  	v55 =	vld [tilespmem:s13+$0x70];
	v17 =	vmul.f32 v45, v44;
	v14 =	vadd.f32 v14, v16;
	v54 =	vadd.f32 v51, v50  }
0xa5: {  	v10 =	vmul.f32 v11, v10;
	v56 =	vld [tilespmem:s14+$0x70]  }
0xa6: {  	v15 =	vmul.f32 v49, v48;
	v12 =	vadd.f32 v12, v14;
	v57 =	vadd.f32 v17, v54  }
0xa7: {  	v6 =	vmul.f32 v9, v6  }
0xa8: {  	v60 =	vmul.f32 v53, v52;
	v58 =	vadd.f32 v10, v12;
	v59 =	vadd.f32 v15, v57  }
0xa9: {  	v5 =	vmul.f32 v7, v5  }
0xaa: {  	v61 =	vmul.f32 v56, v55;
	v6 =	vadd.f32 v6, v58;
	v7 =	vadd.f32 v60, v59;
	_ =	sdelay $0x1  }
0xab: {  	v5 =	vadd.f32 v5, v6;
	v6 =	vadd.f32 v61, v7;
	_ =	sdelay $0x1  }
0xac: {  	v7 =	vperm.xlane v5, v3;
	v9 =	vperm.xlane v6, v3;
	_ =	sdelay $0x1  }
0xad: {  	v5 =	vadd.f32 v7, v5;
	v6 =	vadd.f32 v9, v6;
	_ =	sdelay $0x1  }
0xae: {  	v5 =	vsel vm0, v5, v6  }
0xaf: {  	v6 =	vperm.xlane v5, v0;
	_ =	sdelay $0x1  }
0xb0: {  	v5 =	vadd.f32 v5, v6;
	_ =	sdelay $0x1  }
0xb1: {  	v6 =	vperm.xlane v5, v1;
	_ =	sdelay $0x1  }
0xb2: {  	v5 =	vadd.f32 v5, v6  }
0xb3: {  	s17 =	sshll.u32 s12, $0x4;
	s12 =	sadd.s32 $0x1, s12;
	v6 =	vperm.xlane v18, v2  }
0xb4: {  	p0 =	sne.s32 s12, $0x8;
	v7 =	vperm.xlane v5, v2  }
.Ltmp1:
0xb5: {  	v62 =	vmov s16;
	v6 =	vadd.f32 v18, v6;
	(pc) =	sbr.rel @p0 .LBB2_2-.Ltmp1, $4  }
0xb6: {  	v63 =	vmov s15;
	vm1 =	veq.s32 v62, v4;
	v5 =	vadd.f32 v5, v7  }
0xb7: {  	v6 =	vsel vm1, v6, v8;
	vm1 =	veq.s32 v63, v4  }
0xb8: {  	s13 =	sand.u32 $0x3FFFFFF0, s17;
	v5 =	vsel vm1, v5, v6  }
0xb9: {  	s10 =	sadd.s32 $0x800, s10;
	s11 =	sadd.s32 $0x800, s11;
	[tilespmem:s13+$0x10600] =	vst v5  }
0xba: {  	v5 =	vld [tilespmem:$0x10600]  }
0xbb: {  	v6 =	vld [tilespmem:$0x10200]  }
0xbc: {  	v7 =	vld [tilespmem:$0x10610]  }
0xbd: {  	v8 =	vld [tilespmem:$0x10210]  }
0xbe: {  	v9 =	vld [tilespmem:$0x10620]  }
0xbf: {  	v10 =	vld [tilespmem:$0x10220]  }
0xc0: {  	v11 =	vld [tilespmem:$0x10630]  }
0xc1: {  	v12 =	vld [tilespmem:$0x10230]  }
0xc2: {  	v13 =	vld [tilespmem:$0x10640]  }
0xc3: {  	v14 =	vld [tilespmem:$0x10240]  }
0xc4: {  	v15 =	vld [tilespmem:$0x10650]  }
0xc5: {  	v16 =	vld [tilespmem:$0x10250]  }
0xc6: {  	v17 =	vld [tilespmem:$0x10660]  }
0xc7: {  	v62 =	vld [tilespmem:$0x10670];
	v5 =	vadd.f32 v6, v5  }
0xc8: {  	v6 =	vld [tilespmem:$0x10260];
	v7 =	vadd.f32 v8, v7  }
0xc9: {  	v63 =	vld [tilespmem:$0x10270];
	v9 =	vadd.f32 v10, v9;
	v5 =	vmul.f32 $1.442695020e+00, v5  }
0xca: {  	v11 =	vadd.f32 v12, v11;
	v7 =	vmul.f32 $1.442695020e+00, v7  }
0xcb: {  	v9 =	vmul.f32 $1.442695020e+00, v9;
	(erf) = vpow2.f32 v5;
	v5 =	vadd.f32 v14, v13  }
0xcc: {  	v11 =	vmul.f32 $1.442695020e+00, v11;
	(erf) = vpow2.f32 v7;
	v7 =	vadd.f32 v16, v15  }
0xcd: {  	v6 =	vadd.f32 v6, v17;
	(erf) = vpow2.f32 v9;
	v5 =	vmul.f32 $1.442695020e+00, v5  }
0xce: {  	v8 =	vadd.f32 v63, v62;
	(erf) = vpow2.f32 v11;
	v7 =	vmul.f32 $1.442695020e+00, v7  }
0xcf: {  	(erf) = vpow2.f32 v5;
	v5 =	vmul.f32 $1.442695020e+00, v6  }
0xd0: {  	v6 =	vmul.f32 $1.442695020e+00, v8;
	(erf) = vpow2.f32 v7  }
0xd1: {  	(erf) = vpow2.f32 v5  }
0xd2: {  	(erf) = vpow2.f32 v6;
	_ =	sdelay $0x1  }
0xd3: {  	v5 =	vpop (erf)  }
0xd4: {  	v6 =	vpop (erf);
	[tilespmem:$0x10800] =	vst v5  }
0xd5: {  	v5 =	vpop (erf);
	[tilespmem:$0x10810] =	vst v6  }
0xd6: {  	v6 =	vpop (erf);
	[tilespmem:$0x10820] =	vst v5  }
0xd7: {  	v5 =	vpop (erf);
	[tilespmem:$0x10830] =	vst v6  }
0xd8: {  	v6 =	vpop (erf);
	[tilespmem:$0x10840] =	vst v5  }
0xd9: {  	v5 =	vpop (erf);
	[tilespmem:$0x10850] =	vst v6  }
0xda: {  	[tilespmem:$0x10860] =	vst v5;
	v5 =	vpop (erf)  }
0xdb: {  	s10 =	simm.s32 $0x0;
	s11 =	rddreg [dreg:$0xe];
	s12 =	simm.s32 $0x10800;
	[tilespmem:$0x10870] =	vst v5  }
0xdc: {  	[hbm4b:s11+s10] =	stream.linear.scatter [tilespmem:s12], [sflag:$0x4], $0x80, $0x38;
	[tilespmem:$0x10A00] =	vst v63  }
0xdd: {  	s16 =	rddreg [dreg:$0xf]  }
0xde: {  	[hbm4b:s16+s10] =	stream.linear.scatter [tilespmem:s31], [sflag:$0x4], $0x80, $0x38;
	[tilespmem:$0x10A00] =	vst v63  }
0xdf: {  	_ =	swait.ge [sflag:s26], $0x80  }
0xe0: {  	[sflag:s26] =	ssyncset.done $0x0  }
0xe1: {  	s11 =	simm.s32 $0x200;
	[sflag:s26] =	ssyncadd.s32 $0xFFFFFF80  }
0xe2: {  	[tilespmem:s11], [sflag:$0x1] =	stream.indirect.gather [hbm4b:s0+s23], $0x80, s24, s23, $0xb8;
	[tilespmem:$0x10A00] =	vst v63  }
0xe3: {  	s12 =	simm.s32 $0x8200;
	s13 =	rddreg [dreg:$0x10]  }
0xe4: {  	[tilespmem:s12], [sflag:$0x1] =	stream.linear.gather [hbm4b:s13+s10], $0x4000, $0x38;
	[tilespmem:$0x10A00] =	vst v63  }
0xe5: {  	s17 =	simm.s32 $0x10300  }
0xe6: {  	[tilespmem:s17], [sflag:$0x1] =	stream.indirect.gather [hbm4b:s2+s23], $0x1, s24, s23, $0xb8;
	[tilespmem:$0x10A00] =	vst v63  }
0xe7: {  	_ = 	snop  }
0xe8: {  	[tilespmem:s28], [sflag:$0x1] =	stream.indirect.gather [hbm4b:s3+s23], $0x1, s24, s23, $0xb8;
	[tilespmem:$0x10A00] =	vst v63  }
0xe9: {  	_ =	swait.ge [sflag:s6], $0x4000  }
0xea: {  	[sflag:s6] =	ssyncset.done $0x0  }
0xeb: {  	[sflag:s6] =	ssyncadd.s32 $0xFFFFC000  }
0xec: {  	_ =	swait.ge [sflag:s6], $0x4000  }
0xed: {  	[sflag:s6] =	ssyncset.done $0x0  }
0xee: {  	[sflag:s6] =	ssyncadd.s32 $0xFFFFC000  }
0xef: {  	_ =	swait.ge [sflag:s6], $0x80  }
0xf0: {  	[sflag:s6] =	ssyncset.done $0x0  }
0xf1: {  	[sflag:s6] =	ssyncadd.s32 $0xFFFFFF80  }
0xf2: {  	_ =	swait.ge [sflag:s6], $0x80  }
0xf3: {  	[sflag:s6] =	ssyncset.done $0x0  }
0xf4: {  	s13 =	simm.s32 $0x0;
	[sflag:s6] =	ssyncadd.s32 $0xFFFFFF80  }
.LBB2_6:
0xf5: {  	v6 =	vmov s11  }
0xf6: {  	v5 =	vmov s12;
	_ =	sdelay $0x2  }
0xf7: {  	s14 =	simm.s32 $0x0  }
0xf8: {  	v7 =	vld.idx.msk [tilespmem:v6+s14+$0x4070 ss:$0x1], $0xffff  }
0xf9: {  	v8 =	vld.idx.msk [tilespmem:v5+s14+$0x4070 ss:$0x1], $0xffff  }
0xfa: {  	v9 =	vld.idx.msk [tilespmem:v6+s14+$0x4060 ss:$0x1], $0xffff  }
0xfb: {  	v10 =	vld.idx.msk [tilespmem:v5+s14+$0x4060 ss:$0x1], $0xffff  }
0xfc: {  	v11 =	vld.idx.msk [tilespmem:v6+s14+$0x4050 ss:$0x1], $0xffff  }
0xfd: {  	v12 =	vld.idx.msk [tilespmem:v5+s14+$0x4050 ss:$0x1], $0xffff  }
0xfe: {  	v13 =	vld.idx.msk [tilespmem:v6+s14+$0x4040 ss:$0x1], $0xffff  }
0xff: {  	v14 =	vld.idx.msk [tilespmem:v5+s14+$0x4040 ss:$0x1], $0xffff  }
0x100: {  	v15 =	vld.idx.msk [tilespmem:v6+s14+$0x4030 ss:$0x1], $0xffff  }
0x101: {  	v16 =	vld.idx.msk [tilespmem:v5+s14+$0x4030 ss:$0x1], $0xffff  }
0x102: {  	v17 =	vld.idx.msk [tilespmem:v6+s14+$0x4020 ss:$0x1], $0xffff  }
0x103: {  	v18 =	vld.idx.msk [tilespmem:v5+s14+$0x4020 ss:$0x1], $0xffff  }
0x104: {  	v19 =	vld.idx.msk [tilespmem:v6+s14+$0x4000 ss:$0x1], $0xffff  }
0x105: {  	v20 =	vld.idx.msk [tilespmem:v5+s14+$0x4000 ss:$0x1], $0xffff  }
0x106: {  	v21 =	vld.idx.msk [tilespmem:v6+s14+$0x4010 ss:$0x1], $0xffff  }
0x107: {  	v22 =	vld.idx.msk [tilespmem:v5+s14+$0x4010 ss:$0x1], $0xffff  }
0x108: {  	v23 =	vld.idx.msk [tilespmem:v6+s14+$0x4080 ss:$0x1], $0xffff  }
0x109: {  	v24 =	vld.idx.msk [tilespmem:v5+s14+$0x4080 ss:$0x1], $0xffff  }
0x10a: {  	v25 =	vld.idx.msk [tilespmem:v6+s14+$0x4090 ss:$0x1], $0xffff  }
0x10b: {  	v26 =	vld.idx.msk [tilespmem:v5+s14+$0x4090 ss:$0x1], $0xffff  }
0x10c: {  	v27 =	vld.idx.msk [tilespmem:v6+s14+$0x40A0 ss:$0x1], $0xffff  }
0x10d: {  	v28 =	vld.idx.msk [tilespmem:v5+s14+$0x40A0 ss:$0x1], $0xffff  }
0x10e: {  	v29 =	vld.idx.msk [tilespmem:v6+s14+$0x40B0 ss:$0x1], $0xffff  }
0x10f: {  	v30 =	vld.idx.msk [tilespmem:v5+s14+$0x40B0 ss:$0x1], $0xffff  }
0x110: {  	v31 =	vld.idx.msk [tilespmem:v6+s14+$0x40C0 ss:$0x1], $0xffff  }
0x111: {  	v32 =	vld.idx.msk [tilespmem:v5+s14+$0x40C0 ss:$0x1], $0xffff  }
0x112: {  	v33 =	vld.idx.msk [tilespmem:v6+s14+$0x40D0 ss:$0x1], $0xffff  }
0x113: {  	v34 =	vld.idx.msk [tilespmem:v5+s14+$0x40D0 ss:$0x1], $0xffff  }
0x114: {  	v35 =	vld.idx.msk [tilespmem:v6+s14+$0x40E0 ss:$0x1], $0xffff  }
0x115: {  	v36 =	vld.idx.msk [tilespmem:v5+s14+$0x40E0 ss:$0x1], $0xffff  }
0x116: {  	v37 =	vld.idx.msk [tilespmem:v6+s14+$0x40F0 ss:$0x1], $0xffff  }
0x117: {  	s15 =	simm.s32 $0x100;
	v38 =	vld.idx.msk [tilespmem:v5+s14+$0x40F0 ss:$0x1], $0xffff  }
0x118: {  	v39 =	vld.idx.msk [tilespmem:v6+s15+$0x4070 ss:$0x1], $0xffff  }
0x119: {  	v40 =	vld.idx.msk [tilespmem:v5+s15+$0x4070 ss:$0x1], $0xffff  }
0x11a: {  	v41 =	vld.idx.msk [tilespmem:v6+s15+$0x4060 ss:$0x1], $0xffff  }
0x11b: {  	v42 =	vld.idx.msk [tilespmem:v5+s15+$0x4060 ss:$0x1], $0xffff  }
0x11c: {  	v43 =	vld.idx.msk [tilespmem:v6+s15+$0x4050 ss:$0x1], $0xffff  }
0x11d: {  	v44 =	vld.idx.msk [tilespmem:v5+s15+$0x4050 ss:$0x1], $0xffff  }
0x11e: {  	v45 =	vld.idx.msk [tilespmem:v6+s15+$0x4040 ss:$0x1], $0xffff  }
0x11f: {  	v46 =	vld.idx.msk [tilespmem:v5+s15+$0x4040 ss:$0x1], $0xffff  }
0x120: {  	v47 =	vld.idx.msk [tilespmem:v6+s15+$0x4030 ss:$0x1], $0xffff  }
0x121: {  	v48 =	vld.idx.msk [tilespmem:v5+s15+$0x4030 ss:$0x1], $0xffff  }
0x122: {  	v49 =	vld.idx.msk [tilespmem:v6+s15+$0x4020 ss:$0x1], $0xffff  }
0x123: {  	v50 =	vld.idx.msk [tilespmem:v5+s15+$0x4020 ss:$0x1], $0xffff  }
0x124: {  	v51 =	vld.idx.msk [tilespmem:v6+s15+$0x4000 ss:$0x1], $0xffff  }
0x125: {  	v19 =	vmul.f32 v20, v19;
	v20 =	vmul.f32 v22, v21;
	v21 =	vld.idx.msk [tilespmem:v5+s15+$0x4000 ss:$0x1], $0xffff  }
0x126: {  	v22 =	vmul.f32 v24, v23;
	v23 =	vmul.f32 v26, v25;
	v24 =	vld.idx.msk [tilespmem:v6+s15+$0x4010 ss:$0x1], $0xffff  }
0x127: {  	v17 =	vmul.f32 v18, v17;
	v9 =	vmul.f32 v10, v9;
	v10 =	vld.idx.msk [tilespmem:v6+s15+$0x40B0 ss:$0x1], $0xffff  }
0x128: {  	v18 =	vadd.f32 v20, v19;
	v19 =	vld.idx.msk [tilespmem:v5+s15+$0x4010 ss:$0x1], $0xffff;
	v20 =	vadd.f32 v23, v22;
	v22 =	vmul.f32 v28, v27  }
0x129: {  	v15 =	vmul.f32 v16, v15;
	v23 =	vld.idx.msk [tilespmem:v6+s15+$0x4080 ss:$0x1], $0xffff  }
0x12a: {  	v16 =	vadd.f32 v17, v18;
	v17 =	vld.idx.msk [tilespmem:v5+s15+$0x4080 ss:$0x1], $0xffff;
	v18 =	vadd.f32 v22, v20;
	v20 =	vmul.f32 v30, v29  }
0x12b: {  	v13 =	vmul.f32 v14, v13;
	v22 =	vld.idx.msk [tilespmem:v6+s15+$0x4090 ss:$0x1], $0xffff  }
0x12c: {  	v14 =	vadd.f32 v15, v16;
	v15 =	vld.idx.msk [tilespmem:v5+s15+$0x4090 ss:$0x1], $0xffff;
	v16 =	vadd.f32 v20, v18;
	v18 =	vmul.f32 v32, v31  }
0x12d: {  	v11 =	vmul.f32 v12, v11;
	v7 =	vmul.f32 v8, v7;
	v20 =	vld.idx.msk [tilespmem:v6+s15+$0x40A0 ss:$0x1], $0xffff  }
0x12e: {  	v12 =	vadd.f32 v13, v14;
	v13 =	vld.idx.msk [tilespmem:v5+s15+$0x40A0 ss:$0x1], $0xffff;
	v14 =	vadd.f32 v18, v16;
	v16 =	vmul.f32 v34, v33  }
0x12f: {  	s14 =	simm.s32 $0x200;
	v8 =	vld.idx.msk [tilespmem:v5+s15+$0x40B0 ss:$0x1], $0xffff;
	v18 =	vmul.f32 v19, v24;
	v17 =	vmul.f32 v17, v23  }
0x130: {  	v26 =	vld.idx.msk [tilespmem:v5+s14+$0x4010 ss:$0x1], $0xffff;
	v11 =	vadd.f32 v11, v12;
	v12 =	vmul.f32 v36, v35;
	v14 =	vadd.f32 v16, v14  }
0x131: {  	v28 =	vmov s10;
	v19 =	vld.idx.msk [tilespmem:v6+s15+$0x40C0 ss:$0x1], $0xffff;
	v16 =	vmul.f32 v21, v51;
	v15 =	vmul.f32 v15, v22  }
0x132: {  	v21 =	vld.idx.msk [tilespmem:v5+s15+$0x40C0 ss:$0x1], $0xffff;
	v9 =	vadd.f32 v9, v11;
	v11 =	vadd.f32 v12, v14;
	v12 =	vmul.f32 v50, v49  }
0x133: {  	v14 =	vld.idx.msk [tilespmem:v6+s15+$0x40D0 ss:$0x1], $0xffff;
	v16 =	vadd.f32 v18, v16;
	v15 =	vadd.f32 v15, v17;
	v13 =	vmul.f32 v13, v20  }
0x134: {  	v8 =	vmul.f32 v8, v10;
	v18 =	vmul.f32 v38, v37;
	v17 =	vld.idx.msk [tilespmem:v5+s15+$0x40D0 ss:$0x1], $0xffff;
	v20 =	vadd.f32 v7, v9  }
0x135: {  	v22 =	vld.idx.msk [tilespmem:v6+s15+$0x40E0 ss:$0x1], $0xffff;
	v7 =	vmul.f32 v48, v47;
	v9 =	vadd.f32 v12, v16;
	v12 =	vadd.f32 v13, v15  }
0x136: {  	v23 =	vmul.f32 v44, v43;
	v10 =	vadd.f32 v18, v11;
	v13 =	vld.idx.msk [tilespmem:v5+s15+$0x40E0 ss:$0x1], $0xffff;
	v15 =	vmul.f32 v46, v45  }
0x137: {  	v16 =	vld.idx.msk [tilespmem:v6+s15+$0x40F0 ss:$0x1], $0xffff;
	v18 =	vadd.f32 v7, v9;
	v8 =	vadd.f32 v8, v12;
	v12 =	vmul.f32 v21, v19  }
0x138: {  	vm1 =	veq.s32 v28, v4;
	v11 =	vperm.xlane v20, v3;
	v19 =	vld.idx.msk [tilespmem:v5+s15+$0x40F0 ss:$0x1], $0xffff;
	v21 =	vperm.xlane v10, v3  }
0x139: {  	v25 =	vld.idx.msk [tilespmem:v6+s14+$0x4080 ss:$0x1], $0xffff;
	v15 =	vadd.f32 v15, v18;
	v14 =	vmul.f32 v17, v14;
	v12 =	vadd.f32 v12, v8  }
0x13a: {  	v28 =	vld.idx.msk [tilespmem:v6+s14+$0x4090 ss:$0x1], $0xffff;
	v11 =	vadd.f32 v11, v20;
	v18 =	vmul.f32 v42, v41;
	v17 =	vadd.f32 v21, v10  }
0x13b: {  	v7 =	vld.idx.msk [tilespmem:v6+s14+$0x4070 ss:$0x1], $0xffff;
	v15 =	vadd.f32 v23, v15;
	v20 =	vmul.f32 v13, v22;
	v14 =	vadd.f32 v14, v12  }
0x13c: {  	v9 =	vld.idx.msk [tilespmem:v5+s14+$0x4070 ss:$0x1], $0xffff;
	v11 =	vsel vm0, v11, v17;
	v17 =	vmul.f32 v40, v39  }
0x13d: {  	v8 =	vld.idx.msk [tilespmem:v6+s14+$0x4060 ss:$0x1], $0xffff;
	v18 =	vadd.f32 v18, v15;
	v16 =	vmul.f32 v19, v16;
	v20 =	vadd.f32 v20, v14  }
0x13e: {  	v10 =	vld.idx.msk [tilespmem:v5+s14+$0x4060 ss:$0x1], $0xffff;
	v19 =	vperm.xlane v11, v0  }
0x13f: {  	v13 =	vld.idx.msk [tilespmem:v5+s14+$0x4050 ss:$0x1], $0xffff;
	v21 =	vadd.f32 v17, v18;
	v20 =	vadd.f32 v16, v20  }
0x140: {  	v12 =	vld.idx.msk [tilespmem:v6+s14+$0x4050 ss:$0x1], $0xffff;
	v11 =	vadd.f32 v11, v19  }
0x141: {  	v15 =	vld.idx.msk [tilespmem:v5+s14+$0x4040 ss:$0x1], $0xffff;
	v22 =	vperm.xlane v21, v3;
	v23 =	vperm.xlane v20, v3  }
0x142: {  	v14 =	vld.idx.msk [tilespmem:v6+s14+$0x4040 ss:$0x1], $0xffff;
	v24 =	vperm.xlane v11, v1  }
0x143: {  	v17 =	vld.idx.msk [tilespmem:v5+s14+$0x4030 ss:$0x1], $0xffff;
	v21 =	vadd.f32 v22, v21;
	v20 =	vadd.f32 v23, v20  }
0x144: {  	v18 =	vld.idx.msk [tilespmem:v6+s14+$0x4020 ss:$0x1], $0xffff;
	v11 =	vadd.f32 v11, v24  }
0x145: {  	v19 =	vld.idx.msk [tilespmem:v5+s14+$0x4020 ss:$0x1], $0xffff;
	v20 =	vsel vm0, v21, v20  }
0x146: {  	v16 =	vld.idx.msk [tilespmem:v6+s14+$0x4030 ss:$0x1], $0xffff;
	v21 =	vperm.xlane v11, v2;
	v27 =	vperm.xlane v20, v0  }
0x147: {  	v22 =	vld.idx.msk [tilespmem:v6+s14+$0x4000 ss:$0x1], $0xffff  }
0x148: {  	v24 =	vld.idx.msk [tilespmem:v6+s14+$0x4010 ss:$0x1], $0xffff;
	v11 =	vadd.f32 v11, v21;
	v20 =	vadd.f32 v20, v27  }
0x149: {  	v23 =	vld.idx.msk [tilespmem:v5+s14+$0x4000 ss:$0x1], $0xffff;
	v21 =	vimm.f32 $0.0e+00  }
0x14a: {  	s16 =	simm.s32 $0xC00;
	s15 =	simm.s32 $0x0;
	v27 =	vld.idx.msk [tilespmem:v5+s14+$0x4080 ss:$0x1], $0xffff;
	v11 =	vsel vm1, v11, v21;
	v21 =	vperm.xlane v20, v1  }
.LBB2_7:
0x14b: {  	p0 =	sne.s32 s16, $0x1C00;
	v29 =	vld.idx.msk [tilespmem:v5+s14+$0x4090 ss:$0x1], $0xffff  }
0x14c: {  	v30 =	vld.idx.msk [tilespmem:v6+s14+$0x40A0 ss:$0x1], $0xffff;
	v20 =	vadd.f32 v20, v21  }
0x14d: {  	v21 =	vld.idx.msk [tilespmem:v5+s14+$0x40A0 ss:$0x1], $0xffff  }
0x14e: {  	s15 =	sadd.s32 $0x1, s15;
	v31 =	vld.idx.msk [tilespmem:v6+s14+$0x40B0 ss:$0x1], $0xffff;
	v32 =	vperm.xlane v20, v2  }
0x14f: {  	v34 =	vmov s15;
	v33 =	vld.idx.msk [tilespmem:v5+s14+$0x40B0 ss:$0x1], $0xffff  }
0x150: {  	v22 =	vmul.f32 v23, v22;
	v23 =	vmul.f32 v26, v24;
	v24 =	vld.idx.msk [tilespmem:v6+s14+$0x40C0 ss:$0x1], $0xffff;
	v20 =	vadd.f32 v20, v32  }
0x151: {  	vm1 =	veq.s32 v34, v4;
	v25 =	vmul.f32 v27, v25;
	v26 =	vmul.f32 v29, v28;
	v27 =	vld.idx.msk [tilespmem:v5+s14+$0x40C0 ss:$0x1], $0xffff  }
0x152: {  	v18 =	vmul.f32 v19, v18;
	v19 =	vld.idx.msk [tilespmem:v6+s14+$0x40D0 ss:$0x1], $0xffff;
	v11 =	vsel vm1, v20, v11  }
0x153: {  	v20 =	vadd.f32 v23, v22;
	v22 =	vadd.f32 v26, v25;
	v21 =	vmul.f32 v21, v30;
	v23 =	vld.idx.msk [tilespmem:v5+s14+$0x40D0 ss:$0x1], $0xffff  }
0x154: {  	v16 =	vmul.f32 v17, v16;
	v17 =	vld.idx.msk [tilespmem:v6+s14+$0x40E0 ss:$0x1], $0xffff  }
0x155: {  	v18 =	vadd.f32 v18, v20;
	v20 =	vadd.f32 v21, v22;
	v21 =	vmul.f32 v33, v31;
	v22 =	vld.idx.msk [tilespmem:v5+s14+$0x40E0 ss:$0x1], $0xffff  }
0x156: {  	v14 =	vmul.f32 v15, v14;
	v15 =	vld.idx.msk [tilespmem:v6+s14+$0x40F0 ss:$0x1], $0xffff  }
0x157: {  	v16 =	vadd.f32 v16, v18;
	v18 =	vadd.f32 v21, v20;
	v20 =	vmul.f32 v27, v24;
	v21 =	vld.idx.msk [tilespmem:v5+s14+$0x40F0 ss:$0x1], $0xffff;
	s14 =	sshra.s32 s16, $0x2  }
0x158: {  	v12 =	vmul.f32 v13, v12;
	v24 =	vld.idx.msk [tilespmem:v6+s14+$0x4070 ss:$0x1], $0xffff  }
0x159: {  	v13 =	vadd.f32 v14, v16;
	v14 =	vadd.f32 v20, v18;
	v16 =	vmul.f32 v23, v19;
	v25 =	vld.idx.msk [tilespmem:v5+s14+$0x4070 ss:$0x1], $0xffff  }
0x15a: {  	v18 =	vmul.f32 v10, v8;
	v8 =	vld.idx.msk [tilespmem:v6+s14+$0x4060 ss:$0x1], $0xffff  }
0x15b: {  	v19 =	vadd.f32 v12, v13;
	v14 =	vadd.f32 v16, v14;
	v16 =	vmul.f32 v22, v17;
	v10 =	vld.idx.msk [tilespmem:v5+s14+$0x4060 ss:$0x1], $0xffff  }
0x15c: {  	v22 =	vmul.f32 v9, v7;
	v12 =	vld.idx.msk [tilespmem:v6+s14+$0x4050 ss:$0x1], $0xffff  }
0x15d: {  	v17 =	vadd.f32 v18, v19;
	v16 =	vadd.f32 v16, v14;
	v18 =	vmul.f32 v21, v15;
	v13 =	vld.idx.msk [tilespmem:v5+s14+$0x4050 ss:$0x1], $0xffff  }
0x15e: {  	v7 =	vmov v24;
	v14 =	vld.idx.msk [tilespmem:v6+s14+$0x4040 ss:$0x1], $0xffff  }
0x15f: {  	v20 =	vadd.f32 v22, v17;
	v21 =	vadd.f32 v18, v16;
	v9 =	vmov v25;
	v15 =	vld.idx.msk [tilespmem:v5+s14+$0x4040 ss:$0x1], $0xffff  }
0x160: {  	v16 =	vld.idx.msk [tilespmem:v6+s14+$0x4030 ss:$0x1], $0xffff  }
0x161: {  	v22 =	vperm.xlane v20, v3;
	v23 =	vperm.xlane v21, v3;
	v17 =	vld.idx.msk [tilespmem:v5+s14+$0x4030 ss:$0x1], $0xffff  }
0x162: {  	v18 =	vld.idx.msk [tilespmem:v6+s14+$0x4020 ss:$0x1], $0xffff  }
0x163: {  	v20 =	vadd.f32 v22, v20;
	v21 =	vadd.f32 v23, v21;
	v19 =	vld.idx.msk [tilespmem:v5+s14+$0x4020 ss:$0x1], $0xffff  }
0x164: {  	v22 =	vld.idx.msk [tilespmem:v6+s14+$0x4000 ss:$0x1], $0xffff  }
0x165: {  	v20 =	vsel vm0, v20, v21;
	v23 =	vld.idx.msk [tilespmem:v5+s14+$0x4000 ss:$0x1], $0xffff  }
.Ltmp2:
0x166: {  	v21 =	vperm.xlane v20, v0;
	v24 =	vld.idx.msk [tilespmem:v6+s14+$0x4010 ss:$0x1], $0xffff;
	(pc) =	sbr.rel @p0 .LBB2_7-.Ltmp2, $4  }
0x167: {  	v26 =	vld.idx.msk [tilespmem:v5+s14+$0x4010 ss:$0x1], $0xffff  }
0x168: {  	v20 =	vadd.f32 v20, v21;
	v25 =	vld.idx.msk [tilespmem:v6+s14+$0x4080 ss:$0x1], $0xffff  }
0x169: {  	v27 =	vld.idx.msk [tilespmem:v5+s14+$0x4080 ss:$0x1], $0xffff  }
0x16a: {  	s16 =	sadd.s32 $0x400, s16;
	v21 =	vperm.xlane v20, v1;
	v28 =	vld.idx.msk [tilespmem:v6+s14+$0x4090 ss:$0x1], $0xffff  }
0x16b: {  	_ =	sdelay $0x3  }
0x16c: {  	v29 =	vld.idx.msk [tilespmem:v5+s14+$0x4090 ss:$0x1], $0xffff  }
0x16d: {  	v30 =	vld.idx.msk [tilespmem:v6+s14+$0x40A0 ss:$0x1], $0xffff  }
0x16e: {  	v31 =	vld.idx.msk [tilespmem:v5+s14+$0x40A0 ss:$0x1], $0xffff  }
0x16f: {  	v32 =	vld.idx.msk [tilespmem:v6+s14+$0x40B0 ss:$0x1], $0xffff  }
0x170: {  	v33 =	vld.idx.msk [tilespmem:v5+s14+$0x40B0 ss:$0x1], $0xffff;
	v22 =	vmul.f32 v23, v22;
	v39 =	vmul.f32 v26, v24  }
0x171: {  	v40 =	vld.idx.msk [tilespmem:v6+s14+$0x40C0 ss:$0x1], $0xffff;
	v25 =	vmul.f32 v27, v25;
	v41 =	vmul.f32 v29, v28  }
0x172: {  	v42 =	vld.idx.msk [tilespmem:v5+s14+$0x40C0 ss:$0x1], $0xffff;
	v18 =	vmul.f32 v19, v18  }
0x173: {  	v43 =	vld.idx.msk [tilespmem:v6+s14+$0x40D0 ss:$0x1], $0xffff;
	v22 =	vadd.f32 v39, v22;
	v45 =	vmul.f32 v31, v30;
	v44 =	vadd.f32 v41, v25  }
0x174: {  	v46 =	vld.idx.msk [tilespmem:v5+s14+$0x40D0 ss:$0x1], $0xffff;
	v16 =	vmul.f32 v17, v16  }
0x175: {  	v47 =	vld.idx.msk [tilespmem:v6+s14+$0x40E0 ss:$0x1], $0xffff;
	v18 =	vadd.f32 v18, v22;
	v49 =	vmul.f32 v33, v32;
	v48 =	vadd.f32 v45, v44  }
0x176: {  	v50 =	vld.idx.msk [tilespmem:v5+s14+$0x40E0 ss:$0x1], $0xffff;
	v14 =	vmul.f32 v15, v14  }
0x177: {  	v6 =	vld.idx.msk [tilespmem:v6+s14+$0x40F0 ss:$0x1], $0xffff;
	v53 =	vmul.f32 v42, v40;
	v51 =	vadd.f32 v16, v18;
	v52 =	vadd.f32 v49, v48  }
0x178: {  	v5 =	vld.idx.msk [tilespmem:v5+s14+$0x40F0 ss:$0x1], $0xffff;
	v12 =	vmul.f32 v13, v12  }
0x179: {  	v56 =	vmul.f32 v46, v43;
	v54 =	vadd.f32 v14, v51;
	v55 =	vadd.f32 v53, v52  }
0x17a: {  	v8 =	vmul.f32 v10, v8  }
0x17b: {  	v59 =	vmul.f32 v50, v47;
	v57 =	vadd.f32 v12, v54;
	v58 =	vadd.f32 v56, v55  }
0x17c: {  	v7 =	vmul.f32 v9, v7  }
0x17d: {  	v5 =	vmul.f32 v5, v6;
	v8 =	vadd.f32 v8, v57;
	v60 =	vadd.f32 v59, v58;
	_ =	sdelay $0x1  }
0x17e: {  	v6 =	vadd.f32 v7, v8;
	v5 =	vadd.f32 v5, v60;
	_ =	sdelay $0x1  }
0x17f: {  	v7 =	vperm.xlane v6, v3;
	v61 =	vperm.xlane v5, v3;
	_ =	sdelay $0x1  }
0x180: {  	v6 =	vadd.f32 v7, v6;
	v5 =	vadd.f32 v61, v5;
	_ =	sdelay $0x1  }
0x181: {  	v5 =	vsel vm0, v6, v5  }
0x182: {  	v6 =	vperm.xlane v5, v0;
	_ =	sdelay $0x1  }
0x183: {  	v5 =	vadd.f32 v5, v6;
	_ =	sdelay $0x1  }
0x184: {  	v6 =	vperm.xlane v5, v1  }
0x185: {  	v7 =	vadd.f32 v20, v21  }
0x186: {  	v5 =	vadd.f32 v5, v6  }
0x187: {  	s17 =	sshll.u32 s13, $0x4;
	s13 =	sadd.s32 $0x1, s13;
	v6 =	vperm.xlane v7, v2  }
0x188: {  	s16 =	sadd.s32 $0x1, s15;
	p0 =	sne.s32 s13, $0x8;
	v62 =	vperm.xlane v5, v2  }
.Ltmp3:
0x189: {  	v63 =	vmov s16;
	s14 =	sadd.s32 $0x1, s16;
	v6 =	vadd.f32 v7, v6;
	(pc) =	sbr.rel @p0 .LBB2_6-.Ltmp3, $4  }
0x18a: {  	vm1 =	veq.s32 v63, v4;
	v7 =	vmov s14;
	v5 =	vadd.f32 v5, v62  }
0x18b: {  	v6 =	vsel vm1, v6, v11;
	vm1 =	veq.s32 v7, v4  }
0x18c: {  	s14 =	sand.u32 $0x3FFFFFF0, s17;
	v5 =	vsel vm1, v5, v6  }
0x18d: {  	s12 =	sadd.s32 $0x800, s12;
	s11 =	sadd.s32 $0x800, s11;
	[tilespmem:s14+$0x10680] =	vst v5  }
0x18e: {  	v5 =	vld [tilespmem:$0x10680]  }
0x18f: {  	v6 =	vld [tilespmem:$0x10280]  }
0x190: {  	v7 =	vld [tilespmem:$0x10690]  }
0x191: {  	v8 =	vld [tilespmem:$0x10290]  }
0x192: {  	v9 =	vld [tilespmem:$0x106A0]  }
0x193: {  	v10 =	vld [tilespmem:$0x102A0]  }
0x194: {  	v11 =	vld [tilespmem:$0x106B0]  }
0x195: {  	v12 =	vld [tilespmem:$0x102B0]  }
0x196: {  	v13 =	vld [tilespmem:$0x106C0]  }
0x197: {  	v14 =	vld [tilespmem:$0x102C0]  }
0x198: {  	v15 =	vld [tilespmem:$0x106D0]  }
0x199: {  	v16 =	vld [tilespmem:$0x102D0]  }
0x19a: {  	v17 =	vld [tilespmem:$0x106E0]  }
0x19b: {  	v62 =	vld [tilespmem:$0x106F0];
	v5 =	vadd.f32 v6, v5  }
0x19c: {  	v6 =	vld [tilespmem:$0x102E0];
	v7 =	vadd.f32 v8, v7  }
0x19d: {  	v63 =	vld [tilespmem:$0x102F0];
	v9 =	vadd.f32 v10, v9;
	v5 =	vmul.f32 $1.442695020e+00, v5  }
0x19e: {  	v11 =	vadd.f32 v12, v11;
	v7 =	vmul.f32 $1.442695020e+00, v7  }
0x19f: {  	v9 =	vmul.f32 $1.442695020e+00, v9;
	(erf) = vpow2.f32 v5;
	v5 =	vadd.f32 v14, v13  }
0x1a0: {  	v11 =	vmul.f32 $1.442695020e+00, v11;
	(erf) = vpow2.f32 v7;
	v7 =	vadd.f32 v16, v15  }
0x1a1: {  	v6 =	vadd.f32 v6, v17;
	(erf) = vpow2.f32 v9;
	v5 =	vmul.f32 $1.442695020e+00, v5  }
0x1a2: {  	v8 =	vadd.f32 v63, v62;
	(erf) = vpow2.f32 v11;
	v7 =	vmul.f32 $1.442695020e+00, v7  }
0x1a3: {  	(erf) = vpow2.f32 v5;
	v5 =	vmul.f32 $1.442695020e+00, v6  }
0x1a4: {  	v6 =	vmul.f32 $1.442695020e+00, v8;
	(erf) = vpow2.f32 v7  }
0x1a5: {  	(erf) = vpow2.f32 v5  }
0x1a6: {  	(erf) = vpow2.f32 v6;
	_ =	sdelay $0x1  }
0x1a7: {  	v5 =	vpop (erf)  }
0x1a8: {  	v6 =	vpop (erf);
	[tilespmem:$0x10880] =	vst v5  }
0x1a9: {  	v5 =	vpop (erf);
	[tilespmem:$0x10890] =	vst v6  }
0x1aa: {  	v6 =	vpop (erf);
	[tilespmem:$0x108A0] =	vst v5  }
0x1ab: {  	v5 =	vpop (erf);
	[tilespmem:$0x108B0] =	vst v6  }
0x1ac: {  	v6 =	vpop (erf);
	[tilespmem:$0x108C0] =	vst v5  }
0x1ad: {  	v5 =	vpop (erf);
	[tilespmem:$0x108D0] =	vst v6  }
0x1ae: {  	[tilespmem:$0x108E0] =	vst v5;
	v5 =	vpop (erf)  }
0x1af: {  	s10 =	simm.s32 $0x0;
	s11 =	rddreg [dreg:$0x11];
	s12 =	simm.s32 $0x10880;
	[tilespmem:$0x108F0] =	vst v5  }
0x1b0: {  	[hbm4b:s11+s10] =	stream.linear.scatter [tilespmem:s12], [sflag:$0x4], $0x80, $0x38;
	[tilespmem:$0x10A00] =	vst v63  }
0x1b1: {  	s15 =	rddreg [dreg:$0x12]  }
0x1b2: {  	[hbm4b:s15+s10] =	stream.linear.scatter [tilespmem:s29], [sflag:$0x4], $0x80, $0x38;
	[tilespmem:$0x10A00] =	vst v63  }
0x1b3: {  	_ =	swait.ge [sflag:s26], $0x80  }
0x1b4: {  	[sflag:s26] =	ssyncset.done $0x0  }
0x1b5: {  	[sflag:s26] =	ssyncadd.s32 $0xFFFFFF80  }
0x1b6: {  	[tilespmem:s1], [sflag:$0x2] =	stream.indirect.gather [hbm4b:s0+s23], $0x80, s25, s23, $0xb8;
	[tilespmem:$0x10A00] =	vst v63  }
0x1b7: {  	s16 =	rddreg [dreg:$0x13]  }
0x1b8: {  	[tilespmem:s4], [sflag:$0x2] =	stream.linear.gather [hbm4b:s16+s10], $0x4000, $0x38;
	[tilespmem:$0x10A00] =	vst v63  }
0x1b9: {  	s17 =	simm.s32 $0x10380  }
0x1ba: {  	[tilespmem:s17], [sflag:$0x2] =	stream.indirect.gather [hbm4b:s2+s23], $0x1, s25, s23, $0xb8;
	[tilespmem:$0x10A00] =	vst v63  }
0x1bb: {  	_ = 	snop  }
0x1bc: {  	[tilespmem:s7], [sflag:$0x2] =	stream.indirect.gather [hbm4b:s3+s23], $0x1, s25, s23, $0xb8;
	[tilespmem:$0x10A00] =	vst v63  }
0x1bd: {  	_ =	swait.ge [sflag:s30], $0x4000  }
0x1be: {  	[sflag:s30] =	ssyncset.done $0x0  }
0x1bf: {  	[sflag:s30] =	ssyncadd.s32 $0xFFFFC000  }
0x1c0: {  	_ =	swait.ge [sflag:s30], $0x4000  }
0x1c1: {  	[sflag:s30] =	ssyncset.done $0x0  }
0x1c2: {  	[sflag:s30] =	ssyncadd.s32 $0xFFFFC000  }
0x1c3: {  	_ =	swait.ge [sflag:s30], $0x80  }
0x1c4: {  	[sflag:s30] =	ssyncset.done $0x0  }
0x1c5: {  	[sflag:s30] =	ssyncadd.s32 $0xFFFFFF80  }
0x1c6: {  	_ =	swait.ge [sflag:s30], $0x80  }
0x1c7: {  	[sflag:s30] =	ssyncset.done $0x0  }
0x1c8: {  	s11 =	simm.s32 $0x8280;
	s12 =	simm.s32 $0x280;
	[sflag:s30] =	ssyncadd.s32 $0xFFFFFF80  }
.LBB2_10:
0x1c9: {  	v8 =	vld [tilespmem:s12+$0xFFFFFFF0]  }
0x1ca: {  	v10 =	vld [tilespmem:s11+$0xFFFFFFF0]  }
0x1cb: {  	v6 =	vld [tilespmem:s12+$0xFFFFFFE0]  }
0x1cc: {  	v9 =	vld [tilespmem:s11+$0xFFFFFFE0]  }
0x1cd: {  	v5 =	vld [tilespmem:s12+$0xFFFFFFD0]  }
0x1ce: {  	v7 =	vld [tilespmem:s11+$0xFFFFFFD0]  }
0x1cf: {  	v11 =	vld [tilespmem:s12+$0xFFFFFFC0]  }
0x1d0: {  	v12 =	vld [tilespmem:s11+$0xFFFFFFC0]  }
0x1d1: {  	v13 =	vld [tilespmem:s12+$0xFFFFFFB0]  }
0x1d2: {  	v14 =	vld [tilespmem:s11+$0xFFFFFFB0]  }
0x1d3: {  	v15 =	vld [tilespmem:s12+$0xFFFFFFA0]  }
0x1d4: {  	v16 =	vld [tilespmem:s11+$0xFFFFFFA0]  }
0x1d5: {  	v17 =	vld [tilespmem:s12+$0xFFFFFF80]  }
0x1d6: {  	v18 =	vld [tilespmem:s11+$0xFFFFFF80]  }
0x1d7: {  	v19 =	vld [tilespmem:s12+$0xFFFFFF90]  }
0x1d8: {  	v20 =	vld [tilespmem:s11+$0xFFFFFF90]  }
0x1d9: {  	v21 =	vld [tilespmem:s12+$0x0]  }
0x1da: {  	v22 =	vld [tilespmem:s11+$0x0]  }
0x1db: {  	v23 =	vld [tilespmem:s12+$0x10]  }
0x1dc: {  	v24 =	vld [tilespmem:s11+$0x10]  }
0x1dd: {  	v25 =	vld [tilespmem:s12+$0x20]  }
0x1de: {  	v26 =	vld [tilespmem:s11+$0x20]  }
0x1df: {  	v27 =	vld [tilespmem:s12+$0x30]  }
0x1e0: {  	v17 =	vmul.f32 v18, v17;
	v18 =	vmul.f32 v20, v19;
	v19 =	vld [tilespmem:s11+$0x30]  }
0x1e1: {  	v20 =	vmul.f32 v22, v21;
	v21 =	vmul.f32 v24, v23;
	v22 =	vld [tilespmem:s12+$0x40]  }
0x1e2: {  	v15 =	vmul.f32 v16, v15;
	v16 =	vld [tilespmem:s11+$0x40];
	v13 =	vmul.f32 v14, v13  }
0x1e3: {  	v14 =	vld [tilespmem:s11+$0x50];
	v17 =	vadd.f32 v18, v17;
	v18 =	vadd.f32 v21, v20;
	v20 =	vmul.f32 v26, v25  }
0x1e4: {  	v11 =	vmul.f32 v12, v11;
	v21 =	vld [tilespmem:s12+$0x50]  }
0x1e5: {  	v12 =	vld [tilespmem:s11+$0x60];
	v15 =	vadd.f32 v15, v17;
	v17 =	vadd.f32 v20, v18;
	v18 =	vmul.f32 v19, v27  }
0x1e6: {  	v19 =	vld [tilespmem:s12+$0x60]  }
0x1e7: {  	v20 =	vld [tilespmem:s11+$0x70];
	v16 =	vmul.f32 v16, v22;
	v13 =	vadd.f32 v13, v15;
	v15 =	vadd.f32 v18, v17  }
0x1e8: {  	s13 =	sadd.s32 $0x100, s12;
	v8 =	vmul.f32 v10, v8;
	v17 =	vld [tilespmem:s12+$0x70];
	v18 =	vmul.f32 v7, v5  }
0x1e9: {  	s14 =	sadd.s32 $0x100, s11;
	v10 =	vld [tilespmem:s13+$0xFFFFFFD0];
	v14 =	vmul.f32 v14, v21;
	v11 =	vadd.f32 v11, v13;
	v13 =	vadd.f32 v16, v15  }
0x1ea: {  	v23 =	vld [tilespmem:s14+$0xFFFFFF90];
	v15 =	vmul.f32 v9, v6  }
0x1eb: {  	v24 =	vld [tilespmem:s14+$0x0];
	v11 =	vadd.f32 v18, v11;
	v12 =	vmul.f32 v12, v19;
	v13 =	vadd.f32 v14, v13  }
0x1ec: {  	v25 =	vld [tilespmem:s13+$0x10]  }
0x1ed: {  	v26 =	vld [tilespmem:s14+$0x10];
	v14 =	vadd.f32 v15, v11;
	v15 =	vmul.f32 v20, v17;
	v13 =	vadd.f32 v12, v13  }
0x1ee: {  	v22 =	vld [tilespmem:s13+$0x0]  }
0x1ef: {  	v5 =	vld [tilespmem:s13+$0xFFFFFFF0];
	v8 =	vadd.f32 v8, v14;
	v17 =	vadd.f32 v15, v13  }
0x1f0: {  	v7 =	vld [tilespmem:s14+$0xFFFFFFF0]  }
0x1f1: {  	v21 =	vld [tilespmem:s13+$0xFFFFFF90];
	v18 =	vperm.xlane v8, v3;
	v19 =	vperm.xlane v17, v3  }
0x1f2: {  	v6 =	vld [tilespmem:s13+$0xFFFFFFE0]  }
0x1f3: {  	v9 =	vld [tilespmem:s14+$0xFFFFFFE0];
	v8 =	vadd.f32 v18, v8;
	v17 =	vadd.f32 v19, v17  }
0x1f4: {  	v16 =	vld [tilespmem:s13+$0xFFFFFFA0]  }
0x1f5: {  	v11 =	vld [tilespmem:s14+$0xFFFFFFD0];
	v8 =	vsel vm0, v8, v17  }
0x1f6: {  	v20 =	vld [tilespmem:s14+$0xFFFFFF80];
	v17 =	vperm.xlane v8, v0  }
0x1f7: {  	v12 =	vld [tilespmem:s13+$0xFFFFFFC0]  }
0x1f8: {  	v14 =	vld [tilespmem:s13+$0xFFFFFFB0];
	v17 =	vadd.f32 v8, v17  }
0x1f9: {  	v13 =	vld [tilespmem:s14+$0xFFFFFFC0]  }
0x1fa: {  	v15 =	vld [tilespmem:s14+$0xFFFFFFB0];
	v27 =	vperm.xlane v17, v1  }
0x1fb: {  	v19 =	vld [tilespmem:s13+$0xFFFFFF80]  }
0x1fc: {  	s15 =	simm.s32 $0x1;
	s17 =	simm.s32 $0x2;
	s16 =	simm.s32 $0x0;
	v18 =	vld [tilespmem:s14+$0xFFFFFFA0];
	v8 =	vimm.f32 $0.0e+00;
	v17 =	vadd.f32 v17, v27  }
.LBB2_11:
0x1fd: {  	p0 =	sne.s32 s17, $0x7;
	v27 =	vld [tilespmem:s13+$0x20]  }
0x1fe: {  	v28 =	vld [tilespmem:s14+$0x20];
	v29 =	vperm.xlane v17, v2  }
0x1ff: {  	v31 =	vmov s16;
	s16 =	smov.u32 s15;
	s15 =	smov.u32 s17;
	v30 =	vld [tilespmem:s13+$0x30]  }
0x200: {  	v19 =	vmul.f32 v20, v19;
	v20 =	vmul.f32 v23, v21;
	v21 =	vld [tilespmem:s14+$0x30];
	v17 =	vadd.f32 v17, v29  }
0x201: {  	vm1 =	veq.s32 v31, v4;
	v22 =	vmul.f32 v24, v22;
	v23 =	vmul.f32 v26, v25;
	v24 =	vld [tilespmem:s13+$0x40]  }
0x202: {  	v16 =	vmul.f32 v18, v16;
	v18 =	vld [tilespmem:s14+$0x40];
	v8 =	vsel vm1, v17, v8  }
0x203: {  	v17 =	vadd.f32 v20, v19;
	v19 =	vadd.f32 v23, v22;
	v20 =	vmul.f32 v28, v27;
	v22 =	vld [tilespmem:s13+$0x50]  }
0x204: {  	v14 =	vmul.f32 v15, v14;
	v15 =	vld [tilespmem:s14+$0x50]  }
0x205: {  	v16 =	vadd.f32 v16, v17;
	v17 =	vadd.f32 v20, v19;
	v19 =	vmul.f32 v21, v30;
	v20 =	vld [tilespmem:s13+$0x60]  }
0x206: {  	v12 =	vmul.f32 v13, v12;
	v13 =	vld [tilespmem:s14+$0x60]  }
0x207: {  	v14 =	vadd.f32 v14, v16;
	v16 =	vadd.f32 v19, v17;
	v17 =	vmul.f32 v18, v24;
	v18 =	vld [tilespmem:s13+$0x70]  }
0x208: {  	v10 =	vmul.f32 v11, v10;
	s13 =	sadd.s32 $0x100, s13;
	v11 =	vld [tilespmem:s14+$0x70]  }
0x209: {  	v12 =	vadd.f32 v12, v14;
	s14 =	sadd.s32 $0x100, s14;
	v19 =	vld [tilespmem:s13+$0xFFFFFFF0];
	v14 =	vadd.f32 v17, v16;
	v15 =	vmul.f32 v15, v22  }
0x20a: {  	v17 =	vmul.f32 v9, v6;
	v16 =	vld [tilespmem:s14+$0xFFFFFFF0]  }
0x20b: {  	v12 =	vadd.f32 v10, v12;
	v6 =	vld [tilespmem:s13+$0xFFFFFFE0];
	v14 =	vadd.f32 v15, v14;
	v13 =	vmul.f32 v13, v20  }
0x20c: {  	v20 =	vmul.f32 v7, v5;
	v9 =	vld [tilespmem:s14+$0xFFFFFFE0]  }
0x20d: {  	v15 =	vadd.f32 v17, v12;
	v10 =	vld [tilespmem:s13+$0xFFFFFFD0];
	v13 =	vadd.f32 v13, v14;
	v14 =	vmul.f32 v11, v18  }
0x20e: {  	v11 =	vld [tilespmem:s14+$0xFFFFFFD0];
	v5 =	vmov v19  }
0x20f: {  	v17 =	vadd.f32 v20, v15;
	v12 =	vld [tilespmem:s13+$0xFFFFFFC0];
	v18 =	vadd.f32 v14, v13;
	v7 =	vmov v16  }
0x210: {  	v13 =	vld [tilespmem:s14+$0xFFFFFFC0]  }
0x211: {  	v19 =	vperm.xlane v17, v3;
	v14 =	vld [tilespmem:s13+$0xFFFFFFB0];
	v20 =	vperm.xlane v18, v3  }
0x212: {  	v15 =	vld [tilespmem:s14+$0xFFFFFFB0]  }
0x213: {  	v17 =	vadd.f32 v19, v17;
	v16 =	vld [tilespmem:s13+$0xFFFFFFA0];
	v20 =	vadd.f32 v20, v18  }
0x214: {  	v18 =	vld [tilespmem:s14+$0xFFFFFFA0]  }
0x215: {  	v19 =	vld [tilespmem:s13+$0xFFFFFF80];
	v17 =	vsel vm0, v17, v20  }
0x216: {  	v20 =	vld [tilespmem:s14+$0xFFFFFF80];
	v22 =	vperm.xlane v17, v0  }
0x217: {  	v21 =	vld [tilespmem:s13+$0xFFFFFF90]  }
.Ltmp4:
0x218: {  	v23 =	vld [tilespmem:s14+$0xFFFFFF90];
	v17 =	vadd.f32 v17, v22;
	(pc) =	sbr.rel @p0 .LBB2_11-.Ltmp4, $4  }
0x219: {  	v22 =	vld [tilespmem:s13+$0x0]  }
0x21a: {  	v24 =	vld [tilespmem:s14+$0x0];
	v27 =	vperm.xlane v17, v1  }
0x21b: {  	v25 =	vld [tilespmem:s13+$0x10]  }
0x21c: {  	s17 =	sadd.s32 $0x1, s17;
	v26 =	vld [tilespmem:s14+$0x10];
	v17 =	vadd.f32 v17, v27  }
0x21d: {  	v27 =	vld [tilespmem:s13+$0x20]  }
0x21e: {  	v28 =	vld [tilespmem:s14+$0x20]  }
0x21f: {  	v29 =	vld [tilespmem:s13+$0x30]  }
0x220: {  	v19 =	vmul.f32 v20, v19;
	v41 =	vmul.f32 v23, v21;
	v42 =	vld [tilespmem:s14+$0x30]  }
0x221: {  	v44 =	vld [tilespmem:s13+$0x40];
	v22 =	vmul.f32 v24, v22;
	v43 =	vmul.f32 v26, v25  }
0x222: {  	v16 =	vmul.f32 v18, v16;
	v45 =	vld [tilespmem:s14+$0x40]  }
0x223: {  	v48 =	vld [tilespmem:s13+$0x50];
	v19 =	vadd.f32 v41, v19;
	v47 =	vmul.f32 v28, v27;
	v46 =	vadd.f32 v43, v22  }
0x224: {  	v14 =	vmul.f32 v15, v14;
	v49 =	vld [tilespmem:s14+$0x50]  }
0x225: {  	v52 =	vld [tilespmem:s13+$0x60];
	v16 =	vadd.f32 v16, v19;
	v51 =	vmul.f32 v42, v29;
	v50 =	vadd.f32 v47, v46  }
0x226: {  	v12 =	vmul.f32 v13, v12;
	v53 =	vld [tilespmem:s14+$0x60]  }
0x227: {  	v55 =	vld [tilespmem:s13+$0x70];
	v18 =	vmul.f32 v45, v44;
	v14 =	vadd.f32 v14, v16;
	v54 =	vadd.f32 v51, v50  }
0x228: {  	v10 =	vmul.f32 v11, v10;
	v56 =	vld [tilespmem:s14+$0x70]  }
0x229: {  	v15 =	vmul.f32 v49, v48;
	v12 =	vadd.f32 v12, v14;
	v57 =	vadd.f32 v18, v54  }
0x22a: {  	v6 =	vmul.f32 v9, v6  }
0x22b: {  	v60 =	vmul.f32 v53, v52;
	v58 =	vadd.f32 v10, v12;
	v59 =	vadd.f32 v15, v57  }
0x22c: {  	v5 =	vmul.f32 v7, v5  }
0x22d: {  	v61 =	vmul.f32 v56, v55;
	v6 =	vadd.f32 v6, v58;
	v7 =	vadd.f32 v60, v59;
	_ =	sdelay $0x1  }
0x22e: {  	v5 =	vadd.f32 v5, v6;
	v6 =	vadd.f32 v61, v7;
	_ =	sdelay $0x1  }
0x22f: {  	v7 =	vperm.xlane v5, v3;
	v9 =	vperm.xlane v6, v3;
	_ =	sdelay $0x1  }
0x230: {  	v5 =	vadd.f32 v7, v5;
	v6 =	vadd.f32 v9, v6;
	_ =	sdelay $0x1  }
0x231: {  	v5 =	vsel vm0, v5, v6  }
0x232: {  	v6 =	vperm.xlane v5, v0;
	_ =	sdelay $0x1  }
0x233: {  	v5 =	vadd.f32 v5, v6;
	_ =	sdelay $0x1  }
0x234: {  	v6 =	vperm.xlane v5, v1;
	_ =	sdelay $0x1  }
0x235: {  	v5 =	vadd.f32 v5, v6  }
0x236: {  	s17 =	sshll.u32 s10, $0x4;
	s10 =	sadd.s32 $0x1, s10;
	v6 =	vperm.xlane v17, v2  }
0x237: {  	p0 =	sne.s32 s10, $0x8;
	v7 =	vperm.xlane v5, v2  }
.Ltmp5:
0x238: {  	v62 =	vmov s16;
	v6 =	vadd.f32 v17, v6;
	(pc) =	sbr.rel @p0 .LBB2_10-.Ltmp5, $4  }
0x239: {  	v63 =	vmov s15;
	vm1 =	veq.s32 v62, v4;
	v5 =	vadd.f32 v5, v7  }
0x23a: {  	v6 =	vsel vm1, v6, v8;
	vm1 =	veq.s32 v63, v4  }
0x23b: {  	s13 =	sand.u32 $0x3FFFFFF0, s17;
	v5 =	vsel vm1, v5, v6  }
0x23c: {  	s11 =	sadd.s32 $0x800, s11;
	s12 =	sadd.s32 $0x800, s12;
	[tilespmem:s13+$0x10700] =	vst v5  }
0x23d: {  	v5 =	vld [tilespmem:$0x10700]  }
0x23e: {  	v6 =	vld [tilespmem:$0x10300]  }
0x23f: {  	v7 =	vld [tilespmem:$0x10710]  }
0x240: {  	v8 =	vld [tilespmem:$0x10310]  }
0x241: {  	v9 =	vld [tilespmem:$0x10720]  }
0x242: {  	v10 =	vld [tilespmem:$0x10320]  }
0x243: {  	v11 =	vld [tilespmem:$0x10730]  }
0x244: {  	v12 =	vld [tilespmem:$0x10330]  }
0x245: {  	v13 =	vld [tilespmem:$0x10740]  }
0x246: {  	v14 =	vld [tilespmem:$0x10340]  }
0x247: {  	v15 =	vld [tilespmem:$0x10750]  }
0x248: {  	v16 =	vld [tilespmem:$0x10350]  }
0x249: {  	v17 =	vld [tilespmem:$0x10760]  }
0x24a: {  	v62 =	vld [tilespmem:$0x10770];
	v5 =	vadd.f32 v6, v5  }
0x24b: {  	v6 =	vld [tilespmem:$0x10360];
	v7 =	vadd.f32 v8, v7  }
0x24c: {  	v63 =	vld [tilespmem:$0x10370];
	v9 =	vadd.f32 v10, v9;
	v5 =	vmul.f32 $1.442695020e+00, v5  }
0x24d: {  	v11 =	vadd.f32 v12, v11;
	v7 =	vmul.f32 $1.442695020e+00, v7  }
0x24e: {  	v9 =	vmul.f32 $1.442695020e+00, v9;
	(erf) = vpow2.f32 v5;
	v5 =	vadd.f32 v14, v13  }
0x24f: {  	v11 =	vmul.f32 $1.442695020e+00, v11;
	(erf) = vpow2.f32 v7;
	v7 =	vadd.f32 v16, v15  }
0x250: {  	v6 =	vadd.f32 v6, v17;
	(erf) = vpow2.f32 v9;
	v5 =	vmul.f32 $1.442695020e+00, v5  }
0x251: {  	v8 =	vadd.f32 v63, v62;
	(erf) = vpow2.f32 v11;
	v7 =	vmul.f32 $1.442695020e+00, v7  }
0x252: {  	(erf) = vpow2.f32 v5;
	v5 =	vmul.f32 $1.442695020e+00, v6  }
0x253: {  	v6 =	vmul.f32 $1.442695020e+00, v8;
	(erf) = vpow2.f32 v7  }
0x254: {  	(erf) = vpow2.f32 v5  }
0x255: {  	(erf) = vpow2.f32 v6;
	_ =	sdelay $0x1  }
0x256: {  	v5 =	vpop (erf)  }
0x257: {  	v6 =	vpop (erf);
	[tilespmem:$0x10900] =	vst v5  }
0x258: {  	v5 =	vpop (erf);
	[tilespmem:$0x10910] =	vst v6  }
0x259: {  	v6 =	vpop (erf);
	[tilespmem:$0x10920] =	vst v5  }
0x25a: {  	v5 =	vpop (erf);
	[tilespmem:$0x10930] =	vst v6  }
0x25b: {  	v6 =	vpop (erf);
	[tilespmem:$0x10940] =	vst v5  }
0x25c: {  	v5 =	vpop (erf);
	[tilespmem:$0x10950] =	vst v6  }
0x25d: {  	[tilespmem:$0x10960] =	vst v5;
	v5 =	vpop (erf)  }
0x25e: {  	s10 =	simm.s32 $0x0;
	s11 =	simm.s32 $0x10900;
	[tilespmem:$0x10970] =	vst v5  }
0x25f: {  	[hbm4b:s18+s10] =	stream.linear.scatter [tilespmem:s11], [sflag:$0x4], $0x80, $0x38;
	[tilespmem:$0x10A00] =	vst v63  }
0x260: {  	_ = 	snop  }
0x261: {  	[hbm4b:s19+s10] =	stream.linear.scatter [tilespmem:s28], [sflag:$0x4], $0x80, $0x38;
	[tilespmem:$0x10A00] =	vst v63  }
0x262: {  	_ =	swait.ge [sflag:s6], $0x4000  }
0x263: {  	[sflag:s6] =	ssyncset.done $0x0  }
0x264: {  	[sflag:s6] =	ssyncadd.s32 $0xFFFFC000  }
0x265: {  	_ =	swait.ge [sflag:s6], $0x4000  }
0x266: {  	[sflag:s6] =	ssyncset.done $0x0  }
0x267: {  	[sflag:s6] =	ssyncadd.s32 $0xFFFFC000  }
0x268: {  	_ =	swait.ge [sflag:s6], $0x80  }
0x269: {  	[sflag:s6] =	ssyncset.done $0x0  }
0x26a: {  	[sflag:s6] =	ssyncadd.s32 $0xFFFFFF80  }
0x26b: {  	_ =	swait.ge [sflag:s6], $0x80  }
0x26c: {  	s12 =	simm.s32 $0x200;
	[sflag:s6] =	ssyncset.done $0x0  }
0x26d: {  	s13 =	simm.s32 $0x0;
	s11 =	simm.s32 $0x8200;
	[sflag:s6] =	ssyncadd.s32 $0xFFFFFF80  }
.LBB2_14:
0x26e: {  	v6 =	vmov s12  }
0x26f: {  	v5 =	vmov s11;
	_ =	sdelay $0x2  }
0x270: {  	s14 =	simm.s32 $0x0  }
0x271: {  	v7 =	vld.idx.msk [tilespmem:v6+s14+$0x4070 ss:$0x1], $0xffff  }
0x272: {  	v8 =	vld.idx.msk [tilespmem:v5+s14+$0x4070 ss:$0x1], $0xffff  }
0x273: {  	v9 =	vld.idx.msk [tilespmem:v6+s14+$0x4060 ss:$0x1], $0xffff  }
0x274: {  	v10 =	vld.idx.msk [tilespmem:v5+s14+$0x4060 ss:$0x1], $0xffff  }
0x275: {  	v11 =	vld.idx.msk [tilespmem:v6+s14+$0x4050 ss:$0x1], $0xffff  }
0x276: {  	v12 =	vld.idx.msk [tilespmem:v5+s14+$0x4050 ss:$0x1], $0xffff  }
0x277: {  	v13 =	vld.idx.msk [tilespmem:v6+s14+$0x4040 ss:$0x1], $0xffff  }
0x278: {  	v14 =	vld.idx.msk [tilespmem:v5+s14+$0x4040 ss:$0x1], $0xffff  }
0x279: {  	v15 =	vld.idx.msk [tilespmem:v6+s14+$0x4030 ss:$0x1], $0xffff  }
0x27a: {  	v16 =	vld.idx.msk [tilespmem:v5+s14+$0x4030 ss:$0x1], $0xffff  }
0x27b: {  	v17 =	vld.idx.msk [tilespmem:v6+s14+$0x4020 ss:$0x1], $0xffff  }
0x27c: {  	v18 =	vld.idx.msk [tilespmem:v5+s14+$0x4020 ss:$0x1], $0xffff  }
0x27d: {  	v19 =	vld.idx.msk [tilespmem:v6+s14+$0x4000 ss:$0x1], $0xffff  }
0x27e: {  	v20 =	vld.idx.msk [tilespmem:v5+s14+$0x4000 ss:$0x1], $0xffff  }
0x27f: {  	v21 =	vld.idx.msk [tilespmem:v6+s14+$0x4010 ss:$0x1], $0xffff  }
0x280: {  	v22 =	vld.idx.msk [tilespmem:v5+s14+$0x4010 ss:$0x1], $0xffff  }
0x281: {  	v23 =	vld.idx.msk [tilespmem:v6+s14+$0x4080 ss:$0x1], $0xffff  }
0x282: {  	v24 =	vld.idx.msk [tilespmem:v5+s14+$0x4080 ss:$0x1], $0xffff  }
0x283: {  	v25 =	vld.idx.msk [tilespmem:v6+s14+$0x4090 ss:$0x1], $0xffff  }
0x284: {  	v26 =	vld.idx.msk [tilespmem:v5+s14+$0x4090 ss:$0x1], $0xffff  }
0x285: {  	v27 =	vld.idx.msk [tilespmem:v6+s14+$0x40A0 ss:$0x1], $0xffff  }
0x286: {  	v28 =	vld.idx.msk [tilespmem:v5+s14+$0x40A0 ss:$0x1], $0xffff  }
0x287: {  	v29 =	vld.idx.msk [tilespmem:v6+s14+$0x40B0 ss:$0x1], $0xffff  }
0x288: {  	v30 =	vld.idx.msk [tilespmem:v5+s14+$0x40B0 ss:$0x1], $0xffff  }
0x289: {  	v31 =	vld.idx.msk [tilespmem:v6+s14+$0x40C0 ss:$0x1], $0xffff  }
0x28a: {  	v32 =	vld.idx.msk [tilespmem:v5+s14+$0x40C0 ss:$0x1], $0xffff  }
0x28b: {  	v33 =	vld.idx.msk [tilespmem:v6+s14+$0x40D0 ss:$0x1], $0xffff  }
0x28c: {  	v34 =	vld.idx.msk [tilespmem:v5+s14+$0x40D0 ss:$0x1], $0xffff  }
0x28d: {  	v35 =	vld.idx.msk [tilespmem:v6+s14+$0x40E0 ss:$0x1], $0xffff  }
0x28e: {  	v36 =	vld.idx.msk [tilespmem:v5+s14+$0x40E0 ss:$0x1], $0xffff  }
0x28f: {  	v37 =	vld.idx.msk [tilespmem:v6+s14+$0x40F0 ss:$0x1], $0xffff  }
0x290: {  	s15 =	simm.s32 $0x100;
	v38 =	vld.idx.msk [tilespmem:v5+s14+$0x40F0 ss:$0x1], $0xffff  }
0x291: {  	v39 =	vld.idx.msk [tilespmem:v6+s15+$0x4070 ss:$0x1], $0xffff  }
0x292: {  	v40 =	vld.idx.msk [tilespmem:v5+s15+$0x4070 ss:$0x1], $0xffff  }
0x293: {  	v41 =	vld.idx.msk [tilespmem:v6+s15+$0x4060 ss:$0x1], $0xffff  }
0x294: {  	v42 =	vld.idx.msk [tilespmem:v5+s15+$0x4060 ss:$0x1], $0xffff  }
0x295: {  	v43 =	vld.idx.msk [tilespmem:v6+s15+$0x4050 ss:$0x1], $0xffff  }
0x296: {  	v44 =	vld.idx.msk [tilespmem:v5+s15+$0x4050 ss:$0x1], $0xffff  }
0x297: {  	v45 =	vld.idx.msk [tilespmem:v6+s15+$0x4040 ss:$0x1], $0xffff  }
0x298: {  	v46 =	vld.idx.msk [tilespmem:v5+s15+$0x4040 ss:$0x1], $0xffff  }
0x299: {  	v47 =	vld.idx.msk [tilespmem:v6+s15+$0x4030 ss:$0x1], $0xffff  }
0x29a: {  	v48 =	vld.idx.msk [tilespmem:v5+s15+$0x4030 ss:$0x1], $0xffff  }
0x29b: {  	v49 =	vld.idx.msk [tilespmem:v6+s15+$0x4020 ss:$0x1], $0xffff  }
0x29c: {  	v50 =	vld.idx.msk [tilespmem:v5+s15+$0x4020 ss:$0x1], $0xffff  }
0x29d: {  	v51 =	vld.idx.msk [tilespmem:v6+s15+$0x4000 ss:$0x1], $0xffff  }
0x29e: {  	v19 =	vmul.f32 v20, v19;
	v20 =	vmul.f32 v22, v21;
	v21 =	vld.idx.msk [tilespmem:v5+s15+$0x4000 ss:$0x1], $0xffff  }
0x29f: {  	v22 =	vmul.f32 v24, v23;
	v23 =	vmul.f32 v26, v25;
	v24 =	vld.idx.msk [tilespmem:v6+s15+$0x4010 ss:$0x1], $0xffff  }
0x2a0: {  	v17 =	vmul.f32 v18, v17;
	v9 =	vmul.f32 v10, v9;
	v10 =	vld.idx.msk [tilespmem:v6+s15+$0x40B0 ss:$0x1], $0xffff  }
0x2a1: {  	v18 =	vadd.f32 v20, v19;
	v19 =	vld.idx.msk [tilespmem:v5+s15+$0x4010 ss:$0x1], $0xffff;
	v20 =	vadd.f32 v23, v22;
	v22 =	vmul.f32 v28, v27  }
0x2a2: {  	v15 =	vmul.f32 v16, v15;
	v23 =	vld.idx.msk [tilespmem:v6+s15+$0x4080 ss:$0x1], $0xffff  }
0x2a3: {  	v16 =	vadd.f32 v17, v18;
	v17 =	vld.idx.msk [tilespmem:v5+s15+$0x4080 ss:$0x1], $0xffff;
	v18 =	vadd.f32 v22, v20;
	v20 =	vmul.f32 v30, v29  }
0x2a4: {  	v13 =	vmul.f32 v14, v13;
	v22 =	vld.idx.msk [tilespmem:v6+s15+$0x4090 ss:$0x1], $0xffff  }
0x2a5: {  	v14 =	vadd.f32 v15, v16;
	v15 =	vld.idx.msk [tilespmem:v5+s15+$0x4090 ss:$0x1], $0xffff;
	v16 =	vadd.f32 v20, v18;
	v18 =	vmul.f32 v32, v31  }
0x2a6: {  	v11 =	vmul.f32 v12, v11;
	v7 =	vmul.f32 v8, v7;
	v20 =	vld.idx.msk [tilespmem:v6+s15+$0x40A0 ss:$0x1], $0xffff  }
0x2a7: {  	v12 =	vadd.f32 v13, v14;
	v13 =	vld.idx.msk [tilespmem:v5+s15+$0x40A0 ss:$0x1], $0xffff;
	v14 =	vadd.f32 v18, v16;
	v16 =	vmul.f32 v34, v33  }
0x2a8: {  	s14 =	simm.s32 $0x200;
	v8 =	vld.idx.msk [tilespmem:v5+s15+$0x40B0 ss:$0x1], $0xffff;
	v18 =	vmul.f32 v19, v24;
	v17 =	vmul.f32 v17, v23  }
0x2a9: {  	v26 =	vld.idx.msk [tilespmem:v5+s14+$0x4010 ss:$0x1], $0xffff;
	v11 =	vadd.f32 v11, v12;
	v12 =	vmul.f32 v36, v35;
	v14 =	vadd.f32 v16, v14  }
0x2aa: {  	v28 =	vmov s10;
	v19 =	vld.idx.msk [tilespmem:v6+s15+$0x40C0 ss:$0x1], $0xffff;
	v16 =	vmul.f32 v21, v51;
	v15 =	vmul.f32 v15, v22  }
0x2ab: {  	v21 =	vld.idx.msk [tilespmem:v5+s15+$0x40C0 ss:$0x1], $0xffff;
	v9 =	vadd.f32 v9, v11;
	v11 =	vadd.f32 v12, v14;
	v12 =	vmul.f32 v50, v49  }
0x2ac: {  	v14 =	vld.idx.msk [tilespmem:v6+s15+$0x40D0 ss:$0x1], $0xffff;
	v16 =	vadd.f32 v18, v16;
	v15 =	vadd.f32 v15, v17;
	v13 =	vmul.f32 v13, v20  }
0x2ad: {  	v8 =	vmul.f32 v8, v10;
	v18 =	vmul.f32 v38, v37;
	v17 =	vld.idx.msk [tilespmem:v5+s15+$0x40D0 ss:$0x1], $0xffff;
	v20 =	vadd.f32 v7, v9  }
0x2ae: {  	v22 =	vld.idx.msk [tilespmem:v6+s15+$0x40E0 ss:$0x1], $0xffff;
	v7 =	vmul.f32 v48, v47;
	v9 =	vadd.f32 v12, v16;
	v12 =	vadd.f32 v13, v15  }
0x2af: {  	v23 =	vmul.f32 v44, v43;
	v10 =	vadd.f32 v18, v11;
	v13 =	vld.idx.msk [tilespmem:v5+s15+$0x40E0 ss:$0x1], $0xffff;
	v15 =	vmul.f32 v46, v45  }
0x2b0: {  	v16 =	vld.idx.msk [tilespmem:v6+s15+$0x40F0 ss:$0x1], $0xffff;
	v18 =	vadd.f32 v7, v9;
	v8 =	vadd.f32 v8, v12;
	v12 =	vmul.f32 v21, v19  }
0x2b1: {  	vm1 =	veq.s32 v28, v4;
	v11 =	vperm.xlane v20, v3;
	v19 =	vld.idx.msk [tilespmem:v5+s15+$0x40F0 ss:$0x1], $0xffff;
	v21 =	vperm.xlane v10, v3  }
0x2b2: {  	v25 =	vld.idx.msk [tilespmem:v6+s14+$0x4080 ss:$0x1], $0xffff;
	v15 =	vadd.f32 v15, v18;
	v14 =	vmul.f32 v17, v14;
	v12 =	vadd.f32 v12, v8  }
0x2b3: {  	v28 =	vld.idx.msk [tilespmem:v6+s14+$0x4090 ss:$0x1], $0xffff;
	v11 =	vadd.f32 v11, v20;
	v18 =	vmul.f32 v42, v41;
	v17 =	vadd.f32 v21, v10  }
0x2b4: {  	v7 =	vld.idx.msk [tilespmem:v6+s14+$0x4070 ss:$0x1], $0xffff;
	v15 =	vadd.f32 v23, v15;
	v20 =	vmul.f32 v13, v22;
	v14 =	vadd.f32 v14, v12  }
0x2b5: {  	v9 =	vld.idx.msk [tilespmem:v5+s14+$0x4070 ss:$0x1], $0xffff;
	v11 =	vsel vm0, v11, v17;
	v17 =	vmul.f32 v40, v39  }
0x2b6: {  	v8 =	vld.idx.msk [tilespmem:v6+s14+$0x4060 ss:$0x1], $0xffff;
	v18 =	vadd.f32 v18, v15;
	v16 =	vmul.f32 v19, v16;
	v20 =	vadd.f32 v20, v14  }
0x2b7: {  	v10 =	vld.idx.msk [tilespmem:v5+s14+$0x4060 ss:$0x1], $0xffff;
	v19 =	vperm.xlane v11, v0  }
0x2b8: {  	v13 =	vld.idx.msk [tilespmem:v5+s14+$0x4050 ss:$0x1], $0xffff;
	v21 =	vadd.f32 v17, v18;
	v20 =	vadd.f32 v16, v20  }
0x2b9: {  	v12 =	vld.idx.msk [tilespmem:v6+s14+$0x4050 ss:$0x1], $0xffff;
	v11 =	vadd.f32 v11, v19  }
0x2ba: {  	v15 =	vld.idx.msk [tilespmem:v5+s14+$0x4040 ss:$0x1], $0xffff;
	v22 =	vperm.xlane v21, v3;
	v23 =	vperm.xlane v20, v3  }
0x2bb: {  	v14 =	vld.idx.msk [tilespmem:v6+s14+$0x4040 ss:$0x1], $0xffff;
	v24 =	vperm.xlane v11, v1  }
0x2bc: {  	v17 =	vld.idx.msk [tilespmem:v5+s14+$0x4030 ss:$0x1], $0xffff;
	v21 =	vadd.f32 v22, v21;
	v20 =	vadd.f32 v23, v20  }
0x2bd: {  	v18 =	vld.idx.msk [tilespmem:v6+s14+$0x4020 ss:$0x1], $0xffff;
	v11 =	vadd.f32 v11, v24  }
0x2be: {  	v19 =	vld.idx.msk [tilespmem:v5+s14+$0x4020 ss:$0x1], $0xffff;
	v20 =	vsel vm0, v21, v20  }
0x2bf: {  	v16 =	vld.idx.msk [tilespmem:v6+s14+$0x4030 ss:$0x1], $0xffff;
	v21 =	vperm.xlane v11, v2;
	v27 =	vperm.xlane v20, v0  }
0x2c0: {  	v22 =	vld.idx.msk [tilespmem:v6+s14+$0x4000 ss:$0x1], $0xffff  }
0x2c1: {  	v24 =	vld.idx.msk [tilespmem:v6+s14+$0x4010 ss:$0x1], $0xffff;
	v11 =	vadd.f32 v11, v21;
	v20 =	vadd.f32 v20, v27  }
0x2c2: {  	v23 =	vld.idx.msk [tilespmem:v5+s14+$0x4000 ss:$0x1], $0xffff;
	v21 =	vimm.f32 $0.0e+00  }
0x2c3: {  	s16 =	simm.s32 $0xC00;
	s15 =	simm.s32 $0x0;
	v27 =	vld.idx.msk [tilespmem:v5+s14+$0x4080 ss:$0x1], $0xffff;
	v11 =	vsel vm1, v11, v21;
	v21 =	vperm.xlane v20, v1  }
.LBB2_15:
0x2c4: {  	p0 =	sne.s32 s16, $0x1C00;
	v29 =	vld.idx.msk [tilespmem:v5+s14+$0x4090 ss:$0x1], $0xffff  }
0x2c5: {  	v30 =	vld.idx.msk [tilespmem:v6+s14+$0x40A0 ss:$0x1], $0xffff;
	v20 =	vadd.f32 v20, v21  }
0x2c6: {  	v21 =	vld.idx.msk [tilespmem:v5+s14+$0x40A0 ss:$0x1], $0xffff  }
0x2c7: {  	s15 =	sadd.s32 $0x1, s15;
	v31 =	vld.idx.msk [tilespmem:v6+s14+$0x40B0 ss:$0x1], $0xffff;
	v32 =	vperm.xlane v20, v2  }
0x2c8: {  	v34 =	vmov s15;
	v33 =	vld.idx.msk [tilespmem:v5+s14+$0x40B0 ss:$0x1], $0xffff  }
0x2c9: {  	v22 =	vmul.f32 v23, v22;
	v23 =	vmul.f32 v26, v24;
	v24 =	vld.idx.msk [tilespmem:v6+s14+$0x40C0 ss:$0x1], $0xffff;
	v20 =	vadd.f32 v20, v32  }
0x2ca: {  	vm1 =	veq.s32 v34, v4;
	v25 =	vmul.f32 v27, v25;
	v26 =	vmul.f32 v29, v28;
	v27 =	vld.idx.msk [tilespmem:v5+s14+$0x40C0 ss:$0x1], $0xffff  }
0x2cb: {  	v18 =	vmul.f32 v19, v18;
	v19 =	vld.idx.msk [tilespmem:v6+s14+$0x40D0 ss:$0x1], $0xffff;
	v11 =	vsel vm1, v20, v11  }
0x2cc: {  	v20 =	vadd.f32 v23, v22;
	v22 =	vadd.f32 v26, v25;
	v21 =	vmul.f32 v21, v30;
	v23 =	vld.idx.msk [tilespmem:v5+s14+$0x40D0 ss:$0x1], $0xffff  }
0x2cd: {  	v16 =	vmul.f32 v17, v16;
	v17 =	vld.idx.msk [tilespmem:v6+s14+$0x40E0 ss:$0x1], $0xffff  }
0x2ce: {  	v18 =	vadd.f32 v18, v20;
	v20 =	vadd.f32 v21, v22;
	v21 =	vmul.f32 v33, v31;
	v22 =	vld.idx.msk [tilespmem:v5+s14+$0x40E0 ss:$0x1], $0xffff  }
0x2cf: {  	v14 =	vmul.f32 v15, v14;
	v15 =	vld.idx.msk [tilespmem:v6+s14+$0x40F0 ss:$0x1], $0xffff  }
0x2d0: {  	v16 =	vadd.f32 v16, v18;
	v18 =	vadd.f32 v21, v20;
	v20 =	vmul.f32 v27, v24;
	v21 =	vld.idx.msk [tilespmem:v5+s14+$0x40F0 ss:$0x1], $0xffff;
	s14 =	sshra.s32 s16, $0x2  }
0x2d1: {  	v12 =	vmul.f32 v13, v12;
	v24 =	vld.idx.msk [tilespmem:v6+s14+$0x4070 ss:$0x1], $0xffff  }
0x2d2: {  	v13 =	vadd.f32 v14, v16;
	v14 =	vadd.f32 v20, v18;
	v16 =	vmul.f32 v23, v19;
	v25 =	vld.idx.msk [tilespmem:v5+s14+$0x4070 ss:$0x1], $0xffff  }
0x2d3: {  	v18 =	vmul.f32 v10, v8;
	v8 =	vld.idx.msk [tilespmem:v6+s14+$0x4060 ss:$0x1], $0xffff  }
0x2d4: {  	v19 =	vadd.f32 v12, v13;
	v14 =	vadd.f32 v16, v14;
	v16 =	vmul.f32 v22, v17;
	v10 =	vld.idx.msk [tilespmem:v5+s14+$0x4060 ss:$0x1], $0xffff  }
0x2d5: {  	v22 =	vmul.f32 v9, v7;
	v12 =	vld.idx.msk [tilespmem:v6+s14+$0x4050 ss:$0x1], $0xffff  }
0x2d6: {  	v17 =	vadd.f32 v18, v19;
	v16 =	vadd.f32 v16, v14;
	v18 =	vmul.f32 v21, v15;
	v13 =	vld.idx.msk [tilespmem:v5+s14+$0x4050 ss:$0x1], $0xffff  }
0x2d7: {  	v7 =	vmov v24;
	v14 =	vld.idx.msk [tilespmem:v6+s14+$0x4040 ss:$0x1], $0xffff  }
0x2d8: {  	v20 =	vadd.f32 v22, v17;
	v21 =	vadd.f32 v18, v16;
	v9 =	vmov v25;
	v15 =	vld.idx.msk [tilespmem:v5+s14+$0x4040 ss:$0x1], $0xffff  }
0x2d9: {  	v16 =	vld.idx.msk [tilespmem:v6+s14+$0x4030 ss:$0x1], $0xffff  }
0x2da: {  	v22 =	vperm.xlane v20, v3;
	v23 =	vperm.xlane v21, v3;
	v17 =	vld.idx.msk [tilespmem:v5+s14+$0x4030 ss:$0x1], $0xffff  }
0x2db: {  	v18 =	vld.idx.msk [tilespmem:v6+s14+$0x4020 ss:$0x1], $0xffff  }
0x2dc: {  	v20 =	vadd.f32 v22, v20;
	v21 =	vadd.f32 v23, v21;
	v19 =	vld.idx.msk [tilespmem:v5+s14+$0x4020 ss:$0x1], $0xffff  }
0x2dd: {  	v22 =	vld.idx.msk [tilespmem:v6+s14+$0x4000 ss:$0x1], $0xffff  }
0x2de: {  	v20 =	vsel vm0, v20, v21;
	v23 =	vld.idx.msk [tilespmem:v5+s14+$0x4000 ss:$0x1], $0xffff  }
.Ltmp6:
0x2df: {  	v21 =	vperm.xlane v20, v0;
	v24 =	vld.idx.msk [tilespmem:v6+s14+$0x4010 ss:$0x1], $0xffff;
	(pc) =	sbr.rel @p0 .LBB2_15-.Ltmp6, $4  }
0x2e0: {  	v26 =	vld.idx.msk [tilespmem:v5+s14+$0x4010 ss:$0x1], $0xffff  }
0x2e1: {  	v20 =	vadd.f32 v20, v21;
	v25 =	vld.idx.msk [tilespmem:v6+s14+$0x4080 ss:$0x1], $0xffff  }
0x2e2: {  	v27 =	vld.idx.msk [tilespmem:v5+s14+$0x4080 ss:$0x1], $0xffff  }
0x2e3: {  	s16 =	sadd.s32 $0x400, s16;
	v21 =	vperm.xlane v20, v1;
	v28 =	vld.idx.msk [tilespmem:v6+s14+$0x4090 ss:$0x1], $0xffff  }
0x2e4: {  	_ =	sdelay $0x3  }
0x2e5: {  	v29 =	vld.idx.msk [tilespmem:v5+s14+$0x4090 ss:$0x1], $0xffff  }
0x2e6: {  	v30 =	vld.idx.msk [tilespmem:v6+s14+$0x40A0 ss:$0x1], $0xffff  }
0x2e7: {  	v31 =	vld.idx.msk [tilespmem:v5+s14+$0x40A0 ss:$0x1], $0xffff  }
0x2e8: {  	v32 =	vld.idx.msk [tilespmem:v6+s14+$0x40B0 ss:$0x1], $0xffff  }
0x2e9: {  	v33 =	vld.idx.msk [tilespmem:v5+s14+$0x40B0 ss:$0x1], $0xffff;
	v22 =	vmul.f32 v23, v22;
	v39 =	vmul.f32 v26, v24  }
0x2ea: {  	v40 =	vld.idx.msk [tilespmem:v6+s14+$0x40C0 ss:$0x1], $0xffff;
	v25 =	vmul.f32 v27, v25;
	v41 =	vmul.f32 v29, v28  }
0x2eb: {  	v42 =	vld.idx.msk [tilespmem:v5+s14+$0x40C0 ss:$0x1], $0xffff;
	v18 =	vmul.f32 v19, v18  }
0x2ec: {  	v43 =	vld.idx.msk [tilespmem:v6+s14+$0x40D0 ss:$0x1], $0xffff;
	v22 =	vadd.f32 v39, v22;
	v45 =	vmul.f32 v31, v30;
	v44 =	vadd.f32 v41, v25  }
0x2ed: {  	v46 =	vld.idx.msk [tilespmem:v5+s14+$0x40D0 ss:$0x1], $0xffff;
	v16 =	vmul.f32 v17, v16  }
0x2ee: {  	v47 =	vld.idx.msk [tilespmem:v6+s14+$0x40E0 ss:$0x1], $0xffff;
	v18 =	vadd.f32 v18, v22;
	v49 =	vmul.f32 v33, v32;
	v48 =	vadd.f32 v45, v44  }
0x2ef: {  	v50 =	vld.idx.msk [tilespmem:v5+s14+$0x40E0 ss:$0x1], $0xffff;
	v14 =	vmul.f32 v15, v14  }
0x2f0: {  	v6 =	vld.idx.msk [tilespmem:v6+s14+$0x40F0 ss:$0x1], $0xffff;
	v53 =	vmul.f32 v42, v40;
	v51 =	vadd.f32 v16, v18;
	v52 =	vadd.f32 v49, v48  }
0x2f1: {  	v5 =	vld.idx.msk [tilespmem:v5+s14+$0x40F0 ss:$0x1], $0xffff;
	v12 =	vmul.f32 v13, v12  }
0x2f2: {  	v56 =	vmul.f32 v46, v43;
	v54 =	vadd.f32 v14, v51;
	v55 =	vadd.f32 v53, v52  }
0x2f3: {  	v8 =	vmul.f32 v10, v8  }
0x2f4: {  	v59 =	vmul.f32 v50, v47;
	v57 =	vadd.f32 v12, v54;
	v58 =	vadd.f32 v56, v55  }
0x2f5: {  	v7 =	vmul.f32 v9, v7  }
0x2f6: {  	v5 =	vmul.f32 v5, v6;
	v8 =	vadd.f32 v8, v57;
	v60 =	vadd.f32 v59, v58;
	_ =	sdelay $0x1  }
0x2f7: {  	v6 =	vadd.f32 v7, v8;
	v5 =	vadd.f32 v5, v60;
	_ =	sdelay $0x1  }
0x2f8: {  	v7 =	vperm.xlane v6, v3;
	v61 =	vperm.xlane v5, v3;
	_ =	sdelay $0x1  }
0x2f9: {  	v6 =	vadd.f32 v7, v6;
	v5 =	vadd.f32 v61, v5;
	_ =	sdelay $0x1  }
0x2fa: {  	v5 =	vsel vm0, v6, v5  }
0x2fb: {  	v6 =	vperm.xlane v5, v0;
	_ =	sdelay $0x1  }
0x2fc: {  	v5 =	vadd.f32 v5, v6;
	_ =	sdelay $0x1  }
0x2fd: {  	v6 =	vperm.xlane v5, v1  }
0x2fe: {  	v7 =	vadd.f32 v20, v21  }
0x2ff: {  	v5 =	vadd.f32 v5, v6  }
0x300: {  	s17 =	sshll.u32 s13, $0x4;
	s13 =	sadd.s32 $0x1, s13;
	v6 =	vperm.xlane v7, v2  }
0x301: {  	s16 =	sadd.s32 $0x1, s15;
	p0 =	sne.s32 s13, $0x8;
	v62 =	vperm.xlane v5, v2  }
.Ltmp7:
0x302: {  	v63 =	vmov s16;
	s14 =	sadd.s32 $0x1, s16;
	v6 =	vadd.f32 v7, v6;
	(pc) =	sbr.rel @p0 .LBB2_14-.Ltmp7, $4  }
0x303: {  	vm1 =	veq.s32 v63, v4;
	v7 =	vmov s14;
	v5 =	vadd.f32 v5, v62  }
0x304: {  	v6 =	vsel vm1, v6, v11;
	vm1 =	veq.s32 v7, v4  }
0x305: {  	s14 =	sand.u32 $0x3FFFFFF0, s17;
	v5 =	vsel vm1, v5, v6  }
0x306: {  	s11 =	sadd.s32 $0x800, s11;
	s12 =	sadd.s32 $0x800, s12;
	[tilespmem:s14+$0x10780] =	vst v5  }
0x307: {  	v5 =	vld [tilespmem:$0x10780]  }
0x308: {  	v6 =	vld [tilespmem:$0x10380]  }
0x309: {  	v7 =	vld [tilespmem:$0x10790]  }
0x30a: {  	v8 =	vld [tilespmem:$0x10390]  }
0x30b: {  	v9 =	vld [tilespmem:$0x107A0]  }
0x30c: {  	v10 =	vld [tilespmem:$0x103A0]  }
0x30d: {  	v11 =	vld [tilespmem:$0x107B0]  }
0x30e: {  	v12 =	vld [tilespmem:$0x103B0]  }
0x30f: {  	v13 =	vld [tilespmem:$0x107C0]  }
0x310: {  	v14 =	vld [tilespmem:$0x103C0]  }
0x311: {  	v15 =	vld [tilespmem:$0x107D0]  }
0x312: {  	v16 =	vld [tilespmem:$0x103D0]  }
0x313: {  	v17 =	vld [tilespmem:$0x107E0]  }
0x314: {  	v62 =	vld [tilespmem:$0x107F0];
	v5 =	vadd.f32 v6, v5  }
0x315: {  	v6 =	vld [tilespmem:$0x103E0];
	v7 =	vadd.f32 v8, v7  }
0x316: {  	v63 =	vld [tilespmem:$0x103F0];
	v9 =	vadd.f32 v10, v9;
	v5 =	vmul.f32 $1.442695020e+00, v5  }
0x317: {  	v11 =	vadd.f32 v12, v11;
	v7 =	vmul.f32 $1.442695020e+00, v7  }
0x318: {  	v9 =	vmul.f32 $1.442695020e+00, v9;
	(erf) = vpow2.f32 v5;
	v5 =	vadd.f32 v14, v13  }
0x319: {  	v11 =	vmul.f32 $1.442695020e+00, v11;
	(erf) = vpow2.f32 v7;
	v7 =	vadd.f32 v16, v15  }
0x31a: {  	v6 =	vadd.f32 v6, v17;
	(erf) = vpow2.f32 v9;
	v5 =	vmul.f32 $1.442695020e+00, v5  }
0x31b: {  	v8 =	vadd.f32 v63, v62;
	(erf) = vpow2.f32 v11;
	v7 =	vmul.f32 $1.442695020e+00, v7  }
0x31c: {  	(erf) = vpow2.f32 v5;
	v5 =	vmul.f32 $1.442695020e+00, v6  }
0x31d: {  	v6 =	vmul.f32 $1.442695020e+00, v8;
	(erf) = vpow2.f32 v7  }
0x31e: {  	(erf) = vpow2.f32 v5  }
0x31f: {  	(erf) = vpow2.f32 v6;
	_ =	sdelay $0x1  }
0x320: {  	v5 =	vpop (erf)  }
0x321: {  	v6 =	vpop (erf);
	[tilespmem:$0x10980] =	vst v5  }
0x322: {  	v5 =	vpop (erf);
	[tilespmem:$0x10990] =	vst v6  }
0x323: {  	v6 =	vpop (erf);
	[tilespmem:$0x109A0] =	vst v5  }
0x324: {  	v5 =	vpop (erf);
	[tilespmem:$0x109B0] =	vst v6  }
0x325: {  	v6 =	vpop (erf);
	[tilespmem:$0x109C0] =	vst v5  }
0x326: {  	v5 =	vpop (erf);
	[tilespmem:$0x109D0] =	vst v6  }
0x327: {  	[tilespmem:$0x109E0] =	vst v5;
	v5 =	vpop (erf)  }
0x328: {  	s10 =	simm.s32 $0x10980;
	[tilespmem:$0x109F0] =	vst v5  }
0x329: {  	[hbm4b:s20+s5] =	stream.linear.scatter [tilespmem:s10], [sflag:$0x4], $0x80, $0x38;
	[tilespmem:$0x10A00] =	vst v63  }
0x32a: {  	_ = 	snop  }
0x32b: {  	[hbm4b:s21+s5] =	stream.linear.scatter [tilespmem:s7], [sflag:$0x4], $0x80, $0x38;
	[tilespmem:$0x10A00] =	vst v63  }
0x32c: {  	_ =	swait.ge [sflag:s8], $0x80  }
0x32d: {  	[sflag:s8] =	ssyncset.done $0x0  }
0x32e: {  	[sflag:s8] =	ssyncadd.s32 $0xFFFFFF80  }
0x32f: {  	_ =	swait.ge [sflag:s8], $0x80  }
0x330: {  	[sflag:s8] =	ssyncset.done $0x0  }
0x331: {  	[sflag:s8] =	ssyncadd.s32 $0xFFFFFF80  }
0x332: {  	_ =	swait.ge [sflag:s8], $0x80  }
0x333: {  	[sflag:s8] =	ssyncset.done $0x0  }
0x334: {  	[sflag:s8] =	ssyncadd.s32 $0xFFFFFF80  }
0x335: {  	_ =	swait.ge [sflag:s8], $0x80  }
0x336: {  	[sflag:s8] =	ssyncset.done $0x0  }
0x337: {  	[sflag:s8] =	ssyncadd.s32 $0xFFFFFF80  }
0x338: {  	_ =	swait.ge [sflag:s8], $0x80  }
0x339: {  	[sflag:s8] =	ssyncset.done $0x0  }
0x33a: {  	[sflag:s8] =	ssyncadd.s32 $0xFFFFFF80  }
0x33b: {  	_ =	swait.ge [sflag:s8], $0x80  }
0x33c: {  	[sflag:s8] =	ssyncset.done $0x0  }
0x33d: {  	s9 =	sadd.s32 $0x1, s9;
	[sflag:s8] =	ssyncadd.s32 $0xFFFFFF80  }
0x33e: {  	p0 =	sne.s32 s9, s22;
	_ =	swait.ge [sflag:s8], $0x80  }
.Ltmp8:
0x33f: {  	[sflag:s8] =	ssyncset.done $0x0;
	(pc) =	sbr.rel @p0 .LBB2_1-.Ltmp8, $4  }
0x340: {  	[sflag:s8] =	ssyncadd.s32 $0xFFFFFF80  }
0x341: {  	_ =	swait.ge [sflag:s8], $0x80  }
0x342: {  	[sflag:s8] =	ssyncset.done $0x0  }
0x343: {  	[sflag:s8] =	ssyncadd.s32 $0xFFFFFF80  }
0x344: {  	_ =	sfence.sel $0x180000  }
0x345: {  	[bflag:$0x0] =	sbarrier.arrive $0xFFFF  }
0x346: {  	_ =	strace $0x90000047  }
0x347: {  	s0 =	stileid.u32;
	[bflag:$0x2] =	sbarrier.arrive $0xFFFF  }
0x348: {  	p0 =	sne.s32 s0, $0x0;
	s0 =	rddreg [dreg:$0x7]  }
0x349: {  	s0 =	sadd.s32 @!p0 $0x100000, s0  }
0x34a: {  	[sflag:s0] =	ssyncadd.tile.s32 @!p0 $0x1;
	_ =	shalt  }
.Lfunc_end2:
_tile_overlayer_lowered:
.L_overlay_start_2:
0x34b: {  	(tag) =	ssettag $0x2  }
0x34c: {  	s0 =	rddreg [dreg:$0x0];
	s2 =	stileid.u32  }
0x34d: {  	s1 =	rddreg [dreg:$0x1];
	p0 =	sne.s32 s2, $0x0  }
0x34e: {  	s3 =	rddreg [dreg:$0x2];
	[bflag:$0x3] =	sbarrier.arrive $0xFFFF;
	s2 =	simm.s32 @!p0 $0x1C05  }
0x34f: {  	[timem:s3], [sflag:s2] =	dma.local @!p0 [hbm:s0], s1  }
0x350: {  	s0 =	simm.s32 @!p0 $0x5  }
0x351: {  	_ =	swait.ge @!p0 [sflag:s0], s1  }
0x352: {  	s1 =	ssub.s32 @!p0 $0x0, s1;
	[sflag:s0] =	ssyncset.done @!p0 $0x0  }
0x353: {  	[sflag:s0] =	ssyncadd.s32 @!p0 s1  }
0x354: {  	[bflag:$0x3] =	sbarrier.arrive $0xFFFF  }
0x355: {  	_ =	shalt  }

</sc_bundles>
